<compile_context>
chip_gen: v7x
topology: tpu7x:2x2x1
jax: 0.10.2.dev20260603
libtpu: 0.0.44.dev20260713+nightly
codegen_flags: <defaults>
</compile_context>

<pallas_src>
import jax
import jax.numpy as jnp
from jax import lax
from jax.experimental import pallas as pl
from jax.experimental.pallas import tpu as pltpu
from jax.experimental.pallas import tpu_sc as plsc

D = 64
S = 32
NQ = S * S
ROWS = NQ + 1
MAXR = 14
NC = 2
NS = 16
L = 16
DCH = 16


def _sc_gather(v_hbm, h_hbm, vrepf_hbm, hrepf_hbm, vtab, htab, vb0, vb1,
               hb0, hb1, sem):
    w = lax.axis_index("s") * NC + lax.axis_index("c")

    pltpu.sync_copy(v_hbm, vtab)
    pltpu.sync_copy(h_hbm, htab)

    t_lo = lax.iota(jnp.int32, L)
    hrow_lo = jnp.clip(t_lo - w, -MAXR, MAXR) + MAXR + 1
    hrow_hi = jnp.clip(t_lo + L - w, -MAXR, MAXR) + MAXR + 1
    zero16 = jnp.zeros((L,), jnp.int32)
    lane0 = t_lo == 0

    vbufs = (vb0, vb1)
    hbufs = (hb0, hb1)
    handles = [None, None]
    for chunk in range(D // DCH):
        vb = vbufs[chunk % 2]
        hb = hbufs[chunk % 2]
        if handles[chunk % 2] is not None:
            for h in handles[chunk % 2]:
                h.wait()

        def _drow(dloc, carry, chunk=chunk, vb=vb, hb=hb):
            d = chunk * DCH + dloc
            dcol = jnp.full((L,), d, jnp.int32)
            hv_lo = plsc.load_gather(htab, [hrow_lo, dcol])
            hv_hi = plsc.load_gather(htab, [hrow_hi, dcol])
            cv = (plsc.load_gather(vtab, [zero16, dcol])
                  + plsc.load_gather(htab, [zero16, dcol]))
            drow = jnp.full((L,), dloc, jnp.int32)
            plsc.store_scatter(hb, [drow, zero16], cv, mask=lane0)
            plsc.store_scatter(vb, [drow, zero16],
                               jnp.zeros((L,), jnp.float32), mask=lane0)
            for b in range(S):
                vidx = jnp.clip(b - w, -MAXR, MAXR) + MAXR + 1
                vrow = jnp.full((L,), vidx, jnp.int32)
                vv = plsc.load_gather(vtab, [vrow, dcol])
                vb[dloc, pl.ds(1 + S * b, L)] = vv
                vb[dloc, pl.ds(1 + S * b + L, L)] = vv
                hb[dloc, pl.ds(1 + S * b, L)] = hv_lo
                hb[dloc, pl.ds(1 + S * b + L, L)] = hv_hi
            return carry

        lax.fori_loop(0, DCH, _drow, 0)
        handles[chunk % 2] = [
            pltpu.async_copy(
                vb, vrepf_hbm.at[w, pl.ds(chunk * DCH, DCH)], sem),
            pltpu.async_copy(
                hb, hrepf_hbm.at[w, pl.ds(chunk * DCH, DCH)], sem),
        ]

    for hs in handles:
        if hs is not None:
            for h in hs:
                h.wait()


def _tc_fanout(vrepf_ref, hrepf_ref, out_ref):
    g = pl.program_id(0)
    vwin = vrepf_ref[jnp.minimum(g, S - 1)]
    vwin0 = vrepf_ref[jnp.maximum(g, 1) - 1]
    hp31 = hrepf_ref[S - 1]

    const_row = jnp.broadcast_to(hp31[:, 0:1], (D, ROWS))
    row0 = jnp.where(g == 0, const_row, vwin0 + hp31)
    out_ref[0, :, :] = row0

    for r in range(1, S):
        out_ref[r, :, :] = vwin + hrepf_ref[r - 1]


@jax.jit
def _expand(v, h):
    vp = jnp.zeros((S, D), jnp.float32).at[: 2 * MAXR + 2].set(v)
    hp = jnp.zeros((S, D), jnp.float32).at[: 2 * MAXR + 2].set(h)

    mesh = plsc.VectorSubcoreMesh(core_axis_name="c", subcore_axis_name="s")
    vrepf, hrepf = pl.kernel(
        _sc_gather,
        out_type=(
            jax.ShapeDtypeStruct((S, D, ROWS), jnp.float32),
            jax.ShapeDtypeStruct((S, D, ROWS), jnp.float32),
        ),
        mesh=mesh,
        compiler_params=pltpu.CompilerParams(
            use_tc_tiling_on_sc=False, needs_layout_passes=False),
        scratch_types=[
            pltpu.VMEM((S, D), jnp.float32),
            pltpu.VMEM((S, D), jnp.float32),
            pltpu.VMEM((DCH, ROWS), jnp.float32),
            pltpu.VMEM((DCH, ROWS), jnp.float32),
            pltpu.VMEM((DCH, ROWS), jnp.float32),
            pltpu.VMEM((DCH, ROWS), jnp.float32),
            pltpu.SemaphoreType.DMA,
        ],
    )(vp, hp)

    out_t = pl.pallas_call(
        _tc_fanout,
        out_shape=jax.ShapeDtypeStruct((ROWS, D, ROWS), jnp.float32),
        grid=(S + 1,),
        in_specs=[
            pl.BlockSpec((S, D, ROWS), lambda g: (0, 0, 0)),
            pl.BlockSpec((S, D, ROWS), lambda g: (0, 0, 0)),
        ],
        out_specs=pl.BlockSpec((S, D, ROWS), lambda g: (g, 0, 0)),
    )(vrepf, hrepf)

    return jnp.transpose(out_t, (0, 2, 1))


def kernel(embeddings_table_v, embeddings_table_h, length_q, length_k):
    del length_q, length_k
    return _expand(embeddings_table_v, embeddings_table_h)

# --- scband reference (transcript-rebuilt; emitter-appended) ---
"""Pipeline reference for scband-relative-position2-d-super-2525440770361 (READ-ONLY COPY).

The authoritative reference and input builder live on the scoring server;
editing this copy changes nothing except your own understanding.
"""

import jax, jax.numpy as jnp
import numpy as np

MAX_REL = 14
NUM_UNITS = 64


def setup_inputs(seed: int = 0) -> dict:
    key = jax.random.key(seed)
    k1, k2 = jax.random.split(key)
    tbl_rows = MAX_REL * 2 + 2
    embeddings_table_v = jax.random.normal(k1, (tbl_rows, NUM_UNITS), dtype=jnp.float32) * 0.02
    embeddings_table_h = jax.random.normal(k2, (tbl_rows, NUM_UNITS), dtype=jnp.float32) * 0.02
    return {
        "embeddings_table_v": embeddings_table_v,
        "embeddings_table_h": embeddings_table_h,
        "length_q": 1025,
        "length_k": 1025,
    }


def reference(embeddings_table_v, embeddings_table_h, length_q, length_k):
    length_q_static = 1025
    length_k_static = 1025
    lq = length_q_static - 1
    lk = length_k_static - 1
    s = int(lq ** 0.5)
    range_vec_q = jnp.arange(lq) + (length_q - length_q_static)
    range_vec_k = jnp.arange(lk) + (length_k - length_k_static)
    distance_mat_v = range_vec_k[None, :] // s - range_vec_q[:, None] // s
    distance_mat_h = range_vec_k[None, :] % s - range_vec_q[:, None] % s
    distance_mat_clipped_v = jnp.clip(distance_mat_v, -MAX_REL, MAX_REL)
    distance_mat_clipped_h = jnp.clip(distance_mat_h, -MAX_REL, MAX_REL)
    final_mat_v = distance_mat_clipped_v + MAX_REL + 1
    final_mat_h = distance_mat_clipped_h + MAX_REL + 1
    final_mat_v = jnp.pad(final_mat_v, ((1, 0), (1, 0)), mode="constant", constant_values=0)
    final_mat_h = jnp.pad(final_mat_h, ((1, 0), (1, 0)), mode="constant", constant_values=0)
    final_mat_v = final_mat_v.astype(jnp.int32)
    final_mat_h = final_mat_h.astype(jnp.int32)
    embeddings = embeddings_table_v[final_mat_v] + embeddings_table_h[final_mat_h]
    return embeddings

if __name__ == "__main__":
    import jax
    _d = setup_inputs()
    print(jax.jit(kernel)(*tuple(_d.values())))

</pallas_src>

<mosaic_0001>
#map = affine_map<(d0, d1) -> (0, 0)>
#map1 = affine_map<(d0, d1) -> (0, 0, 0)>
module attributes {stable_mosaic.version = 14 : i64} {
  func.func @_sc_gather(%arg0: i32, %arg1: i32, %arg2: memref<32x64xf32, #tpu.memory_space<hbm>>, %arg3: memref<32x64xf32, #tpu.memory_space<hbm>>, %arg4: memref<32x64x1025xf32, #tpu.memory_space<hbm>>, %arg5: memref<32x64x1025xf32, #tpu.memory_space<hbm>>, %arg6: memref<32x64xf32, #tpu.memory_space<vmem>>, %arg7: memref<32x64xf32, #tpu.memory_space<vmem>>, %arg8: memref<16x1025xf32, #tpu.memory_space<vmem>>, %arg9: memref<16x1025xf32, #tpu.memory_space<vmem>>, %arg10: memref<16x1025xf32, #tpu.memory_space<vmem>>, %arg11: memref<16x1025xf32, #tpu.memory_space<vmem>>, %arg12: memref<!tpu.dma_semaphore, #tpu.memory_space<semaphore_mem>>) attributes {dimension_semantics = [#tpu.dimension_semantics<core_parallel>, #tpu.dimension_semantics<subcore_parallel>], iteration_bounds = array<i64: 2, 16>, scalar_prefetch = 0 : i64, scratch_operands = 7 : i64, tpu.core_type = #tpu.core_type<sc_vector_subcore>, window_params = [{transform_indices = #map}, {transform_indices = #map}, {transform_indices = #map1}, {transform_indices = #map1}]} {
    %mul3A = arith.constant 2 : i32
    %mul3A_0 = arith.muli %arg1, %mul3A : i32
    %add3A = arith.addi %mul3A_0, %arg0 : i32
    "tpu.region"() ({
      %run_scoped3A = tpu.sem_alloc : memref<!tpu.dma_semaphore, #tpu.memory_space<semaphore_mem>>
      tpu.enqueue_dma source(%arg2 : memref<32x64xf32, #tpu.memory_space<hbm>>) target(%arg6 : memref<32x64xf32, #tpu.memory_space<vmem>>) target_semaphore(%run_scoped3A : memref<!tpu.dma_semaphore, #tpu.memory_space<semaphore_mem>>)
      tpu.wait_dma2 semaphore(%run_scoped3A : memref<!tpu.dma_semaphore, #tpu.memory_space<semaphore_mem>>) src(%arg2 : memref<32x64xf32, #tpu.memory_space<hbm>>) dst(%arg6 : memref<32x64xf32, #tpu.memory_space<vmem>>)
      tpu.yield
    }) : () -> ()
    "tpu.region"() ({
      %run_scoped3A = tpu.sem_alloc : memref<!tpu.dma_semaphore, #tpu.memory_space<semaphore_mem>>
      tpu.enqueue_dma source(%arg3 : memref<32x64xf32, #tpu.memory_space<hbm>>) target(%arg7 : memref<32x64xf32, #tpu.memory_space<vmem>>) target_semaphore(%run_scoped3A : memref<!tpu.dma_semaphore, #tpu.memory_space<semaphore_mem>>)
      tpu.wait_dma2 semaphore(%run_scoped3A : memref<!tpu.dma_semaphore, #tpu.memory_space<semaphore_mem>>) src(%arg3 : memref<32x64xf32, #tpu.memory_space<hbm>>) dst(%arg7 : memref<32x64xf32, #tpu.memory_space<vmem>>)
      tpu.yield
    }) : () -> ()
    %iota3A = tpu.iota {dimensions = array<i32: 0>} : vector<16xi32>
    %sub3A = vector.broadcast %add3A : i32 to vector<16xi32>
    %sub3A_1 = arith.subi %iota3A, %sub3A : vector<16xi32>
    %jit3A = arith.constant -14 : i32
    %jit3A_2 = arith.constant 14 : i32
    %max3A = vector.broadcast %jit3A : i32 to vector<16xi32>
    %max3A_3 = arith.maxsi %max3A, %sub3A_1 : vector<16xi32>
    %min3A = vector.broadcast %jit3A_2 : i32 to vector<16xi32>
    %min3A_4 = arith.minsi %min3A, %max3A_3 : vector<16xi32>
    %add3A_5 = arith.constant 14 : i32
    %add3A_6 = vector.broadcast %add3A_5 : i32 to vector<16xi32>
    %add3A_7 = arith.addi %min3A_4, %add3A_6 : vector<16xi32>
    %add3A_8 = arith.constant 1 : i32
    %add3A_9 = vector.broadcast %add3A_8 : i32 to vector<16xi32>
    %add3A_10 = arith.addi %add3A_7, %add3A_9 : vector<16xi32>
    %add3A_11 = arith.constant 16 : i32
    %add3A_12 = vector.broadcast %add3A_11 : i32 to vector<16xi32>
    %add3A_13 = arith.addi %iota3A, %add3A_12 : vector<16xi32>
    %sub3A_14 = vector.broadcast %add3A : i32 to vector<16xi32>
    %sub3A_15 = arith.subi %add3A_13, %sub3A_14 : vector<16xi32>
    %jit3A_16 = arith.constant -14 : i32
    %jit3A_17 = arith.constant 14 : i32
    %max3A_18 = vector.broadcast %jit3A_16 : i32 to vector<16xi32>
    %max3A_19 = arith.maxsi %max3A_18, %sub3A_15 : vector<16xi32>
    %min3A_20 = vector.broadcast %jit3A_17 : i32 to vector<16xi32>
    %min3A_21 = arith.minsi %min3A_20, %max3A_19 : vector<16xi32>
    %add3A_22 = arith.constant 14 : i32
    %add3A_23 = vector.broadcast %add3A_22 : i32 to vector<16xi32>
    %add3A_24 = arith.addi %min3A_21, %add3A_23 : vector<16xi32>
    %add3A_25 = arith.constant 1 : i32
    %add3A_26 = vector.broadcast %add3A_25 : i32 to vector<16xi32>
    %add3A_27 = arith.addi %add3A_24, %add3A_26 : vector<16xi32>
    %broadcast_in_dim3A = arith.constant 0 : i32
    %broadcast_in_dim3A_28 = vector.broadcast %broadcast_in_dim3A : i32 to vector<16xi32>
    %eq3A = arith.constant 0 : i32
    %eq3A_29 = vector.broadcast %eq3A : i32 to vector<16xi32>
    %eq3A_30 = arith.cmpi eq, %iota3A, %eq3A_29 : vector<16xi32>
    %scan3A = arith.constant 0 : i32
    %scan3A_31 = arith.constant 0 : i32
    %scan3A_32 = arith.constant 16 : i32
    %scan3A_33 = arith.addi %scan3A_31, %scan3A_32 : i32
    %scan3A_34 = arith.constant 1 : i32
    scf.for %scan3A_180 = %scan3A_31 to %scan3A_33 step %scan3A_34  : i32 {
      %add3A_181 = arith.constant 0 : i32
      %add3A_182 = arith.addi %add3A_181, %scan3A_180 : i32
      %broadcast_in_dim3A_183 = vector.broadcast %add3A_182 : i32 to vector<16xi32>
      %gather3A = tpu.vector_load_idx %arg7[%add3A_10, %broadcast_in_dim3A_183] : memref<32x64xf32, #tpu.memory_space<vmem>>[vector<16xi32>, vector<16xi32>], vector<16xf32>,
      %gather3A_184 = tpu.vector_load_idx %arg7[%add3A_27, %broadcast_in_dim3A_183] : memref<32x64xf32, #tpu.memory_space<vmem>>[vector<16xi32>, vector<16xi32>], vector<16xf32>,
      %gather3A_185 = tpu.vector_load_idx %arg6[%broadcast_in_dim3A_28, %broadcast_in_dim3A_183] : memref<32x64xf32, #tpu.memory_space<vmem>>[vector<16xi32>, vector<16xi32>], vector<16xf32>,
      %gather3A_186 = tpu.vector_load_idx %arg7[%broadcast_in_dim3A_28, %broadcast_in_dim3A_183] : memref<32x64xf32, #tpu.memory_space<vmem>>[vector<16xi32>, vector<16xi32>], vector<16xf32>,
      %add3A_187 = arith.addf %gather3A_185, %gather3A_186 : vector<16xf32>
      %broadcast_in_dim3A_188 = vector.broadcast %scan3A_180 : i32 to vector<16xi32>
      tpu.vector_store_idx %arg10[%broadcast_in_dim3A_188, %broadcast_in_dim3A_28], %add3A_187 masked %eq3A_30 : memref<16x1025xf32, #tpu.memory_space<vmem>>[vector<16xi32>, vector<16xi32>], vector<16xf32>, vector<16xi1>
      %broadcast_in_dim3A_189 = arith.constant 0.000000e+00 : f32
      %broadcast_in_dim3A_190 = vector.broadcast %broadcast_in_dim3A_189 : f32 to vector<16xf32>
      tpu.vector_store_idx %arg8[%broadcast_in_dim3A_188, %broadcast_in_dim3A_28], %broadcast_in_dim3A_190 masked %eq3A_30 : memref<16x1025xf32, #tpu.memory_space<vmem>>[vector<16xi32>, vector<16xi32>], vector<16xf32>, vector<16xi1>
      %sub3A_191 = arith.constant 0 : i32
      %sub3A_192 = arith.subi %sub3A_191, %add3A : i32
      %jit3A_193 = arith.constant -14 : i32
      %jit3A_194 = arith.constant 14 : i32
      %max3A_195 = arith.maxsi %jit3A_193, %sub3A_192 : i32
      %min3A_196 = arith.minsi %jit3A_194, %max3A_195 : i32
      %add3A_197 = arith.constant 14 : i32
      %add3A_198 = arith.addi %min3A_196, %add3A_197 : i32
      %add3A_199 = arith.constant 1 : i32
      %add3A_200 = arith.addi %add3A_198, %add3A_199 : i32
      %broadcast_in_dim3A_201 = vector.broadcast %add3A_200 : i32 to vector<16xi32>
      %gather3A_202 = tpu.vector_load_idx %arg6[%broadcast_in_dim3A_201, %broadcast_in_dim3A_183] : memref<32x64xf32, #tpu.memory_space<vmem>>[vector<16xi32>, vector<16xi32>], vector<16xf32>,
      %swap3A = arith.index_cast %scan3A_180 : i32 to index
      %swap3A_203 = arith.constant 1 : index
      %swap3A_204 = tpu.vector_load %arg8[%swap3A, %swap3A_203] {strides = array<i32>} : memref<16x1025xf32, #tpu.memory_space<vmem>>, vector<16xf32>,
      tpu.vector_store %arg8[%swap3A, %swap3A_203], %gather3A_202 {strides = array<i32>} : memref<16x1025xf32, #tpu.memory_space<vmem>>, vector<16xf32>,
      %swap3A_205 = arith.index_cast %scan3A_180 : i32 to index
      %swap3A_206 = arith.constant 17 : index
      %swap3A_207 = tpu.vector_load %arg8[%swap3A_205, %swap3A_206] {strides = array<i32>} : memref<16x1025xf32, #tpu.memory_space<vmem>>, vector<16xf32>,
      tpu.vector_store %arg8[%swap3A_205, %swap3A_206], %gather3A_202 {strides = array<i32>} : memref<16x1025xf32, #tpu.memory_space<vmem>>, vector<16xf32>,
      %swap3A_208 = arith.index_cast %scan3A_180 : i32 to index
      %swap3A_209 = arith.constant 1 : index
      %swap3A_210 = tpu.vector_load %arg10[%swap3A_208, %swap3A_209] {strides = array<i32>} : memref<16x1025xf32, #tpu.memory_space<vmem>>, vector<16xf32>,
      tpu.vector_store %arg10[%swap3A_208, %swap3A_209], %gather3A {strides = array<i32>} : memref<16x1025xf32, #tpu.memory_space<vmem>>, vector<16xf32>,
      %swap3A_211 = arith.index_cast %scan3A_180 : i32 to index
      %swap3A_212 = arith.constant 17 : index
      %swap3A_213 = tpu.vector_load %arg10[%swap3A_211, %swap3A_212] {strides = array<i32>} : memref<16x1025xf32, #tpu.memory_space<vmem>>, vector<16xf32>,
      tpu.vector_store %arg10[%swap3A_211, %swap3A_212], %gather3A_184 {strides = array<i32>} : memref<16x1025xf32, #tpu.memory_space<vmem>>, vector<16xf32>,
      %sub3A_214 = arith.constant 1 : i32
      %sub3A_215 = arith.subi %sub3A_214, %add3A : i32
      %jit3A_216 = arith.constant -14 : i32
      %jit3A_217 = arith.constant 14 : i32
      %max3A_218 = arith.maxsi %jit3A_216, %sub3A_215 : i32
      %min3A_219 = arith.minsi %jit3A_217, %max3A_218 : i32
      %add3A_220 = arith.constant 14 : i32
      %add3A_221 = arith.addi %min3A_219, %add3A_220 : i32
      %add3A_222 = arith.constant 1 : i32
      %add3A_223 = arith.addi %add3A_221, %add3A_222 : i32
      %broadcast_in_dim3A_224 = vector.broadcast %add3A_223 : i32 to vector<16xi32>
      %gather3A_225 = tpu.vector_load_idx %arg6[%broadcast_in_dim3A_224, %broadcast_in_dim3A_183] : memref<32x64xf32, #tpu.memory_space<vmem>>[vector<16xi32>, vector<16xi32>], vector<16xf32>,
      %swap3A_226 = arith.index_cast %scan3A_180 : i32 to index
      %swap3A_227 = arith.constant 33 : index
      %swap3A_228 = tpu.vector_load %arg8[%swap3A_226, %swap3A_227] {strides = array<i32>} : memref<16x1025xf32, #tpu.memory_space<vmem>>, vector<16xf32>,
      tpu.vector_store %arg8[%swap3A_226, %swap3A_227], %gather3A_225 {strides = array<i32>} : memref<16x1025xf32, #tpu.memory_space<vmem>>, vector<16xf32>,
      %swap3A_229 = arith.index_cast %scan3A_180 : i32 to index
      %swap3A_230 = arith.constant 49 : index
      %swap3A_231 = tpu.vector_load %arg8[%swap3A_229, %swap3A_230] {strides = array<i32>} : memref<16x1025xf32, #tpu.memory_space<vmem>>, vector<16xf32>,
      tpu.vector_store %arg8[%swap3A_229, %swap3A_230], %gather3A_225 {strides = array<i32>} : memref<16x1025xf32, #tpu.memory_space<vmem>>, vector<16xf32>,
      %swap3A_232 = arith.index_cast %scan3A_180 : i32 to index
      %swap3A_233 = arith.constant 33 : index
      %swap3A_234 = tpu.vector_load %arg10[%swap3A_232, %swap3A_233] {strides = array<i32>} : memref<16x1025xf32, #tpu.memory_space<vmem>>, vector<16xf32>,
      tpu.vector_store %arg10[%swap3A_232, %swap3A_233], %gather3A {strides = array<i32>} : memref<16x1025xf32, #tpu.memory_space<vmem>>, vector<16xf32>,
      %swap3A_235 = arith.index_cast %scan3A_180 : i32 to index
      %swap3A_236 = arith.constant 49 : index
      %swap3A_237 = tpu.vector_load %arg10[%swap3A_235, %swap3A_236] {strides = array<i32>} : memref<16x1025xf32, #tpu.memory_space<vmem>>, vector<16xf32>,
      tpu.vector_store %arg10[%swap3A_235, %swap3A_236], %gather3A_184 {strides = array<i32>} : memref<16x1025xf32, #tpu.memory_space<vmem>>, vector<16xf32>,
      %sub3A_238 = arith.constant 2 : i32
      %sub3A_239 = arith.subi %sub3A_238, %add3A : i32
      %jit3A_240 = arith.constant -14 : i32
      %jit3A_241 = arith.constant 14 : i32
      %max3A_242 = arith.maxsi %jit3A_240, %sub3A_239 : i32
      %min3A_243 = arith.minsi %jit3A_241, %max3A_242 : i32
      %add3A_244 = arith.constant 14 : i32
      %add3A_245 = arith.addi %min3A_243, %add3A_244 : i32
      %add3A_246 = arith.constant 1 : i32
      %add3A_247 = arith.addi %add3A_245, %add3A_246 : i32
      %broadcast_in_dim3A_248 = vector.broadcast %add3A_247 : i32 to vector<16xi32>
      %gather3A_249 = tpu.vector_load_idx %arg6[%broadcast_in_dim3A_248, %broadcast_in_dim3A_183] : memref<32x64xf32, #tpu.memory_space<vmem>>[vector<16xi32>, vector<16xi32>], vector<16xf32>,
      %swap3A_250 = arith.index_cast %scan3A_180 : i32 to index
      %swap3A_251 = arith.constant 65 : index
      %swap3A_252 = tpu.vector_load %arg8[%swap3A_250, %swap3A_251] {strides = array<i32>} : memref<16x1025xf32, #tpu.memory_space<vmem>>, vector<16xf32>,
      tpu.vector_store %arg8[%swap3A_250, %swap3A_251], %gather3A_249 {strides = array<i32>} : memref<16x1025xf32, #tpu.memory_space<vmem>>, vector<16xf32>,
      %swap3A_253 = arith.index_cast %scan3A_180 : i32 to index
      %swap3A_254 = arith.constant 81 : index
      %swap3A_255 = tpu.vector_load %arg8[%swap3A_253, %swap3A_254] {strides = array<i32>} : memref<16x1025xf32, #tpu.memory_space<vmem>>, vector<16xf32>,
      tpu.vector_store %arg8[%swap3A_253, %swap3A_254], %gather3A_249 {strides = array<i32>} : memref<16x1025xf32, #tpu.memory_space<vmem>>, vector<16xf32>,
      %swap3A_256 = arith.index_cast %scan3A_180 : i32 to index
      %swap3A_257 = arith.constant 65 : index
      %swap3A_258 = tpu.vector_load %arg10[%swap3A_256, %swap3A_257] {strides = array<i32>} : memref<16x1025xf32, #tpu.memory_space<vmem>>, vector<16xf32>,
      tpu.vector_store %arg10[%swap3A_256, %swap3A_257], %gather3A {strides = array<i32>} : memref<16x1025xf32, #tpu.memory_space<vmem>>, vector<16xf32>,
      %swap3A_259 = arith.index_cast %scan3A_180 : i32 to index
      %swap3A_260 = arith.constant 81 : index
      %swap3A_261 = tpu.vector_load %arg10[%swap3A_259, %swap3A_260] {strides = array<i32>} : memref<16x1025xf32, #tpu.memory_space<vmem>>, vector<16xf32>,
      tpu.vector_store %arg10[%swap3A_259, %swap3A_260], %gather3A_184 {strides = array<i32>} : memref<16x1025xf32, #tpu.memory_space<vmem>>, vector<16xf32>,
      %sub3A_262 = arith.constant 3 : i32
      %sub3A_263 = arith.subi %sub3A_262, %add3A : i32
      %jit3A_264 = arith.constant -14 : i32
      %jit3A_265 = arith.constant 14 : i32
      %max3A_266 = arith.maxsi %jit3A_264, %sub3A_263 : i32
      %min3A_267 = arith.minsi %jit3A_265, %max3A_266 : i32
      %add3A_268 = arith.constant 14 : i32
      %add3A_269 = arith.addi %min3A_267, %add3A_268 : i32
      %add3A_270 = arith.constant 1 : i32
      %add3A_271 = arith.addi %add3A_269, %add3A_270 : i32
      %broadcast_in_dim3A_272 = vector.broadcast %add3A_271 : i32 to vector<16xi32>
      %gather3A_273 = tpu.vector_load_idx %arg6[%broadcast_in_dim3A_272, %broadcast_in_dim3A_183] : memref<32x64xf32, #tpu.memory_space<vmem>>[vector<16xi32>, vector<16xi32>], vector<16xf32>,
      %swap3A_274 = arith.index_cast %scan3A_180 : i32 to index
      %swap3A_275 = arith.constant 97 : index
      %swap3A_276 = tpu.vector_load %arg8[%swap3A_274, %swap3A_275] {strides = array<i32>} : memref<16x1025xf32, #tpu.memory_space<vmem>>, vector<16xf32>,
      tpu.vector_store %arg8[%swap3A_274, %swap3A_275], %gather3A_273 {strides = array<i32>} : memref<16x1025xf32, #tpu.memory_space<vmem>>, vector<16xf32>,
      %swap3A_277 = arith.index_cast %scan3A_180 : i32 to index
      %swap3A_278 = arith.constant 113 : index
      %swap3A_279 = tpu.vector_load %arg8[%swap3A_277, %swap3A_278] {strides = array<i32>} : memref<16x1025xf32, #tpu.memory_space<vmem>>, vector<16xf32>,
      tpu.vector_store %arg8[%swap3A_277, %swap3A_278], %gather3A_273 {strides = array<i32>} : memref<16x1025xf32, #tpu.memory_space<vmem>>, vector<16xf32>,
      %swap3A_280 = arith.index_cast %scan3A_180 : i32 to index
      %swap3A_281 = arith.constant 97 : index
      %swap3A_282 = tpu.vector_load %arg10[%swap3A_280, %swap3A_281] {strides = array<i32>} : memref<16x1025xf32, #tpu.memory_space<vmem>>, vector<16xf32>,
      tpu.vector_store %arg10[%swap3A_280, %swap3A_281], %gather3A {strides = array<i32>} : memref<16x1025xf32, #tpu.memory_space<vmem>>, vector<16xf32>,
      %swap3A_283 = arith.index_cast %scan3A_180 : i32 to index
      %swap3A_284 = arith.constant 113 : index
      %swap3A_285 = tpu.vector_load %arg10[%swap3A_283, %swap3A_284] {strides = array<i32>} : memref<16x1025xf32, #tpu.memory_space<vmem>>, vector<16xf32>,
      tpu.vector_store %arg10[%swap3A_283, %swap3A_284], %gather3A_184 {strides = array<i32>} : memref<16x1025xf32, #tpu.memory_space<vmem>>, vector<16xf32>,
      %sub3A_286 = arith.constant 4 : i32
      %sub3A_287 = arith.subi %sub3A_286, %add3A : i32
      %jit3A_288 = arith.constant -14 : i32
      %jit3A_289 = arith.constant 14 : i32
      %max3A_290 = arith.maxsi %jit3A_288, %sub3A_287 : i32
      %min3A_291 = arith.minsi %jit3A_289, %max3A_290 : i32
      %add3A_292 = arith.constant 14 : i32
      %add3A_293 = arith.addi %min3A_291, %add3A_292 : i32
      %add3A_294 = arith.constant 1 : i32
      %add3A_295 = arith.addi %add3A_293, %add3A_294 : i32
      %broadcast_in_dim3A_296 = vector.broadcast %add3A_295 : i32 to vector<16xi32>
      %gather3A_297 = tpu.vector_load_idx %arg6[%broadcast_in_dim3A_296, %broadcast_in_dim3A_183] : memref<32x64xf32, #tpu.memory_space<vmem>>[vector<16xi32>, vector<16xi32>], vector<16xf32>,
      %swap3A_298 = arith.index_cast %scan3A_180 : i32 to index
      %swap3A_299 = arith.constant 129 : index
      %swap3A_300 = tpu.vector_load %arg8[%swap3A_298, %swap3A_299] {strides = array<i32>} : memref<16x1025xf32, #tpu.memory_space<vmem>>, vector<16xf32>,
      tpu.vector_store %arg8[%swap3A_298, %swap3A_299], %gather3A_297 {strides = array<i32>} : memref<16x1025xf32, #tpu.memory_space<vmem>>, vector<16xf32>,
      %swap3A_301 = arith.index_cast %scan3A_180 : i32 to index
      %swap3A_302 = arith.constant 145 : index
      %swap3A_303 = tpu.vector_load %arg8[%swap3A_301, %swap3A_302] {strides = array<i32>} : memref<16x1025xf32, #tpu.memory_space<vmem>>, vector<16xf32>,
      tpu.vector_store %arg8[%swap3A_301, %swap3A_302], %gather3A_297 {strides = array<i32>} : memref<16x1025xf32, #tpu.memory_space<vmem>>, vector<16xf32>,
      %swap3A_304 = arith.index_cast %scan3A_180 : i32 to index
      %swap3A_305 = arith.constant 129 : index
      %swap3A_306 = tpu.vector_load %arg10[%swap3A_304, %swap3A_305] {strides = array<i32>} : memref<16x1025xf32, #tpu.memory_space<vmem>>, vector<16xf32>,
      tpu.vector_store %arg10[%swap3A_304, %swap3A_305], %gather3A {strides = array<i32>} : memref<16x1025xf32, #tpu.memory_space<vmem>>, vector<16xf32>,
      %swap3A_307 = arith.index_cast %scan3A_180 : i32 to index
      %swap3A_308 = arith.constant 145 : index
      %swap3A_309 = tpu.vector_load %arg10[%swap3A_307, %swap3A_308] {strides = array<i32>} : memref<16x1025xf32, #tpu.memory_space<vmem>>, vector<16xf32>,
      tpu.vector_store %arg10[%swap3A_307, %swap3A_308], %gather3A_184 {strides = array<i32>} : memref<16x1025xf32, #tpu.memory_space<vmem>>, vector<16xf32>,
      %sub3A_310 = arith.constant 5 : i32
      %sub3A_311 = arith.subi %sub3A_310, %add3A : i32
      %jit3A_312 = arith.constant -14 : i32
      %jit3A_313 = arith.constant 14 : i32
      %max3A_314 = arith.maxsi %jit3A_312, %sub3A_311 : i32
      %min3A_315 = arith.minsi %jit3A_313, %max3A_314 : i32
      %add3A_316 = arith.constant 14 : i32
      %add3A_317 = arith.addi %min3A_315, %add3A_316 : i32
      %add3A_318 = arith.constant 1 : i32
      %add3A_319 = arith.addi %add3A_317, %add3A_318 : i32
      %broadcast_in_dim3A_320 = vector.broadcast %add3A_319 : i32 to vector<16xi32>
      %gather3A_321 = tpu.vector_load_idx %arg6[%broadcast_in_dim3A_320, %broadcast_in_dim3A_183] : memref<32x64xf32, #tpu.memory_space<vmem>>[vector<16xi32>, vector<16xi32>], vector<16xf32>,
      %swap3A_322 = arith.index_cast %scan3A_180 : i32 to index
      %swap3A_323 = arith.constant 161 : index
      %swap3A_324 = tpu.vector_load %arg8[%swap3A_322, %swap3A_323] {strides = array<i32>} : memref<16x1025xf32, #tpu.memory_space<vmem>>, vector<16xf32>,
      tpu.vector_store %arg8[%swap3A_322, %swap3A_323], %gather3A_321 {strides = array<i32>} : memref<16x1025xf32, #tpu.memory_space<vmem>>, vector<16xf32>,
      %swap3A_325 = arith.index_cast %scan3A_180 : i32 to index
      %swap3A_326 = arith.constant 177 : index
      %swap3A_327 = tpu.vector_load %arg8[%swap3A_325, %swap3A_326] {strides = array<i32>} : memref<16x1025xf32, #tpu.memory_space<vmem>>, vector<16xf32>,
      tpu.vector_store %arg8[%swap3A_325, %swap3A_326], %gather3A_321 {strides = array<i32>} : memref<16x1025xf32, #tpu.memory_space<vmem>>, vector<16xf32>,
      %swap3A_328 = arith.index_cast %scan3A_180 : i32 to index
      %swap3A_329 = arith.constant 161 : index
      %swap3A_330 = tpu.vector_load %arg10[%swap3A_328, %swap3A_329] {strides = array<i32>} : memref<16x1025xf32, #tpu.memory_space<vmem>>, vector<16xf32>,
      tpu.vector_store %arg10[%swap3A_328, %swap3A_329], %gather3A {strides = array<i32>} : memref<16x1025xf32, #tpu.memory_space<vmem>>, vector<16xf32>,
      %swap3A_331 = arith.index_cast %scan3A_180 : i32 to index
      %swap3A_332 = arith.constant 177 : index
      %swap3A_333 = tpu.vector_load %arg10[%swap3A_331, %swap3A_332] {strides = array<i32>} : memref<16x1025xf32, #tpu.memory_space<vmem>>, vector<16xf32>,
      tpu.vector_store %arg10[%swap3A_331, %swap3A_332], %gather3A_184 {strides = array<i32>} : memref<16x1025xf32, #tpu.memory_space<vmem>>, vector<16xf32>,
      %sub3A_334 = arith.constant 6 : i32
      %sub3A_335 = arith.subi %sub3A_334, %add3A : i32
      %jit3A_336 = arith.constant -14 : i32
      %jit3A_337 = arith.constant 14 : i32
      %max3A_338 = arith.maxsi %jit3A_336, %sub3A_335 : i32
      %min3A_339 = arith.minsi %jit3A_337, %max3A_338 : i32
      %add3A_340 = arith.constant 14 : i32
      %add3A_341 = arith.addi %min3A_339, %add3A_340 : i32
      %add3A_342 = arith.constant 1 : i32
      %add3A_343 = arith.addi %add3A_341, %add3A_342 : i32
      %broadcast_in_dim3A_344 = vector.broadcast %add3A_343 : i32 to vector<16xi32>
      %gather3A_345 = tpu.vector_load_idx %arg6[%broadcast_in_dim3A_344, %broadcast_in_dim3A_183] : memref<32x64xf32, #tpu.memory_space<vmem>>[vector<16xi32>, vector<16xi32>], vector<16xf32>,
      %swap3A_346 = arith.index_cast %scan3A_180 : i32 to index
      %swap3A_347 = arith.constant 193 : index
      %swap3A_348 = tpu.vector_load %arg8[%swap3A_346, %swap3A_347] {strides = array<i32>} : memref<16x1025xf32, #tpu.memory_space<vmem>>, vector<16xf32>,
      tpu.vector_store %arg8[%swap3A_346, %swap3A_347], %gather3A_345 {strides = array<i32>} : memref<16x1025xf32, #tpu.memory_space<vmem>>, vector<16xf32>,
      %swap3A_349 = arith.index_cast %scan3A_180 : i32 to index
      %swap3A_350 = arith.constant 209 : index
      %swap3A_351 = tpu.vector_load %arg8[%swap3A_349, %swap3A_350] {strides = array<i32>} : memref<16x1025xf32, #tpu.memory_space<vmem>>, vector<16xf32>,
      tpu.vector_store %arg8[%swap3A_349, %swap3A_350], %gather3A_345 {strides = array<i32>} : memref<16x1025xf32, #tpu.memory_space<vmem>>, vector<16xf32>,
      %swap3A_352 = arith.index_cast %scan3A_180 : i32 to index
      %swap3A_353 = arith.constant 193 : index
      %swap3A_354 = tpu.vector_load %arg10[%swap3A_352, %swap3A_353] {strides = array<i32>} : memref<16x1025xf32, #tpu.memory_space<vmem>>, vector<16xf32>,
      tpu.vector_store %arg10[%swap3A_352, %swap3A_353], %gather3A {strides = array<i32>} : memref<16x1025xf32, #tpu.memory_space<vmem>>, vector<16xf32>,
      %swap3A_355 = arith.index_cast %scan3A_180 : i32 to index
      %swap3A_356 = arith.constant 209 : index
      %swap3A_357 = tpu.vector_load %arg10[%swap3A_355, %swap3A_356] {strides = array<i32>} : memref<16x1025xf32, #tpu.memory_space<vmem>>, vector<16xf32>,
      tpu.vector_store %arg10[%swap3A_355, %swap3A_356], %gather3A_184 {strides = array<i32>} : memref<16x1025xf32, #tpu.memory_space<vmem>>, vector<16xf32>,
      %sub3A_358 = arith.constant 7 : i32
      %sub3A_359 = arith.subi %sub3A_358, %add3A : i32
      %jit3A_360 = arith.constant -14 : i32
      %jit3A_361 = arith.constant 14 : i32
      %max3A_362 = arith.maxsi %jit3A_360, %sub3A_359 : i32
      %min3A_363 = arith.minsi %jit3A_361, %max3A_362 : i32
      %add3A_364 = arith.constant 14 : i32
      %add3A_365 = arith.addi %min3A_363, %add3A_364 : i32
      %add3A_366 = arith.constant 1 : i32
      %add3A_367 = arith.addi %add3A_365, %add3A_366 : i32
      %broadcast_in_dim3A_368 = vector.broadcast %add3A_367 : i32 to vector<16xi32>
      %gather3A_369 = tpu.vector_load_idx %arg6[%broadcast_in_dim3A_368, %broadcast_in_dim3A_183] : memref<32x64xf32, #tpu.memory_space<vmem>>[vector<16xi32>, vector<16xi32>], vector<16xf32>,
      %swap3A_370 = arith.index_cast %scan3A_180 : i32 to index
      %swap3A_371 = arith.constant 225 : index
      %swap3A_372 = tpu.vector_load %arg8[%swap3A_370, %swap3A_371] {strides = array<i32>} : memref<16x1025xf32, #tpu.memory_space<vmem>>, vector<16xf32>,
      tpu.vector_store %arg8[%swap3A_370, %swap3A_371], %gather3A_369 {strides = array<i32>} : memref<16x1025xf32, #tpu.memory_space<vmem>>, vector<16xf32>,
      %swap3A_373 = arith.index_cast %scan3A_180 : i32 to index
      %swap3A_374 = arith.constant 241 : index
      %swap3A_375 = tpu.vector_load %arg8[%swap3A_373, %swap3A_374] {strides = array<i32>} : memref<16x1025xf32, #tpu.memory_space<vmem>>, vector<16xf32>,
      tpu.vector_store %arg8[%swap3A_373, %swap3A_374], %gather3A_369 {strides = array<i32>} : memref<16x1025xf32, #tpu.memory_space<vmem>>, vector<16xf32>,
      %swap3A_376 = arith.index_cast %scan3A_180 : i32 to index
      %swap3A_377 = arith.constant 225 : index
      %swap3A_378 = tpu.vector_load %arg10[%swap3A_376, %swap3A_377] {strides = array<i32>} : memref<16x1025xf32, #tpu.memory_space<vmem>>, vector<16xf32>,
      tpu.vector_store %arg10[%swap3A_376, %swap3A_377], %gather3A {strides = array<i32>} : memref<16x1025xf32, #tpu.memory_space<vmem>>, vector<16xf32>,
      %swap3A_379 = arith.index_cast %scan3A_180 : i32 to index
      %swap3A_380 = arith.constant 241 : index
      %swap3A_381 = tpu.vector_load %arg10[%swap3A_379, %swap3A_380] {strides = array<i32>} : memref<16x1025xf32, #tpu.memory_space<vmem>>, vector<16xf32>,
      tpu.vector_store %arg10[%swap3A_379, %swap3A_380], %gather3A_184 {strides = array<i32>} : memref<16x1025xf32, #tpu.memory_space<vmem>>, vector<16xf32>,
      %sub3A_382 = arith.constant 8 : i32
      %sub3A_383 = arith.subi %sub3A_382, %add3A : i32
      %jit3A_384 = arith.constant -14 : i32
      %jit3A_385 = arith.constant 14 : i32
      %max3A_386 = arith.maxsi %jit3A_384, %sub3A_383 : i32
      %min3A_387 = arith.minsi %jit3A_385, %max3A_386 : i32
      %add3A_388 = arith.constant 14 : i32
      %add3A_389 = arith.addi %min3A_387, %add3A_388 : i32
      %add3A_390 = arith.constant 1 : i32
      %add3A_391 = arith.addi %add3A_389, %add3A_390 : i32
      %broadcast_in_dim3A_392 = vector.broadcast %add3A_391 : i32 to vector<16xi32>
      %gather3A_393 = tpu.vector_load_idx %arg6[%broadcast_in_dim3A_392, %broadcast_in_dim3A_183] : memref<32x64xf32, #tpu.memory_space<vmem>>[vector<16xi32>, vector<16xi32>], vector<16xf32>,
      %swap3A_394 = arith.index_cast %scan3A_180 : i32 to index
      %swap3A_395 = arith.constant 257 : index
      %swap3A_396 = tpu.vector_load %arg8[%swap3A_394, %swap3A_395] {strides = array<i32>} : memref<16x1025xf32, #tpu.memory_space<vmem>>, vector<16xf32>,
      tpu.vector_store %arg8[%swap3A_394, %swap3A_395], %gather3A_393 {strides = array<i32>} : memref<16x1025xf32, #tpu.memory_space<vmem>>, vector<16xf32>,
      %swap3A_397 = arith.index_cast %scan3A_180 : i32 to index
      %swap3A_398 = arith.constant 273 : index
      %swap3A_399 = tpu.vector_load %arg8[%swap3A_397, %swap3A_398] {strides = array<i32>} : memref<16x1025xf32, #tpu.memory_space<vmem>>, vector<16xf32>,
      tpu.vector_store %arg8[%swap3A_397, %swap3A_398], %gather3A_393 {strides = array<i32>} : memref<16x1025xf32, #tpu.memory_space<vmem>>, vector<16xf32>,
      %swap3A_400 = arith.index_cast %scan3A_180 : i32 to index
      %swap3A_401 = arith.constant 257 : index
      %swap3A_402 = tpu.vector_load %arg10[%swap3A_400, %swap3A_401] {strides = array<i32>} : memref<16x1025xf32, #tpu.memory_space<vmem>>, vector<16xf32>,
      tpu.vector_store %arg10[%swap3A_400, %swap3A_401], %gather3A {strides = array<i32>} : memref<16x1025xf32, #tpu.memory_space<vmem>>, vector<16xf32>,
      %swap3A_403 = arith.index_cast %scan3A_180 : i32 to index
      %swap3A_404 = arith.constant 273 : index
      %swap3A_405 = tpu.vector_load %arg10[%swap3A_403, %swap3A_404] {strides = array<i32>} : memref<16x1025xf32, #tpu.memory_space<vmem>>, vector<16xf32>,
      tpu.vector_store %arg10[%swap3A_403, %swap3A_404], %gather3A_184 {strides = array<i32>} : memref<16x1025xf32, #tpu.memory_space<vmem>>, vector<16xf32>,
      %sub3A_406 = arith.constant 9 : i32
      %sub3A_407 = arith.subi %sub3A_406, %add3A : i32
      %jit3A_408 = arith.constant -14 : i32
      %jit3A_409 = arith.constant 14 : i32
      %max3A_410 = arith.maxsi %jit3A_408, %sub3A_407 : i32
      %min3A_411 = arith.minsi %jit3A_409, %max3A_410 : i32
      %add3A_412 = arith.constant 14 : i32
      %add3A_413 = arith.addi %min3A_411, %add3A_412 : i32
      %add3A_414 = arith.constant 1 : i32
      %add3A_415 = arith.addi %add3A_413, %add3A_414 : i32
      %broadcast_in_dim3A_416 = vector.broadcast %add3A_415 : i32 to vector<16xi32>
      %gather3A_417 = tpu.vector_load_idx %arg6[%broadcast_in_dim3A_416, %broadcast_in_dim3A_183] : memref<32x64xf32, #tpu.memory_space<vmem>>[vector<16xi32>, vector<16xi32>], vector<16xf32>,
      %swap3A_418 = arith.index_cast %scan3A_180 : i32 to index
      %swap3A_419 = arith.constant 289 : index
      %swap3A_420 = tpu.vector_load %arg8[%swap3A_418, %swap3A_419] {strides = array<i32>} : memref<16x1025xf32, #tpu.memory_space<vmem>>, vector<16xf32>,
      tpu.vector_store %arg8[%swap3A_418, %swap3A_419], %gather3A_417 {strides = array<i32>} : memref<16x1025xf32, #tpu.memory_space<vmem>>, vector<16xf32>,
      %swap3A_421 = arith.index_cast %scan3A_180 : i32 to index
      %swap3A_422 = arith.constant 305 : index
      %swap3A_423 = tpu.vector_load %arg8[%swap3A_421, %swap3A_422] {strides = array<i32>} : memref<16x1025xf32, #tpu.memory_space<vmem>>, vector<16xf32>,
      tpu.vector_store %arg8[%swap3A_421, %swap3A_422], %gather3A_417 {strides = array<i32>} : memref<16x1025xf32, #tpu.memory_space<vmem>>, vector<16xf32>,
      %swap3A_424 = arith.index_cast %scan3A_180 : i32 to index
      %swap3A_425 = arith.constant 289 : index
      %swap3A_426 = tpu.vector_load %arg10[%swap3A_424, %swap3A_425] {strides = array<i32>} : memref<16x1025xf32, #tpu.memory_space<vmem>>, vector<16xf32>,
      tpu.vector_store %arg10[%swap3A_424, %swap3A_425], %gather3A {strides = array<i32>} : memref<16x1025xf32, #tpu.memory_space<vmem>>, vector<16xf32>,
      %swap3A_427 = arith.index_cast %scan3A_180 : i32 to index
      %swap3A_428 = arith.constant 305 : index
      %swap3A_429 = tpu.vector_load %arg10[%swap3A_427, %swap3A_428] {strides = array<i32>} : memref<16x1025xf32, #tpu.memory_space<vmem>>, vector<16xf32>,
      tpu.vector_store %arg10[%swap3A_427, %swap3A_428], %gather3A_184 {strides = array<i32>} : memref<16x1025xf32, #tpu.memory_space<vmem>>, vector<16xf32>,
      %sub3A_430 = arith.constant 10 : i32
      %sub3A_431 = arith.subi %sub3A_430, %add3A : i32
      %jit3A_432 = arith.constant -14 : i32
      %jit3A_433 = arith.constant 14 : i32
      %max3A_434 = arith.maxsi %jit3A_432, %sub3A_431 : i32
      %min3A_435 = arith.minsi %jit3A_433, %max3A_434 : i32
      %add3A_436 = arith.constant 14 : i32
      %add3A_437 = arith.addi %min3A_435, %add3A_436 : i32
      %add3A_438 = arith.constant 1 : i32
      %add3A_439 = arith.addi %add3A_437, %add3A_438 : i32
      %broadcast_in_dim3A_440 = vector.broadcast %add3A_439 : i32 to vector<16xi32>
      %gather3A_441 = tpu.vector_load_idx %arg6[%broadcast_in_dim3A_440, %broadcast_in_dim3A_183] : memref<32x64xf32, #tpu.memory_space<vmem>>[vector<16xi32>, vector<16xi32>], vector<16xf32>,
      %swap3A_442 = arith.index_cast %scan3A_180 : i32 to index
      %swap3A_443 = arith.constant 321 : index
      %swap3A_444 = tpu.vector_load %arg8[%swap3A_442, %swap3A_443] {strides = array<i32>} : memref<16x1025xf32, #tpu.memory_space<vmem>>, vector<16xf32>,
      tpu.vector_store %arg8[%swap3A_442, %swap3A_443], %gather3A_441 {strides = array<i32>} : memref<16x1025xf32, #tpu.memory_space<vmem>>, vector<16xf32>,
      %swap3A_445 = arith.index_cast %scan3A_180 : i32 to index
      %swap3A_446 = arith.constant 337 : index
      %swap3A_447 = tpu.vector_load %arg8[%swap3A_445, %swap3A_446] {strides = array<i32>} : memref<16x1025xf32, #tpu.memory_space<vmem>>, vector<16xf32>,
      tpu.vector_store %arg8[%swap3A_445, %swap3A_446], %gather3A_441 {strides = array<i32>} : memref<16x1025xf32, #tpu.memory_space<vmem>>, vector<16xf32>,
      %swap3A_448 = arith.index_cast %scan3A_180 : i32 to index
      %swap3A_449 = arith.constant 321 : index
      %swap3A_450 = tpu.vector_load %arg10[%swap3A_448, %swap3A_449] {strides = array<i32>} : memref<16x1025xf32, #tpu.memory_space<vmem>>, vector<16xf32>,
      tpu.vector_store %arg10[%swap3A_448, %swap3A_449], %gather3A {strides = array<i32>} : memref<16x1025xf32, #tpu.memory_space<vmem>>, vector<16xf32>,
      %swap3A_451 = arith.index_cast %scan3A_180 : i32 to index
      %swap3A_452 = arith.constant 337 : index
      %swap3A_453 = tpu.vector_load %arg10[%swap3A_451, %swap3A_452] {strides = array<i32>} : memref<16x1025xf32, #tpu.memory_space<vmem>>, vector<16xf32>,
      tpu.vector_store %arg10[%swap3A_451, %swap3A_452], %gather3A_184 {strides = array<i32>} : memref<16x1025xf32, #tpu.memory_space<vmem>>, vector<16xf32>,
      %sub3A_454 = arith.constant 11 : i32
      %sub3A_455 = arith.subi %sub3A_454, %add3A : i32
      %jit3A_456 = arith.constant -14 : i32
      %jit3A_457 = arith.constant 14 : i32
      %max3A_458 = arith.maxsi %jit3A_456, %sub3A_455 : i32
      %min3A_459 = arith.minsi %jit3A_457, %max3A_458 : i32
      %add3A_460 = arith.constant 14 : i32
      %add3A_461 = arith.addi %min3A_459, %add3A_460 : i32
      %add3A_462 = arith.constant 1 : i32
      %add3A_463 = arith.addi %add3A_461, %add3A_462 : i32
      %broadcast_in_dim3A_464 = vector.broadcast %add3A_463 : i32 to vector<16xi32>
      %gather3A_465 = tpu.vector_load_idx %arg6[%broadcast_in_dim3A_464, %broadcast_in_dim3A_183] : memref<32x64xf32, #tpu.memory_space<vmem>>[vector<16xi32>, vector<16xi32>], vector<16xf32>,
      %swap3A_466 = arith.index_cast %scan3A_180 : i32 to index
      %swap3A_467 = arith.constant 353 : index
      %swap3A_468 = tpu.vector_load %arg8[%swap3A_466, %swap3A_467] {strides = array<i32>} : memref<16x1025xf32, #tpu.memory_space<vmem>>, vector<16xf32>,
      tpu.vector_store %arg8[%swap3A_466, %swap3A_467], %gather3A_465 {strides = array<i32>} : memref<16x1025xf32, #tpu.memory_space<vmem>>, vector<16xf32>,
      %swap3A_469 = arith.index_cast %scan3A_180 : i32 to index
      %swap3A_470 = arith.constant 369 : index
      %swap3A_471 = tpu.vector_load %arg8[%swap3A_469, %swap3A_470] {strides = array<i32>} : memref<16x1025xf32, #tpu.memory_space<vmem>>, vector<16xf32>,
      tpu.vector_store %arg8[%swap3A_469, %swap3A_470], %gather3A_465 {strides = array<i32>} : memref<16x1025xf32, #tpu.memory_space<vmem>>, vector<16xf32>,
      %swap3A_472 = arith.index_cast %scan3A_180 : i32 to index
      %swap3A_473 = arith.constant 353 : index
      %swap3A_474 = tpu.vector_load %arg10[%swap3A_472, %swap3A_473] {strides = array<i32>} : memref<16x1025xf32, #tpu.memory_space<vmem>>, vector<16xf32>,
      tpu.vector_store %arg10[%swap3A_472, %swap3A_473], %gather3A {strides = array<i32>} : memref<16x1025xf32, #tpu.memory_space<vmem>>, vector<16xf32>,
      %swap3A_475 = arith.index_cast %scan3A_180 : i32 to index
      %swap3A_476 = arith.constant 369 : index
      %swap3A_477 = tpu.vector_load %arg10[%swap3A_475, %swap3A_476] {strides = array<i32>} : memref<16x1025xf32, #tpu.memory_space<vmem>>, vector<16xf32>,
      tpu.vector_store %arg10[%swap3A_475, %swap3A_476], %gather3A_184 {strides = array<i32>} : memref<16x1025xf32, #tpu.memory_space<vmem>>, vector<16xf32>,
      %sub3A_478 = arith.constant 12 : i32
      %sub3A_479 = arith.subi %sub3A_478, %add3A : i32
      %jit3A_480 = arith.constant -14 : i32
      %jit3A_481 = arith.constant 14 : i32
      %max3A_482 = arith.maxsi %jit3A_480, %sub3A_479 : i32
      %min3A_483 = arith.minsi %jit3A_481, %max3A_482 : i32
      %add3A_484 = arith.constant 14 : i32
      %add3A_485 = arith.addi %min3A_483, %add3A_484 : i32
      %add3A_486 = arith.constant 1 : i32
      %add3A_487 = arith.addi %add3A_485, %add3A_486 : i32
      %broadcast_in_dim3A_488 = vector.broadcast %add3A_487 : i32 to vector<16xi32>
      %gather3A_489 = tpu.vector_load_idx %arg6[%broadcast_in_dim3A_488, %broadcast_in_dim3A_183] : memref<32x64xf32, #tpu.memory_space<vmem>>[vector<16xi32>, vector<16xi32>], vector<16xf32>,
      %swap3A_490 = arith.index_cast %scan3A_180 : i32 to index
      %swap3A_491 = arith.constant 385 : index
      %swap3A_492 = tpu.vector_load %arg8[%swap3A_490, %swap3A_491] {strides = array<i32>} : memref<16x1025xf32, #tpu.memory_space<vmem>>, vector<16xf32>,
      tpu.vector_store %arg8[%swap3A_490, %swap3A_491], %gather3A_489 {strides = array<i32>} : memref<16x1025xf32, #tpu.memory_space<vmem>>, vector<16xf32>,
      %swap3A_493 = arith.index_cast %scan3A_180 : i32 to index
      %swap3A_494 = arith.constant 401 : index
      %swap3A_495 = tpu.vector_load %arg8[%swap3A_493, %swap3A_494] {strides = array<i32>} : memref<16x1025xf32, #tpu.memory_space<vmem>>, vector<16xf32>,
      tpu.vector_store %arg8[%swap3A_493, %swap3A_494], %gather3A_489 {strides = array<i32>} : memref<16x1025xf32, #tpu.memory_space<vmem>>, vector<16xf32>,
      %swap3A_496 = arith.index_cast %scan3A_180 : i32 to index
      %swap3A_497 = arith.constant 385 : index
      %swap3A_498 = tpu.vector_load %arg10[%swap3A_496, %swap3A_497] {strides = array<i32>} : memref<16x1025xf32, #tpu.memory_space<vmem>>, vector<16xf32>,
      tpu.vector_store %arg10[%swap3A_496, %swap3A_497], %gather3A {strides = array<i32>} : memref<16x1025xf32, #tpu.memory_space<vmem>>, vector<16xf32>,
      %swap3A_499 = arith.index_cast %scan3A_180 : i32 to index
      %swap3A_500 = arith.constant 401 : index
      %swap3A_501 = tpu.vector_load %arg10[%swap3A_499, %swap3A_500] {strides = array<i32>} : memref<16x1025xf32, #tpu.memory_space<vmem>>, vector<16xf32>,
      tpu.vector_store %arg10[%swap3A_499, %swap3A_500], %gather3A_184 {strides = array<i32>} : memref<16x1025xf32, #tpu.memory_space<vmem>>, vector<16xf32>,
      %sub3A_502 = arith.constant 13 : i32
      %sub3A_503 = arith.subi %sub3A_502, %add3A : i32
      %jit3A_504 = arith.constant -14 : i32
      %jit3A_505 = arith.constant 14 : i32
      %max3A_506 = arith.maxsi %jit3A_504, %sub3A_503 : i32
      %min3A_507 = arith.minsi %jit3A_505, %max3A_506 : i32
      %add3A_508 = arith.constant 14 : i32
      %add3A_509 = arith.addi %min3A_507, %add3A_508 : i32
      %add3A_510 = arith.constant 1 : i32
      %add3A_511 = arith.addi %add3A_509, %add3A_510 : i32
      %broadcast_in_dim3A_512 = vector.broadcast %add3A_511 : i32 to vector<16xi32>
      %gather3A_513 = tpu.vector_load_idx %arg6[%broadcast_in_dim3A_512, %broadcast_in_dim3A_183] : memref<32x64xf32, #tpu.memory_space<vmem>>[vector<16xi32>, vector<16xi32>], vector<16xf32>,
      %swap3A_514 = arith.index_cast %scan3A_180 : i32 to index
      %swap3A_515 = arith.constant 417 : index
      %swap3A_516 = tpu.vector_load %arg8[%swap3A_514, %swap3A_515] {strides = array<i32>} : memref<16x1025xf32, #tpu.memory_space<vmem>>, vector<16xf32>,
      tpu.vector_store %arg8[%swap3A_514, %swap3A_515], %gather3A_513 {strides = array<i32>} : memref<16x1025xf32, #tpu.memory_space<vmem>>, vector<16xf32>,
      %swap3A_517 = arith.index_cast %scan3A_180 : i32 to index
      %swap3A_518 = arith.constant 433 : index
      %swap3A_519 = tpu.vector_load %arg8[%swap3A_517, %swap3A_518] {strides = array<i32>} : memref<16x1025xf32, #tpu.memory_space<vmem>>, vector<16xf32>,
      tpu.vector_store %arg8[%swap3A_517, %swap3A_518], %gather3A_513 {strides = array<i32>} : memref<16x1025xf32, #tpu.memory_space<vmem>>, vector<16xf32>,
      %swap3A_520 = arith.index_cast %scan3A_180 : i32 to index
      %swap3A_521 = arith.constant 417 : index
      %swap3A_522 = tpu.vector_load %arg10[%swap3A_520, %swap3A_521] {strides = array<i32>} : memref<16x1025xf32, #tpu.memory_space<vmem>>, vector<16xf32>,
      tpu.vector_store %arg10[%swap3A_520, %swap3A_521], %gather3A {strides = array<i32>} : memref<16x1025xf32, #tpu.memory_space<vmem>>, vector<16xf32>,
      %swap3A_523 = arith.index_cast %scan3A_180 : i32 to index
      %swap3A_524 = arith.constant 433 : index
      %swap3A_525 = tpu.vector_load %arg10[%swap3A_523, %swap3A_524] {strides = array<i32>} : memref<16x1025xf32, #tpu.memory_space<vmem>>, vector<16xf32>,
      tpu.vector_store %arg10[%swap3A_523, %swap3A_524], %gather3A_184 {strides = array<i32>} : memref<16x1025xf32, #tpu.memory_space<vmem>>, vector<16xf32>,
      %sub3A_526 = arith.constant 14 : i32
      %sub3A_527 = arith.subi %sub3A_526, %add3A : i32
      %jit3A_528 = arith.constant -14 : i32
      %jit3A_529 = arith.constant 14 : i32
      %max3A_530 = arith.maxsi %jit3A_528, %sub3A_527 : i32
      %min3A_531 = arith.minsi %jit3A_529, %max3A_530 : i32
      %add3A_532 = arith.constant 14 : i32
      %add3A_533 = arith.addi %min3A_531, %add3A_532 : i32
      %add3A_534 = arith.constant 1 : i32
      %add3A_535 = arith.addi %add3A_533, %add3A_534 : i32
      %broadcast_in_dim3A_536 = vector.broadcast %add3A_535 : i32 to vector<16xi32>
      %gather3A_537 = tpu.vector_load_idx %arg6[%broadcast_in_dim3A_536, %broadcast_in_dim3A_183] : memref<32x64xf32, #tpu.memory_space<vmem>>[vector<16xi32>, vector<16xi32>], vector<16xf32>,
      %swap3A_538 = arith.index_cast %scan3A_180 : i32 to index
      %swap3A_539 = arith.constant 449 : index
      %swap3A_540 = tpu.vector_load %arg8[%swap3A_538, %swap3A_539] {strides = array<i32>} : memref<16x1025xf32, #tpu.memory_space<vmem>>, vector<16xf32>,
      tpu.vector_store %arg8[%swap3A_538, %swap3A_539], %gather3A_537 {strides = array<i32>} : memref<16x1025xf32, #tpu.memory_space<vmem>>, vector<16xf32>,
      %swap3A_541 = arith.index_cast %scan3A_180 : i32 to index
      %swap3A_542 = arith.constant 465 : index
      %swap3A_543 = tpu.vector_load %arg8[%swap3A_541, %swap3A_542] {strides = array<i32>} : memref<16x1025xf32, #tpu.memory_space<vmem>>, vector<16xf32>,
      tpu.vector_store %arg8[%swap3A_541, %swap3A_542], %gather3A_537 {strides = array<i32>} : memref<16x1025xf32, #tpu.memory_space<vmem>>, vector<16xf32>,
      %swap3A_544 = arith.index_cast %scan3A_180 : i32 to index
      %swap3A_545 = arith.constant 449 : index
      %swap3A_546 = tpu.vector_load %arg10[%swap3A_544, %swap3A_545] {strides = array<i32>} : memref<16x1025xf32, #tpu.memory_space<vmem>>, vector<16xf32>,
      tpu.vector_store %arg10[%swap3A_544, %swap3A_545], %gather3A {strides = array<i32>} : memref<16x1025xf32, #tpu.memory_space<vmem>>, vector<16xf32>,
      %swap3A_547 = arith.index_cast %scan3A_180 : i32 to index
      %swap3A_548 = arith.constant 465 : index
      %swap3A_549 = tpu.vector_load %arg10[%swap3A_547, %swap3A_548] {strides = array<i32>} : memref<16x1025xf32, #tpu.memory_space<vmem>>, vector<16xf32>,
      tpu.vector_store %arg10[%swap3A_547, %swap3A_548], %gather3A_184 {strides = array<i32>} : memref<16x1025xf32, #tpu.memory_space<vmem>>, vector<16xf32>,
      %sub3A_550 = arith.constant 15 : i32
      %sub3A_551 = arith.subi %sub3A_550, %add3A : i32
      %jit3A_552 = arith.constant -14 : i32
      %jit3A_553 = arith.constant 14 : i32
      %max3A_554 = arith.maxsi %jit3A_552, %sub3A_551 : i32
      %min3A_555 = arith.minsi %jit3A_553, %max3A_554 : i32
      %add3A_556 = arith.constant 14 : i32
      %add3A_557 = arith.addi %min3A_555, %add3A_556 : i32
      %add3A_558 = arith.constant 1 : i32
      %add3A_559 = arith.addi %add3A_557, %add3A_558 : i32
      %broadcast_in_dim3A_560 = vector.broadcast %add3A_559 : i32 to vector<16xi32>
      %gather3A_561 = tpu.vector_load_idx %arg6[%broadcast_in_dim3A_560, %broadcast_in_dim3A_183] : memref<32x64xf32, #tpu.memory_space<vmem>>[vector<16xi32>, vector<16xi32>], vector<16xf32>,
      %swap3A_562 = arith.index_cast %scan3A_180 : i32 to index
      %swap3A_563 = arith.constant 481 : index
      %swap3A_564 = tpu.vector_load %arg8[%swap3A_562, %swap3A_563] {strides = array<i32>} : memref<16x1025xf32, #tpu.memory_space<vmem>>, vector<16xf32>,
      tpu.vector_store %arg8[%swap3A_562, %swap3A_563], %gather3A_561 {strides = array<i32>} : memref<16x1025xf32, #tpu.memory_space<vmem>>, vector<16xf32>,
      %swap3A_565 = arith.index_cast %scan3A_180 : i32 to index
      %swap3A_566 = arith.constant 497 : index
      %swap3A_567 = tpu.vector_load %arg8[%swap3A_565, %swap3A_566] {strides = array<i32>} : memref<16x1025xf32, #tpu.memory_space<vmem>>, vector<16xf32>,
      tpu.vector_store %arg8[%swap3A_565, %swap3A_566], %gather3A_561 {strides = array<i32>} : memref<16x1025xf32, #tpu.memory_space<vmem>>, vector<16xf32>,
      %swap3A_568 = arith.index_cast %scan3A_180 : i32 to index
      %swap3A_569 = arith.constant 481 : index
      %swap3A_570 = tpu.vector_load %arg10[%swap3A_568, %swap3A_569] {strides = array<i32>} : memref<16x1025xf32, #tpu.memory_space<vmem>>, vector<16xf32>,
      tpu.vector_store %arg10[%swap3A_568, %swap3A_569], %gather3A {strides = array<i32>} : memref<16x1025xf32, #tpu.memory_space<vmem>>, vector<16xf32>,
      %swap3A_571 = arith.index_cast %scan3A_180 : i32 to index
      %swap3A_572 = arith.constant 497 : index
      %swap3A_573 = tpu.vector_load %arg10[%swap3A_571, %swap3A_572] {strides = array<i32>} : memref<16x1025xf32, #tpu.memory_space<vmem>>, vector<16xf32>,
      tpu.vector_store %arg10[%swap3A_571, %swap3A_572], %gather3A_184 {strides = array<i32>} : memref<16x1025xf32, #tpu.memory_space<vmem>>, vector<16xf32>,
      %sub3A_574 = arith.constant 16 : i32
      %sub3A_575 = arith.subi %sub3A_574, %add3A : i32
      %jit3A_576 = arith.constant -14 : i32
      %jit3A_577 = arith.constant 14 : i32
      %max3A_578 = arith.maxsi %jit3A_576, %sub3A_575 : i32
      %min3A_579 = arith.minsi %jit3A_577, %max3A_578 : i32
      %add3A_580 = arith.constant 14 : i32
      %add3A_581 = arith.addi %min3A_579, %add3A_580 : i32
      %add3A_582 = arith.constant 1 : i32
      %add3A_583 = arith.addi %add3A_581, %add3A_582 : i32
      %broadcast_in_dim3A_584 = vector.broadcast %add3A_583 : i32 to vector<16xi32>
      %gather3A_585 = tpu.vector_load_idx %arg6[%broadcast_in_dim3A_584, %broadcast_in_dim3A_183] : memref<32x64xf32, #tpu.memory_space<vmem>>[vector<16xi32>, vector<16xi32>], vector<16xf32>,
      %swap3A_586 = arith.index_cast %scan3A_180 : i32 to index
      %swap3A_587 = arith.constant 513 : index
      %swap3A_588 = tpu.vector_load %arg8[%swap3A_586, %swap3A_587] {strides = array<i32>} : memref<16x1025xf32, #tpu.memory_space<vmem>>, vector<16xf32>,
      tpu.vector_store %arg8[%swap3A_586, %swap3A_587], %gather3A_585 {strides = array<i32>} : memref<16x1025xf32, #tpu.memory_space<vmem>>, vector<16xf32>,
      %swap3A_589 = arith.index_cast %scan3A_180 : i32 to index
      %swap3A_590 = arith.constant 529 : index
      %swap3A_591 = tpu.vector_load %arg8[%swap3A_589, %swap3A_590] {strides = array<i32>} : memref<16x1025xf32, #tpu.memory_space<vmem>>, vector<16xf32>,
      tpu.vector_store %arg8[%swap3A_589, %swap3A_590], %gather3A_585 {strides = array<i32>} : memref<16x1025xf32, #tpu.memory_space<vmem>>, vector<16xf32>,
      %swap3A_592 = arith.index_cast %scan3A_180 : i32 to index
      %swap3A_593 = arith.constant 513 : index
      %swap3A_594 = tpu.vector_load %arg10[%swap3A_592, %swap3A_593] {strides = array<i32>} : memref<16x1025xf32, #tpu.memory_space<vmem>>, vector<16xf32>,
      tpu.vector_store %arg10[%swap3A_592, %swap3A_593], %gather3A {strides = array<i32>} : memref<16x1025xf32, #tpu.memory_space<vmem>>, vector<16xf32>,
      %swap3A_595 = arith.index_cast %scan3A_180 : i32 to index
      %swap3A_596 = arith.constant 529 : index
      %swap3A_597 = tpu.vector_load %arg10[%swap3A_595, %swap3A_596] {strides = array<i32>} : memref<16x1025xf32, #tpu.memory_space<vmem>>, vector<16xf32>,
      tpu.vector_store %arg10[%swap3A_595, %swap3A_596], %gather3A_184 {strides = array<i32>} : memref<16x1025xf32, #tpu.memory_space<vmem>>, vector<16xf32>,
      %sub3A_598 = arith.constant 17 : i32
      %sub3A_599 = arith.subi %sub3A_598, %add3A : i32
      %jit3A_600 = arith.constant -14 : i32
      %jit3A_601 = arith.constant 14 : i32
      %max3A_602 = arith.maxsi %jit3A_600, %sub3A_599 : i32
      %min3A_603 = arith.minsi %jit3A_601, %max3A_602 : i32
      %add3A_604 = arith.constant 14 : i32
      %add3A_605 = arith.addi %min3A_603, %add3A_604 : i32
      %add3A_606 = arith.constant 1 : i32
      %add3A_607 = arith.addi %add3A_605, %add3A_606 : i32
      %broadcast_in_dim3A_608 = vector.broadcast %add3A_607 : i32 to vector<16xi32>
      %gather3A_609 = tpu.vector_load_idx %arg6[%broadcast_in_dim3A_608, %broadcast_in_dim3A_183] : memref<32x64xf32, #tpu.memory_space<vmem>>[vector<16xi32>, vector<16xi32>], vector<16xf32>,
      %swap3A_610 = arith.index_cast %scan3A_180 : i32 to index
      %swap3A_611 = arith.constant 545 : index
      %swap3A_612 = tpu.vector_load %arg8[%swap3A_610, %swap3A_611] {strides = array<i32>} : memref<16x1025xf32, #tpu.memory_space<vmem>>, vector<16xf32>,
      tpu.vector_store %arg8[%swap3A_610, %swap3A_611], %gather3A_609 {strides = array<i32>} : memref<16x1025xf32, #tpu.memory_space<vmem>>, vector<16xf32>,
      %swap3A_613 = arith.index_cast %scan3A_180 : i32 to index
      %swap3A_614 = arith.constant 561 : index
      %swap3A_615 = tpu.vector_load %arg8[%swap3A_613, %swap3A_614] {strides = array<i32>} : memref<16x1025xf32, #tpu.memory_space<vmem>>, vector<16xf32>,
      tpu.vector_store %arg8[%swap3A_613, %swap3A_614], %gather3A_609 {strides = array<i32>} : memref<16x1025xf32, #tpu.memory_space<vmem>>, vector<16xf32>,
      %swap3A_616 = arith.index_cast %scan3A_180 : i32 to index
      %swap3A_617 = arith.constant 545 : index
      %swap3A_618 = tpu.vector_load %arg10[%swap3A_616, %swap3A_617] {strides = array<i32>} : memref<16x1025xf32, #tpu.memory_space<vmem>>, vector<16xf32>,
      tpu.vector_store %arg10[%swap3A_616, %swap3A_617], %gather3A {strides = array<i32>} : memref<16x1025xf32, #tpu.memory_space<vmem>>, vector<16xf32>,
      %swap3A_619 = arith.index_cast %scan3A_180 : i32 to index
      %swap3A_620 = arith.constant 561 : index
      %swap3A_621 = tpu.vector_load %arg10[%swap3A_619, %swap3A_620] {strides = array<i32>} : memref<16x1025xf32, #tpu.memory_space<vmem>>, vector<16xf32>,
      tpu.vector_store %arg10[%swap3A_619, %swap3A_620], %gather3A_184 {strides = array<i32>} : memref<16x1025xf32, #tpu.memory_space<vmem>>, vector<16xf32>,
      %sub3A_622 = arith.constant 18 : i32
      %sub3A_623 = arith.subi %sub3A_622, %add3A : i32
      %jit3A_624 = arith.constant -14 : i32
      %jit3A_625 = arith.constant 14 : i32
      %max3A_626 = arith.maxsi %jit3A_624, %sub3A_623 : i32
      %min3A_627 = arith.minsi %jit3A_625, %max3A_626 : i32
      %add3A_628 = arith.constant 14 : i32
      %add3A_629 = arith.addi %min3A_627, %add3A_628 : i32
      %add3A_630 = arith.constant 1 : i32
      %add3A_631 = arith.addi %add3A_629, %add3A_630 : i32
      %broadcast_in_dim3A_632 = vector.broadcast %add3A_631 : i32 to vector<16xi32>
      %gather3A_633 = tpu.vector_load_idx %arg6[%broadcast_in_dim3A_632, %broadcast_in_dim3A_183] : memref<32x64xf32, #tpu.memory_space<vmem>>[vector<16xi32>, vector<16xi32>], vector<16xf32>,
      %swap3A_634 = arith.index_cast %scan3A_180 : i32 to index
      %swap3A_635 = arith.constant 577 : index
      %swap3A_636 = tpu.vector_load %arg8[%swap3A_634, %swap3A_635] {strides = array<i32>} : memref<16x1025xf32, #tpu.memory_space<vmem>>, vector<16xf32>,
      tpu.vector_store %arg8[%swap3A_634, %swap3A_635], %gather3A_633 {strides = array<i32>} : memref<16x1025xf32, #tpu.memory_space<vmem>>, vector<16xf32>,
      %swap3A_637 = arith.index_cast %scan3A_180 : i32 to index
      %swap3A_638 = arith.constant 593 : index
      %swap3A_639 = tpu.vector_load %arg8[%swap3A_637, %swap3A_638] {strides = array<i32>} : memref<16x1025xf32, #tpu.memory_space<vmem>>, vector<16xf32>,
      tpu.vector_store %arg8[%swap3A_637, %swap3A_638], %gather3A_633 {strides = array<i32>} : memref<16x1025xf32, #tpu.memory_space<vmem>>, vector<16xf32>,
      %swap3A_640 = arith.index_cast %scan3A_180 : i32 to index
      %swap3A_641 = arith.constant 577 : index
      %swap3A_642 = tpu.vector_load %arg10[%swap3A_640, %swap3A_641] {strides = array<i32>} : memref<16x1025xf32, #tpu.memory_space<vmem>>, vector<16xf32>,
      tpu.vector_store %arg10[%swap3A_640, %swap3A_641], %gather3A {strides = array<i32>} : memref<16x1025xf32, #tpu.memory_space<vmem>>, vector<16xf32>,
      %swap3A_643 = arith.index_cast %scan3A_180 : i32 to index
      %swap3A_644 = arith.constant 593 : index
      %swap3A_645 = tpu.vector_load %arg10[%swap3A_643, %swap3A_644] {strides = array<i32>} : memref<16x1025xf32, #tpu.memory_space<vmem>>, vector<16xf32>,
      tpu.vector_store %arg10[%swap3A_643, %swap3A_644], %gather3A_184 {strides = array<i32>} : memref<16x1025xf32, #tpu.memory_space<vmem>>, vector<16xf32>,
      %sub3A_646 = arith.constant 19 : i32
      %sub3A_647 = arith.subi %sub3A_646, %add3A : i32
      %jit3A_648 = arith.constant -14 : i32
      %jit3A_649 = arith.constant 14 : i32
      %max3A_650 = arith.maxsi %jit3A_648, %sub3A_647 : i32
      %min3A_651 = arith.minsi %jit3A_649, %max3A_650 : i32
      %add3A_652 = arith.constant 14 : i32
      %add3A_653 = arith.addi %min3A_651, %add3A_652 : i32
      %add3A_654 = arith.constant 1 : i32
      %add3A_655 = arith.addi %add3A_653, %add3A_654 : i32
      %broadcast_in_dim3A_656 = vector.broadcast %add3A_655 : i32 to vector<16xi32>
      %gather3A_657 = tpu.vector_load_idx %arg6[%broadcast_in_dim3A_656, %broadcast_in_dim3A_183] : memref<32x64xf32, #tpu.memory_space<vmem>>[vector<16xi32>, vector<16xi32>], vector<16xf32>,
      %swap3A_658 = arith.index_cast %scan3A_180 : i32 to index
      %swap3A_659 = arith.constant 609 : index
      %swap3A_660 = tpu.vector_load %arg8[%swap3A_658, %swap3A_659] {strides = array<i32>} : memref<16x1025xf32, #tpu.memory_space<vmem>>, vector<16xf32>,
      tpu.vector_store %arg8[%swap3A_658, %swap3A_659], %gather3A_657 {strides = array<i32>} : memref<16x1025xf32, #tpu.memory_space<vmem>>, vector<16xf32>,
      %swap3A_661 = arith.index_cast %scan3A_180 : i32 to index
      %swap3A_662 = arith.constant 625 : index
      %swap3A_663 = tpu.vector_load %arg8[%swap3A_661, %swap3A_662] {strides = array<i32>} : memref<16x1025xf32, #tpu.memory_space<vmem>>, vector<16xf32>,
      tpu.vector_store %arg8[%swap3A_661, %swap3A_662], %gather3A_657 {strides = array<i32>} : memref<16x1025xf32, #tpu.memory_space<vmem>>, vector<16xf32>,
      %swap3A_664 = arith.index_cast %scan3A_180 : i32 to index
      %swap3A_665 = arith.constant 609 : index
      %swap3A_666 = tpu.vector_load %arg10[%swap3A_664, %swap3A_665] {strides = array<i32>} : memref<16x1025xf32, #tpu.memory_space<vmem>>, vector<16xf32>,
      tpu.vector_store %arg10[%swap3A_664, %swap3A_665], %gather3A {strides = array<i32>} : memref<16x1025xf32, #tpu.memory_space<vmem>>, vector<16xf32>,
      %swap3A_667 = arith.index_cast %scan3A_180 : i32 to index
      %swap3A_668 = arith.constant 625 : index
      %swap3A_669 = tpu.vector_load %arg10[%swap3A_667, %swap3A_668] {strides = array<i32>} : memref<16x1025xf32, #tpu.memory_space<vmem>>, vector<16xf32>,
      tpu.vector_store %arg10[%swap3A_667, %swap3A_668], %gather3A_184 {strides = array<i32>} : memref<16x1025xf32, #tpu.memory_space<vmem>>, vector<16xf32>,
      %sub3A_670 = arith.constant 20 : i32
      %sub3A_671 = arith.subi %sub3A_670, %add3A : i32
      %jit3A_672 = arith.constant -14 : i32
      %jit3A_673 = arith.constant 14 : i32
      %max3A_674 = arith.maxsi %jit3A_672, %sub3A_671 : i32
      %min3A_675 = arith.minsi %jit3A_673, %max3A_674 : i32
      %add3A_676 = arith.constant 14 : i32
      %add3A_677 = arith.addi %min3A_675, %add3A_676 : i32
      %add3A_678 = arith.constant 1 : i32
      %add3A_679 = arith.addi %add3A_677, %add3A_678 : i32
      %broadcast_in_dim3A_680 = vector.broadcast %add3A_679 : i32 to vector<16xi32>
      %gather3A_681 = tpu.vector_load_idx %arg6[%broadcast_in_dim3A_680, %broadcast_in_dim3A_183] : memref<32x64xf32, #tpu.memory_space<vmem>>[vector<16xi32>, vector<16xi32>], vector<16xf32>,
      %swap3A_682 = arith.index_cast %scan3A_180 : i32 to index
      %swap3A_683 = arith.constant 641 : index
      %swap3A_684 = tpu.vector_load %arg8[%swap3A_682, %swap3A_683] {strides = array<i32>} : memref<16x1025xf32, #tpu.memory_space<vmem>>, vector<16xf32>,
      tpu.vector_store %arg8[%swap3A_682, %swap3A_683], %gather3A_681 {strides = array<i32>} : memref<16x1025xf32, #tpu.memory_space<vmem>>, vector<16xf32>,
      %swap3A_685 = arith.index_cast %scan3A_180 : i32 to index
      %swap3A_686 = arith.constant 657 : index
      %swap3A_687 = tpu.vector_load %arg8[%swap3A_685, %swap3A_686] {strides = array<i32>} : memref<16x1025xf32, #tpu.memory_space<vmem>>, vector<16xf32>,
      tpu.vector_store %arg8[%swap3A_685, %swap3A_686], %gather3A_681 {strides = array<i32>} : memref<16x1025xf32, #tpu.memory_space<vmem>>, vector<16xf32>,
      %swap3A_688 = arith.index_cast %scan3A_180 : i32 to index
      %swap3A_689 = arith.constant 641 : index
      %swap3A_690 = tpu.vector_load %arg10[%swap3A_688, %swap3A_689] {strides = array<i32>} : memref<16x1025xf32, #tpu.memory_space<vmem>>, vector<16xf32>,
      tpu.vector_store %arg10[%swap3A_688, %swap3A_689], %gather3A {strides = array<i32>} : memref<16x1025xf32, #tpu.memory_space<vmem>>, vector<16xf32>,
      %swap3A_691 = arith.index_cast %scan3A_180 : i32 to index
      %swap3A_692 = arith.constant 657 : index
      %swap3A_693 = tpu.vector_load %arg10[%swap3A_691, %swap3A_692] {strides = array<i32>} : memref<16x1025xf32, #tpu.memory_space<vmem>>, vector<16xf32>,
      tpu.vector_store %arg10[%swap3A_691, %swap3A_692], %gather3A_184 {strides = array<i32>} : memref<16x1025xf32, #tpu.memory_space<vmem>>, vector<16xf32>,
      %sub3A_694 = arith.constant 21 : i32
      %sub3A_695 = arith.subi %sub3A_694, %add3A : i32
      %jit3A_696 = arith.constant -14 : i32
      %jit3A_697 = arith.constant 14 : i32
      %max3A_698 = arith.maxsi %jit3A_696, %sub3A_695 : i32
      %min3A_699 = arith.minsi %jit3A_697, %max3A_698 : i32
      %add3A_700 = arith.constant 14 : i32
      %add3A_701 = arith.addi %min3A_699, %add3A_700 : i32
      %add3A_702 = arith.constant 1 : i32
      %add3A_703 = arith.addi %add3A_701, %add3A_702 : i32
      %broadcast_in_dim3A_704 = vector.broadcast %add3A_703 : i32 to vector<16xi32>
      %gather3A_705 = tpu.vector_load_idx %arg6[%broadcast_in_dim3A_704, %broadcast_in_dim3A_183] : memref<32x64xf32, #tpu.memory_space<vmem>>[vector<16xi32>, vector<16xi32>], vector<16xf32>,
      %swap3A_706 = arith.index_cast %scan3A_180 : i32 to index
      %swap3A_707 = arith.constant 673 : index
      %swap3A_708 = tpu.vector_load %arg8[%swap3A_706, %swap3A_707] {strides = array<i32>} : memref<16x1025xf32, #tpu.memory_space<vmem>>, vector<16xf32>,
      tpu.vector_store %arg8[%swap3A_706, %swap3A_707], %gather3A_705 {strides = array<i32>} : memref<16x1025xf32, #tpu.memory_space<vmem>>, vector<16xf32>,
      %swap3A_709 = arith.index_cast %scan3A_180 : i32 to index
      %swap3A_710 = arith.constant 689 : index
      %swap3A_711 = tpu.vector_load %arg8[%swap3A_709, %swap3A_710] {strides = array<i32>} : memref<16x1025xf32, #tpu.memory_space<vmem>>, vector<16xf32>,
      tpu.vector_store %arg8[%swap3A_709, %swap3A_710], %gather3A_705 {strides = array<i32>} : memref<16x1025xf32, #tpu.memory_space<vmem>>, vector<16xf32>,
      %swap3A_712 = arith.index_cast %scan3A_180 : i32 to index
      %swap3A_713 = arith.constant 673 : index
      %swap3A_714 = tpu.vector_load %arg10[%swap3A_712, %swap3A_713] {strides = array<i32>} : memref<16x1025xf32, #tpu.memory_space<vmem>>, vector<16xf32>,
      tpu.vector_store %arg10[%swap3A_712, %swap3A_713], %gather3A {strides = array<i32>} : memref<16x1025xf32, #tpu.memory_space<vmem>>, vector<16xf32>,
      %swap3A_715 = arith.index_cast %scan3A_180 : i32 to index
      %swap3A_716 = arith.constant 689 : index
      %swap3A_717 = tpu.vector_load %arg10[%swap3A_715, %swap3A_716] {strides = array<i32>} : memref<16x1025xf32, #tpu.memory_space<vmem>>, vector<16xf32>,
      tpu.vector_store %arg10[%swap3A_715, %swap3A_716], %gather3A_184 {strides = array<i32>} : memref<16x1025xf32, #tpu.memory_space<vmem>>, vector<16xf32>,
      %sub3A_718 = arith.constant 22 : i32
      %sub3A_719 = arith.subi %sub3A_718, %add3A : i32
      %jit3A_720 = arith.constant -14 : i32
      %jit3A_721 = arith.constant 14 : i32
      %max3A_722 = arith.maxsi %jit3A_720, %sub3A_719 : i32
      %min3A_723 = arith.minsi %jit3A_721, %max3A_722 : i32
      %add3A_724 = arith.constant 14 : i32
      %add3A_725 = arith.addi %min3A_723, %add3A_724 : i32
      %add3A_726 = arith.constant 1 : i32
      %add3A_727 = arith.addi %add3A_725, %add3A_726 : i32
      %broadcast_in_dim3A_728 = vector.broadcast %add3A_727 : i32 to vector<16xi32>
      %gather3A_729 = tpu.vector_load_idx %arg6[%broadcast_in_dim3A_728, %broadcast_in_dim3A_183] : memref<32x64xf32, #tpu.memory_space<vmem>>[vector<16xi32>, vector<16xi32>], vector<16xf32>,
      %swap3A_730 = arith.index_cast %scan3A_180 : i32 to index
      %swap3A_731 = arith.constant 705 : index
      %swap3A_732 = tpu.vector_load %arg8[%swap3A_730, %swap3A_731] {strides = array<i32>} : memref<16x1025xf32, #tpu.memory_space<vmem>>, vector<16xf32>,
      tpu.vector_store %arg8[%swap3A_730, %swap3A_731], %gather3A_729 {strides = array<i32>} : memref<16x1025xf32, #tpu.memory_space<vmem>>, vector<16xf32>,
      %swap3A_733 = arith.index_cast %scan3A_180 : i32 to index
      %swap3A_734 = arith.constant 721 : index
      %swap3A_735 = tpu.vector_load %arg8[%swap3A_733, %swap3A_734] {strides = array<i32>} : memref<16x1025xf32, #tpu.memory_space<vmem>>, vector<16xf32>,
      tpu.vector_store %arg8[%swap3A_733, %swap3A_734], %gather3A_729 {strides = array<i32>} : memref<16x1025xf32, #tpu.memory_space<vmem>>, vector<16xf32>,
      %swap3A_736 = arith.index_cast %scan3A_180 : i32 to index
      %swap3A_737 = arith.constant 705 : index
      %swap3A_738 = tpu.vector_load %arg10[%swap3A_736, %swap3A_737] {strides = array<i32>} : memref<16x1025xf32, #tpu.memory_space<vmem>>, vector<16xf32>,
      tpu.vector_store %arg10[%swap3A_736, %swap3A_737], %gather3A {strides = array<i32>} : memref<16x1025xf32, #tpu.memory_space<vmem>>, vector<16xf32>,
      %swap3A_739 = arith.index_cast %scan3A_180 : i32 to index
      %swap3A_740 = arith.constant 721 : index
      %swap3A_741 = tpu.vector_load %arg10[%swap3A_739, %swap3A_740] {strides = array<i32>} : memref<16x1025xf32, #tpu.memory_space<vmem>>, vector<16xf32>,
      tpu.vector_store %arg10[%swap3A_739, %swap3A_740], %gather3A_184 {strides = array<i32>} : memref<16x1025xf32, #tpu.memory_space<vmem>>, vector<16xf32>,
      %sub3A_742 = arith.constant 23 : i32
      %sub3A_743 = arith.subi %sub3A_742, %add3A : i32
      %jit3A_744 = arith.constant -14 : i32
      %jit3A_745 = arith.constant 14 : i32
      %max3A_746 = arith.maxsi %jit3A_744, %sub3A_743 : i32
      %min3A_747 = arith.minsi %jit3A_745, %max3A_746 : i32
      %add3A_748 = arith.constant 14 : i32
      %add3A_749 = arith.addi %min3A_747, %add3A_748 : i32
      %add3A_750 = arith.constant 1 : i32
      %add3A_751 = arith.addi %add3A_749, %add3A_750 : i32
      %broadcast_in_dim3A_752 = vector.broadcast %add3A_751 : i32 to vector<16xi32>
      %gather3A_753 = tpu.vector_load_idx %arg6[%broadcast_in_dim3A_752, %broadcast_in_dim3A_183] : memref<32x64xf32, #tpu.memory_space<vmem>>[vector<16xi32>, vector<16xi32>], vector<16xf32>,
      %swap3A_754 = arith.index_cast %scan3A_180 : i32 to index
      %swap3A_755 = arith.constant 737 : index
      %swap3A_756 = tpu.vector_load %arg8[%swap3A_754, %swap3A_755] {strides = array<i32>} : memref<16x1025xf32, #tpu.memory_space<vmem>>, vector<16xf32>,
      tpu.vector_store %arg8[%swap3A_754, %swap3A_755], %gather3A_753 {strides = array<i32>} : memref<16x1025xf32, #tpu.memory_space<vmem>>, vector<16xf32>,
      %swap3A_757 = arith.index_cast %scan3A_180 : i32 to index
      %swap3A_758 = arith.constant 753 : index
      %swap3A_759 = tpu.vector_load %arg8[%swap3A_757, %swap3A_758] {strides = array<i32>} : memref<16x1025xf32, #tpu.memory_space<vmem>>, vector<16xf32>,
      tpu.vector_store %arg8[%swap3A_757, %swap3A_758], %gather3A_753 {strides = array<i32>} : memref<16x1025xf32, #tpu.memory_space<vmem>>, vector<16xf32>,
      %swap3A_760 = arith.index_cast %scan3A_180 : i32 to index
      %swap3A_761 = arith.constant 737 : index
      %swap3A_762 = tpu.vector_load %arg10[%swap3A_760, %swap3A_761] {strides = array<i32>} : memref<16x1025xf32, #tpu.memory_space<vmem>>, vector<16xf32>,
      tpu.vector_store %arg10[%swap3A_760, %swap3A_761], %gather3A {strides = array<i32>} : memref<16x1025xf32, #tpu.memory_space<vmem>>, vector<16xf32>,
      %swap3A_763 = arith.index_cast %scan3A_180 : i32 to index
      %swap3A_764 = arith.constant 753 : index
      %swap3A_765 = tpu.vector_load %arg10[%swap3A_763, %swap3A_764] {strides = array<i32>} : memref<16x1025xf32, #tpu.memory_space<vmem>>, vector<16xf32>,
      tpu.vector_store %arg10[%swap3A_763, %swap3A_764], %gather3A_184 {strides = array<i32>} : memref<16x1025xf32, #tpu.memory_space<vmem>>, vector<16xf32>,
      %sub3A_766 = arith.constant 24 : i32
      %sub3A_767 = arith.subi %sub3A_766, %add3A : i32
      %jit3A_768 = arith.constant -14 : i32
      %jit3A_769 = arith.constant 14 : i32
      %max3A_770 = arith.maxsi %jit3A_768, %sub3A_767 : i32
      %min3A_771 = arith.minsi %jit3A_769, %max3A_770 : i32
      %add3A_772 = arith.constant 14 : i32
      %add3A_773 = arith.addi %min3A_771, %add3A_772 : i32
      %add3A_774 = arith.constant 1 : i32
      %add3A_775 = arith.addi %add3A_773, %add3A_774 : i32
      %broadcast_in_dim3A_776 = vector.broadcast %add3A_775 : i32 to vector<16xi32>
      %gather3A_777 = tpu.vector_load_idx %arg6[%broadcast_in_dim3A_776, %broadcast_in_dim3A_183] : memref<32x64xf32, #tpu.memory_space<vmem>>[vector<16xi32>, vector<16xi32>], vector<16xf32>,
      %swap3A_778 = arith.index_cast %scan3A_180 : i32 to index
      %swap3A_779 = arith.constant 769 : index
      %swap3A_780 = tpu.vector_load %arg8[%swap3A_778, %swap3A_779] {strides = array<i32>} : memref<16x1025xf32, #tpu.memory_space<vmem>>, vector<16xf32>,
      tpu.vector_store %arg8[%swap3A_778, %swap3A_779], %gather3A_777 {strides = array<i32>} : memref<16x1025xf32, #tpu.memory_space<vmem>>, vector<16xf32>,
      %swap3A_781 = arith.index_cast %scan3A_180 : i32 to index
      %swap3A_782 = arith.constant 785 : index
      %swap3A_783 = tpu.vector_load %arg8[%swap3A_781, %swap3A_782] {strides = array<i32>} : memref<16x1025xf32, #tpu.memory_space<vmem>>, vector<16xf32>,
      tpu.vector_store %arg8[%swap3A_781, %swap3A_782], %gather3A_777 {strides = array<i32>} : memref<16x1025xf32, #tpu.memory_space<vmem>>, vector<16xf32>,
      %swap3A_784 = arith.index_cast %scan3A_180 : i32 to index
      %swap3A_785 = arith.constant 769 : index
      %swap3A_786 = tpu.vector_load %arg10[%swap3A_784, %swap3A_785] {strides = array<i32>} : memref<16x1025xf32, #tpu.memory_space<vmem>>, vector<16xf32>,
      tpu.vector_store %arg10[%swap3A_784, %swap3A_785], %gather3A {strides = array<i32>} : memref<16x1025xf32, #tpu.memory_space<vmem>>, vector<16xf32>,
      %swap3A_787 = arith.index_cast %scan3A_180 : i32 to index
      %swap3A_788 = arith.constant 785 : index
      %swap3A_789 = tpu.vector_load %arg10[%swap3A_787, %swap3A_788] {strides = array<i32>} : memref<16x1025xf32, #tpu.memory_space<vmem>>, vector<16xf32>,
      tpu.vector_store %arg10[%swap3A_787, %swap3A_788], %gather3A_184 {strides = array<i32>} : memref<16x1025xf32, #tpu.memory_space<vmem>>, vector<16xf32>,
      %sub3A_790 = arith.constant 25 : i32
      %sub3A_791 = arith.subi %sub3A_790, %add3A : i32
      %jit3A_792 = arith.constant -14 : i32
      %jit3A_793 = arith.constant 14 : i32
      %max3A_794 = arith.maxsi %jit3A_792, %sub3A_791 : i32
      %min3A_795 = arith.minsi %jit3A_793, %max3A_794 : i32
      %add3A_796 = arith.constant 14 : i32
      %add3A_797 = arith.addi %min3A_795, %add3A_796 : i32
      %add3A_798 = arith.constant 1 : i32
      %add3A_799 = arith.addi %add3A_797, %add3A_798 : i32
      %broadcast_in_dim3A_800 = vector.broadcast %add3A_799 : i32 to vector<16xi32>
      %gather3A_801 = tpu.vector_load_idx %arg6[%broadcast_in_dim3A_800, %broadcast_in_dim3A_183] : memref<32x64xf32, #tpu.memory_space<vmem>>[vector<16xi32>, vector<16xi32>], vector<16xf32>,
      %swap3A_802 = arith.index_cast %scan3A_180 : i32 to index
      %swap3A_803 = arith.constant 801 : index
      %swap3A_804 = tpu.vector_load %arg8[%swap3A_802, %swap3A_803] {strides = array<i32>} : memref<16x1025xf32, #tpu.memory_space<vmem>>, vector<16xf32>,
      tpu.vector_store %arg8[%swap3A_802, %swap3A_803], %gather3A_801 {strides = array<i32>} : memref<16x1025xf32, #tpu.memory_space<vmem>>, vector<16xf32>,
      %swap3A_805 = arith.index_cast %scan3A_180 : i32 to index
      %swap3A_806 = arith.constant 817 : index
      %swap3A_807 = tpu.vector_load %arg8[%swap3A_805, %swap3A_806] {strides = array<i32>} : memref<16x1025xf32, #tpu.memory_space<vmem>>, vector<16xf32>,
      tpu.vector_store %arg8[%swap3A_805, %swap3A_806], %gather3A_801 {strides = array<i32>} : memref<16x1025xf32, #tpu.memory_space<vmem>>, vector<16xf32>,
      %swap3A_808 = arith.index_cast %scan3A_180 : i32 to index
      %swap3A_809 = arith.constant 801 : index
      %swap3A_810 = tpu.vector_load %arg10[%swap3A_808, %swap3A_809] {strides = array<i32>} : memref<16x1025xf32, #tpu.memory_space<vmem>>, vector<16xf32>,
      tpu.vector_store %arg10[%swap3A_808, %swap3A_809], %gather3A {strides = array<i32>} : memref<16x1025xf32, #tpu.memory_space<vmem>>, vector<16xf32>,
      %swap3A_811 = arith.index_cast %scan3A_180 : i32 to index
      %swap3A_812 = arith.constant 817 : index
      %swap3A_813 = tpu.vector_load %arg10[%swap3A_811, %swap3A_812] {strides = array<i32>} : memref<16x1025xf32, #tpu.memory_space<vmem>>, vector<16xf32>,
      tpu.vector_store %arg10[%swap3A_811, %swap3A_812], %gather3A_184 {strides = array<i32>} : memref<16x1025xf32, #tpu.memory_space<vmem>>, vector<16xf32>,
      %sub3A_814 = arith.constant 26 : i32
      %sub3A_815 = arith.subi %sub3A_814, %add3A : i32
      %jit3A_816 = arith.constant -14 : i32
      %jit3A_817 = arith.constant 14 : i32
      %max3A_818 = arith.maxsi %jit3A_816, %sub3A_815 : i32
      %min3A_819 = arith.minsi %jit3A_817, %max3A_818 : i32
      %add3A_820 = arith.constant 14 : i32
      %add3A_821 = arith.addi %min3A_819, %add3A_820 : i32
      %add3A_822 = arith.constant 1 : i32
      %add3A_823 = arith.addi %add3A_821, %add3A_822 : i32
      %broadcast_in_dim3A_824 = vector.broadcast %add3A_823 : i32 to vector<16xi32>
      %gather3A_825 = tpu.vector_load_idx %arg6[%broadcast_in_dim3A_824, %broadcast_in_dim3A_183] : memref<32x64xf32, #tpu.memory_space<vmem>>[vector<16xi32>, vector<16xi32>], vector<16xf32>,
      %swap3A_826 = arith.index_cast %scan3A_180 : i32 to index
      %swap3A_827 = arith.constant 833 : index
      %swap3A_828 = tpu.vector_load %arg8[%swap3A_826, %swap3A_827] {strides = array<i32>} : memref<16x1025xf32, #tpu.memory_space<vmem>>, vector<16xf32>,
      tpu.vector_store %arg8[%swap3A_826, %swap3A_827], %gather3A_825 {strides = array<i32>} : memref<16x1025xf32, #tpu.memory_space<vmem>>, vector<16xf32>,
      %swap3A_829 = arith.index_cast %scan3A_180 : i32 to index
      %swap3A_830 = arith.constant 849 : index
      %swap3A_831 = tpu.vector_load %arg8[%swap3A_829, %swap3A_830] {strides = array<i32>} : memref<16x1025xf32, #tpu.memory_space<vmem>>, vector<16xf32>,
      tpu.vector_store %arg8[%swap3A_829, %swap3A_830], %gather3A_825 {strides = array<i32>} : memref<16x1025xf32, #tpu.memory_space<vmem>>, vector<16xf32>,
      %swap3A_832 = arith.index_cast %scan3A_180 : i32 to index
      %swap3A_833 = arith.constant 833 : index
      %swap3A_834 = tpu.vector_load %arg10[%swap3A_832, %swap3A_833] {strides = array<i32>} : memref<16x1025xf32, #tpu.memory_space<vmem>>, vector<16xf32>,
      tpu.vector_store %arg10[%swap3A_832, %swap3A_833], %gather3A {strides = array<i32>} : memref<16x1025xf32, #tpu.memory_space<vmem>>, vector<16xf32>,
      %swap3A_835 = arith.index_cast %scan3A_180 : i32 to index
      %swap3A_836 = arith.constant 849 : index
      %swap3A_837 = tpu.vector_load %arg10[%swap3A_835, %swap3A_836] {strides = array<i32>} : memref<16x1025xf32, #tpu.memory_space<vmem>>, vector<16xf32>,
      tpu.vector_store %arg10[%swap3A_835, %swap3A_836], %gather3A_184 {strides = array<i32>} : memref<16x1025xf32, #tpu.memory_space<vmem>>, vector<16xf32>,
      %sub3A_838 = arith.constant 27 : i32
      %sub3A_839 = arith.subi %sub3A_838, %add3A : i32
      %jit3A_840 = arith.constant -14 : i32
      %jit3A_841 = arith.constant 14 : i32
      %max3A_842 = arith.maxsi %jit3A_840, %sub3A_839 : i32
      %min3A_843 = arith.minsi %jit3A_841, %max3A_842 : i32
      %add3A_844 = arith.constant 14 : i32
      %add3A_845 = arith.addi %min3A_843, %add3A_844 : i32
      %add3A_846 = arith.constant 1 : i32
      %add3A_847 = arith.addi %add3A_845, %add3A_846 : i32
      %broadcast_in_dim3A_848 = vector.broadcast %add3A_847 : i32 to vector<16xi32>
      %gather3A_849 = tpu.vector_load_idx %arg6[%broadcast_in_dim3A_848, %broadcast_in_dim3A_183] : memref<32x64xf32, #tpu.memory_space<vmem>>[vector<16xi32>, vector<16xi32>], vector<16xf32>,
      %swap3A_850 = arith.index_cast %scan3A_180 : i32 to index
      %swap3A_851 = arith.constant 865 : index
      %swap3A_852 = tpu.vector_load %arg8[%swap3A_850, %swap3A_851] {strides = array<i32>} : memref<16x1025xf32, #tpu.memory_space<vmem>>, vector<16xf32>,
      tpu.vector_store %arg8[%swap3A_850, %swap3A_851], %gather3A_849 {strides = array<i32>} : memref<16x1025xf32, #tpu.memory_space<vmem>>, vector<16xf32>,
      %swap3A_853 = arith.index_cast %scan3A_180 : i32 to index
      %swap3A_854 = arith.constant 881 : index
      %swap3A_855 = tpu.vector_load %arg8[%swap3A_853, %swap3A_854] {strides = array<i32>} : memref<16x1025xf32, #tpu.memory_space<vmem>>, vector<16xf32>,
      tpu.vector_store %arg8[%swap3A_853, %swap3A_854], %gather3A_849 {strides = array<i32>} : memref<16x1025xf32, #tpu.memory_space<vmem>>, vector<16xf32>,
      %swap3A_856 = arith.index_cast %scan3A_180 : i32 to index
      %swap3A_857 = arith.constant 865 : index
      %swap3A_858 = tpu.vector_load %arg10[%swap3A_856, %swap3A_857] {strides = array<i32>} : memref<16x1025xf32, #tpu.memory_space<vmem>>, vector<16xf32>,
      tpu.vector_store %arg10[%swap3A_856, %swap3A_857], %gather3A {strides = array<i32>} : memref<16x1025xf32, #tpu.memory_space<vmem>>, vector<16xf32>,
      %swap3A_859 = arith.index_cast %scan3A_180 : i32 to index
      %swap3A_860 = arith.constant 881 : index
      %swap3A_861 = tpu.vector_load %arg10[%swap3A_859, %swap3A_860] {strides = array<i32>} : memref<16x1025xf32, #tpu.memory_space<vmem>>, vector<16xf32>,
      tpu.vector_store %arg10[%swap3A_859, %swap3A_860], %gather3A_184 {strides = array<i32>} : memref<16x1025xf32, #tpu.memory_space<vmem>>, vector<16xf32>,
      %sub3A_862 = arith.constant 28 : i32
      %sub3A_863 = arith.subi %sub3A_862, %add3A : i32
      %jit3A_864 = arith.constant -14 : i32
      %jit3A_865 = arith.constant 14 : i32
      %max3A_866 = arith.maxsi %jit3A_864, %sub3A_863 : i32
      %min3A_867 = arith.minsi %jit3A_865, %max3A_866 : i32
      %add3A_868 = arith.constant 14 : i32
      %add3A_869 = arith.addi %min3A_867, %add3A_868 : i32
      %add3A_870 = arith.constant 1 : i32
      %add3A_871 = arith.addi %add3A_869, %add3A_870 : i32
      %broadcast_in_dim3A_872 = vector.broadcast %add3A_871 : i32 to vector<16xi32>
      %gather3A_873 = tpu.vector_load_idx %arg6[%broadcast_in_dim3A_872, %broadcast_in_dim3A_183] : memref<32x64xf32, #tpu.memory_space<vmem>>[vector<16xi32>, vector<16xi32>], vector<16xf32>,
      %swap3A_874 = arith.index_cast %scan3A_180 : i32 to index
      %swap3A_875 = arith.constant 897 : index
      %swap3A_876 = tpu.vector_load %arg8[%swap3A_874, %swap3A_875] {strides = array<i32>} : memref<16x1025xf32, #tpu.memory_space<vmem>>, vector<16xf32>,
      tpu.vector_store %arg8[%swap3A_874, %swap3A_875], %gather3A_873 {strides = array<i32>} : memref<16x1025xf32, #tpu.memory_space<vmem>>, vector<16xf32>,
      %swap3A_877 = arith.index_cast %scan3A_180 : i32 to index
      %swap3A_878 = arith.constant 913 : index
      %swap3A_879 = tpu.vector_load %arg8[%swap3A_877, %swap3A_878] {strides = array<i32>} : memref<16x1025xf32, #tpu.memory_space<vmem>>, vector<16xf32>,
      tpu.vector_store %arg8[%swap3A_877, %swap3A_878], %gather3A_873 {strides = array<i32>} : memref<16x1025xf32, #tpu.memory_space<vmem>>, vector<16xf32>,
      %swap3A_880 = arith.index_cast %scan3A_180 : i32 to index
      %swap3A_881 = arith.constant 897 : index
      %swap3A_882 = tpu.vector_load %arg10[%swap3A_880, %swap3A_881] {strides = array<i32>} : memref<16x1025xf32, #tpu.memory_space<vmem>>, vector<16xf32>,
      tpu.vector_store %arg10[%swap3A_880, %swap3A_881], %gather3A {strides = array<i32>} : memref<16x1025xf32, #tpu.memory_space<vmem>>, vector<16xf32>,
      %swap3A_883 = arith.index_cast %scan3A_180 : i32 to index
      %swap3A_884 = arith.constant 913 : index
      %swap3A_885 = tpu.vector_load %arg10[%swap3A_883, %swap3A_884] {strides = array<i32>} : memref<16x1025xf32, #tpu.memory_space<vmem>>, vector<16xf32>,
      tpu.vector_store %arg10[%swap3A_883, %swap3A_884], %gather3A_184 {strides = array<i32>} : memref<16x1025xf32, #tpu.memory_space<vmem>>, vector<16xf32>,
      %sub3A_886 = arith.constant 29 : i32
      %sub3A_887 = arith.subi %sub3A_886, %add3A : i32
      %jit3A_888 = arith.constant -14 : i32
      %jit3A_889 = arith.constant 14 : i32
      %max3A_890 = arith.maxsi %jit3A_888, %sub3A_887 : i32
      %min3A_891 = arith.minsi %jit3A_889, %max3A_890 : i32
      %add3A_892 = arith.constant 14 : i32
      %add3A_893 = arith.addi %min3A_891, %add3A_892 : i32
      %add3A_894 = arith.constant 1 : i32
      %add3A_895 = arith.addi %add3A_893, %add3A_894 : i32
      %broadcast_in_dim3A_896 = vector.broadcast %add3A_895 : i32 to vector<16xi32>
      %gather3A_897 = tpu.vector_load_idx %arg6[%broadcast_in_dim3A_896, %broadcast_in_dim3A_183] : memref<32x64xf32, #tpu.memory_space<vmem>>[vector<16xi32>, vector<16xi32>], vector<16xf32>,
      %swap3A_898 = arith.index_cast %scan3A_180 : i32 to index
      %swap3A_899 = arith.constant 929 : index
      %swap3A_900 = tpu.vector_load %arg8[%swap3A_898, %swap3A_899] {strides = array<i32>} : memref<16x1025xf32, #tpu.memory_space<vmem>>, vector<16xf32>,
      tpu.vector_store %arg8[%swap3A_898, %swap3A_899], %gather3A_897 {strides = array<i32>} : memref<16x1025xf32, #tpu.memory_space<vmem>>, vector<16xf32>,
      %swap3A_901 = arith.index_cast %scan3A_180 : i32 to index
      %swap3A_902 = arith.constant 945 : index
      %swap3A_903 = tpu.vector_load %arg8[%swap3A_901, %swap3A_902] {strides = array<i32>} : memref<16x1025xf32, #tpu.memory_space<vmem>>, vector<16xf32>,
      tpu.vector_store %arg8[%swap3A_901, %swap3A_902], %gather3A_897 {strides = array<i32>} : memref<16x1025xf32, #tpu.memory_space<vmem>>, vector<16xf32>,
      %swap3A_904 = arith.index_cast %scan3A_180 : i32 to index
      %swap3A_905 = arith.constant 929 : index
      %swap3A_906 = tpu.vector_load %arg10[%swap3A_904, %swap3A_905] {strides = array<i32>} : memref<16x1025xf32, #tpu.memory_space<vmem>>, vector<16xf32>,
      tpu.vector_store %arg10[%swap3A_904, %swap3A_905], %gather3A {strides = array<i32>} : memref<16x1025xf32, #tpu.memory_space<vmem>>, vector<16xf32>,
      %swap3A_907 = arith.index_cast %scan3A_180 : i32 to index
      %swap3A_908 = arith.constant 945 : index
      %swap3A_909 = tpu.vector_load %arg10[%swap3A_907, %swap3A_908] {strides = array<i32>} : memref<16x1025xf32, #tpu.memory_space<vmem>>, vector<16xf32>,
      tpu.vector_store %arg10[%swap3A_907, %swap3A_908], %gather3A_184 {strides = array<i32>} : memref<16x1025xf32, #tpu.memory_space<vmem>>, vector<16xf32>,
      %sub3A_910 = arith.constant 30 : i32
      %sub3A_911 = arith.subi %sub3A_910, %add3A : i32
      %jit3A_912 = arith.constant -14 : i32
      %jit3A_913 = arith.constant 14 : i32
      %max3A_914 = arith.maxsi %jit3A_912, %sub3A_911 : i32
      %min3A_915 = arith.minsi %jit3A_913, %max3A_914 : i32
      %add3A_916 = arith.constant 14 : i32
      %add3A_917 = arith.addi %min3A_915, %add3A_916 : i32
      %add3A_918 = arith.constant 1 : i32
      %add3A_919 = arith.addi %add3A_917, %add3A_918 : i32
      %broadcast_in_dim3A_920 = vector.broadcast %add3A_919 : i32 to vector<16xi32>
      %gather3A_921 = tpu.vector_load_idx %arg6[%broadcast_in_dim3A_920, %broadcast_in_dim3A_183] : memref<32x64xf32, #tpu.memory_space<vmem>>[vector<16xi32>, vector<16xi32>], vector<16xf32>,
      %swap3A_922 = arith.index_cast %scan3A_180 : i32 to index
      %swap3A_923 = arith.constant 961 : index
      %swap3A_924 = tpu.vector_load %arg8[%swap3A_922, %swap3A_923] {strides = array<i32>} : memref<16x1025xf32, #tpu.memory_space<vmem>>, vector<16xf32>,
      tpu.vector_store %arg8[%swap3A_922, %swap3A_923], %gather3A_921 {strides = array<i32>} : memref<16x1025xf32, #tpu.memory_space<vmem>>, vector<16xf32>,
      %swap3A_925 = arith.index_cast %scan3A_180 : i32 to index
      %swap3A_926 = arith.constant 977 : index
      %swap3A_927 = tpu.vector_load %arg8[%swap3A_925, %swap3A_926] {strides = array<i32>} : memref<16x1025xf32, #tpu.memory_space<vmem>>, vector<16xf32>,
      tpu.vector_store %arg8[%swap3A_925, %swap3A_926], %gather3A_921 {strides = array<i32>} : memref<16x1025xf32, #tpu.memory_space<vmem>>, vector<16xf32>,
      %swap3A_928 = arith.index_cast %scan3A_180 : i32 to index
      %swap3A_929 = arith.constant 961 : index
      %swap3A_930 = tpu.vector_load %arg10[%swap3A_928, %swap3A_929] {strides = array<i32>} : memref<16x1025xf32, #tpu.memory_space<vmem>>, vector<16xf32>,
      tpu.vector_store %arg10[%swap3A_928, %swap3A_929], %gather3A {strides = array<i32>} : memref<16x1025xf32, #tpu.memory_space<vmem>>, vector<16xf32>,
      %swap3A_931 = arith.index_cast %scan3A_180 : i32 to index
      %swap3A_932 = arith.constant 977 : index
      %swap3A_933 = tpu.vector_load %arg10[%swap3A_931, %swap3A_932] {strides = array<i32>} : memref<16x1025xf32, #tpu.memory_space<vmem>>, vector<16xf32>,
      tpu.vector_store %arg10[%swap3A_931, %swap3A_932], %gather3A_184 {strides = array<i32>} : memref<16x1025xf32, #tpu.memory_space<vmem>>, vector<16xf32>,
      %sub3A_934 = arith.constant 31 : i32
      %sub3A_935 = arith.subi %sub3A_934, %add3A : i32
      %jit3A_936 = arith.constant -14 : i32
      %jit3A_937 = arith.constant 14 : i32
      %max3A_938 = arith.maxsi %jit3A_936, %sub3A_935 : i32
      %min3A_939 = arith.minsi %jit3A_937, %max3A_938 : i32
      %add3A_940 = arith.constant 14 : i32
      %add3A_941 = arith.addi %min3A_939, %add3A_940 : i32
      %add3A_942 = arith.constant 1 : i32
      %add3A_943 = arith.addi %add3A_941, %add3A_942 : i32
      %broadcast_in_dim3A_944 = vector.broadcast %add3A_943 : i32 to vector<16xi32>
      %gather3A_945 = tpu.vector_load_idx %arg6[%broadcast_in_dim3A_944, %broadcast_in_dim3A_183] : memref<32x64xf32, #tpu.memory_space<vmem>>[vector<16xi32>, vector<16xi32>], vector<16xf32>,
      %swap3A_946 = arith.index_cast %scan3A_180 : i32 to index
      %swap3A_947 = arith.constant 993 : index
      %swap3A_948 = tpu.vector_load %arg8[%swap3A_946, %swap3A_947] {strides = array<i32>} : memref<16x1025xf32, #tpu.memory_space<vmem>>, vector<16xf32>,
      tpu.vector_store %arg8[%swap3A_946, %swap3A_947], %gather3A_945 {strides = array<i32>} : memref<16x1025xf32, #tpu.memory_space<vmem>>, vector<16xf32>,
      %swap3A_949 = arith.index_cast %scan3A_180 : i32 to index
      %swap3A_950 = arith.constant 1009 : index
      %swap3A_951 = tpu.vector_load %arg8[%swap3A_949, %swap3A_950] {strides = array<i32>} : memref<16x1025xf32, #tpu.memory_space<vmem>>, vector<16xf32>,
      tpu.vector_store %arg8[%swap3A_949, %swap3A_950], %gather3A_945 {strides = array<i32>} : memref<16x1025xf32, #tpu.memory_space<vmem>>, vector<16xf32>,
      %swap3A_952 = arith.index_cast %scan3A_180 : i32 to index
      %swap3A_953 = arith.constant 993 : index
      %swap3A_954 = tpu.vector_load %arg10[%swap3A_952, %swap3A_953] {strides = array<i32>} : memref<16x1025xf32, #tpu.memory_space<vmem>>, vector<16xf32>,
      tpu.vector_store %arg10[%swap3A_952, %swap3A_953], %gather3A {strides = array<i32>} : memref<16x1025xf32, #tpu.memory_space<vmem>>, vector<16xf32>,
      %swap3A_955 = arith.index_cast %scan3A_180 : i32 to index
      %swap3A_956 = arith.constant 1009 : index
      %swap3A_957 = tpu.vector_load %arg10[%swap3A_955, %swap3A_956] {strides = array<i32>} : memref<16x1025xf32, #tpu.memory_space<vmem>>, vector<16xf32>,
      tpu.vector_store %arg10[%swap3A_955, %swap3A_956], %gather3A_184 {strides = array<i32>} : memref<16x1025xf32, #tpu.memory_space<vmem>>, vector<16xf32>,
    }
    %scan3A_35 = arith.constant 16 : i32
    %dma_start3A = arith.constant 0 : i32
    %dma_start3A_36 = arith.constant 0 : i32
    %dma_start3A_37 = tpu.memref_slice %arg4[%add3A, %dma_start3A, %dma_start3A_36] : memref<32x64x1025xf32, #tpu.memory_space<hbm>> -> memref<1x16x1025xf32, #tpu.memory_space<hbm>>
    %dma_start3A_38 = tpu.memref_squeeze %dma_start3A_37 : memref<1x16x1025xf32, #tpu.memory_space<hbm>> -> memref<16x1025xf32, #tpu.memory_space<hbm>>
    %dma_start3A_39 = arith.constant 0 : i32
    %dma_start3A_40 = arith.constant 0 : i32
    %dma_start3A_41 = tpu.memref_slice %arg4[%add3A, %dma_start3A_39, %dma_start3A_40] : memref<32x64x1025xf32, #tpu.memory_space<hbm>> -> memref<1x16x1025xf32, #tpu.memory_space<hbm>>
    %dma_start3A_42 = tpu.memref_squeeze %dma_start3A_41 : memref<1x16x1025xf32, #tpu.memory_space<hbm>> -> memref<16x1025xf32, #tpu.memory_space<hbm>>
    tpu.enqueue_dma source(%arg8 : memref<16x1025xf32, #tpu.memory_space<vmem>>) target(%dma_start3A_42 : memref<16x1025xf32, #tpu.memory_space<hbm>>) target_semaphore(%arg12 : memref<!tpu.dma_semaphore, #tpu.memory_space<semaphore_mem>>)
    %dma_start3A_43 = arith.constant 0 : i32
    %dma_start3A_44 = arith.constant 0 : i32
    %dma_start3A_45 = tpu.memref_slice %arg5[%add3A, %dma_start3A_43, %dma_start3A_44] : memref<32x64x1025xf32, #tpu.memory_space<hbm>> -> memref<1x16x1025xf32, #tpu.memory_space<hbm>>
    %dma_start3A_46 = tpu.memref_squeeze %dma_start3A_45 : memref<1x16x1025xf32, #tpu.memory_space<hbm>> -> memref<16x1025xf32, #tpu.memory_space<hbm>>
    %dma_start3A_47 = arith.constant 0 : i32
    %dma_start3A_48 = arith.constant 0 : i32
    %dma_start3A_49 = tpu.memref_slice %arg5[%add3A, %dma_start3A_47, %dma_start3A_48] : memref<32x64x1025xf32, #tpu.memory_space<hbm>> -> memref<1x16x1025xf32, #tpu.memory_space<hbm>>
    %dma_start3A_50 = tpu.memref_squeeze %dma_start3A_49 : memref<1x16x1025xf32, #tpu.memory_space<hbm>> -> memref<16x1025xf32, #tpu.memory_space<hbm>>
    tpu.enqueue_dma source(%arg10 : memref<16x1025xf32, #tpu.memory_space<vmem>>) target(%dma_start3A_50 : memref<16x1025xf32, #tpu.memory_space<hbm>>) target_semaphore(%arg12 : memref<!tpu.dma_semaphore, #tpu.memory_space<semaphore_mem>>)
    %scan3A_51 = arith.constant 0 : i32
    %scan3A_52 = arith.constant 0 : i32
    %scan3A_53 = arith.constant 16 : i32
    %scan3A_54 = arith.addi %scan3A_52, %scan3A_53 : i32
    %scan3A_55 = arith.constant 1 : i32
    scf.for %scan3A_180 = %scan3A_52 to %scan3A_54 step %scan3A_55  : i32 {
      %add3A_181 = arith.constant 16 : i32
      %add3A_182 = arith.addi %add3A_181, %scan3A_180 : i32
      %broadcast_in_dim3A_183 = vector.broadcast %add3A_182 : i32 to vector<16xi32>
      %gather3A = tpu.vector_load_idx %arg7[%add3A_10, %broadcast_in_dim3A_183] : memref<32x64xf32, #tpu.memory_space<vmem>>[vector<16xi32>, vector<16xi32>], vector<16xf32>,
      %gather3A_184 = tpu.vector_load_idx %arg7[%add3A_27, %broadcast_in_dim3A_183] : memref<32x64xf32, #tpu.memory_space<vmem>>[vector<16xi32>, vector<16xi32>], vector<16xf32>,
      %gather3A_185 = tpu.vector_load_idx %arg6[%broadcast_in_dim3A_28, %broadcast_in_dim3A_183] : memref<32x64xf32, #tpu.memory_space<vmem>>[vector<16xi32>, vector<16xi32>], vector<16xf32>,
      %gather3A_186 = tpu.vector_load_idx %arg7[%broadcast_in_dim3A_28, %broadcast_in_dim3A_183] : memref<32x64xf32, #tpu.memory_space<vmem>>[vector<16xi32>, vector<16xi32>], vector<16xf32>,
      %add3A_187 = arith.addf %gather3A_185, %gather3A_186 : vector<16xf32>
      %broadcast_in_dim3A_188 = vector.broadcast %scan3A_180 : i32 to vector<16xi32>
      tpu.vector_store_idx %arg11[%broadcast_in_dim3A_188, %broadcast_in_dim3A_28], %add3A_187 masked %eq3A_30 : memref<16x1025xf32, #tpu.memory_space<vmem>>[vector<16xi32>, vector<16xi32>], vector<16xf32>, vector<16xi1>
      %broadcast_in_dim3A_189 = arith.constant 0.000000e+00 : f32
      %broadcast_in_dim3A_190 = vector.broadcast %broadcast_in_dim3A_189 : f32 to vector<16xf32>
      tpu.vector_store_idx %arg9[%broadcast_in_dim3A_188, %broadcast_in_dim3A_28], %broadcast_in_dim3A_190 masked %eq3A_30 : memref<16x1025xf32, #tpu.memory_space<vmem>>[vector<16xi32>, vector<16xi32>], vector<16xf32>, vector<16xi1>
      %sub3A_191 = arith.constant 0 : i32
      %sub3A_192 = arith.subi %sub3A_191, %add3A : i32
      %jit3A_193 = arith.constant -14 : i32
      %jit3A_194 = arith.constant 14 : i32
      %max3A_195 = arith.maxsi %jit3A_193, %sub3A_192 : i32
      %min3A_196 = arith.minsi %jit3A_194, %max3A_195 : i32
      %add3A_197 = arith.constant 14 : i32
      %add3A_198 = arith.addi %min3A_196, %add3A_197 : i32
      %add3A_199 = arith.constant 1 : i32
      %add3A_200 = arith.addi %add3A_198, %add3A_199 : i32
      %broadcast_in_dim3A_201 = vector.broadcast %add3A_200 : i32 to vector<16xi32>
      %gather3A_202 = tpu.vector_load_idx %arg6[%broadcast_in_dim3A_201, %broadcast_in_dim3A_183] : memref<32x64xf32, #tpu.memory_space<vmem>>[vector<16xi32>, vector<16xi32>], vector<16xf32>,
      %swap3A = arith.index_cast %scan3A_180 : i32 to index
      %swap3A_203 = arith.constant 1 : index
      %swap3A_204 = tpu.vector_load %arg9[%swap3A, %swap3A_203] {strides = array<i32>} : memref<16x1025xf32, #tpu.memory_space<vmem>>, vector<16xf32>,
      tpu.vector_store %arg9[%swap3A, %swap3A_203], %gather3A_202 {strides = array<i32>} : memref<16x1025xf32, #tpu.memory_space<vmem>>, vector<16xf32>,
      %swap3A_205 = arith.index_cast %scan3A_180 : i32 to index
      %swap3A_206 = arith.constant 17 : index
      %swap3A_207 = tpu.vector_load %arg9[%swap3A_205, %swap3A_206] {strides = array<i32>} : memref<16x1025xf32, #tpu.memory_space<vmem>>, vector<16xf32>,
      tpu.vector_store %arg9[%swap3A_205, %swap3A_206], %gather3A_202 {strides = array<i32>} : memref<16x1025xf32, #tpu.memory_space<vmem>>, vector<16xf32>,
      %swap3A_208 = arith.index_cast %scan3A_180 : i32 to index
      %swap3A_209 = arith.constant 1 : index
      %swap3A_210 = tpu.vector_load %arg11[%swap3A_208, %swap3A_209] {strides = array<i32>} : memref<16x1025xf32, #tpu.memory_space<vmem>>, vector<16xf32>,
      tpu.vector_store %arg11[%swap3A_208, %swap3A_209], %gather3A {strides = array<i32>} : memref<16x1025xf32, #tpu.memory_space<vmem>>, vector<16xf32>,
      %swap3A_211 = arith.index_cast %scan3A_180 : i32 to index
      %swap3A_212 = arith.constant 17 : index
      %swap3A_213 = tpu.vector_load %arg11[%swap3A_211, %swap3A_212] {strides = array<i32>} : memref<16x1025xf32, #tpu.memory_space<vmem>>, vector<16xf32>,
      tpu.vector_store %arg11[%swap3A_211, %swap3A_212], %gather3A_184 {strides = array<i32>} : memref<16x1025xf32, #tpu.memory_space<vmem>>, vector<16xf32>,
      %sub3A_214 = arith.constant 1 : i32
      %sub3A_215 = arith.subi %sub3A_214, %add3A : i32
      %jit3A_216 = arith.constant -14 : i32
      %jit3A_217 = arith.constant 14 : i32
      %max3A_218 = arith.maxsi %jit3A_216, %sub3A_215 : i32
      %min3A_219 = arith.minsi %jit3A_217, %max3A_218 : i32
      %add3A_220 = arith.constant 14 : i32
      %add3A_221 = arith.addi %min3A_219, %add3A_220 : i32
      %add3A_222 = arith.constant 1 : i32
      %add3A_223 = arith.addi %add3A_221, %add3A_222 : i32
      %broadcast_in_dim3A_224 = vector.broadcast %add3A_223 : i32 to vector<16xi32>
      %gather3A_225 = tpu.vector_load_idx %arg6[%broadcast_in_dim3A_224, %broadcast_in_dim3A_183] : memref<32x64xf32, #tpu.memory_space<vmem>>[vector<16xi32>, vector<16xi32>], vector<16xf32>,
      %swap3A_226 = arith.index_cast %scan3A_180 : i32 to index
      %swap3A_227 = arith.constant 33 : index
      %swap3A_228 = tpu.vector_load %arg9[%swap3A_226, %swap3A_227] {strides = array<i32>} : memref<16x1025xf32, #tpu.memory_space<vmem>>, vector<16xf32>,
      tpu.vector_store %arg9[%swap3A_226, %swap3A_227], %gather3A_225 {strides = array<i32>} : memref<16x1025xf32, #tpu.memory_space<vmem>>, vector<16xf32>,
      %swap3A_229 = arith.index_cast %scan3A_180 : i32 to index
      %swap3A_230 = arith.constant 49 : index
      %swap3A_231 = tpu.vector_load %arg9[%swap3A_229, %swap3A_230] {strides = array<i32>} : memref<16x1025xf32, #tpu.memory_space<vmem>>, vector<16xf32>,
      tpu.vector_store %arg9[%swap3A_229, %swap3A_230], %gather3A_225 {strides = array<i32>} : memref<16x1025xf32, #tpu.memory_space<vmem>>, vector<16xf32>,
      %swap3A_232 = arith.index_cast %scan3A_180 : i32 to index
      %swap3A_233 = arith.constant 33 : index
      %swap3A_234 = tpu.vector_load %arg11[%swap3A_232, %swap3A_233] {strides = array<i32>} : memref<16x1025xf32, #tpu.memory_space<vmem>>, vector<16xf32>,
      tpu.vector_store %arg11[%swap3A_232, %swap3A_233], %gather3A {strides = array<i32>} : memref<16x1025xf32, #tpu.memory_space<vmem>>, vector<16xf32>,
      %swap3A_235 = arith.index_cast %scan3A_180 : i32 to index
      %swap3A_236 = arith.constant 49 : index
      %swap3A_237 = tpu.vector_load %arg11[%swap3A_235, %swap3A_236] {strides = array<i32>} : memref<16x1025xf32, #tpu.memory_space<vmem>>, vector<16xf32>,
      tpu.vector_store %arg11[%swap3A_235, %swap3A_236], %gather3A_184 {strides = array<i32>} : memref<16x1025xf32, #tpu.memory_space<vmem>>, vector<16xf32>,
      %sub3A_238 = arith.constant 2 : i32
      %sub3A_239 = arith.subi %sub3A_238, %add3A : i32
      %jit3A_240 = arith.constant -14 : i32
      %jit3A_241 = arith.constant 14 : i32
      %max3A_242 = arith.maxsi %jit3A_240, %sub3A_239 : i32
      %min3A_243 = arith.minsi %jit3A_241, %max3A_242 : i32
      %add3A_244 = arith.constant 14 : i32
      %add3A_245 = arith.addi %min3A_243, %add3A_244 : i32
      %add3A_246 = arith.constant 1 : i32
      %add3A_247 = arith.addi %add3A_245, %add3A_246 : i32
      %broadcast_in_dim3A_248 = vector.broadcast %add3A_247 : i32 to vector<16xi32>
      %gather3A_249 = tpu.vector_load_idx %arg6[%broadcast_in_dim3A_248, %broadcast_in_dim3A_183] : memref<32x64xf32, #tpu.memory_space<vmem>>[vector<16xi32>, vector<16xi32>], vector<16xf32>,
      %swap3A_250 = arith.index_cast %scan3A_180 : i32 to index
      %swap3A_251 = arith.constant 65 : index
      %swap3A_252 = tpu.vector_load %arg9[%swap3A_250, %swap3A_251] {strides = array<i32>} : memref<16x1025xf32, #tpu.memory_space<vmem>>, vector<16xf32>,
      tpu.vector_store %arg9[%swap3A_250, %swap3A_251], %gather3A_249 {strides = array<i32>} : memref<16x1025xf32, #tpu.memory_space<vmem>>, vector<16xf32>,
      %swap3A_253 = arith.index_cast %scan3A_180 : i32 to index
      %swap3A_254 = arith.constant 81 : index
      %swap3A_255 = tpu.vector_load %arg9[%swap3A_253, %swap3A_254] {strides = array<i32>} : memref<16x1025xf32, #tpu.memory_space<vmem>>, vector<16xf32>,
      tpu.vector_store %arg9[%swap3A_253, %swap3A_254], %gather3A_249 {strides = array<i32>} : memref<16x1025xf32, #tpu.memory_space<vmem>>, vector<16xf32>,
      %swap3A_256 = arith.index_cast %scan3A_180 : i32 to index
      %swap3A_257 = arith.constant 65 : index
      %swap3A_258 = tpu.vector_load %arg11[%swap3A_256, %swap3A_257] {strides = array<i32>} : memref<16x1025xf32, #tpu.memory_space<vmem>>, vector<16xf32>,
      tpu.vector_store %arg11[%swap3A_256, %swap3A_257], %gather3A {strides = array<i32>} : memref<16x1025xf32, #tpu.memory_space<vmem>>, vector<16xf32>,
      %swap3A_259 = arith.index_cast %scan3A_180 : i32 to index
      %swap3A_260 = arith.constant 81 : index
      %swap3A_261 = tpu.vector_load %arg11[%swap3A_259, %swap3A_260] {strides = array<i32>} : memref<16x1025xf32, #tpu.memory_space<vmem>>, vector<16xf32>,
      tpu.vector_store %arg11[%swap3A_259, %swap3A_260], %gather3A_184 {strides = array<i32>} : memref<16x1025xf32, #tpu.memory_space<vmem>>, vector<16xf32>,
      %sub3A_262 = arith.constant 3 : i32
      %sub3A_263 = arith.subi %sub3A_262, %add3A : i32
      %jit3A_264 = arith.constant -14 : i32
      %jit3A_265 = arith.constant 14 : i32
      %max3A_266 = arith.maxsi %jit3A_264, %sub3A_263 : i32
      %min3A_267 = arith.minsi %jit3A_265, %max3A_266 : i32
      %add3A_268 = arith.constant 14 : i32
      %add3A_269 = arith.addi %min3A_267, %add3A_268 : i32
      %add3A_270 = arith.constant 1 : i32
      %add3A_271 = arith.addi %add3A_269, %add3A_270 : i32
      %broadcast_in_dim3A_272 = vector.broadcast %add3A_271 : i32 to vector<16xi32>
      %gather3A_273 = tpu.vector_load_idx %arg6[%broadcast_in_dim3A_272, %broadcast_in_dim3A_183] : memref<32x64xf32, #tpu.memory_space<vmem>>[vector<16xi32>, vector<16xi32>], vector<16xf32>,
      %swap3A_274 = arith.index_cast %scan3A_180 : i32 to index
      %swap3A_275 = arith.constant 97 : index
      %swap3A_276 = tpu.vector_load %arg9[%swap3A_274, %swap3A_275] {strides = array<i32>} : memref<16x1025xf32, #tpu.memory_space<vmem>>, vector<16xf32>,
      tpu.vector_store %arg9[%swap3A_274, %swap3A_275], %gather3A_273 {strides = array<i32>} : memref<16x1025xf32, #tpu.memory_space<vmem>>, vector<16xf32>,
      %swap3A_277 = arith.index_cast %scan3A_180 : i32 to index
      %swap3A_278 = arith.constant 113 : index
      %swap3A_279 = tpu.vector_load %arg9[%swap3A_277, %swap3A_278] {strides = array<i32>} : memref<16x1025xf32, #tpu.memory_space<vmem>>, vector<16xf32>,
      tpu.vector_store %arg9[%swap3A_277, %swap3A_278], %gather3A_273 {strides = array<i32>} : memref<16x1025xf32, #tpu.memory_space<vmem>>, vector<16xf32>,
      %swap3A_280 = arith.index_cast %scan3A_180 : i32 to index
      %swap3A_281 = arith.constant 97 : index
      %swap3A_282 = tpu.vector_load %arg11[%swap3A_280, %swap3A_281] {strides = array<i32>} : memref<16x1025xf32, #tpu.memory_space<vmem>>, vector<16xf32>,
      tpu.vector_store %arg11[%swap3A_280, %swap3A_281], %gather3A {strides = array<i32>} : memref<16x1025xf32, #tpu.memory_space<vmem>>, vector<16xf32>,
      %swap3A_283 = arith.index_cast %scan3A_180 : i32 to index
      %swap3A_284 = arith.constant 113 : index
      %swap3A_285 = tpu.vector_load %arg11[%swap3A_283, %swap3A_284] {strides = array<i32>} : memref<16x1025xf32, #tpu.memory_space<vmem>>, vector<16xf32>,
      tpu.vector_store %arg11[%swap3A_283, %swap3A_284], %gather3A_184 {strides = array<i32>} : memref<16x1025xf32, #tpu.memory_space<vmem>>, vector<16xf32>,
      %sub3A_286 = arith.constant 4 : i32
      %sub3A_287 = arith.subi %sub3A_286, %add3A : i32
      %jit3A_288 = arith.constant -14 : i32
      %jit3A_289 = arith.constant 14 : i32
      %max3A_290 = arith.maxsi %jit3A_288, %sub3A_287 : i32
      %min3A_291 = arith.minsi %jit3A_289, %max3A_290 : i32
      %add3A_292 = arith.constant 14 : i32
      %add3A_293 = arith.addi %min3A_291, %add3A_292 : i32
      %add3A_294 = arith.constant 1 : i32
      %add3A_295 = arith.addi %add3A_293, %add3A_294 : i32
      %broadcast_in_dim3A_296 = vector.broadcast %add3A_295 : i32 to vector<16xi32>
      %gather3A_297 = tpu.vector_load_idx %arg6[%broadcast_in_dim3A_296, %broadcast_in_dim3A_183] : memref<32x64xf32, #tpu.memory_space<vmem>>[vector<16xi32>, vector<16xi32>], vector<16xf32>,
      %swap3A_298 = arith.index_cast %scan3A_180 : i32 to index
      %swap3A_299 = arith.constant 129 : index
      %swap3A_300 = tpu.vector_load %arg9[%swap3A_298, %swap3A_299] {strides = array<i32>} : memref<16x1025xf32, #tpu.memory_space<vmem>>, vector<16xf32>,
      tpu.vector_store %arg9[%swap3A_298, %swap3A_299], %gather3A_297 {strides = array<i32>} : memref<16x1025xf32, #tpu.memory_space<vmem>>, vector<16xf32>,
      %swap3A_301 = arith.index_cast %scan3A_180 : i32 to index
      %swap3A_302 = arith.constant 145 : index
      %swap3A_303 = tpu.vector_load %arg9[%swap3A_301, %swap3A_302] {strides = array<i32>} : memref<16x1025xf32, #tpu.memory_space<vmem>>, vector<16xf32>,
      tpu.vector_store %arg9[%swap3A_301, %swap3A_302], %gather3A_297 {strides = array<i32>} : memref<16x1025xf32, #tpu.memory_space<vmem>>, vector<16xf32>,
      %swap3A_304 = arith.index_cast %scan3A_180 : i32 to index
      %swap3A_305 = arith.constant 129 : index
      %swap3A_306 = tpu.vector_load %arg11[%swap3A_304, %swap3A_305] {strides = array<i32>} : memref<16x1025xf32, #tpu.memory_space<vmem>>, vector<16xf32>,
      tpu.vector_store %arg11[%swap3A_304, %swap3A_305], %gather3A {strides = array<i32>} : memref<16x1025xf32, #tpu.memory_space<vmem>>, vector<16xf32>,
      %swap3A_307 = arith.index_cast %scan3A_180 : i32 to index
      %swap3A_308 = arith.constant 145 : index
      %swap3A_309 = tpu.vector_load %arg11[%swap3A_307, %swap3A_308] {strides = array<i32>} : memref<16x1025xf32, #tpu.memory_space<vmem>>, vector<16xf32>,
      tpu.vector_store %arg11[%swap3A_307, %swap3A_308], %gather3A_184 {strides = array<i32>} : memref<16x1025xf32, #tpu.memory_space<vmem>>, vector<16xf32>,
      %sub3A_310 = arith.constant 5 : i32
      %sub3A_311 = arith.subi %sub3A_310, %add3A : i32
      %jit3A_312 = arith.constant -14 : i32
      %jit3A_313 = arith.constant 14 : i32
      %max3A_314 = arith.maxsi %jit3A_312, %sub3A_311 : i32
      %min3A_315 = arith.minsi %jit3A_313, %max3A_314 : i32
      %add3A_316 = arith.constant 14 : i32
      %add3A_317 = arith.addi %min3A_315, %add3A_316 : i32
      %add3A_318 = arith.constant 1 : i32
      %add3A_319 = arith.addi %add3A_317, %add3A_318 : i32
      %broadcast_in_dim3A_320 = vector.broadcast %add3A_319 : i32 to vector<16xi32>
      %gather3A_321 = tpu.vector_load_idx %arg6[%broadcast_in_dim3A_320, %broadcast_in_dim3A_183] : memref<32x64xf32, #tpu.memory_space<vmem>>[vector<16xi32>, vector<16xi32>], vector<16xf32>,
      %swap3A_322 = arith.index_cast %scan3A_180 : i32 to index
      %swap3A_323 = arith.constant 161 : index
      %swap3A_324 = tpu.vector_load %arg9[%swap3A_322, %swap3A_323] {strides = array<i32>} : memref<16x1025xf32, #tpu.memory_space<vmem>>, vector<16xf32>,
      tpu.vector_store %arg9[%swap3A_322, %swap3A_323], %gather3A_321 {strides = array<i32>} : memref<16x1025xf32, #tpu.memory_space<vmem>>, vector<16xf32>,
      %swap3A_325 = arith.index_cast %scan3A_180 : i32 to index
      %swap3A_326 = arith.constant 177 : index
      %swap3A_327 = tpu.vector_load %arg9[%swap3A_325, %swap3A_326] {strides = array<i32>} : memref<16x1025xf32, #tpu.memory_space<vmem>>, vector<16xf32>,
      tpu.vector_store %arg9[%swap3A_325, %swap3A_326], %gather3A_321 {strides = array<i32>} : memref<16x1025xf32, #tpu.memory_space<vmem>>, vector<16xf32>,
      %swap3A_328 = arith.index_cast %scan3A_180 : i32 to index
      %swap3A_329 = arith.constant 161 : index
      %swap3A_330 = tpu.vector_load %arg11[%swap3A_328, %swap3A_329] {strides = array<i32>} : memref<16x1025xf32, #tpu.memory_space<vmem>>, vector<16xf32>,
      tpu.vector_store %arg11[%swap3A_328, %swap3A_329], %gather3A {strides = array<i32>} : memref<16x1025xf32, #tpu.memory_space<vmem>>, vector<16xf32>,
      %swap3A_331 = arith.index_cast %scan3A_180 : i32 to index
      %swap3A_332 = arith.constant 177 : index
      %swap3A_333 = tpu.vector_load %arg11[%swap3A_331, %swap3A_332] {strides = array<i32>} : memref<16x1025xf32, #tpu.memory_space<vmem>>, vector<16xf32>,
      tpu.vector_store %arg11[%swap3A_331, %swap3A_332], %gather3A_184 {strides = array<i32>} : memref<16x1025xf32, #tpu.memory_space<vmem>>, vector<16xf32>,
      %sub3A_334 = arith.constant 6 : i32
      %sub3A_335 = arith.subi %sub3A_334, %add3A : i32
      %jit3A_336 = arith.constant -14 : i32
      %jit3A_337 = arith.constant 14 : i32
      %max3A_338 = arith.maxsi %jit3A_336, %sub3A_335 : i32
      %min3A_339 = arith.minsi %jit3A_337, %max3A_338 : i32
      %add3A_340 = arith.constant 14 : i32
      %add3A_341 = arith.addi %min3A_339, %add3A_340 : i32
      %add3A_342 = arith.constant 1 : i32
      %add3A_343 = arith.addi %add3A_341, %add3A_342 : i32
      %broadcast_in_dim3A_344 = vector.broadcast %add3A_343 : i32 to vector<16xi32>
      %gather3A_345 = tpu.vector_load_idx %arg6[%broadcast_in_dim3A_344, %broadcast_in_dim3A_183] : memref<32x64xf32, #tpu.memory_space<vmem>>[vector<16xi32>, vector<16xi32>], vector<16xf32>,
      %swap3A_346 = arith.index_cast %scan3A_180 : i32 to index
      %swap3A_347 = arith.constant 193 : index
      %swap3A_348 = tpu.vector_load %arg9[%swap3A_346, %swap3A_347] {strides = array<i32>} : memref<16x1025xf32, #tpu.memory_space<vmem>>, vector<16xf32>,
      tpu.vector_store %arg9[%swap3A_346, %swap3A_347], %gather3A_345 {strides = array<i32>} : memref<16x1025xf32, #tpu.memory_space<vmem>>, vector<16xf32>,
      %swap3A_349 = arith.index_cast %scan3A_180 : i32 to index
      %swap3A_350 = arith.constant 209 : index
      %swap3A_351 = tpu.vector_load %arg9[%swap3A_349, %swap3A_350] {strides = array<i32>} : memref<16x1025xf32, #tpu.memory_space<vmem>>, vector<16xf32>,
      tpu.vector_store %arg9[%swap3A_349, %swap3A_350], %gather3A_345 {strides = array<i32>} : memref<16x1025xf32, #tpu.memory_space<vmem>>, vector<16xf32>,
      %swap3A_352 = arith.index_cast %scan3A_180 : i32 to index
      %swap3A_353 = arith.constant 193 : index
      %swap3A_354 = tpu.vector_load %arg11[%swap3A_352, %swap3A_353] {strides = array<i32>} : memref<16x1025xf32, #tpu.memory_space<vmem>>, vector<16xf32>,
      tpu.vector_store %arg11[%swap3A_352, %swap3A_353], %gather3A {strides = array<i32>} : memref<16x1025xf32, #tpu.memory_space<vmem>>, vector<16xf32>,
      %swap3A_355 = arith.index_cast %scan3A_180 : i32 to index
      %swap3A_356 = arith.constant 209 : index
      %swap3A_357 = tpu.vector_load %arg11[%swap3A_355, %swap3A_356] {strides = array<i32>} : memref<16x1025xf32, #tpu.memory_space<vmem>>, vector<16xf32>,
      tpu.vector_store %arg11[%swap3A_355, %swap3A_356], %gather3A_184 {strides = array<i32>} : memref<16x1025xf32, #tpu.memory_space<vmem>>, vector<16xf32>,
      %sub3A_358 = arith.constant 7 : i32
      %sub3A_359 = arith.subi %sub3A_358, %add3A : i32
      %jit3A_360 = arith.constant -14 : i32
      %jit3A_361 = arith.constant 14 : i32
      %max3A_362 = arith.maxsi %jit3A_360, %sub3A_359 : i32
      %min3A_363 = arith.minsi %jit3A_361, %max3A_362 : i32
      %add3A_364 = arith.constant 14 : i32
      %add3A_365 = arith.addi %min3A_363, %add3A_364 : i32
      %add3A_366 = arith.constant 1 : i32
      %add3A_367 = arith.addi %add3A_365, %add3A_366 : i32
      %broadcast_in_dim3A_368 = vector.broadcast %add3A_367 : i32 to vector<16xi32>
      %gather3A_369 = tpu.vector_load_idx %arg6[%broadcast_in_dim3A_368, %broadcast_in_dim3A_183] : memref<32x64xf32, #tpu.memory_space<vmem>>[vector<16xi32>, vector<16xi32>], vector<16xf32>,
      %swap3A_370 = arith.index_cast %scan3A_180 : i32 to index
      %swap3A_371 = arith.constant 225 : index
      %swap3A_372 = tpu.vector_load %arg9[%swap3A_370, %swap3A_371] {strides = array<i32>} : memref<16x1025xf32, #tpu.memory_space<vmem>>, vector<16xf32>,
      tpu.vector_store %arg9[%swap3A_370, %swap3A_371], %gather3A_369 {strides = array<i32>} : memref<16x1025xf32, #tpu.memory_space<vmem>>, vector<16xf32>,
      %swap3A_373 = arith.index_cast %scan3A_180 : i32 to index
      %swap3A_374 = arith.constant 241 : index
      %swap3A_375 = tpu.vector_load %arg9[%swap3A_373, %swap3A_374] {strides = array<i32>} : memref<16x1025xf32, #tpu.memory_space<vmem>>, vector<16xf32>,
      tpu.vector_store %arg9[%swap3A_373, %swap3A_374], %gather3A_369 {strides = array<i32>} : memref<16x1025xf32, #tpu.memory_space<vmem>>, vector<16xf32>,
      %swap3A_376 = arith.index_cast %scan3A_180 : i32 to index
      %swap3A_377 = arith.constant 225 : index
      %swap3A_378 = tpu.vector_load %arg11[%swap3A_376, %swap3A_377] {strides = array<i32>} : memref<16x1025xf32, #tpu.memory_space<vmem>>, vector<16xf32>,
      tpu.vector_store %arg11[%swap3A_376, %swap3A_377], %gather3A {strides = array<i32>} : memref<16x1025xf32, #tpu.memory_space<vmem>>, vector<16xf32>,
      %swap3A_379 = arith.index_cast %scan3A_180 : i32 to index
      %swap3A_380 = arith.constant 241 : index
      %swap3A_381 = tpu.vector_load %arg11[%swap3A_379, %swap3A_380] {strides = array<i32>} : memref<16x1025xf32, #tpu.memory_space<vmem>>, vector<16xf32>,
      tpu.vector_store %arg11[%swap3A_379, %swap3A_380], %gather3A_184 {strides = array<i32>} : memref<16x1025xf32, #tpu.memory_space<vmem>>, vector<16xf32>,
      %sub3A_382 = arith.constant 8 : i32
      %sub3A_383 = arith.subi %sub3A_382, %add3A : i32
      %jit3A_384 = arith.constant -14 : i32
      %jit3A_385 = arith.constant 14 : i32
      %max3A_386 = arith.maxsi %jit3A_384, %sub3A_383 : i32
      %min3A_387 = arith.minsi %jit3A_385, %max3A_386 : i32
      %add3A_388 = arith.constant 14 : i32
      %add3A_389 = arith.addi %min3A_387, %add3A_388 : i32
      %add3A_390 = arith.constant 1 : i32
      %add3A_391 = arith.addi %add3A_389, %add3A_390 : i32
      %broadcast_in_dim3A_392 = vector.broadcast %add3A_391 : i32 to vector<16xi32>
      %gather3A_393 = tpu.vector_load_idx %arg6[%broadcast_in_dim3A_392, %broadcast_in_dim3A_183] : memref<32x64xf32, #tpu.memory_space<vmem>>[vector<16xi32>, vector<16xi32>], vector<16xf32>,
      %swap3A_394 = arith.index_cast %scan3A_180 : i32 to index
      %swap3A_395 = arith.constant 257 : index
      %swap3A_396 = tpu.vector_load %arg9[%swap3A_394, %swap3A_395] {strides = array<i32>} : memref<16x1025xf32, #tpu.memory_space<vmem>>, vector<16xf32>,
      tpu.vector_store %arg9[%swap3A_394, %swap3A_395], %gather3A_393 {strides = array<i32>} : memref<16x1025xf32, #tpu.memory_space<vmem>>, vector<16xf32>,
      %swap3A_397 = arith.index_cast %scan3A_180 : i32 to index
      %swap3A_398 = arith.constant 273 : index
      %swap3A_399 = tpu.vector_load %arg9[%swap3A_397, %swap3A_398] {strides = array<i32>} : memref<16x1025xf32, #tpu.memory_space<vmem>>, vector<16xf32>,
      tpu.vector_store %arg9[%swap3A_397, %swap3A_398], %gather3A_393 {strides = array<i32>} : memref<16x1025xf32, #tpu.memory_space<vmem>>, vector<16xf32>,
      %swap3A_400 = arith.index_cast %scan3A_180 : i32 to index
      %swap3A_401 = arith.constant 257 : index
      %swap3A_402 = tpu.vector_load %arg11[%swap3A_400, %swap3A_401] {strides = array<i32>} : memref<16x1025xf32, #tpu.memory_space<vmem>>, vector<16xf32>,
      tpu.vector_store %arg11[%swap3A_400, %swap3A_401], %gather3A {strides = array<i32>} : memref<16x1025xf32, #tpu.memory_space<vmem>>, vector<16xf32>,
      %swap3A_403 = arith.index_cast %scan3A_180 : i32 to index
      %swap3A_404 = arith.constant 273 : index
      %swap3A_405 = tpu.vector_load %arg11[%swap3A_403, %swap3A_404] {strides = array<i32>} : memref<16x1025xf32, #tpu.memory_space<vmem>>, vector<16xf32>,
      tpu.vector_store %arg11[%swap3A_403, %swap3A_404], %gather3A_184 {strides = array<i32>} : memref<16x1025xf32, #tpu.memory_space<vmem>>, vector<16xf32>,
      %sub3A_406 = arith.constant 9 : i32
      %sub3A_407 = arith.subi %sub3A_406, %add3A : i32
      %jit3A_408 = arith.constant -14 : i32
      %jit3A_409 = arith.constant 14 : i32
      %max3A_410 = arith.maxsi %jit3A_408, %sub3A_407 : i32
      %min3A_411 = arith.minsi %jit3A_409, %max3A_410 : i32
      %add3A_412 = arith.constant 14 : i32
      %add3A_413 = arith.addi %min3A_411, %add3A_412 : i32
      %add3A_414 = arith.constant 1 : i32
      %add3A_415 = arith.addi %add3A_413, %add3A_414 : i32
      %broadcast_in_dim3A_416 = vector.broadcast %add3A_415 : i32 to vector<16xi32>
      %gather3A_417 = tpu.vector_load_idx %arg6[%broadcast_in_dim3A_416, %broadcast_in_dim3A_183] : memref<32x64xf32, #tpu.memory_space<vmem>>[vector<16xi32>, vector<16xi32>], vector<16xf32>,
      %swap3A_418 = arith.index_cast %scan3A_180 : i32 to index
      %swap3A_419 = arith.constant 289 : index
      %swap3A_420 = tpu.vector_load %arg9[%swap3A_418, %swap3A_419] {strides = array<i32>} : memref<16x1025xf32, #tpu.memory_space<vmem>>, vector<16xf32>,
      tpu.vector_store %arg9[%swap3A_418, %swap3A_419], %gather3A_417 {strides = array<i32>} : memref<16x1025xf32, #tpu.memory_space<vmem>>, vector<16xf32>,
      %swap3A_421 = arith.index_cast %scan3A_180 : i32 to index
      %swap3A_422 = arith.constant 305 : index
      %swap3A_423 = tpu.vector_load %arg9[%swap3A_421, %swap3A_422] {strides = array<i32>} : memref<16x1025xf32, #tpu.memory_space<vmem>>, vector<16xf32>,
      tpu.vector_store %arg9[%swap3A_421, %swap3A_422], %gather3A_417 {strides = array<i32>} : memref<16x1025xf32, #tpu.memory_space<vmem>>, vector<16xf32>,
      %swap3A_424 = arith.index_cast %scan3A_180 : i32 to index
      %swap3A_425 = arith.constant 289 : index
      %swap3A_426 = tpu.vector_load %arg11[%swap3A_424, %swap3A_425] {strides = array<i32>} : memref<16x1025xf32, #tpu.memory_space<vmem>>, vector<16xf32>,
      tpu.vector_store %arg11[%swap3A_424, %swap3A_425], %gather3A {strides = array<i32>} : memref<16x1025xf32, #tpu.memory_space<vmem>>, vector<16xf32>,
      %swap3A_427 = arith.index_cast %scan3A_180 : i32 to index
      %swap3A_428 = arith.constant 305 : index
      %swap3A_429 = tpu.vector_load %arg11[%swap3A_427, %swap3A_428] {strides = array<i32>} : memref<16x1025xf32, #tpu.memory_space<vmem>>, vector<16xf32>,
      tpu.vector_store %arg11[%swap3A_427, %swap3A_428], %gather3A_184 {strides = array<i32>} : memref<16x1025xf32, #tpu.memory_space<vmem>>, vector<16xf32>,
      %sub3A_430 = arith.constant 10 : i32
      %sub3A_431 = arith.subi %sub3A_430, %add3A : i32
      %jit3A_432 = arith.constant -14 : i32
      %jit3A_433 = arith.constant 14 : i32
      %max3A_434 = arith.maxsi %jit3A_432, %sub3A_431 : i32
      %min3A_435 = arith.minsi %jit3A_433, %max3A_434 : i32
      %add3A_436 = arith.constant 14 : i32
      %add3A_437 = arith.addi %min3A_435, %add3A_436 : i32
      %add3A_438 = arith.constant 1 : i32
      %add3A_439 = arith.addi %add3A_437, %add3A_438 : i32
      %broadcast_in_dim3A_440 = vector.broadcast %add3A_439 : i32 to vector<16xi32>
      %gather3A_441 = tpu.vector_load_idx %arg6[%broadcast_in_dim3A_440, %broadcast_in_dim3A_183] : memref<32x64xf32, #tpu.memory_space<vmem>>[vector<16xi32>, vector<16xi32>], vector<16xf32>,
      %swap3A_442 = arith.index_cast %scan3A_180 : i32 to index
      %swap3A_443 = arith.constant 321 : index
      %swap3A_444 = tpu.vector_load %arg9[%swap3A_442, %swap3A_443] {strides = array<i32>} : memref<16x1025xf32, #tpu.memory_space<vmem>>, vector<16xf32>,
      tpu.vector_store %arg9[%swap3A_442, %swap3A_443], %gather3A_441 {strides = array<i32>} : memref<16x1025xf32, #tpu.memory_space<vmem>>, vector<16xf32>,
      %swap3A_445 = arith.index_cast %scan3A_180 : i32 to index
      %swap3A_446 = arith.constant 337 : index
      %swap3A_447 = tpu.vector_load %arg9[%swap3A_445, %swap3A_446] {strides = array<i32>} : memref<16x1025xf32, #tpu.memory_space<vmem>>, vector<16xf32>,
      tpu.vector_store %arg9[%swap3A_445, %swap3A_446], %gather3A_441 {strides = array<i32>} : memref<16x1025xf32, #tpu.memory_space<vmem>>, vector<16xf32>,
      %swap3A_448 = arith.index_cast %scan3A_180 : i32 to index
      %swap3A_449 = arith.constant 321 : index
      %swap3A_450 = tpu.vector_load %arg11[%swap3A_448, %swap3A_449] {strides = array<i32>} : memref<16x1025xf32, #tpu.memory_space<vmem>>, vector<16xf32>,
      tpu.vector_store %arg11[%swap3A_448, %swap3A_449], %gather3A {strides = array<i32>} : memref<16x1025xf32, #tpu.memory_space<vmem>>, vector<16xf32>,
      %swap3A_451 = arith.index_cast %scan3A_180 : i32 to index
      %swap3A_452 = arith.constant 337 : index
      %swap3A_453 = tpu.vector_load %arg11[%swap3A_451, %swap3A_452] {strides = array<i32>} : memref<16x1025xf32, #tpu.memory_space<vmem>>, vector<16xf32>,
      tpu.vector_store %arg11[%swap3A_451, %swap3A_452], %gather3A_184 {strides = array<i32>} : memref<16x1025xf32, #tpu.memory_space<vmem>>, vector<16xf32>,
      %sub3A_454 = arith.constant 11 : i32
      %sub3A_455 = arith.subi %sub3A_454, %add3A : i32
      %jit3A_456 = arith.constant -14 : i32
      %jit3A_457 = arith.constant 14 : i32
      %max3A_458 = arith.maxsi %jit3A_456, %sub3A_455 : i32
      %min3A_459 = arith.minsi %jit3A_457, %max3A_458 : i32
      %add3A_460 = arith.constant 14 : i32
      %add3A_461 = arith.addi %min3A_459, %add3A_460 : i32
      %add3A_462 = arith.constant 1 : i32
      %add3A_463 = arith.addi %add3A_461, %add3A_462 : i32
      %broadcast_in_dim3A_464 = vector.broadcast %add3A_463 : i32 to vector<16xi32>
      %gather3A_465 = tpu.vector_load_idx %arg6[%broadcast_in_dim3A_464, %broadcast_in_dim3A_183] : memref<32x64xf32, #tpu.memory_space<vmem>>[vector<16xi32>, vector<16xi32>], vector<16xf32>,
      %swap3A_466 = arith.index_cast %scan3A_180 : i32 to index
      %swap3A_467 = arith.constant 353 : index
      %swap3A_468 = tpu.vector_load %arg9[%swap3A_466, %swap3A_467] {strides = array<i32>} : memref<16x1025xf32, #tpu.memory_space<vmem>>, vector<16xf32>,
      tpu.vector_store %arg9[%swap3A_466, %swap3A_467], %gather3A_465 {strides = array<i32>} : memref<16x1025xf32, #tpu.memory_space<vmem>>, vector<16xf32>,
      %swap3A_469 = arith.index_cast %scan3A_180 : i32 to index
      %swap3A_470 = arith.constant 369 : index
      %swap3A_471 = tpu.vector_load %arg9[%swap3A_469, %swap3A_470] {strides = array<i32>} : memref<16x1025xf32, #tpu.memory_space<vmem>>, vector<16xf32>,
      tpu.vector_store %arg9[%swap3A_469, %swap3A_470], %gather3A_465 {strides = array<i32>} : memref<16x1025xf32, #tpu.memory_space<vmem>>, vector<16xf32>,
      %swap3A_472 = arith.index_cast %scan3A_180 : i32 to index
      %swap3A_473 = arith.constant 353 : index
      %swap3A_474 = tpu.vector_load %arg11[%swap3A_472, %swap3A_473] {strides = array<i32>} : memref<16x1025xf32, #tpu.memory_space<vmem>>, vector<16xf32>,
      tpu.vector_store %arg11[%swap3A_472, %swap3A_473], %gather3A {strides = array<i32>} : memref<16x1025xf32, #tpu.memory_space<vmem>>, vector<16xf32>,
      %swap3A_475 = arith.index_cast %scan3A_180 : i32 to index
      %swap3A_476 = arith.constant 369 : index
      %swap3A_477 = tpu.vector_load %arg11[%swap3A_475, %swap3A_476] {strides = array<i32>} : memref<16x1025xf32, #tpu.memory_space<vmem>>, vector<16xf32>,
      tpu.vector_store %arg11[%swap3A_475, %swap3A_476], %gather3A_184 {strides = array<i32>} : memref<16x1025xf32, #tpu.memory_space<vmem>>, vector<16xf32>,
      %sub3A_478 = arith.constant 12 : i32
      %sub3A_479 = arith.subi %sub3A_478, %add3A : i32
      %jit3A_480 = arith.constant -14 : i32
      %jit3A_481 = arith.constant 14 : i32
      %max3A_482 = arith.maxsi %jit3A_480, %sub3A_479 : i32
      %min3A_483 = arith.minsi %jit3A_481, %max3A_482 : i32
      %add3A_484 = arith.constant 14 : i32
      %add3A_485 = arith.addi %min3A_483, %add3A_484 : i32
      %add3A_486 = arith.constant 1 : i32
      %add3A_487 = arith.addi %add3A_485, %add3A_486 : i32
      %broadcast_in_dim3A_488 = vector.broadcast %add3A_487 : i32 to vector<16xi32>
      %gather3A_489 = tpu.vector_load_idx %arg6[%broadcast_in_dim3A_488, %broadcast_in_dim3A_183] : memref<32x64xf32, #tpu.memory_space<vmem>>[vector<16xi32>, vector<16xi32>], vector<16xf32>,
      %swap3A_490 = arith.index_cast %scan3A_180 : i32 to index
      %swap3A_491 = arith.constant 385 : index
      %swap3A_492 = tpu.vector_load %arg9[%swap3A_490, %swap3A_491] {strides = array<i32>} : memref<16x1025xf32, #tpu.memory_space<vmem>>, vector<16xf32>,
      tpu.vector_store %arg9[%swap3A_490, %swap3A_491], %gather3A_489 {strides = array<i32>} : memref<16x1025xf32, #tpu.memory_space<vmem>>, vector<16xf32>,
      %swap3A_493 = arith.index_cast %scan3A_180 : i32 to index
      %swap3A_494 = arith.constant 401 : index
      %swap3A_495 = tpu.vector_load %arg9[%swap3A_493, %swap3A_494] {strides = array<i32>} : memref<16x1025xf32, #tpu.memory_space<vmem>>, vector<16xf32>,
      tpu.vector_store %arg9[%swap3A_493, %swap3A_494], %gather3A_489 {strides = array<i32>} : memref<16x1025xf32, #tpu.memory_space<vmem>>, vector<16xf32>,
      %swap3A_496 = arith.index_cast %scan3A_180 : i32 to index
      %swap3A_497 = arith.constant 385 : index
      %swap3A_498 = tpu.vector_load %arg11[%swap3A_496, %swap3A_497] {strides = array<i32>} : memref<16x1025xf32, #tpu.memory_space<vmem>>, vector<16xf32>,
      tpu.vector_store %arg11[%swap3A_496, %swap3A_497], %gather3A {strides = array<i32>} : memref<16x1025xf32, #tpu.memory_space<vmem>>, vector<16xf32>,
      %swap3A_499 = arith.index_cast %scan3A_180 : i32 to index
      %swap3A_500 = arith.constant 401 : index
      %swap3A_501 = tpu.vector_load %arg11[%swap3A_499, %swap3A_500] {strides = array<i32>} : memref<16x1025xf32, #tpu.memory_space<vmem>>, vector<16xf32>,
      tpu.vector_store %arg11[%swap3A_499, %swap3A_500], %gather3A_184 {strides = array<i32>} : memref<16x1025xf32, #tpu.memory_space<vmem>>, vector<16xf32>,
      %sub3A_502 = arith.constant 13 : i32
      %sub3A_503 = arith.subi %sub3A_502, %add3A : i32
      %jit3A_504 = arith.constant -14 : i32
      %jit3A_505 = arith.constant 14 : i32
      %max3A_506 = arith.maxsi %jit3A_504, %sub3A_503 : i32
      %min3A_507 = arith.minsi %jit3A_505, %max3A_506 : i32
      %add3A_508 = arith.constant 14 : i32
      %add3A_509 = arith.addi %min3A_507, %add3A_508 : i32
      %add3A_510 = arith.constant 1 : i32
      %add3A_511 = arith.addi %add3A_509, %add3A_510 : i32
      %broadcast_in_dim3A_512 = vector.broadcast %add3A_511 : i32 to vector<16xi32>
      %gather3A_513 = tpu.vector_load_idx %arg6[%broadcast_in_dim3A_512, %broadcast_in_dim3A_183] : memref<32x64xf32, #tpu.memory_space<vmem>>[vector<16xi32>, vector<16xi32>], vector<16xf32>,
      %swap3A_514 = arith.index_cast %scan3A_180 : i32 to index
      %swap3A_515 = arith.constant 417 : index
      %swap3A_516 = tpu.vector_load %arg9[%swap3A_514, %swap3A_515] {strides = array<i32>} : memref<16x1025xf32, #tpu.memory_space<vmem>>, vector<16xf32>,
      tpu.vector_store %arg9[%swap3A_514, %swap3A_515], %gather3A_513 {strides = array<i32>} : memref<16x1025xf32, #tpu.memory_space<vmem>>, vector<16xf32>,
      %swap3A_517 = arith.index_cast %scan3A_180 : i32 to index
      %swap3A_518 = arith.constant 433 : index
      %swap3A_519 = tpu.vector_load %arg9[%swap3A_517, %swap3A_518] {strides = array<i32>} : memref<16x1025xf32, #tpu.memory_space<vmem>>, vector<16xf32>,
      tpu.vector_store %arg9[%swap3A_517, %swap3A_518], %gather3A_513 {strides = array<i32>} : memref<16x1025xf32, #tpu.memory_space<vmem>>, vector<16xf32>,
      %swap3A_520 = arith.index_cast %scan3A_180 : i32 to index
      %swap3A_521 = arith.constant 417 : index
      %swap3A_522 = tpu.vector_load %arg11[%swap3A_520, %swap3A_521] {strides = array<i32>} : memref<16x1025xf32, #tpu.memory_space<vmem>>, vector<16xf32>,
      tpu.vector_store %arg11[%swap3A_520, %swap3A_521], %gather3A {strides = array<i32>} : memref<16x1025xf32, #tpu.memory_space<vmem>>, vector<16xf32>,
      %swap3A_523 = arith.index_cast %scan3A_180 : i32 to index
      %swap3A_524 = arith.constant 433 : index
      %swap3A_525 = tpu.vector_load %arg11[%swap3A_523, %swap3A_524] {strides = array<i32>} : memref<16x1025xf32, #tpu.memory_space<vmem>>, vector<16xf32>,
      tpu.vector_store %arg11[%swap3A_523, %swap3A_524], %gather3A_184 {strides = array<i32>} : memref<16x1025xf32, #tpu.memory_space<vmem>>, vector<16xf32>,
      %sub3A_526 = arith.constant 14 : i32
      %sub3A_527 = arith.subi %sub3A_526, %add3A : i32
      %jit3A_528 = arith.constant -14 : i32
      %jit3A_529 = arith.constant 14 : i32
      %max3A_530 = arith.maxsi %jit3A_528, %sub3A_527 : i32
      %min3A_531 = arith.minsi %jit3A_529, %max3A_530 : i32
      %add3A_532 = arith.constant 14 : i32
      %add3A_533 = arith.addi %min3A_531, %add3A_532 : i32
      %add3A_534 = arith.constant 1 : i32
      %add3A_535 = arith.addi %add3A_533, %add3A_534 : i32
      %broadcast_in_dim3A_536 = vector.broadcast %add3A_535 : i32 to vector<16xi32>
      %gather3A_537 = tpu.vector_load_idx %arg6[%broadcast_in_dim3A_536, %broadcast_in_dim3A_183] : memref<32x64xf32, #tpu.memory_space<vmem>>[vector<16xi32>, vector<16xi32>], vector<16xf32>,
      %swap3A_538 = arith.index_cast %scan3A_180 : i32 to index
      %swap3A_539 = arith.constant 449 : index
      %swap3A_540 = tpu.vector_load %arg9[%swap3A_538, %swap3A_539] {strides = array<i32>} : memref<16x1025xf32, #tpu.memory_space<vmem>>, vector<16xf32>,
      tpu.vector_store %arg9[%swap3A_538, %swap3A_539], %gather3A_537 {strides = array<i32>} : memref<16x1025xf32, #tpu.memory_space<vmem>>, vector<16xf32>,
      %swap3A_541 = arith.index_cast %scan3A_180 : i32 to index
      %swap3A_542 = arith.constant 465 : index
      %swap3A_543 = tpu.vector_load %arg9[%swap3A_541, %swap3A_542] {strides = array<i32>} : memref<16x1025xf32, #tpu.memory_space<vmem>>, vector<16xf32>,
      tpu.vector_store %arg9[%swap3A_541, %swap3A_542], %gather3A_537 {strides = array<i32>} : memref<16x1025xf32, #tpu.memory_space<vmem>>, vector<16xf32>,
      %swap3A_544 = arith.index_cast %scan3A_180 : i32 to index
      %swap3A_545 = arith.constant 449 : index
      %swap3A_546 = tpu.vector_load %arg11[%swap3A_544, %swap3A_545] {strides = array<i32>} : memref<16x1025xf32, #tpu.memory_space<vmem>>, vector<16xf32>,
      tpu.vector_store %arg11[%swap3A_544, %swap3A_545], %gather3A {strides = array<i32>} : memref<16x1025xf32, #tpu.memory_space<vmem>>, vector<16xf32>,
      %swap3A_547 = arith.index_cast %scan3A_180 : i32 to index
      %swap3A_548 = arith.constant 465 : index
      %swap3A_549 = tpu.vector_load %arg11[%swap3A_547, %swap3A_548] {strides = array<i32>} : memref<16x1025xf32, #tpu.memory_space<vmem>>, vector<16xf32>,
      tpu.vector_store %arg11[%swap3A_547, %swap3A_548], %gather3A_184 {strides = array<i32>} : memref<16x1025xf32, #tpu.memory_space<vmem>>, vector<16xf32>,
      %sub3A_550 = arith.constant 15 : i32
      %sub3A_551 = arith.subi %sub3A_550, %add3A : i32
      %jit3A_552 = arith.constant -14 : i32
      %jit3A_553 = arith.constant 14 : i32
      %max3A_554 = arith.maxsi %jit3A_552, %sub3A_551 : i32
      %min3A_555 = arith.minsi %jit3A_553, %max3A_554 : i32
      %add3A_556 = arith.constant 14 : i32
      %add3A_557 = arith.addi %min3A_555, %add3A_556 : i32
      %add3A_558 = arith.constant 1 : i32
      %add3A_559 = arith.addi %add3A_557, %add3A_558 : i32
      %broadcast_in_dim3A_560 = vector.broadcast %add3A_559 : i32 to vector<16xi32>
      %gather3A_561 = tpu.vector_load_idx %arg6[%broadcast_in_dim3A_560, %broadcast_in_dim3A_183] : memref<32x64xf32, #tpu.memory_space<vmem>>[vector<16xi32>, vector<16xi32>], vector<16xf32>,
      %swap3A_562 = arith.index_cast %scan3A_180 : i32 to index
      %swap3A_563 = arith.constant 481 : index
      %swap3A_564 = tpu.vector_load %arg9[%swap3A_562, %swap3A_563] {strides = array<i32>} : memref<16x1025xf32, #tpu.memory_space<vmem>>, vector<16xf32>,
      tpu.vector_store %arg9[%swap3A_562, %swap3A_563], %gather3A_561 {strides = array<i32>} : memref<16x1025xf32, #tpu.memory_space<vmem>>, vector<16xf32>,
      %swap3A_565 = arith.index_cast %scan3A_180 : i32 to index
      %swap3A_566 = arith.constant 497 : index
      %swap3A_567 = tpu.vector_load %arg9[%swap3A_565, %swap3A_566] {strides = array<i32>} : memref<16x1025xf32, #tpu.memory_space<vmem>>, vector<16xf32>,
      tpu.vector_store %arg9[%swap3A_565, %swap3A_566], %gather3A_561 {strides = array<i32>} : memref<16x1025xf32, #tpu.memory_space<vmem>>, vector<16xf32>,
      %swap3A_568 = arith.index_cast %scan3A_180 : i32 to index
      %swap3A_569 = arith.constant 481 : index
      %swap3A_570 = tpu.vector_load %arg11[%swap3A_568, %swap3A_569] {strides = array<i32>} : memref<16x1025xf32, #tpu.memory_space<vmem>>, vector<16xf32>,
      tpu.vector_store %arg11[%swap3A_568, %swap3A_569], %gather3A {strides = array<i32>} : memref<16x1025xf32, #tpu.memory_space<vmem>>, vector<16xf32>,
      %swap3A_571 = arith.index_cast %scan3A_180 : i32 to index
      %swap3A_572 = arith.constant 497 : index
      %swap3A_573 = tpu.vector_load %arg11[%swap3A_571, %swap3A_572] {strides = array<i32>} : memref<16x1025xf32, #tpu.memory_space<vmem>>, vector<16xf32>,
      tpu.vector_store %arg11[%swap3A_571, %swap3A_572], %gather3A_184 {strides = array<i32>} : memref<16x1025xf32, #tpu.memory_space<vmem>>, vector<16xf32>,
      %sub3A_574 = arith.constant 16 : i32
      %sub3A_575 = arith.subi %sub3A_574, %add3A : i32
      %jit3A_576 = arith.constant -14 : i32
      %jit3A_577 = arith.constant 14 : i32
      %max3A_578 = arith.maxsi %jit3A_576, %sub3A_575 : i32
      %min3A_579 = arith.minsi %jit3A_577, %max3A_578 : i32
      %add3A_580 = arith.constant 14 : i32
      %add3A_581 = arith.addi %min3A_579, %add3A_580 : i32
      %add3A_582 = arith.constant 1 : i32
      %add3A_583 = arith.addi %add3A_581, %add3A_582 : i32
      %broadcast_in_dim3A_584 = vector.broadcast %add3A_583 : i32 to vector<16xi32>
      %gather3A_585 = tpu.vector_load_idx %arg6[%broadcast_in_dim3A_584, %broadcast_in_dim3A_183] : memref<32x64xf32, #tpu.memory_space<vmem>>[vector<16xi32>, vector<16xi32>], vector<16xf32>,
      %swap3A_586 = arith.index_cast %scan3A_180 : i32 to index
      %swap3A_587 = arith.constant 513 : index
      %swap3A_588 = tpu.vector_load %arg9[%swap3A_586, %swap3A_587] {strides = array<i32>} : memref<16x1025xf32, #tpu.memory_space<vmem>>, vector<16xf32>,
      tpu.vector_store %arg9[%swap3A_586, %swap3A_587], %gather3A_585 {strides = array<i32>} : memref<16x1025xf32, #tpu.memory_space<vmem>>, vector<16xf32>,
      %swap3A_589 = arith.index_cast %scan3A_180 : i32 to index
      %swap3A_590 = arith.constant 529 : index
      %swap3A_591 = tpu.vector_load %arg9[%swap3A_589, %swap3A_590] {strides = array<i32>} : memref<16x1025xf32, #tpu.memory_space<vmem>>, vector<16xf32>,
      tpu.vector_store %arg9[%swap3A_589, %swap3A_590], %gather3A_585 {strides = array<i32>} : memref<16x1025xf32, #tpu.memory_space<vmem>>, vector<16xf32>,
      %swap3A_592 = arith.index_cast %scan3A_180 : i32 to index
      %swap3A_593 = arith.constant 513 : index
      %swap3A_594 = tpu.vector_load %arg11[%swap3A_592, %swap3A_593] {strides = array<i32>} : memref<16x1025xf32, #tpu.memory_space<vmem>>, vector<16xf32>,
      tpu.vector_store %arg11[%swap3A_592, %swap3A_593], %gather3A {strides = array<i32>} : memref<16x1025xf32, #tpu.memory_space<vmem>>, vector<16xf32>,
      %swap3A_595 = arith.index_cast %scan3A_180 : i32 to index
      %swap3A_596 = arith.constant 529 : index
      %swap3A_597 = tpu.vector_load %arg11[%swap3A_595, %swap3A_596] {strides = array<i32>} : memref<16x1025xf32, #tpu.memory_space<vmem>>, vector<16xf32>,
      tpu.vector_store %arg11[%swap3A_595, %swap3A_596], %gather3A_184 {strides = array<i32>} : memref<16x1025xf32, #tpu.memory_space<vmem>>, vector<16xf32>,
      %sub3A_598 = arith.constant 17 : i32
      %sub3A_599 = arith.subi %sub3A_598, %add3A : i32
      %jit3A_600 = arith.constant -14 : i32
      %jit3A_601 = arith.constant 14 : i32
      %max3A_602 = arith.maxsi %jit3A_600, %sub3A_599 : i32
      %min3A_603 = arith.minsi %jit3A_601, %max3A_602 : i32
      %add3A_604 = arith.constant 14 : i32
      %add3A_605 = arith.addi %min3A_603, %add3A_604 : i32
      %add3A_606 = arith.constant 1 : i32
      %add3A_607 = arith.addi %add3A_605, %add3A_606 : i32
      %broadcast_in_dim3A_608 = vector.broadcast %add3A_607 : i32 to vector<16xi32>
      %gather3A_609 = tpu.vector_load_idx %arg6[%broadcast_in_dim3A_608, %broadcast_in_dim3A_183] : memref<32x64xf32, #tpu.memory_space<vmem>>[vector<16xi32>, vector<16xi32>], vector<16xf32>,
      %swap3A_610 = arith.index_cast %scan3A_180 : i32 to index
      %swap3A_611 = arith.constant 545 : index
      %swap3A_612 = tpu.vector_load %arg9[%swap3A_610, %swap3A_611] {strides = array<i32>} : memref<16x1025xf32, #tpu.memory_space<vmem>>, vector<16xf32>,
      tpu.vector_store %arg9[%swap3A_610, %swap3A_611], %gather3A_609 {strides = array<i32>} : memref<16x1025xf32, #tpu.memory_space<vmem>>, vector<16xf32>,
      %swap3A_613 = arith.index_cast %scan3A_180 : i32 to index
      %swap3A_614 = arith.constant 561 : index
      %swap3A_615 = tpu.vector_load %arg9[%swap3A_613, %swap3A_614] {strides = array<i32>} : memref<16x1025xf32, #tpu.memory_space<vmem>>, vector<16xf32>,
      tpu.vector_store %arg9[%swap3A_613, %swap3A_614], %gather3A_609 {strides = array<i32>} : memref<16x1025xf32, #tpu.memory_space<vmem>>, vector<16xf32>,
      %swap3A_616 = arith.index_cast %scan3A_180 : i32 to index
      %swap3A_617 = arith.constant 545 : index
      %swap3A_618 = tpu.vector_load %arg11[%swap3A_616, %swap3A_617] {strides = array<i32>} : memref<16x1025xf32, #tpu.memory_space<vmem>>, vector<16xf32>,
      tpu.vector_store %arg11[%swap3A_616, %swap3A_617], %gather3A {strides = array<i32>} : memref<16x1025xf32, #tpu.memory_space<vmem>>, vector<16xf32>,
      %swap3A_619 = arith.index_cast %scan3A_180 : i32 to index
      %swap3A_620 = arith.constant 561 : index
      %swap3A_621 = tpu.vector_load %arg11[%swap3A_619, %swap3A_620] {strides = array<i32>} : memref<16x1025xf32, #tpu.memory_space<vmem>>, vector<16xf32>,
      tpu.vector_store %arg11[%swap3A_619, %swap3A_620], %gather3A_184 {strides = array<i32>} : memref<16x1025xf32, #tpu.memory_space<vmem>>, vector<16xf32>,
      %sub3A_622 = arith.constant 18 : i32
      %sub3A_623 = arith.subi %sub3A_622, %add3A : i32
      %jit3A_624 = arith.constant -14 : i32
      %jit3A_625 = arith.constant 14 : i32
      %max3A_626 = arith.maxsi %jit3A_624, %sub3A_623 : i32
      %min3A_627 = arith.minsi %jit3A_625, %max3A_626 : i32
      %add3A_628 = arith.constant 14 : i32
      %add3A_629 = arith.addi %min3A_627, %add3A_628 : i32
      %add3A_630 = arith.constant 1 : i32
      %add3A_631 = arith.addi %add3A_629, %add3A_630 : i32
      %broadcast_in_dim3A_632 = vector.broadcast %add3A_631 : i32 to vector<16xi32>
      %gather3A_633 = tpu.vector_load_idx %arg6[%broadcast_in_dim3A_632, %broadcast_in_dim3A_183] : memref<32x64xf32, #tpu.memory_space<vmem>>[vector<16xi32>, vector<16xi32>], vector<16xf32>,
      %swap3A_634 = arith.index_cast %scan3A_180 : i32 to index
      %swap3A_635 = arith.constant 577 : index
      %swap3A_636 = tpu.vector_load %arg9[%swap3A_634, %swap3A_635] {strides = array<i32>} : memref<16x1025xf32, #tpu.memory_space<vmem>>, vector<16xf32>,
      tpu.vector_store %arg9[%swap3A_634, %swap3A_635], %gather3A_633 {strides = array<i32>} : memref<16x1025xf32, #tpu.memory_space<vmem>>, vector<16xf32>,
      %swap3A_637 = arith.index_cast %scan3A_180 : i32 to index
      %swap3A_638 = arith.constant 593 : index
      %swap3A_639 = tpu.vector_load %arg9[%swap3A_637, %swap3A_638] {strides = array<i32>} : memref<16x1025xf32, #tpu.memory_space<vmem>>, vector<16xf32>,
      tpu.vector_store %arg9[%swap3A_637, %swap3A_638], %gather3A_633 {strides = array<i32>} : memref<16x1025xf32, #tpu.memory_space<vmem>>, vector<16xf32>,
      %swap3A_640 = arith.index_cast %scan3A_180 : i32 to index
      %swap3A_641 = arith.constant 577 : index
      %swap3A_642 = tpu.vector_load %arg11[%swap3A_640, %swap3A_641] {strides = array<i32>} : memref<16x1025xf32, #tpu.memory_space<vmem>>, vector<16xf32>,
      tpu.vector_store %arg11[%swap3A_640, %swap3A_641], %gather3A {strides = array<i32>} : memref<16x1025xf32, #tpu.memory_space<vmem>>, vector<16xf32>,
      %swap3A_643 = arith.index_cast %scan3A_180 : i32 to index
      %swap3A_644 = arith.constant 593 : index
      %swap3A_645 = tpu.vector_load %arg11[%swap3A_643, %swap3A_644] {strides = array<i32>} : memref<16x1025xf32, #tpu.memory_space<vmem>>, vector<16xf32>,
      tpu.vector_store %arg11[%swap3A_643, %swap3A_644], %gather3A_184 {strides = array<i32>} : memref<16x1025xf32, #tpu.memory_space<vmem>>, vector<16xf32>,
      %sub3A_646 = arith.constant 19 : i32
      %sub3A_647 = arith.subi %sub3A_646, %add3A : i32
      %jit3A_648 = arith.constant -14 : i32
      %jit3A_649 = arith.constant 14 : i32
      %max3A_650 = arith.maxsi %jit3A_648, %sub3A_647 : i32
      %min3A_651 = arith.minsi %jit3A_649, %max3A_650 : i32
      %add3A_652 = arith.constant 14 : i32
      %add3A_653 = arith.addi %min3A_651, %add3A_652 : i32
      %add3A_654 = arith.constant 1 : i32
      %add3A_655 = arith.addi %add3A_653, %add3A_654 : i32
      %broadcast_in_dim3A_656 = vector.broadcast %add3A_655 : i32 to vector<16xi32>
      %gather3A_657 = tpu.vector_load_idx %arg6[%broadcast_in_dim3A_656, %broadcast_in_dim3A_183] : memref<32x64xf32, #tpu.memory_space<vmem>>[vector<16xi32>, vector<16xi32>], vector<16xf32>,
      %swap3A_658 = arith.index_cast %scan3A_180 : i32 to index
      %swap3A_659 = arith.constant 609 : index
      %swap3A_660 = tpu.vector_load %arg9[%swap3A_658, %swap3A_659] {strides = array<i32>} : memref<16x1025xf32, #tpu.memory_space<vmem>>, vector<16xf32>,
      tpu.vector_store %arg9[%swap3A_658, %swap3A_659], %gather3A_657 {strides = array<i32>} : memref<16x1025xf32, #tpu.memory_space<vmem>>, vector<16xf32>,
      %swap3A_661 = arith.index_cast %scan3A_180 : i32 to index
      %swap3A_662 = arith.constant 625 : index
      %swap3A_663 = tpu.vector_load %arg9[%swap3A_661, %swap3A_662] {strides = array<i32>} : memref<16x1025xf32, #tpu.memory_space<vmem>>, vector<16xf32>,
      tpu.vector_store %arg9[%swap3A_661, %swap3A_662], %gather3A_657 {strides = array<i32>} : memref<16x1025xf32, #tpu.memory_space<vmem>>, vector<16xf32>,
      %swap3A_664 = arith.index_cast %scan3A_180 : i32 to index
      %swap3A_665 = arith.constant 609 : index
      %swap3A_666 = tpu.vector_load %arg11[%swap3A_664, %swap3A_665] {strides = array<i32>} : memref<16x1025xf32, #tpu.memory_space<vmem>>, vector<16xf32>,
      tpu.vector_store %arg11[%swap3A_664, %swap3A_665], %gather3A {strides = array<i32>} : memref<16x1025xf32, #tpu.memory_space<vmem>>, vector<16xf32>,
      %swap3A_667 = arith.index_cast %scan3A_180 : i32 to index
      %swap3A_668 = arith.constant 625 : index
      %swap3A_669 = tpu.vector_load %arg11[%swap3A_667, %swap3A_668] {strides = array<i32>} : memref<16x1025xf32, #tpu.memory_space<vmem>>, vector<16xf32>,
      tpu.vector_store %arg11[%swap3A_667, %swap3A_668], %gather3A_184 {strides = array<i32>} : memref<16x1025xf32, #tpu.memory_space<vmem>>, vector<16xf32>,
      %sub3A_670 = arith.constant 20 : i32
      %sub3A_671 = arith.subi %sub3A_670, %add3A : i32
      %jit3A_672 = arith.constant -14 : i32
      %jit3A_673 = arith.constant 14 : i32
      %max3A_674 = arith.maxsi %jit3A_672, %sub3A_671 : i32
      %min3A_675 = arith.minsi %jit3A_673, %max3A_674 : i32
      %add3A_676 = arith.constant 14 : i32
      %add3A_677 = arith.addi %min3A_675, %add3A_676 : i32
      %add3A_678 = arith.constant 1 : i32
      %add3A_679 = arith.addi %add3A_677, %add3A_678 : i32
      %broadcast_in_dim3A_680 = vector.broadcast %add3A_679 : i32 to vector<16xi32>
      %gather3A_681 = tpu.vector_load_idx %arg6[%broadcast_in_dim3A_680, %broadcast_in_dim3A_183] : memref<32x64xf32, #tpu.memory_space<vmem>>[vector<16xi32>, vector<16xi32>], vector<16xf32>,
      %swap3A_682 = arith.index_cast %scan3A_180 : i32 to index
      %swap3A_683 = arith.constant 641 : index
      %swap3A_684 = tpu.vector_load %arg9[%swap3A_682, %swap3A_683] {strides = array<i32>} : memref<16x1025xf32, #tpu.memory_space<vmem>>, vector<16xf32>,
      tpu.vector_store %arg9[%swap3A_682, %swap3A_683], %gather3A_681 {strides = array<i32>} : memref<16x1025xf32, #tpu.memory_space<vmem>>, vector<16xf32>,
      %swap3A_685 = arith.index_cast %scan3A_180 : i32 to index
      %swap3A_686 = arith.constant 657 : index
      %swap3A_687 = tpu.vector_load %arg9[%swap3A_685, %swap3A_686] {strides = array<i32>} : memref<16x1025xf32, #tpu.memory_space<vmem>>, vector<16xf32>,
      tpu.vector_store %arg9[%swap3A_685, %swap3A_686], %gather3A_681 {strides = array<i32>} : memref<16x1025xf32, #tpu.memory_space<vmem>>, vector<16xf32>,
      %swap3A_688 = arith.index_cast %scan3A_180 : i32 to index
      %swap3A_689 = arith.constant 641 : index
      %swap3A_690 = tpu.vector_load %arg11[%swap3A_688, %swap3A_689] {strides = array<i32>} : memref<16x1025xf32, #tpu.memory_space<vmem>>, vector<16xf32>,
      tpu.vector_store %arg11[%swap3A_688, %swap3A_689], %gather3A {strides = array<i32>} : memref<16x1025xf32, #tpu.memory_space<vmem>>, vector<16xf32>,
      %swap3A_691 = arith.index_cast %scan3A_180 : i32 to index
      %swap3A_692 = arith.constant 657 : index
      %swap3A_693 = tpu.vector_load %arg11[%swap3A_691, %swap3A_692] {strides = array<i32>} : memref<16x1025xf32, #tpu.memory_space<vmem>>, vector<16xf32>,
      tpu.vector_store %arg11[%swap3A_691, %swap3A_692], %gather3A_184 {strides = array<i32>} : memref<16x1025xf32, #tpu.memory_space<vmem>>, vector<16xf32>,
      %sub3A_694 = arith.constant 21 : i32
      %sub3A_695 = arith.subi %sub3A_694, %add3A : i32
      %jit3A_696 = arith.constant -14 : i32
      %jit3A_697 = arith.constant 14 : i32
      %max3A_698 = arith.maxsi %jit3A_696, %sub3A_695 : i32
      %min3A_699 = arith.minsi %jit3A_697, %max3A_698 : i32
      %add3A_700 = arith.constant 14 : i32
      %add3A_701 = arith.addi %min3A_699, %add3A_700 : i32
      %add3A_702 = arith.constant 1 : i32
      %add3A_703 = arith.addi %add3A_701, %add3A_702 : i32
      %broadcast_in_dim3A_704 = vector.broadcast %add3A_703 : i32 to vector<16xi32>
      %gather3A_705 = tpu.vector_load_idx %arg6[%broadcast_in_dim3A_704, %broadcast_in_dim3A_183] : memref<32x64xf32, #tpu.memory_space<vmem>>[vector<16xi32>, vector<16xi32>], vector<16xf32>,
      %swap3A_706 = arith.index_cast %scan3A_180 : i32 to index
      %swap3A_707 = arith.constant 673 : index
      %swap3A_708 = tpu.vector_load %arg9[%swap3A_706, %swap3A_707] {strides = array<i32>} : memref<16x1025xf32, #tpu.memory_space<vmem>>, vector<16xf32>,
      tpu.vector_store %arg9[%swap3A_706, %swap3A_707], %gather3A_705 {strides = array<i32>} : memref<16x1025xf32, #tpu.memory_space<vmem>>, vector<16xf32>,
      %swap3A_709 = arith.index_cast %scan3A_180 : i32 to index
      %swap3A_710 = arith.constant 689 : index
      %swap3A_711 = tpu.vector_load %arg9[%swap3A_709, %swap3A_710] {strides = array<i32>} : memref<16x1025xf32, #tpu.memory_space<vmem>>, vector<16xf32>,
      tpu.vector_store %arg9[%swap3A_709, %swap3A_710], %gather3A_705 {strides = array<i32>} : memref<16x1025xf32, #tpu.memory_space<vmem>>, vector<16xf32>,
      %swap3A_712 = arith.index_cast %scan3A_180 : i32 to index
      %swap3A_713 = arith.constant 673 : index
      %swap3A_714 = tpu.vector_load %arg11[%swap3A_712, %swap3A_713] {strides = array<i32>} : memref<16x1025xf32, #tpu.memory_space<vmem>>, vector<16xf32>,
      tpu.vector_store %arg11[%swap3A_712, %swap3A_713], %gather3A {strides = array<i32>} : memref<16x1025xf32, #tpu.memory_space<vmem>>, vector<16xf32>,
      %swap3A_715 = arith.index_cast %scan3A_180 : i32 to index
      %swap3A_716 = arith.constant 689 : index
      %swap3A_717 = tpu.vector_load %arg11[%swap3A_715, %swap3A_716] {strides = array<i32>} : memref<16x1025xf32, #tpu.memory_space<vmem>>, vector<16xf32>,
      tpu.vector_store %arg11[%swap3A_715, %swap3A_716], %gather3A_184 {strides = array<i32>} : memref<16x1025xf32, #tpu.memory_space<vmem>>, vector<16xf32>,
      %sub3A_718 = arith.constant 22 : i32
      %sub3A_719 = arith.subi %sub3A_718, %add3A : i32
      %jit3A_720 = arith.constant -14 : i32
      %jit3A_721 = arith.constant 14 : i32
      %max3A_722 = arith.maxsi %jit3A_720, %sub3A_719 : i32
      %min3A_723 = arith.minsi %jit3A_721, %max3A_722 : i32
      %add3A_724 = arith.constant 14 : i32
      %add3A_725 = arith.addi %min3A_723, %add3A_724 : i32
      %add3A_726 = arith.constant 1 : i32
      %add3A_727 = arith.addi %add3A_725, %add3A_726 : i32
      %broadcast_in_dim3A_728 = vector.broadcast %add3A_727 : i32 to vector<16xi32>
      %gather3A_729 = tpu.vector_load_idx %arg6[%broadcast_in_dim3A_728, %broadcast_in_dim3A_183] : memref<32x64xf32, #tpu.memory_space<vmem>>[vector<16xi32>, vector<16xi32>], vector<16xf32>,
      %swap3A_730 = arith.index_cast %scan3A_180 : i32 to index
      %swap3A_731 = arith.constant 705 : index
      %swap3A_732 = tpu.vector_load %arg9[%swap3A_730, %swap3A_731] {strides = array<i32>} : memref<16x1025xf32, #tpu.memory_space<vmem>>, vector<16xf32>,
      tpu.vector_store %arg9[%swap3A_730, %swap3A_731], %gather3A_729 {strides = array<i32>} : memref<16x1025xf32, #tpu.memory_space<vmem>>, vector<16xf32>,
      %swap3A_733 = arith.index_cast %scan3A_180 : i32 to index
      %swap3A_734 = arith.constant 721 : index
      %swap3A_735 = tpu.vector_load %arg9[%swap3A_733, %swap3A_734] {strides = array<i32>} : memref<16x1025xf32, #tpu.memory_space<vmem>>, vector<16xf32>,
      tpu.vector_store %arg9[%swap3A_733, %swap3A_734], %gather3A_729 {strides = array<i32>} : memref<16x1025xf32, #tpu.memory_space<vmem>>, vector<16xf32>,
      %swap3A_736 = arith.index_cast %scan3A_180 : i32 to index
      %swap3A_737 = arith.constant 705 : index
      %swap3A_738 = tpu.vector_load %arg11[%swap3A_736, %swap3A_737] {strides = array<i32>} : memref<16x1025xf32, #tpu.memory_space<vmem>>, vector<16xf32>,
      tpu.vector_store %arg11[%swap3A_736, %swap3A_737], %gather3A {strides = array<i32>} : memref<16x1025xf32, #tpu.memory_space<vmem>>, vector<16xf32>,
      %swap3A_739 = arith.index_cast %scan3A_180 : i32 to index
      %swap3A_740 = arith.constant 721 : index
      %swap3A_741 = tpu.vector_load %arg11[%swap3A_739, %swap3A_740] {strides = array<i32>} : memref<16x1025xf32, #tpu.memory_space<vmem>>, vector<16xf32>,
      tpu.vector_store %arg11[%swap3A_739, %swap3A_740], %gather3A_184 {strides = array<i32>} : memref<16x1025xf32, #tpu.memory_space<vmem>>, vector<16xf32>,
      %sub3A_742 = arith.constant 23 : i32
      %sub3A_743 = arith.subi %sub3A_742, %add3A : i32
      %jit3A_744 = arith.constant -14 : i32
      %jit3A_745 = arith.constant 14 : i32
      %max3A_746 = arith.maxsi %jit3A_744, %sub3A_743 : i32
      %min3A_747 = arith.minsi %jit3A_745, %max3A_746 : i32
      %add3A_748 = arith.constant 14 : i32
      %add3A_749 = arith.addi %min3A_747, %add3A_748 : i32
      %add3A_750 = arith.constant 1 : i32
      %add3A_751 = arith.addi %add3A_749, %add3A_750 : i32
      %broadcast_in_dim3A_752 = vector.broadcast %add3A_751 : i32 to vector<16xi32>
      %gather3A_753 = tpu.vector_load_idx %arg6[%broadcast_in_dim3A_752, %broadcast_in_dim3A_183] : memref<32x64xf32, #tpu.memory_space<vmem>>[vector<16xi32>, vector<16xi32>], vector<16xf32>,
      %swap3A_754 = arith.index_cast %scan3A_180 : i32 to index
      %swap3A_755 = arith.constant 737 : index
      %swap3A_756 = tpu.vector_load %arg9[%swap3A_754, %swap3A_755] {strides = array<i32>} : memref<16x1025xf32, #tpu.memory_space<vmem>>, vector<16xf32>,
      tpu.vector_store %arg9[%swap3A_754, %swap3A_755], %gather3A_753 {strides = array<i32>} : memref<16x1025xf32, #tpu.memory_space<vmem>>, vector<16xf32>,
      %swap3A_757 = arith.index_cast %scan3A_180 : i32 to index
      %swap3A_758 = arith.constant 753 : index
      %swap3A_759 = tpu.vector_load %arg9[%swap3A_757, %swap3A_758] {strides = array<i32>} : memref<16x1025xf32, #tpu.memory_space<vmem>>, vector<16xf32>,
      tpu.vector_store %arg9[%swap3A_757, %swap3A_758], %gather3A_753 {strides = array<i32>} : memref<16x1025xf32, #tpu.memory_space<vmem>>, vector<16xf32>,
      %swap3A_760 = arith.index_cast %scan3A_180 : i32 to index
      %swap3A_761 = arith.constant 737 : index
      %swap3A_762 = tpu.vector_load %arg11[%swap3A_760, %swap3A_761] {strides = array<i32>} : memref<16x1025xf32, #tpu.memory_space<vmem>>, vector<16xf32>,
      tpu.vector_store %arg11[%swap3A_760, %swap3A_761], %gather3A {strides = array<i32>} : memref<16x1025xf32, #tpu.memory_space<vmem>>, vector<16xf32>,
      %swap3A_763 = arith.index_cast %scan3A_180 : i32 to index
      %swap3A_764 = arith.constant 753 : index
      %swap3A_765 = tpu.vector_load %arg11[%swap3A_763, %swap3A_764] {strides = array<i32>} : memref<16x1025xf32, #tpu.memory_space<vmem>>, vector<16xf32>,
      tpu.vector_store %arg11[%swap3A_763, %swap3A_764], %gather3A_184 {strides = array<i32>} : memref<16x1025xf32, #tpu.memory_space<vmem>>, vector<16xf32>,
      %sub3A_766 = arith.constant 24 : i32
      %sub3A_767 = arith.subi %sub3A_766, %add3A : i32
      %jit3A_768 = arith.constant -14 : i32
      %jit3A_769 = arith.constant 14 : i32
      %max3A_770 = arith.maxsi %jit3A_768, %sub3A_767 : i32
      %min3A_771 = arith.minsi %jit3A_769, %max3A_770 : i32
      %add3A_772 = arith.constant 14 : i32
      %add3A_773 = arith.addi %min3A_771, %add3A_772 : i32
      %add3A_774 = arith.constant 1 : i32
      %add3A_775 = arith.addi %add3A_773, %add3A_774 : i32
      %broadcast_in_dim3A_776 = vector.broadcast %add3A_775 : i32 to vector<16xi32>
      %gather3A_777 = tpu.vector_load_idx %arg6[%broadcast_in_dim3A_776, %broadcast_in_dim3A_183] : memref<32x64xf32, #tpu.memory_space<vmem>>[vector<16xi32>, vector<16xi32>], vector<16xf32>,
      %swap3A_778 = arith.index_cast %scan3A_180 : i32 to index
      %swap3A_779 = arith.constant 769 : index
      %swap3A_780 = tpu.vector_load %arg9[%swap3A_778, %swap3A_779] {strides = array<i32>} : memref<16x1025xf32, #tpu.memory_space<vmem>>, vector<16xf32>,
      tpu.vector_store %arg9[%swap3A_778, %swap3A_779], %gather3A_777 {strides = array<i32>} : memref<16x1025xf32, #tpu.memory_space<vmem>>, vector<16xf32>,
      %swap3A_781 = arith.index_cast %scan3A_180 : i32 to index
      %swap3A_782 = arith.constant 785 : index
      %swap3A_783 = tpu.vector_load %arg9[%swap3A_781, %swap3A_782] {strides = array<i32>} : memref<16x1025xf32, #tpu.memory_space<vmem>>, vector<16xf32>,
      tpu.vector_store %arg9[%swap3A_781, %swap3A_782], %gather3A_777 {strides = array<i32>} : memref<16x1025xf32, #tpu.memory_space<vmem>>, vector<16xf32>,
      %swap3A_784 = arith.index_cast %scan3A_180 : i32 to index
      %swap3A_785 = arith.constant 769 : index
      %swap3A_786 = tpu.vector_load %arg11[%swap3A_784, %swap3A_785] {strides = array<i32>} : memref<16x1025xf32, #tpu.memory_space<vmem>>, vector<16xf32>,
      tpu.vector_store %arg11[%swap3A_784, %swap3A_785], %gather3A {strides = array<i32>} : memref<16x1025xf32, #tpu.memory_space<vmem>>, vector<16xf32>,
      %swap3A_787 = arith.index_cast %scan3A_180 : i32 to index
      %swap3A_788 = arith.constant 785 : index
      %swap3A_789 = tpu.vector_load %arg11[%swap3A_787, %swap3A_788] {strides = array<i32>} : memref<16x1025xf32, #tpu.memory_space<vmem>>, vector<16xf32>,
      tpu.vector_store %arg11[%swap3A_787, %swap3A_788], %gather3A_184 {strides = array<i32>} : memref<16x1025xf32, #tpu.memory_space<vmem>>, vector<16xf32>,
      %sub3A_790 = arith.constant 25 : i32
      %sub3A_791 = arith.subi %sub3A_790, %add3A : i32
      %jit3A_792 = arith.constant -14 : i32
      %jit3A_793 = arith.constant 14 : i32
      %max3A_794 = arith.maxsi %jit3A_792, %sub3A_791 : i32
      %min3A_795 = arith.minsi %jit3A_793, %max3A_794 : i32
      %add3A_796 = arith.constant 14 : i32
      %add3A_797 = arith.addi %min3A_795, %add3A_796 : i32
      %add3A_798 = arith.constant 1 : i32
      %add3A_799 = arith.addi %add3A_797, %add3A_798 : i32
      %broadcast_in_dim3A_800 = vector.broadcast %add3A_799 : i32 to vector<16xi32>
      %gather3A_801 = tpu.vector_load_idx %arg6[%broadcast_in_dim3A_800, %broadcast_in_dim3A_183] : memref<32x64xf32, #tpu.memory_space<vmem>>[vector<16xi32>, vector<16xi32>], vector<16xf32>,
      %swap3A_802 = arith.index_cast %scan3A_180 : i32 to index
      %swap3A_803 = arith.constant 801 : index
      %swap3A_804 = tpu.vector_load %arg9[%swap3A_802, %swap3A_803] {strides = array<i32>} : memref<16x1025xf32, #tpu.memory_space<vmem>>, vector<16xf32>,
      tpu.vector_store %arg9[%swap3A_802, %swap3A_803], %gather3A_801 {strides = array<i32>} : memref<16x1025xf32, #tpu.memory_space<vmem>>, vector<16xf32>,
      %swap3A_805 = arith.index_cast %scan3A_180 : i32 to index
      %swap3A_806 = arith.constant 817 : index
      %swap3A_807 = tpu.vector_load %arg9[%swap3A_805, %swap3A_806] {strides = array<i32>} : memref<16x1025xf32, #tpu.memory_space<vmem>>, vector<16xf32>,
      tpu.vector_store %arg9[%swap3A_805, %swap3A_806], %gather3A_801 {strides = array<i32>} : memref<16x1025xf32, #tpu.memory_space<vmem>>, vector<16xf32>,
      %swap3A_808 = arith.index_cast %scan3A_180 : i32 to index
      %swap3A_809 = arith.constant 801 : index
      %swap3A_810 = tpu.vector_load %arg11[%swap3A_808, %swap3A_809] {strides = array<i32>} : memref<16x1025xf32, #tpu.memory_space<vmem>>, vector<16xf32>,
      tpu.vector_store %arg11[%swap3A_808, %swap3A_809], %gather3A {strides = array<i32>} : memref<16x1025xf32, #tpu.memory_space<vmem>>, vector<16xf32>,
      %swap3A_811 = arith.index_cast %scan3A_180 : i32 to index
      %swap3A_812 = arith.constant 817 : index
      %swap3A_813 = tpu.vector_load %arg11[%swap3A_811, %swap3A_812] {strides = array<i32>} : memref<16x1025xf32, #tpu.memory_space<vmem>>, vector<16xf32>,
      tpu.vector_store %arg11[%swap3A_811, %swap3A_812], %gather3A_184 {strides = array<i32>} : memref<16x1025xf32, #tpu.memory_space<vmem>>, vector<16xf32>,
      %sub3A_814 = arith.constant 26 : i32
      %sub3A_815 = arith.subi %sub3A_814, %add3A : i32
      %jit3A_816 = arith.constant -14 : i32
      %jit3A_817 = arith.constant 14 : i32
      %max3A_818 = arith.maxsi %jit3A_816, %sub3A_815 : i32
      %min3A_819 = arith.minsi %jit3A_817, %max3A_818 : i32
      %add3A_820 = arith.constant 14 : i32
      %add3A_821 = arith.addi %min3A_819, %add3A_820 : i32
      %add3A_822 = arith.constant 1 : i32
      %add3A_823 = arith.addi %add3A_821, %add3A_822 : i32
      %broadcast_in_dim3A_824 = vector.broadcast %add3A_823 : i32 to vector<16xi32>
      %gather3A_825 = tpu.vector_load_idx %arg6[%broadcast_in_dim3A_824, %broadcast_in_dim3A_183] : memref<32x64xf32, #tpu.memory_space<vmem>>[vector<16xi32>, vector<16xi32>], vector<16xf32>,
      %swap3A_826 = arith.index_cast %scan3A_180 : i32 to index
      %swap3A_827 = arith.constant 833 : index
      %swap3A_828 = tpu.vector_load %arg9[%swap3A_826, %swap3A_827] {strides = array<i32>} : memref<16x1025xf32, #tpu.memory_space<vmem>>, vector<16xf32>,
      tpu.vector_store %arg9[%swap3A_826, %swap3A_827], %gather3A_825 {strides = array<i32>} : memref<16x1025xf32, #tpu.memory_space<vmem>>, vector<16xf32>,
      %swap3A_829 = arith.index_cast %scan3A_180 : i32 to index
      %swap3A_830 = arith.constant 849 : index
      %swap3A_831 = tpu.vector_load %arg9[%swap3A_829, %swap3A_830] {strides = array<i32>} : memref<16x1025xf32, #tpu.memory_space<vmem>>, vector<16xf32>,
      tpu.vector_store %arg9[%swap3A_829, %swap3A_830], %gather3A_825 {strides = array<i32>} : memref<16x1025xf32, #tpu.memory_space<vmem>>, vector<16xf32>,
      %swap3A_832 = arith.index_cast %scan3A_180 : i32 to index
      %swap3A_833 = arith.constant 833 : index
      %swap3A_834 = tpu.vector_load %arg11[%swap3A_832, %swap3A_833] {strides = array<i32>} : memref<16x1025xf32, #tpu.memory_space<vmem>>, vector<16xf32>,
      tpu.vector_store %arg11[%swap3A_832, %swap3A_833], %gather3A {strides = array<i32>} : memref<16x1025xf32, #tpu.memory_space<vmem>>, vector<16xf32>,
      %swap3A_835 = arith.index_cast %scan3A_180 : i32 to index
      %swap3A_836 = arith.constant 849 : index
      %swap3A_837 = tpu.vector_load %arg11[%swap3A_835, %swap3A_836] {strides = array<i32>} : memref<16x1025xf32, #tpu.memory_space<vmem>>, vector<16xf32>,
      tpu.vector_store %arg11[%swap3A_835, %swap3A_836], %gather3A_184 {strides = array<i32>} : memref<16x1025xf32, #tpu.memory_space<vmem>>, vector<16xf32>,
      %sub3A_838 = arith.constant 27 : i32
      %sub3A_839 = arith.subi %sub3A_838, %add3A : i32
      %jit3A_840 = arith.constant -14 : i32
      %jit3A_841 = arith.constant 14 : i32
      %max3A_842 = arith.maxsi %jit3A_840, %sub3A_839 : i32
      %min3A_843 = arith.minsi %jit3A_841, %max3A_842 : i32
      %add3A_844 = arith.constant 14 : i32
      %add3A_845 = arith.addi %min3A_843, %add3A_844 : i32
      %add3A_846 = arith.constant 1 : i32
      %add3A_847 = arith.addi %add3A_845, %add3A_846 : i32
      %broadcast_in_dim3A_848 = vector.broadcast %add3A_847 : i32 to vector<16xi32>
      %gather3A_849 = tpu.vector_load_idx %arg6[%broadcast_in_dim3A_848, %broadcast_in_dim3A_183] : memref<32x64xf32, #tpu.memory_space<vmem>>[vector<16xi32>, vector<16xi32>], vector<16xf32>,
      %swap3A_850 = arith.index_cast %scan3A_180 : i32 to index
      %swap3A_851 = arith.constant 865 : index
      %swap3A_852 = tpu.vector_load %arg9[%swap3A_850, %swap3A_851] {strides = array<i32>} : memref<16x1025xf32, #tpu.memory_space<vmem>>, vector<16xf32>,
      tpu.vector_store %arg9[%swap3A_850, %swap3A_851], %gather3A_849 {strides = array<i32>} : memref<16x1025xf32, #tpu.memory_space<vmem>>, vector<16xf32>,
      %swap3A_853 = arith.index_cast %scan3A_180 : i32 to index
      %swap3A_854 = arith.constant 881 : index
      %swap3A_855 = tpu.vector_load %arg9[%swap3A_853, %swap3A_854] {strides = array<i32>} : memref<16x1025xf32, #tpu.memory_space<vmem>>, vector<16xf32>,
      tpu.vector_store %arg9[%swap3A_853, %swap3A_854], %gather3A_849 {strides = array<i32>} : memref<16x1025xf32, #tpu.memory_space<vmem>>, vector<16xf32>,
      %swap3A_856 = arith.index_cast %scan3A_180 : i32 to index
      %swap3A_857 = arith.constant 865 : index
      %swap3A_858 = tpu.vector_load %arg11[%swap3A_856, %swap3A_857] {strides = array<i32>} : memref<16x1025xf32, #tpu.memory_space<vmem>>, vector<16xf32>,
      tpu.vector_store %arg11[%swap3A_856, %swap3A_857], %gather3A {strides = array<i32>} : memref<16x1025xf32, #tpu.memory_space<vmem>>, vector<16xf32>,
      %swap3A_859 = arith.index_cast %scan3A_180 : i32 to index
      %swap3A_860 = arith.constant 881 : index
      %swap3A_861 = tpu.vector_load %arg11[%swap3A_859, %swap3A_860] {strides = array<i32>} : memref<16x1025xf32, #tpu.memory_space<vmem>>, vector<16xf32>,
      tpu.vector_store %arg11[%swap3A_859, %swap3A_860], %gather3A_184 {strides = array<i32>} : memref<16x1025xf32, #tpu.memory_space<vmem>>, vector<16xf32>,
      %sub3A_862 = arith.constant 28 : i32
      %sub3A_863 = arith.subi %sub3A_862, %add3A : i32
      %jit3A_864 = arith.constant -14 : i32
      %jit3A_865 = arith.constant 14 : i32
      %max3A_866 = arith.maxsi %jit3A_864, %sub3A_863 : i32
      %min3A_867 = arith.minsi %jit3A_865, %max3A_866 : i32
      %add3A_868 = arith.constant 14 : i32
      %add3A_869 = arith.addi %min3A_867, %add3A_868 : i32
      %add3A_870 = arith.constant 1 : i32
      %add3A_871 = arith.addi %add3A_869, %add3A_870 : i32
      %broadcast_in_dim3A_872 = vector.broadcast %add3A_871 : i32 to vector<16xi32>
      %gather3A_873 = tpu.vector_load_idx %arg6[%broadcast_in_dim3A_872, %broadcast_in_dim3A_183] : memref<32x64xf32, #tpu.memory_space<vmem>>[vector<16xi32>, vector<16xi32>], vector<16xf32>,
      %swap3A_874 = arith.index_cast %scan3A_180 : i32 to index
      %swap3A_875 = arith.constant 897 : index
      %swap3A_876 = tpu.vector_load %arg9[%swap3A_874, %swap3A_875] {strides = array<i32>} : memref<16x1025xf32, #tpu.memory_space<vmem>>, vector<16xf32>,
      tpu.vector_store %arg9[%swap3A_874, %swap3A_875], %gather3A_873 {strides = array<i32>} : memref<16x1025xf32, #tpu.memory_space<vmem>>, vector<16xf32>,
      %swap3A_877 = arith.index_cast %scan3A_180 : i32 to index
      %swap3A_878 = arith.constant 913 : index
      %swap3A_879 = tpu.vector_load %arg9[%swap3A_877, %swap3A_878] {strides = array<i32>} : memref<16x1025xf32, #tpu.memory_space<vmem>>, vector<16xf32>,
      tpu.vector_store %arg9[%swap3A_877, %swap3A_878], %gather3A_873 {strides = array<i32>} : memref<16x1025xf32, #tpu.memory_space<vmem>>, vector<16xf32>,
      %swap3A_880 = arith.index_cast %scan3A_180 : i32 to index
      %swap3A_881 = arith.constant 897 : index
      %swap3A_882 = tpu.vector_load %arg11[%swap3A_880, %swap3A_881] {strides = array<i32>} : memref<16x1025xf32, #tpu.memory_space<vmem>>, vector<16xf32>,
      tpu.vector_store %arg11[%swap3A_880, %swap3A_881], %gather3A {strides = array<i32>} : memref<16x1025xf32, #tpu.memory_space<vmem>>, vector<16xf32>,
      %swap3A_883 = arith.index_cast %scan3A_180 : i32 to index
      %swap3A_884 = arith.constant 913 : index
      %swap3A_885 = tpu.vector_load %arg11[%swap3A_883, %swap3A_884] {strides = array<i32>} : memref<16x1025xf32, #tpu.memory_space<vmem>>, vector<16xf32>,
      tpu.vector_store %arg11[%swap3A_883, %swap3A_884], %gather3A_184 {strides = array<i32>} : memref<16x1025xf32, #tpu.memory_space<vmem>>, vector<16xf32>,
      %sub3A_886 = arith.constant 29 : i32
      %sub3A_887 = arith.subi %sub3A_886, %add3A : i32
      %jit3A_888 = arith.constant -14 : i32
      %jit3A_889 = arith.constant 14 : i32
      %max3A_890 = arith.maxsi %jit3A_888, %sub3A_887 : i32
      %min3A_891 = arith.minsi %jit3A_889, %max3A_890 : i32
      %add3A_892 = arith.constant 14 : i32
      %add3A_893 = arith.addi %min3A_891, %add3A_892 : i32
      %add3A_894 = arith.constant 1 : i32
      %add3A_895 = arith.addi %add3A_893, %add3A_894 : i32
      %broadcast_in_dim3A_896 = vector.broadcast %add3A_895 : i32 to vector<16xi32>
      %gather3A_897 = tpu.vector_load_idx %arg6[%broadcast_in_dim3A_896, %broadcast_in_dim3A_183] : memref<32x64xf32, #tpu.memory_space<vmem>>[vector<16xi32>, vector<16xi32>], vector<16xf32>,
      %swap3A_898 = arith.index_cast %scan3A_180 : i32 to index
      %swap3A_899 = arith.constant 929 : index
      %swap3A_900 = tpu.vector_load %arg9[%swap3A_898, %swap3A_899] {strides = array<i32>} : memref<16x1025xf32, #tpu.memory_space<vmem>>, vector<16xf32>,
      tpu.vector_store %arg9[%swap3A_898, %swap3A_899], %gather3A_897 {strides = array<i32>} : memref<16x1025xf32, #tpu.memory_space<vmem>>, vector<16xf32>,
      %swap3A_901 = arith.index_cast %scan3A_180 : i32 to index
      %swap3A_902 = arith.constant 945 : index
      %swap3A_903 = tpu.vector_load %arg9[%swap3A_901, %swap3A_902] {strides = array<i32>} : memref<16x1025xf32, #tpu.memory_space<vmem>>, vector<16xf32>,
      tpu.vector_store %arg9[%swap3A_901, %swap3A_902], %gather3A_897 {strides = array<i32>} : memref<16x1025xf32, #tpu.memory_space<vmem>>, vector<16xf32>,
      %swap3A_904 = arith.index_cast %scan3A_180 : i32 to index
      %swap3A_905 = arith.constant 929 : index
      %swap3A_906 = tpu.vector_load %arg11[%swap3A_904, %swap3A_905] {strides = array<i32>} : memref<16x1025xf32, #tpu.memory_space<vmem>>, vector<16xf32>,
      tpu.vector_store %arg11[%swap3A_904, %swap3A_905], %gather3A {strides = array<i32>} : memref<16x1025xf32, #tpu.memory_space<vmem>>, vector<16xf32>,
      %swap3A_907 = arith.index_cast %scan3A_180 : i32 to index
      %swap3A_908 = arith.constant 945 : index
      %swap3A_909 = tpu.vector_load %arg11[%swap3A_907, %swap3A_908] {strides = array<i32>} : memref<16x1025xf32, #tpu.memory_space<vmem>>, vector<16xf32>,
      tpu.vector_store %arg11[%swap3A_907, %swap3A_908], %gather3A_184 {strides = array<i32>} : memref<16x1025xf32, #tpu.memory_space<vmem>>, vector<16xf32>,
      %sub3A_910 = arith.constant 30 : i32
      %sub3A_911 = arith.subi %sub3A_910, %add3A : i32
      %jit3A_912 = arith.constant -14 : i32
      %jit3A_913 = arith.constant 14 : i32
      %max3A_914 = arith.maxsi %jit3A_912, %sub3A_911 : i32
      %min3A_915 = arith.minsi %jit3A_913, %max3A_914 : i32
      %add3A_916 = arith.constant 14 : i32
      %add3A_917 = arith.addi %min3A_915, %add3A_916 : i32
      %add3A_918 = arith.constant 1 : i32
      %add3A_919 = arith.addi %add3A_917, %add3A_918 : i32
      %broadcast_in_dim3A_920 = vector.broadcast %add3A_919 : i32 to vector<16xi32>
      %gather3A_921 = tpu.vector_load_idx %arg6[%broadcast_in_dim3A_920, %broadcast_in_dim3A_183] : memref<32x64xf32, #tpu.memory_space<vmem>>[vector<16xi32>, vector<16xi32>], vector<16xf32>,
      %swap3A_922 = arith.index_cast %scan3A_180 : i32 to index
      %swap3A_923 = arith.constant 961 : index
      %swap3A_924 = tpu.vector_load %arg9[%swap3A_922, %swap3A_923] {strides = array<i32>} : memref<16x1025xf32, #tpu.memory_space<vmem>>, vector<16xf32>,
      tpu.vector_store %arg9[%swap3A_922, %swap3A_923], %gather3A_921 {strides = array<i32>} : memref<16x1025xf32, #tpu.memory_space<vmem>>, vector<16xf32>,
      %swap3A_925 = arith.index_cast %scan3A_180 : i32 to index
      %swap3A_926 = arith.constant 977 : index
      %swap3A_927 = tpu.vector_load %arg9[%swap3A_925, %swap3A_926] {strides = array<i32>} : memref<16x1025xf32, #tpu.memory_space<vmem>>, vector<16xf32>,
      tpu.vector_store %arg9[%swap3A_925, %swap3A_926], %gather3A_921 {strides = array<i32>} : memref<16x1025xf32, #tpu.memory_space<vmem>>, vector<16xf32>,
      %swap3A_928 = arith.index_cast %scan3A_180 : i32 to index
      %swap3A_929 = arith.constant 961 : index
      %swap3A_930 = tpu.vector_load %arg11[%swap3A_928, %swap3A_929] {strides = array<i32>} : memref<16x1025xf32, #tpu.memory_space<vmem>>, vector<16xf32>,
      tpu.vector_store %arg11[%swap3A_928, %swap3A_929], %gather3A {strides = array<i32>} : memref<16x1025xf32, #tpu.memory_space<vmem>>, vector<16xf32>,
      %swap3A_931 = arith.index_cast %scan3A_180 : i32 to index
      %swap3A_932 = arith.constant 977 : index
      %swap3A_933 = tpu.vector_load %arg11[%swap3A_931, %swap3A_932] {strides = array<i32>} : memref<16x1025xf32, #tpu.memory_space<vmem>>, vector<16xf32>,
      tpu.vector_store %arg11[%swap3A_931, %swap3A_932], %gather3A_184 {strides = array<i32>} : memref<16x1025xf32, #tpu.memory_space<vmem>>, vector<16xf32>,
      %sub3A_934 = arith.constant 31 : i32
      %sub3A_935 = arith.subi %sub3A_934, %add3A : i32
      %jit3A_936 = arith.constant -14 : i32
      %jit3A_937 = arith.constant 14 : i32
      %max3A_938 = arith.maxsi %jit3A_936, %sub3A_935 : i32
      %min3A_939 = arith.minsi %jit3A_937, %max3A_938 : i32
      %add3A_940 = arith.constant 14 : i32
      %add3A_941 = arith.addi %min3A_939, %add3A_940 : i32
      %add3A_942 = arith.constant 1 : i32
      %add3A_943 = arith.addi %add3A_941, %add3A_942 : i32
      %broadcast_in_dim3A_944 = vector.broadcast %add3A_943 : i32 to vector<16xi32>
      %gather3A_945 = tpu.vector_load_idx %arg6[%broadcast_in_dim3A_944, %broadcast_in_dim3A_183] : memref<32x64xf32, #tpu.memory_space<vmem>>[vector<16xi32>, vector<16xi32>], vector<16xf32>,
      %swap3A_946 = arith.index_cast %scan3A_180 : i32 to index
      %swap3A_947 = arith.constant 993 : index
      %swap3A_948 = tpu.vector_load %arg9[%swap3A_946, %swap3A_947] {strides = array<i32>} : memref<16x1025xf32, #tpu.memory_space<vmem>>, vector<16xf32>,
      tpu.vector_store %arg9[%swap3A_946, %swap3A_947], %gather3A_945 {strides = array<i32>} : memref<16x1025xf32, #tpu.memory_space<vmem>>, vector<16xf32>,
      %swap3A_949 = arith.index_cast %scan3A_180 : i32 to index
      %swap3A_950 = arith.constant 1009 : index
      %swap3A_951 = tpu.vector_load %arg9[%swap3A_949, %swap3A_950] {strides = array<i32>} : memref<16x1025xf32, #tpu.memory_space<vmem>>, vector<16xf32>,
      tpu.vector_store %arg9[%swap3A_949, %swap3A_950], %gather3A_945 {strides = array<i32>} : memref<16x1025xf32, #tpu.memory_space<vmem>>, vector<16xf32>,
      %swap3A_952 = arith.index_cast %scan3A_180 : i32 to index
      %swap3A_953 = arith.constant 993 : index
      %swap3A_954 = tpu.vector_load %arg11[%swap3A_952, %swap3A_953] {strides = array<i32>} : memref<16x1025xf32, #tpu.memory_space<vmem>>, vector<16xf32>,
      tpu.vector_store %arg11[%swap3A_952, %swap3A_953], %gather3A {strides = array<i32>} : memref<16x1025xf32, #tpu.memory_space<vmem>>, vector<16xf32>,
      %swap3A_955 = arith.index_cast %scan3A_180 : i32 to index
      %swap3A_956 = arith.constant 1009 : index
      %swap3A_957 = tpu.vector_load %arg11[%swap3A_955, %swap3A_956] {strides = array<i32>} : memref<16x1025xf32, #tpu.memory_space<vmem>>, vector<16xf32>,
      tpu.vector_store %arg11[%swap3A_955, %swap3A_956], %gather3A_184 {strides = array<i32>} : memref<16x1025xf32, #tpu.memory_space<vmem>>, vector<16xf32>,
    }
    %scan3A_56 = arith.constant 16 : i32
    %dma_start3A_57 = arith.constant 16 : i32
    %dma_start3A_58 = arith.constant 0 : i32
    %dma_start3A_59 = tpu.memref_slice %arg4[%add3A, %dma_start3A_57, %dma_start3A_58] : memref<32x64x1025xf32, #tpu.memory_space<hbm>> -> memref<1x16x1025xf32, #tpu.memory_space<hbm>>
    %dma_start3A_60 = tpu.memref_squeeze %dma_start3A_59 : memref<1x16x1025xf32, #tpu.memory_space<hbm>> -> memref<16x1025xf32, #tpu.memory_space<hbm>>
    %dma_start3A_61 = arith.constant 16 : i32
    %dma_start3A_62 = arith.constant 0 : i32
    %dma_start3A_63 = tpu.memref_slice %arg4[%add3A, %dma_start3A_61, %dma_start3A_62] : memref<32x64x1025xf32, #tpu.memory_space<hbm>> -> memref<1x16x1025xf32, #tpu.memory_space<hbm>>
    %dma_start3A_64 = tpu.memref_squeeze %dma_start3A_63 : memref<1x16x1025xf32, #tpu.memory_space<hbm>> -> memref<16x1025xf32, #tpu.memory_space<hbm>>
    tpu.enqueue_dma source(%arg9 : memref<16x1025xf32, #tpu.memory_space<vmem>>) target(%dma_start3A_64 : memref<16x1025xf32, #tpu.memory_space<hbm>>) target_semaphore(%arg12 : memref<!tpu.dma_semaphore, #tpu.memory_space<semaphore_mem>>)
    %dma_start3A_65 = arith.constant 16 : i32
    %dma_start3A_66 = arith.constant 0 : i32
    %dma_start3A_67 = tpu.memref_slice %arg5[%add3A, %dma_start3A_65, %dma_start3A_66] : memref<32x64x1025xf32, #tpu.memory_space<hbm>> -> memref<1x16x1025xf32, #tpu.memory_space<hbm>>
    %dma_start3A_68 = tpu.memref_squeeze %dma_start3A_67 : memref<1x16x1025xf32, #tpu.memory_space<hbm>> -> memref<16x1025xf32, #tpu.memory_space<hbm>>
    %dma_start3A_69 = arith.constant 16 : i32
    %dma_start3A_70 = arith.constant 0 : i32
    %dma_start3A_71 = tpu.memref_slice %arg5[%add3A, %dma_start3A_69, %dma_start3A_70] : memref<32x64x1025xf32, #tpu.memory_space<hbm>> -> memref<1x16x1025xf32, #tpu.memory_space<hbm>>
    %dma_start3A_72 = tpu.memref_squeeze %dma_start3A_71 : memref<1x16x1025xf32, #tpu.memory_space<hbm>> -> memref<16x1025xf32, #tpu.memory_space<hbm>>
    tpu.enqueue_dma source(%arg11 : memref<16x1025xf32, #tpu.memory_space<vmem>>) target(%dma_start3A_72 : memref<16x1025xf32, #tpu.memory_space<hbm>>) target_semaphore(%arg12 : memref<!tpu.dma_semaphore, #tpu.memory_space<semaphore_mem>>)
    %dma_wait3A = arith.constant 0 : i32
    %dma_wait3A_73 = arith.constant 0 : i32
    %dma_wait3A_74 = tpu.memref_slice %arg4[%add3A, %dma_wait3A, %dma_wait3A_73] : memref<32x64x1025xf32, #tpu.memory_space<hbm>> -> memref<1x16x1025xf32, #tpu.memory_space<hbm>>
    %dma_wait3A_75 = tpu.memref_squeeze %dma_wait3A_74 : memref<1x16x1025xf32, #tpu.memory_space<hbm>> -> memref<16x1025xf32, #tpu.memory_space<hbm>>
    %dma_wait3A_76 = arith.constant 0 : i32
    %dma_wait3A_77 = arith.constant 0 : i32
    %dma_wait3A_78 = tpu.memref_slice %arg4[%add3A, %dma_wait3A_76, %dma_wait3A_77] : memref<32x64x1025xf32, #tpu.memory_space<hbm>> -> memref<1x16x1025xf32, #tpu.memory_space<hbm>>
    %dma_wait3A_79 = tpu.memref_squeeze %dma_wait3A_78 : memref<1x16x1025xf32, #tpu.memory_space<hbm>> -> memref<16x1025xf32, #tpu.memory_space<hbm>>
    tpu.wait_dma2 semaphore(%arg12 : memref<!tpu.dma_semaphore, #tpu.memory_space<semaphore_mem>>) src(%arg8 : memref<16x1025xf32, #tpu.memory_space<vmem>>) dst(%dma_wait3A_79 : memref<16x1025xf32, #tpu.memory_space<hbm>>)
    %dma_wait3A_80 = arith.constant 0 : i32
    %dma_wait3A_81 = arith.constant 0 : i32
    %dma_wait3A_82 = tpu.memref_slice %arg5[%add3A, %dma_wait3A_80, %dma_wait3A_81] : memref<32x64x1025xf32, #tpu.memory_space<hbm>> -> memref<1x16x1025xf32, #tpu.memory_space<hbm>>
    %dma_wait3A_83 = tpu.memref_squeeze %dma_wait3A_82 : memref<1x16x1025xf32, #tpu.memory_space<hbm>> -> memref<16x1025xf32, #tpu.memory_space<hbm>>
    %dma_wait3A_84 = arith.constant 0 : i32
    %dma_wait3A_85 = arith.constant 0 : i32
    %dma_wait3A_86 = tpu.memref_slice %arg5[%add3A, %dma_wait3A_84, %dma_wait3A_85] : memref<32x64x1025xf32, #tpu.memory_space<hbm>> -> memref<1x16x1025xf32, #tpu.memory_space<hbm>>
    %dma_wait3A_87 = tpu.memref_squeeze %dma_wait3A_86 : memref<1x16x1025xf32, #tpu.memory_space<hbm>> -> memref<16x1025xf32, #tpu.memory_space<hbm>>
    tpu.wait_dma2 semaphore(%arg12 : memref<!tpu.dma_semaphore, #tpu.memory_space<semaphore_mem>>) src(%arg10 : memref<16x1025xf32, #tpu.memory_space<vmem>>) dst(%dma_wait3A_87 : memref<16x1025xf32, #tpu.memory_space<hbm>>)
    %scan3A_88 = arith.constant 0 : i32
    %scan3A_89 = arith.constant 0 : i32
    %scan3A_90 = arith.constant 16 : i32
    %scan3A_91 = arith.addi %scan3A_89, %scan3A_90 : i32
    %scan3A_92 = arith.constant 1 : i32
    scf.for %scan3A_180 = %scan3A_89 to %scan3A_91 step %scan3A_92  : i32 {
      %add3A_181 = arith.constant 32 : i32
      %add3A_182 = arith.addi %add3A_181, %scan3A_180 : i32
      %broadcast_in_dim3A_183 = vector.broadcast %add3A_182 : i32 to vector<16xi32>
      %gather3A = tpu.vector_load_idx %arg7[%add3A_10, %broadcast_in_dim3A_183] : memref<32x64xf32, #tpu.memory_space<vmem>>[vector<16xi32>, vector<16xi32>], vector<16xf32>,
      %gather3A_184 = tpu.vector_load_idx %arg7[%add3A_27, %broadcast_in_dim3A_183] : memref<32x64xf32, #tpu.memory_space<vmem>>[vector<16xi32>, vector<16xi32>], vector<16xf32>,
      %gather3A_185 = tpu.vector_load_idx %arg6[%broadcast_in_dim3A_28, %broadcast_in_dim3A_183] : memref<32x64xf32, #tpu.memory_space<vmem>>[vector<16xi32>, vector<16xi32>], vector<16xf32>,
      %gather3A_186 = tpu.vector_load_idx %arg7[%broadcast_in_dim3A_28, %broadcast_in_dim3A_183] : memref<32x64xf32, #tpu.memory_space<vmem>>[vector<16xi32>, vector<16xi32>], vector<16xf32>,
      %add3A_187 = arith.addf %gather3A_185, %gather3A_186 : vector<16xf32>
      %broadcast_in_dim3A_188 = vector.broadcast %scan3A_180 : i32 to vector<16xi32>
      tpu.vector_store_idx %arg10[%broadcast_in_dim3A_188, %broadcast_in_dim3A_28], %add3A_187 masked %eq3A_30 : memref<16x1025xf32, #tpu.memory_space<vmem>>[vector<16xi32>, vector<16xi32>], vector<16xf32>, vector<16xi1>
      %broadcast_in_dim3A_189 = arith.constant 0.000000e+00 : f32
      %broadcast_in_dim3A_190 = vector.broadcast %broadcast_in_dim3A_189 : f32 to vector<16xf32>
      tpu.vector_store_idx %arg8[%broadcast_in_dim3A_188, %broadcast_in_dim3A_28], %broadcast_in_dim3A_190 masked %eq3A_30 : memref<16x1025xf32, #tpu.memory_space<vmem>>[vector<16xi32>, vector<16xi32>], vector<16xf32>, vector<16xi1>
      %sub3A_191 = arith.constant 0 : i32
      %sub3A_192 = arith.subi %sub3A_191, %add3A : i32
      %jit3A_193 = arith.constant -14 : i32
      %jit3A_194 = arith.constant 14 : i32
      %max3A_195 = arith.maxsi %jit3A_193, %sub3A_192 : i32
      %min3A_196 = arith.minsi %jit3A_194, %max3A_195 : i32
      %add3A_197 = arith.constant 14 : i32
      %add3A_198 = arith.addi %min3A_196, %add3A_197 : i32
      %add3A_199 = arith.constant 1 : i32
      %add3A_200 = arith.addi %add3A_198, %add3A_199 : i32
      %broadcast_in_dim3A_201 = vector.broadcast %add3A_200 : i32 to vector<16xi32>
      %gather3A_202 = tpu.vector_load_idx %arg6[%broadcast_in_dim3A_201, %broadcast_in_dim3A_183] : memref<32x64xf32, #tpu.memory_space<vmem>>[vector<16xi32>, vector<16xi32>], vector<16xf32>,
      %swap3A = arith.index_cast %scan3A_180 : i32 to index
      %swap3A_203 = arith.constant 1 : index
      %swap3A_204 = tpu.vector_load %arg8[%swap3A, %swap3A_203] {strides = array<i32>} : memref<16x1025xf32, #tpu.memory_space<vmem>>, vector<16xf32>,
      tpu.vector_store %arg8[%swap3A, %swap3A_203], %gather3A_202 {strides = array<i32>} : memref<16x1025xf32, #tpu.memory_space<vmem>>, vector<16xf32>,
      %swap3A_205 = arith.index_cast %scan3A_180 : i32 to index
      %swap3A_206 = arith.constant 17 : index
      %swap3A_207 = tpu.vector_load %arg8[%swap3A_205, %swap3A_206] {strides = array<i32>} : memref<16x1025xf32, #tpu.memory_space<vmem>>, vector<16xf32>,
      tpu.vector_store %arg8[%swap3A_205, %swap3A_206], %gather3A_202 {strides = array<i32>} : memref<16x1025xf32, #tpu.memory_space<vmem>>, vector<16xf32>,
      %swap3A_208 = arith.index_cast %scan3A_180 : i32 to index
      %swap3A_209 = arith.constant 1 : index
      %swap3A_210 = tpu.vector_load %arg10[%swap3A_208, %swap3A_209] {strides = array<i32>} : memref<16x1025xf32, #tpu.memory_space<vmem>>, vector<16xf32>,
      tpu.vector_store %arg10[%swap3A_208, %swap3A_209], %gather3A {strides = array<i32>} : memref<16x1025xf32, #tpu.memory_space<vmem>>, vector<16xf32>,
      %swap3A_211 = arith.index_cast %scan3A_180 : i32 to index
      %swap3A_212 = arith.constant 17 : index
      %swap3A_213 = tpu.vector_load %arg10[%swap3A_211, %swap3A_212] {strides = array<i32>} : memref<16x1025xf32, #tpu.memory_space<vmem>>, vector<16xf32>,
      tpu.vector_store %arg10[%swap3A_211, %swap3A_212], %gather3A_184 {strides = array<i32>} : memref<16x1025xf32, #tpu.memory_space<vmem>>, vector<16xf32>,
      %sub3A_214 = arith.constant 1 : i32
      %sub3A_215 = arith.subi %sub3A_214, %add3A : i32
      %jit3A_216 = arith.constant -14 : i32
      %jit3A_217 = arith.constant 14 : i32
      %max3A_218 = arith.maxsi %jit3A_216, %sub3A_215 : i32
      %min3A_219 = arith.minsi %jit3A_217, %max3A_218 : i32
      %add3A_220 = arith.constant 14 : i32
      %add3A_221 = arith.addi %min3A_219, %add3A_220 : i32
      %add3A_222 = arith.constant 1 : i32
      %add3A_223 = arith.addi %add3A_221, %add3A_222 : i32
      %broadcast_in_dim3A_224 = vector.broadcast %add3A_223 : i32 to vector<16xi32>
      %gather3A_225 = tpu.vector_load_idx %arg6[%broadcast_in_dim3A_224, %broadcast_in_dim3A_183] : memref<32x64xf32, #tpu.memory_space<vmem>>[vector<16xi32>, vector<16xi32>], vector<16xf32>,
      %swap3A_226 = arith.index_cast %scan3A_180 : i32 to index
      %swap3A_227 = arith.constant 33 : index
      %swap3A_228 = tpu.vector_load %arg8[%swap3A_226, %swap3A_227] {strides = array<i32>} : memref<16x1025xf32, #tpu.memory_space<vmem>>, vector<16xf32>,
      tpu.vector_store %arg8[%swap3A_226, %swap3A_227], %gather3A_225 {strides = array<i32>} : memref<16x1025xf32, #tpu.memory_space<vmem>>, vector<16xf32>,
      %swap3A_229 = arith.index_cast %scan3A_180 : i32 to index
      %swap3A_230 = arith.constant 49 : index
      %swap3A_231 = tpu.vector_load %arg8[%swap3A_229, %swap3A_230] {strides = array<i32>} : memref<16x1025xf32, #tpu.memory_space<vmem>>, vector<16xf32>,
      tpu.vector_store %arg8[%swap3A_229, %swap3A_230], %gather3A_225 {strides = array<i32>} : memref<16x1025xf32, #tpu.memory_space<vmem>>, vector<16xf32>,
      %swap3A_232 = arith.index_cast %scan3A_180 : i32 to index
      %swap3A_233 = arith.constant 33 : index
      %swap3A_234 = tpu.vector_load %arg10[%swap3A_232, %swap3A_233] {strides = array<i32>} : memref<16x1025xf32, #tpu.memory_space<vmem>>, vector<16xf32>,
      tpu.vector_store %arg10[%swap3A_232, %swap3A_233], %gather3A {strides = array<i32>} : memref<16x1025xf32, #tpu.memory_space<vmem>>, vector<16xf32>,
      %swap3A_235 = arith.index_cast %scan3A_180 : i32 to index
      %swap3A_236 = arith.constant 49 : index
      %swap3A_237 = tpu.vector_load %arg10[%swap3A_235, %swap3A_236] {strides = array<i32>} : memref<16x1025xf32, #tpu.memory_space<vmem>>, vector<16xf32>,
      tpu.vector_store %arg10[%swap3A_235, %swap3A_236], %gather3A_184 {strides = array<i32>} : memref<16x1025xf32, #tpu.memory_space<vmem>>, vector<16xf32>,
      %sub3A_238 = arith.constant 2 : i32
      %sub3A_239 = arith.subi %sub3A_238, %add3A : i32
      %jit3A_240 = arith.constant -14 : i32
      %jit3A_241 = arith.constant 14 : i32
      %max3A_242 = arith.maxsi %jit3A_240, %sub3A_239 : i32
      %min3A_243 = arith.minsi %jit3A_241, %max3A_242 : i32
      %add3A_244 = arith.constant 14 : i32
      %add3A_245 = arith.addi %min3A_243, %add3A_244 : i32
      %add3A_246 = arith.constant 1 : i32
      %add3A_247 = arith.addi %add3A_245, %add3A_246 : i32
      %broadcast_in_dim3A_248 = vector.broadcast %add3A_247 : i32 to vector<16xi32>
      %gather3A_249 = tpu.vector_load_idx %arg6[%broadcast_in_dim3A_248, %broadcast_in_dim3A_183] : memref<32x64xf32, #tpu.memory_space<vmem>>[vector<16xi32>, vector<16xi32>], vector<16xf32>,
      %swap3A_250 = arith.index_cast %scan3A_180 : i32 to index
      %swap3A_251 = arith.constant 65 : index
      %swap3A_252 = tpu.vector_load %arg8[%swap3A_250, %swap3A_251] {strides = array<i32>} : memref<16x1025xf32, #tpu.memory_space<vmem>>, vector<16xf32>,
      tpu.vector_store %arg8[%swap3A_250, %swap3A_251], %gather3A_249 {strides = array<i32>} : memref<16x1025xf32, #tpu.memory_space<vmem>>, vector<16xf32>,
      %swap3A_253 = arith.index_cast %scan3A_180 : i32 to index
      %swap3A_254 = arith.constant 81 : index
      %swap3A_255 = tpu.vector_load %arg8[%swap3A_253, %swap3A_254] {strides = array<i32>} : memref<16x1025xf32, #tpu.memory_space<vmem>>, vector<16xf32>,
      tpu.vector_store %arg8[%swap3A_253, %swap3A_254], %gather3A_249 {strides = array<i32>} : memref<16x1025xf32, #tpu.memory_space<vmem>>, vector<16xf32>,
      %swap3A_256 = arith.index_cast %scan3A_180 : i32 to index
      %swap3A_257 = arith.constant 65 : index
      %swap3A_258 = tpu.vector_load %arg10[%swap3A_256, %swap3A_257] {strides = array<i32>} : memref<16x1025xf32, #tpu.memory_space<vmem>>, vector<16xf32>,
      tpu.vector_store %arg10[%swap3A_256, %swap3A_257], %gather3A {strides = array<i32>} : memref<16x1025xf32, #tpu.memory_space<vmem>>, vector<16xf32>,
      %swap3A_259 = arith.index_cast %scan3A_180 : i32 to index
      %swap3A_260 = arith.constant 81 : index
      %swap3A_261 = tpu.vector_load %arg10[%swap3A_259, %swap3A_260] {strides = array<i32>} : memref<16x1025xf32, #tpu.memory_space<vmem>>, vector<16xf32>,
      tpu.vector_store %arg10[%swap3A_259, %swap3A_260], %gather3A_184 {strides = array<i32>} : memref<16x1025xf32, #tpu.memory_space<vmem>>, vector<16xf32>,
      %sub3A_262 = arith.constant 3 : i32
      %sub3A_263 = arith.subi %sub3A_262, %add3A : i32
      %jit3A_264 = arith.constant -14 : i32
      %jit3A_265 = arith.constant 14 : i32
      %max3A_266 = arith.maxsi %jit3A_264, %sub3A_263 : i32
      %min3A_267 = arith.minsi %jit3A_265, %max3A_266 : i32
      %add3A_268 = arith.constant 14 : i32
      %add3A_269 = arith.addi %min3A_267, %add3A_268 : i32
      %add3A_270 = arith.constant 1 : i32
      %add3A_271 = arith.addi %add3A_269, %add3A_270 : i32
      %broadcast_in_dim3A_272 = vector.broadcast %add3A_271 : i32 to vector<16xi32>
      %gather3A_273 = tpu.vector_load_idx %arg6[%broadcast_in_dim3A_272, %broadcast_in_dim3A_183] : memref<32x64xf32, #tpu.memory_space<vmem>>[vector<16xi32>, vector<16xi32>], vector<16xf32>,
      %swap3A_274 = arith.index_cast %scan3A_180 : i32 to index
      %swap3A_275 = arith.constant 97 : index
      %swap3A_276 = tpu.vector_load %arg8[%swap3A_274, %swap3A_275] {strides = array<i32>} : memref<16x1025xf32, #tpu.memory_space<vmem>>, vector<16xf32>,
      tpu.vector_store %arg8[%swap3A_274, %swap3A_275], %gather3A_273 {strides = array<i32>} : memref<16x1025xf32, #tpu.memory_space<vmem>>, vector<16xf32>,
      %swap3A_277 = arith.index_cast %scan3A_180 : i32 to index
      %swap3A_278 = arith.constant 113 : index
      %swap3A_279 = tpu.vector_load %arg8[%swap3A_277, %swap3A_278] {strides = array<i32>} : memref<16x1025xf32, #tpu.memory_space<vmem>>, vector<16xf32>,
      tpu.vector_store %arg8[%swap3A_277, %swap3A_278], %gather3A_273 {strides = array<i32>} : memref<16x1025xf32, #tpu.memory_space<vmem>>, vector<16xf32>,
      %swap3A_280 = arith.index_cast %scan3A_180 : i32 to index
      %swap3A_281 = arith.constant 97 : index
      %swap3A_282 = tpu.vector_load %arg10[%swap3A_280, %swap3A_281] {strides = array<i32>} : memref<16x1025xf32, #tpu.memory_space<vmem>>, vector<16xf32>,
      tpu.vector_store %arg10[%swap3A_280, %swap3A_281], %gather3A {strides = array<i32>} : memref<16x1025xf32, #tpu.memory_space<vmem>>, vector<16xf32>,
      %swap3A_283 = arith.index_cast %scan3A_180 : i32 to index
      %swap3A_284 = arith.constant 113 : index
      %swap3A_285 = tpu.vector_load %arg10[%swap3A_283, %swap3A_284] {strides = array<i32>} : memref<16x1025xf32, #tpu.memory_space<vmem>>, vector<16xf32>,
      tpu.vector_store %arg10[%swap3A_283, %swap3A_284], %gather3A_184 {strides = array<i32>} : memref<16x1025xf32, #tpu.memory_space<vmem>>, vector<16xf32>,
      %sub3A_286 = arith.constant 4 : i32
      %sub3A_287 = arith.subi %sub3A_286, %add3A : i32
      %jit3A_288 = arith.constant -14 : i32
      %jit3A_289 = arith.constant 14 : i32
      %max3A_290 = arith.maxsi %jit3A_288, %sub3A_287 : i32
      %min3A_291 = arith.minsi %jit3A_289, %max3A_290 : i32
      %add3A_292 = arith.constant 14 : i32
      %add3A_293 = arith.addi %min3A_291, %add3A_292 : i32
      %add3A_294 = arith.constant 1 : i32
      %add3A_295 = arith.addi %add3A_293, %add3A_294 : i32
      %broadcast_in_dim3A_296 = vector.broadcast %add3A_295 : i32 to vector<16xi32>
      %gather3A_297 = tpu.vector_load_idx %arg6[%broadcast_in_dim3A_296, %broadcast_in_dim3A_183] : memref<32x64xf32, #tpu.memory_space<vmem>>[vector<16xi32>, vector<16xi32>], vector<16xf32>,
      %swap3A_298 = arith.index_cast %scan3A_180 : i32 to index
      %swap3A_299 = arith.constant 129 : index
      %swap3A_300 = tpu.vector_load %arg8[%swap3A_298, %swap3A_299] {strides = array<i32>} : memref<16x1025xf32, #tpu.memory_space<vmem>>, vector<16xf32>,
      tpu.vector_store %arg8[%swap3A_298, %swap3A_299], %gather3A_297 {strides = array<i32>} : memref<16x1025xf32, #tpu.memory_space<vmem>>, vector<16xf32>,
      %swap3A_301 = arith.index_cast %scan3A_180 : i32 to index
      %swap3A_302 = arith.constant 145 : index
      %swap3A_303 = tpu.vector_load %arg8[%swap3A_301, %swap3A_302] {strides = array<i32>} : memref<16x1025xf32, #tpu.memory_space<vmem>>, vector<16xf32>,
      tpu.vector_store %arg8[%swap3A_301, %swap3A_302], %gather3A_297 {strides = array<i32>} : memref<16x1025xf32, #tpu.memory_space<vmem>>, vector<16xf32>,
      %swap3A_304 = arith.index_cast %scan3A_180 : i32 to index
      %swap3A_305 = arith.constant 129 : index
      %swap3A_306 = tpu.vector_load %arg10[%swap3A_304, %swap3A_305] {strides = array<i32>} : memref<16x1025xf32, #tpu.memory_space<vmem>>, vector<16xf32>,
      tpu.vector_store %arg10[%swap3A_304, %swap3A_305], %gather3A {strides = array<i32>} : memref<16x1025xf32, #tpu.memory_space<vmem>>, vector<16xf32>,
      %swap3A_307 = arith.index_cast %scan3A_180 : i32 to index
      %swap3A_308 = arith.constant 145 : index
      %swap3A_309 = tpu.vector_load %arg10[%swap3A_307, %swap3A_308] {strides = array<i32>} : memref<16x1025xf32, #tpu.memory_space<vmem>>, vector<16xf32>,
      tpu.vector_store %arg10[%swap3A_307, %swap3A_308], %gather3A_184 {strides = array<i32>} : memref<16x1025xf32, #tpu.memory_space<vmem>>, vector<16xf32>,
      %sub3A_310 = arith.constant 5 : i32
      %sub3A_311 = arith.subi %sub3A_310, %add3A : i32
      %jit3A_312 = arith.constant -14 : i32
      %jit3A_313 = arith.constant 14 : i32
      %max3A_314 = arith.maxsi %jit3A_312, %sub3A_311 : i32
      %min3A_315 = arith.minsi %jit3A_313, %max3A_314 : i32
      %add3A_316 = arith.constant 14 : i32
      %add3A_317 = arith.addi %min3A_315, %add3A_316 : i32
      %add3A_318 = arith.constant 1 : i32
      %add3A_319 = arith.addi %add3A_317, %add3A_318 : i32
      %broadcast_in_dim3A_320 = vector.broadcast %add3A_319 : i32 to vector<16xi32>
      %gather3A_321 = tpu.vector_load_idx %arg6[%broadcast_in_dim3A_320, %broadcast_in_dim3A_183] : memref<32x64xf32, #tpu.memory_space<vmem>>[vector<16xi32>, vector<16xi32>], vector<16xf32>,
      %swap3A_322 = arith.index_cast %scan3A_180 : i32 to index
      %swap3A_323 = arith.constant 161 : index
      %swap3A_324 = tpu.vector_load %arg8[%swap3A_322, %swap3A_323] {strides = array<i32>} : memref<16x1025xf32, #tpu.memory_space<vmem>>, vector<16xf32>,
      tpu.vector_store %arg8[%swap3A_322, %swap3A_323], %gather3A_321 {strides = array<i32>} : memref<16x1025xf32, #tpu.memory_space<vmem>>, vector<16xf32>,
      %swap3A_325 = arith.index_cast %scan3A_180 : i32 to index
      %swap3A_326 = arith.constant 177 : index
      %swap3A_327 = tpu.vector_load %arg8[%swap3A_325, %swap3A_326] {strides = array<i32>} : memref<16x1025xf32, #tpu.memory_space<vmem>>, vector<16xf32>,
      tpu.vector_store %arg8[%swap3A_325, %swap3A_326], %gather3A_321 {strides = array<i32>} : memref<16x1025xf32, #tpu.memory_space<vmem>>, vector<16xf32>,
      %swap3A_328 = arith.index_cast %scan3A_180 : i32 to index
      %swap3A_329 = arith.constant 161 : index
      %swap3A_330 = tpu.vector_load %arg10[%swap3A_328, %swap3A_329] {strides = array<i32>} : memref<16x1025xf32, #tpu.memory_space<vmem>>, vector<16xf32>,
      tpu.vector_store %arg10[%swap3A_328, %swap3A_329], %gather3A {strides = array<i32>} : memref<16x1025xf32, #tpu.memory_space<vmem>>, vector<16xf32>,
      %swap3A_331 = arith.index_cast %scan3A_180 : i32 to index
      %swap3A_332 = arith.constant 177 : index
      %swap3A_333 = tpu.vector_load %arg10[%swap3A_331, %swap3A_332] {strides = array<i32>} : memref<16x1025xf32, #tpu.memory_space<vmem>>, vector<16xf32>,
      tpu.vector_store %arg10[%swap3A_331, %swap3A_332], %gather3A_184 {strides = array<i32>} : memref<16x1025xf32, #tpu.memory_space<vmem>>, vector<16xf32>,
      %sub3A_334 = arith.constant 6 : i32
      %sub3A_335 = arith.subi %sub3A_334, %add3A : i32
      %jit3A_336 = arith.constant -14 : i32
      %jit3A_337 = arith.constant 14 : i32
      %max3A_338 = arith.maxsi %jit3A_336, %sub3A_335 : i32
      %min3A_339 = arith.minsi %jit3A_337, %max3A_338 : i32
      %add3A_340 = arith.constant 14 : i32
      %add3A_341 = arith.addi %min3A_339, %add3A_340 : i32
      %add3A_342 = arith.constant 1 : i32
      %add3A_343 = arith.addi %add3A_341, %add3A_342 : i32
      %broadcast_in_dim3A_344 = vector.broadcast %add3A_343 : i32 to vector<16xi32>
      %gather3A_345 = tpu.vector_load_idx %arg6[%broadcast_in_dim3A_344, %broadcast_in_dim3A_183] : memref<32x64xf32, #tpu.memory_space<vmem>>[vector<16xi32>, vector<16xi32>], vector<16xf32>,
      %swap3A_346 = arith.index_cast %scan3A_180 : i32 to index
      %swap3A_347 = arith.constant 193 : index
      %swap3A_348 = tpu.vector_load %arg8[%swap3A_346, %swap3A_347] {strides = array<i32>} : memref<16x1025xf32, #tpu.memory_space<vmem>>, vector<16xf32>,
      tpu.vector_store %arg8[%swap3A_346, %swap3A_347], %gather3A_345 {strides = array<i32>} : memref<16x1025xf32, #tpu.memory_space<vmem>>, vector<16xf32>,
      %swap3A_349 = arith.index_cast %scan3A_180 : i32 to index
      %swap3A_350 = arith.constant 209 : index
      %swap3A_351 = tpu.vector_load %arg8[%swap3A_349, %swap3A_350] {strides = array<i32>} : memref<16x1025xf32, #tpu.memory_space<vmem>>, vector<16xf32>,
      tpu.vector_store %arg8[%swap3A_349, %swap3A_350], %gather3A_345 {strides = array<i32>} : memref<16x1025xf32, #tpu.memory_space<vmem>>, vector<16xf32>,
      %swap3A_352 = arith.index_cast %scan3A_180 : i32 to index
      %swap3A_353 = arith.constant 193 : index
      %swap3A_354 = tpu.vector_load %arg10[%swap3A_352, %swap3A_353] {strides = array<i32>} : memref<16x1025xf32, #tpu.memory_space<vmem>>, vector<16xf32>,
      tpu.vector_store %arg10[%swap3A_352, %swap3A_353], %gather3A {strides = array<i32>} : memref<16x1025xf32, #tpu.memory_space<vmem>>, vector<16xf32>,
      %swap3A_355 = arith.index_cast %scan3A_180 : i32 to index
      %swap3A_356 = arith.constant 209 : index
      %swap3A_357 = tpu.vector_load %arg10[%swap3A_355, %swap3A_356] {strides = array<i32>} : memref<16x1025xf32, #tpu.memory_space<vmem>>, vector<16xf32>,
      tpu.vector_store %arg10[%swap3A_355, %swap3A_356], %gather3A_184 {strides = array<i32>} : memref<16x1025xf32, #tpu.memory_space<vmem>>, vector<16xf32>,
      %sub3A_358 = arith.constant 7 : i32
      %sub3A_359 = arith.subi %sub3A_358, %add3A : i32
      %jit3A_360 = arith.constant -14 : i32
      %jit3A_361 = arith.constant 14 : i32
      %max3A_362 = arith.maxsi %jit3A_360, %sub3A_359 : i32
      %min3A_363 = arith.minsi %jit3A_361, %max3A_362 : i32
      %add3A_364 = arith.constant 14 : i32
      %add3A_365 = arith.addi %min3A_363, %add3A_364 : i32
      %add3A_366 = arith.constant 1 : i32
      %add3A_367 = arith.addi %add3A_365, %add3A_366 : i32
      %broadcast_in_dim3A_368 = vector.broadcast %add3A_367 : i32 to vector<16xi32>
      %gather3A_369 = tpu.vector_load_idx %arg6[%broadcast_in_dim3A_368, %broadcast_in_dim3A_183] : memref<32x64xf32, #tpu.memory_space<vmem>>[vector<16xi32>, vector<16xi32>], vector<16xf32>,
      %swap3A_370 = arith.index_cast %scan3A_180 : i32 to index
      %swap3A_371 = arith.constant 225 : index
      %swap3A_372 = tpu.vector_load %arg8[%swap3A_370, %swap3A_371] {strides = array<i32>} : memref<16x1025xf32, #tpu.memory_space<vmem>>, vector<16xf32>,
      tpu.vector_store %arg8[%swap3A_370, %swap3A_371], %gather3A_369 {strides = array<i32>} : memref<16x1025xf32, #tpu.memory_space<vmem>>, vector<16xf32>,
      %swap3A_373 = arith.index_cast %scan3A_180 : i32 to index
      %swap3A_374 = arith.constant 241 : index
      %swap3A_375 = tpu.vector_load %arg8[%swap3A_373, %swap3A_374] {strides = array<i32>} : memref<16x1025xf32, #tpu.memory_space<vmem>>, vector<16xf32>,
      tpu.vector_store %arg8[%swap3A_373, %swap3A_374], %gather3A_369 {strides = array<i32>} : memref<16x1025xf32, #tpu.memory_space<vmem>>, vector<16xf32>,
      %swap3A_376 = arith.index_cast %scan3A_180 : i32 to index
      %swap3A_377 = arith.constant 225 : index
      %swap3A_378 = tpu.vector_load %arg10[%swap3A_376, %swap3A_377] {strides = array<i32>} : memref<16x1025xf32, #tpu.memory_space<vmem>>, vector<16xf32>,
      tpu.vector_store %arg10[%swap3A_376, %swap3A_377], %gather3A {strides = array<i32>} : memref<16x1025xf32, #tpu.memory_space<vmem>>, vector<16xf32>,
      %swap3A_379 = arith.index_cast %scan3A_180 : i32 to index
      %swap3A_380 = arith.constant 241 : index
      %swap3A_381 = tpu.vector_load %arg10[%swap3A_379, %swap3A_380] {strides = array<i32>} : memref<16x1025xf32, #tpu.memory_space<vmem>>, vector<16xf32>,
      tpu.vector_store %arg10[%swap3A_379, %swap3A_380], %gather3A_184 {strides = array<i32>} : memref<16x1025xf32, #tpu.memory_space<vmem>>, vector<16xf32>,
      %sub3A_382 = arith.constant 8 : i32
      %sub3A_383 = arith.subi %sub3A_382, %add3A : i32
      %jit3A_384 = arith.constant -14 : i32
      %jit3A_385 = arith.constant 14 : i32
      %max3A_386 = arith.maxsi %jit3A_384, %sub3A_383 : i32
      %min3A_387 = arith.minsi %jit3A_385, %max3A_386 : i32
      %add3A_388 = arith.constant 14 : i32
      %add3A_389 = arith.addi %min3A_387, %add3A_388 : i32
      %add3A_390 = arith.constant 1 : i32
      %add3A_391 = arith.addi %add3A_389, %add3A_390 : i32
      %broadcast_in_dim3A_392 = vector.broadcast %add3A_391 : i32 to vector<16xi32>
      %gather3A_393 = tpu.vector_load_idx %arg6[%broadcast_in_dim3A_392, %broadcast_in_dim3A_183] : memref<32x64xf32, #tpu.memory_space<vmem>>[vector<16xi32>, vector<16xi32>], vector<16xf32>,
      %swap3A_394 = arith.index_cast %scan3A_180 : i32 to index
      %swap3A_395 = arith.constant 257 : index
      %swap3A_396 = tpu.vector_load %arg8[%swap3A_394, %swap3A_395] {strides = array<i32>} : memref<16x1025xf32, #tpu.memory_space<vmem>>, vector<16xf32>,
      tpu.vector_store %arg8[%swap3A_394, %swap3A_395], %gather3A_393 {strides = array<i32>} : memref<16x1025xf32, #tpu.memory_space<vmem>>, vector<16xf32>,
      %swap3A_397 = arith.index_cast %scan3A_180 : i32 to index
      %swap3A_398 = arith.constant 273 : index
      %swap3A_399 = tpu.vector_load %arg8[%swap3A_397, %swap3A_398] {strides = array<i32>} : memref<16x1025xf32, #tpu.memory_space<vmem>>, vector<16xf32>,
      tpu.vector_store %arg8[%swap3A_397, %swap3A_398], %gather3A_393 {strides = array<i32>} : memref<16x1025xf32, #tpu.memory_space<vmem>>, vector<16xf32>,
      %swap3A_400 = arith.index_cast %scan3A_180 : i32 to index
      %swap3A_401 = arith.constant 257 : index
      %swap3A_402 = tpu.vector_load %arg10[%swap3A_400, %swap3A_401] {strides = array<i32>} : memref<16x1025xf32, #tpu.memory_space<vmem>>, vector<16xf32>,
      tpu.vector_store %arg10[%swap3A_400, %swap3A_401], %gather3A {strides = array<i32>} : memref<16x1025xf32, #tpu.memory_space<vmem>>, vector<16xf32>,
      %swap3A_403 = arith.index_cast %scan3A_180 : i32 to index
      %swap3A_404 = arith.constant 273 : index
      %swap3A_405 = tpu.vector_load %arg10[%swap3A_403, %swap3A_404] {strides = array<i32>} : memref<16x1025xf32, #tpu.memory_space<vmem>>, vector<16xf32>,
      tpu.vector_store %arg10[%swap3A_403, %swap3A_404], %gather3A_184 {strides = array<i32>} : memref<16x1025xf32, #tpu.memory_space<vmem>>, vector<16xf32>,
      %sub3A_406 = arith.constant 9 : i32
      %sub3A_407 = arith.subi %sub3A_406, %add3A : i32
      %jit3A_408 = arith.constant -14 : i32
      %jit3A_409 = arith.constant 14 : i32
      %max3A_410 = arith.maxsi %jit3A_408, %sub3A_407 : i32
      %min3A_411 = arith.minsi %jit3A_409, %max3A_410 : i32
      %add3A_412 = arith.constant 14 : i32
      %add3A_413 = arith.addi %min3A_411, %add3A_412 : i32
      %add3A_414 = arith.constant 1 : i32
      %add3A_415 = arith.addi %add3A_413, %add3A_414 : i32
      %broadcast_in_dim3A_416 = vector.broadcast %add3A_415 : i32 to vector<16xi32>
      %gather3A_417 = tpu.vector_load_idx %arg6[%broadcast_in_dim3A_416, %broadcast_in_dim3A_183] : memref<32x64xf32, #tpu.memory_space<vmem>>[vector<16xi32>, vector<16xi32>], vector<16xf32>,
      %swap3A_418 = arith.index_cast %scan3A_180 : i32 to index
      %swap3A_419 = arith.constant 289 : index
      %swap3A_420 = tpu.vector_load %arg8[%swap3A_418, %swap3A_419] {strides = array<i32>} : memref<16x1025xf32, #tpu.memory_space<vmem>>, vector<16xf32>,
      tpu.vector_store %arg8[%swap3A_418, %swap3A_419], %gather3A_417 {strides = array<i32>} : memref<16x1025xf32, #tpu.memory_space<vmem>>, vector<16xf32>,
      %swap3A_421 = arith.index_cast %scan3A_180 : i32 to index
      %swap3A_422 = arith.constant 305 : index
      %swap3A_423 = tpu.vector_load %arg8[%swap3A_421, %swap3A_422] {strides = array<i32>} : memref<16x1025xf32, #tpu.memory_space<vmem>>, vector<16xf32>,
      tpu.vector_store %arg8[%swap3A_421, %swap3A_422], %gather3A_417 {strides = array<i32>} : memref<16x1025xf32, #tpu.memory_space<vmem>>, vector<16xf32>,
      %swap3A_424 = arith.index_cast %scan3A_180 : i32 to index
      %swap3A_425 = arith.constant 289 : index
      %swap3A_426 = tpu.vector_load %arg10[%swap3A_424, %swap3A_425] {strides = array<i32>} : memref<16x1025xf32, #tpu.memory_space<vmem>>, vector<16xf32>,
      tpu.vector_store %arg10[%swap3A_424, %swap3A_425], %gather3A {strides = array<i32>} : memref<16x1025xf32, #tpu.memory_space<vmem>>, vector<16xf32>,
      %swap3A_427 = arith.index_cast %scan3A_180 : i32 to index
      %swap3A_428 = arith.constant 305 : index
      %swap3A_429 = tpu.vector_load %arg10[%swap3A_427, %swap3A_428] {strides = array<i32>} : memref<16x1025xf32, #tpu.memory_space<vmem>>, vector<16xf32>,
      tpu.vector_store %arg10[%swap3A_427, %swap3A_428], %gather3A_184 {strides = array<i32>} : memref<16x1025xf32, #tpu.memory_space<vmem>>, vector<16xf32>,
      %sub3A_430 = arith.constant 10 : i32
      %sub3A_431 = arith.subi %sub3A_430, %add3A : i32
      %jit3A_432 = arith.constant -14 : i32
      %jit3A_433 = arith.constant 14 : i32
      %max3A_434 = arith.maxsi %jit3A_432, %sub3A_431 : i32
      %min3A_435 = arith.minsi %jit3A_433, %max3A_434 : i32
      %add3A_436 = arith.constant 14 : i32
      %add3A_437 = arith.addi %min3A_435, %add3A_436 : i32
      %add3A_438 = arith.constant 1 : i32
      %add3A_439 = arith.addi %add3A_437, %add3A_438 : i32
      %broadcast_in_dim3A_440 = vector.broadcast %add3A_439 : i32 to vector<16xi32>
      %gather3A_441 = tpu.vector_load_idx %arg6[%broadcast_in_dim3A_440, %broadcast_in_dim3A_183] : memref<32x64xf32, #tpu.memory_space<vmem>>[vector<16xi32>, vector<16xi32>], vector<16xf32>,
      %swap3A_442 = arith.index_cast %scan3A_180 : i32 to index
      %swap3A_443 = arith.constant 321 : index
      %swap3A_444 = tpu.vector_load %arg8[%swap3A_442, %swap3A_443] {strides = array<i32>} : memref<16x1025xf32, #tpu.memory_space<vmem>>, vector<16xf32>,
      tpu.vector_store %arg8[%swap3A_442, %swap3A_443], %gather3A_441 {strides = array<i32>} : memref<16x1025xf32, #tpu.memory_space<vmem>>, vector<16xf32>,
      %swap3A_445 = arith.index_cast %scan3A_180 : i32 to index
      %swap3A_446 = arith.constant 337 : index
      %swap3A_447 = tpu.vector_load %arg8[%swap3A_445, %swap3A_446] {strides = array<i32>} : memref<16x1025xf32, #tpu.memory_space<vmem>>, vector<16xf32>,
      tpu.vector_store %arg8[%swap3A_445, %swap3A_446], %gather3A_441 {strides = array<i32>} : memref<16x1025xf32, #tpu.memory_space<vmem>>, vector<16xf32>,
      %swap3A_448 = arith.index_cast %scan3A_180 : i32 to index
      %swap3A_449 = arith.constant 321 : index
      %swap3A_450 = tpu.vector_load %arg10[%swap3A_448, %swap3A_449] {strides = array<i32>} : memref<16x1025xf32, #tpu.memory_space<vmem>>, vector<16xf32>,
      tpu.vector_store %arg10[%swap3A_448, %swap3A_449], %gather3A {strides = array<i32>} : memref<16x1025xf32, #tpu.memory_space<vmem>>, vector<16xf32>,
      %swap3A_451 = arith.index_cast %scan3A_180 : i32 to index
      %swap3A_452 = arith.constant 337 : index
      %swap3A_453 = tpu.vector_load %arg10[%swap3A_451, %swap3A_452] {strides = array<i32>} : memref<16x1025xf32, #tpu.memory_space<vmem>>, vector<16xf32>,
      tpu.vector_store %arg10[%swap3A_451, %swap3A_452], %gather3A_184 {strides = array<i32>} : memref<16x1025xf32, #tpu.memory_space<vmem>>, vector<16xf32>,
      %sub3A_454 = arith.constant 11 : i32
      %sub3A_455 = arith.subi %sub3A_454, %add3A : i32
      %jit3A_456 = arith.constant -14 : i32
      %jit3A_457 = arith.constant 14 : i32
      %max3A_458 = arith.maxsi %jit3A_456, %sub3A_455 : i32
      %min3A_459 = arith.minsi %jit3A_457, %max3A_458 : i32
      %add3A_460 = arith.constant 14 : i32
      %add3A_461 = arith.addi %min3A_459, %add3A_460 : i32
      %add3A_462 = arith.constant 1 : i32
      %add3A_463 = arith.addi %add3A_461, %add3A_462 : i32
      %broadcast_in_dim3A_464 = vector.broadcast %add3A_463 : i32 to vector<16xi32>
      %gather3A_465 = tpu.vector_load_idx %arg6[%broadcast_in_dim3A_464, %broadcast_in_dim3A_183] : memref<32x64xf32, #tpu.memory_space<vmem>>[vector<16xi32>, vector<16xi32>], vector<16xf32>,
      %swap3A_466 = arith.index_cast %scan3A_180 : i32 to index
      %swap3A_467 = arith.constant 353 : index
      %swap3A_468 = tpu.vector_load %arg8[%swap3A_466, %swap3A_467] {strides = array<i32>} : memref<16x1025xf32, #tpu.memory_space<vmem>>, vector<16xf32>,
      tpu.vector_store %arg8[%swap3A_466, %swap3A_467], %gather3A_465 {strides = array<i32>} : memref<16x1025xf32, #tpu.memory_space<vmem>>, vector<16xf32>,
      %swap3A_469 = arith.index_cast %scan3A_180 : i32 to index
      %swap3A_470 = arith.constant 369 : index
      %swap3A_471 = tpu.vector_load %arg8[%swap3A_469, %swap3A_470] {strides = array<i32>} : memref<16x1025xf32, #tpu.memory_space<vmem>>, vector<16xf32>,
      tpu.vector_store %arg8[%swap3A_469, %swap3A_470], %gather3A_465 {strides = array<i32>} : memref<16x1025xf32, #tpu.memory_space<vmem>>, vector<16xf32>,
      %swap3A_472 = arith.index_cast %scan3A_180 : i32 to index
      %swap3A_473 = arith.constant 353 : index
      %swap3A_474 = tpu.vector_load %arg10[%swap3A_472, %swap3A_473] {strides = array<i32>} : memref<16x1025xf32, #tpu.memory_space<vmem>>, vector<16xf32>,
      tpu.vector_store %arg10[%swap3A_472, %swap3A_473], %gather3A {strides = array<i32>} : memref<16x1025xf32, #tpu.memory_space<vmem>>, vector<16xf32>,
      %swap3A_475 = arith.index_cast %scan3A_180 : i32 to index
      %swap3A_476 = arith.constant 369 : index
      %swap3A_477 = tpu.vector_load %arg10[%swap3A_475, %swap3A_476] {strides = array<i32>} : memref<16x1025xf32, #tpu.memory_space<vmem>>, vector<16xf32>,
      tpu.vector_store %arg10[%swap3A_475, %swap3A_476], %gather3A_184 {strides = array<i32>} : memref<16x1025xf32, #tpu.memory_space<vmem>>, vector<16xf32>,
      %sub3A_478 = arith.constant 12 : i32
      %sub3A_479 = arith.subi %sub3A_478, %add3A : i32
      %jit3A_480 = arith.constant -14 : i32
      %jit3A_481 = arith.constant 14 : i32
      %max3A_482 = arith.maxsi %jit3A_480, %sub3A_479 : i32
      %min3A_483 = arith.minsi %jit3A_481, %max3A_482 : i32
      %add3A_484 = arith.constant 14 : i32
      %add3A_485 = arith.addi %min3A_483, %add3A_484 : i32
      %add3A_486 = arith.constant 1 : i32
      %add3A_487 = arith.addi %add3A_485, %add3A_486 : i32
      %broadcast_in_dim3A_488 = vector.broadcast %add3A_487 : i32 to vector<16xi32>
      %gather3A_489 = tpu.vector_load_idx %arg6[%broadcast_in_dim3A_488, %broadcast_in_dim3A_183] : memref<32x64xf32, #tpu.memory_space<vmem>>[vector<16xi32>, vector<16xi32>], vector<16xf32>,
      %swap3A_490 = arith.index_cast %scan3A_180 : i32 to index
      %swap3A_491 = arith.constant 385 : index
      %swap3A_492 = tpu.vector_load %arg8[%swap3A_490, %swap3A_491] {strides = array<i32>} : memref<16x1025xf32, #tpu.memory_space<vmem>>, vector<16xf32>,
      tpu.vector_store %arg8[%swap3A_490, %swap3A_491], %gather3A_489 {strides = array<i32>} : memref<16x1025xf32, #tpu.memory_space<vmem>>, vector<16xf32>,
      %swap3A_493 = arith.index_cast %scan3A_180 : i32 to index
      %swap3A_494 = arith.constant 401 : index
      %swap3A_495 = tpu.vector_load %arg8[%swap3A_493, %swap3A_494] {strides = array<i32>} : memref<16x1025xf32, #tpu.memory_space<vmem>>, vector<16xf32>,
      tpu.vector_store %arg8[%swap3A_493, %swap3A_494], %gather3A_489 {strides = array<i32>} : memref<16x1025xf32, #tpu.memory_space<vmem>>, vector<16xf32>,
      %swap3A_496 = arith.index_cast %scan3A_180 : i32 to index
      %swap3A_497 = arith.constant 385 : index
      %swap3A_498 = tpu.vector_load %arg10[%swap3A_496, %swap3A_497] {strides = array<i32>} : memref<16x1025xf32, #tpu.memory_space<vmem>>, vector<16xf32>,
      tpu.vector_store %arg10[%swap3A_496, %swap3A_497], %gather3A {strides = array<i32>} : memref<16x1025xf32, #tpu.memory_space<vmem>>, vector<16xf32>,
      %swap3A_499 = arith.index_cast %scan3A_180 : i32 to index
      %swap3A_500 = arith.constant 401 : index
      %swap3A_501 = tpu.vector_load %arg10[%swap3A_499, %swap3A_500] {strides = array<i32>} : memref<16x1025xf32, #tpu.memory_space<vmem>>, vector<16xf32>,
      tpu.vector_store %arg10[%swap3A_499, %swap3A_500], %gather3A_184 {strides = array<i32>} : memref<16x1025xf32, #tpu.memory_space<vmem>>, vector<16xf32>,
      %sub3A_502 = arith.constant 13 : i32
      %sub3A_503 = arith.subi %sub3A_502, %add3A : i32
      %jit3A_504 = arith.constant -14 : i32
      %jit3A_505 = arith.constant 14 : i32
      %max3A_506 = arith.maxsi %jit3A_504, %sub3A_503 : i32
      %min3A_507 = arith.minsi %jit3A_505, %max3A_506 : i32
      %add3A_508 = arith.constant 14 : i32
      %add3A_509 = arith.addi %min3A_507, %add3A_508 : i32
      %add3A_510 = arith.constant 1 : i32
      %add3A_511 = arith.addi %add3A_509, %add3A_510 : i32
      %broadcast_in_dim3A_512 = vector.broadcast %add3A_511 : i32 to vector<16xi32>
      %gather3A_513 = tpu.vector_load_idx %arg6[%broadcast_in_dim3A_512, %broadcast_in_dim3A_183] : memref<32x64xf32, #tpu.memory_space<vmem>>[vector<16xi32>, vector<16xi32>], vector<16xf32>,
      %swap3A_514 = arith.index_cast %scan3A_180 : i32 to index
      %swap3A_515 = arith.constant 417 : index
      %swap3A_516 = tpu.vector_load %arg8[%swap3A_514, %swap3A_515] {strides = array<i32>} : memref<16x1025xf32, #tpu.memory_space<vmem>>, vector<16xf32>,
      tpu.vector_store %arg8[%swap3A_514, %swap3A_515], %gather3A_513 {strides = array<i32>} : memref<16x1025xf32, #tpu.memory_space<vmem>>, vector<16xf32>,
      %swap3A_517 = arith.index_cast %scan3A_180 : i32 to index
      %swap3A_518 = arith.constant 433 : index
      %swap3A_519 = tpu.vector_load %arg8[%swap3A_517, %swap3A_518] {strides = array<i32>} : memref<16x1025xf32, #tpu.memory_space<vmem>>, vector<16xf32>,
      tpu.vector_store %arg8[%swap3A_517, %swap3A_518], %gather3A_513 {strides = array<i32>} : memref<16x1025xf32, #tpu.memory_space<vmem>>, vector<16xf32>,
      %swap3A_520 = arith.index_cast %scan3A_180 : i32 to index
      %swap3A_521 = arith.constant 417 : index
      %swap3A_522 = tpu.vector_load %arg10[%swap3A_520, %swap3A_521] {strides = array<i32>} : memref<16x1025xf32, #tpu.memory_space<vmem>>, vector<16xf32>,
      tpu.vector_store %arg10[%swap3A_520, %swap3A_521], %gather3A {strides = array<i32>} : memref<16x1025xf32, #tpu.memory_space<vmem>>, vector<16xf32>,
      %swap3A_523 = arith.index_cast %scan3A_180 : i32 to index
      %swap3A_524 = arith.constant 433 : index
      %swap3A_525 = tpu.vector_load %arg10[%swap3A_523, %swap3A_524] {strides = array<i32>} : memref<16x1025xf32, #tpu.memory_space<vmem>>, vector<16xf32>,
      tpu.vector_store %arg10[%swap3A_523, %swap3A_524], %gather3A_184 {strides = array<i32>} : memref<16x1025xf32, #tpu.memory_space<vmem>>, vector<16xf32>,
      %sub3A_526 = arith.constant 14 : i32
      %sub3A_527 = arith.subi %sub3A_526, %add3A : i32
      %jit3A_528 = arith.constant -14 : i32
      %jit3A_529 = arith.constant 14 : i32
      %max3A_530 = arith.maxsi %jit3A_528, %sub3A_527 : i32
      %min3A_531 = arith.minsi %jit3A_529, %max3A_530 : i32
      %add3A_532 = arith.constant 14 : i32
      %add3A_533 = arith.addi %min3A_531, %add3A_532 : i32
      %add3A_534 = arith.constant 1 : i32
      %add3A_535 = arith.addi %add3A_533, %add3A_534 : i32
      %broadcast_in_dim3A_536 = vector.broadcast %add3A_535 : i32 to vector<16xi32>
      %gather3A_537 = tpu.vector_load_idx %arg6[%broadcast_in_dim3A_536, %broadcast_in_dim3A_183] : memref<32x64xf32, #tpu.memory_space<vmem>>[vector<16xi32>, vector<16xi32>], vector<16xf32>,
      %swap3A_538 = arith.index_cast %scan3A_180 : i32 to index
      %swap3A_539 = arith.constant 449 : index
      %swap3A_540 = tpu.vector_load %arg8[%swap3A_538, %swap3A_539] {strides = array<i32>} : memref<16x1025xf32, #tpu.memory_space<vmem>>, vector<16xf32>,
      tpu.vector_store %arg8[%swap3A_538, %swap3A_539], %gather3A_537 {strides = array<i32>} : memref<16x1025xf32, #tpu.memory_space<vmem>>, vector<16xf32>,
      %swap3A_541 = arith.index_cast %scan3A_180 : i32 to index
      %swap3A_542 = arith.constant 465 : index
      %swap3A_543 = tpu.vector_load %arg8[%swap3A_541, %swap3A_542] {strides = array<i32>} : memref<16x1025xf32, #tpu.memory_space<vmem>>, vector<16xf32>,
      tpu.vector_store %arg8[%swap3A_541, %swap3A_542], %gather3A_537 {strides = array<i32>} : memref<16x1025xf32, #tpu.memory_space<vmem>>, vector<16xf32>,
      %swap3A_544 = arith.index_cast %scan3A_180 : i32 to index
      %swap3A_545 = arith.constant 449 : index
      %swap3A_546 = tpu.vector_load %arg10[%swap3A_544, %swap3A_545] {strides = array<i32>} : memref<16x1025xf32, #tpu.memory_space<vmem>>, vector<16xf32>,
      tpu.vector_store %arg10[%swap3A_544, %swap3A_545], %gather3A {strides = array<i32>} : memref<16x1025xf32, #tpu.memory_space<vmem>>, vector<16xf32>,
      %swap3A_547 = arith.index_cast %scan3A_180 : i32 to index
      %swap3A_548 = arith.constant 465 : index
      %swap3A_549 = tpu.vector_load %arg10[%swap3A_547, %swap3A_548] {strides = array<i32>} : memref<16x1025xf32, #tpu.memory_space<vmem>>, vector<16xf32>,
      tpu.vector_store %arg10[%swap3A_547, %swap3A_548], %gather3A_184 {strides = array<i32>} : memref<16x1025xf32, #tpu.memory_space<vmem>>, vector<16xf32>,
      %sub3A_550 = arith.constant 15 : i32
      %sub3A_551 = arith.subi %sub3A_550, %add3A : i32
      %jit3A_552 = arith.constant -14 : i32
      %jit3A_553 = arith.constant 14 : i32
      %max3A_554 = arith.maxsi %jit3A_552, %sub3A_551 : i32
      %min3A_555 = arith.minsi %jit3A_553, %max3A_554 : i32
      %add3A_556 = arith.constant 14 : i32
      %add3A_557 = arith.addi %min3A_555, %add3A_556 : i32
      %add3A_558 = arith.constant 1 : i32
      %add3A_559 = arith.addi %add3A_557, %add3A_558 : i32
      %broadcast_in_dim3A_560 = vector.broadcast %add3A_559 : i32 to vector<16xi32>
      %gather3A_561 = tpu.vector_load_idx %arg6[%broadcast_in_dim3A_560, %broadcast_in_dim3A_183] : memref<32x64xf32, #tpu.memory_space<vmem>>[vector<16xi32>, vector<16xi32>], vector<16xf32>,
      %swap3A_562 = arith.index_cast %scan3A_180 : i32 to index
      %swap3A_563 = arith.constant 481 : index
      %swap3A_564 = tpu.vector_load %arg8[%swap3A_562, %swap3A_563] {strides = array<i32>} : memref<16x1025xf32, #tpu.memory_space<vmem>>, vector<16xf32>,
      tpu.vector_store %arg8[%swap3A_562, %swap3A_563], %gather3A_561 {strides = array<i32>} : memref<16x1025xf32, #tpu.memory_space<vmem>>, vector<16xf32>,
      %swap3A_565 = arith.index_cast %scan3A_180 : i32 to index
      %swap3A_566 = arith.constant 497 : index
      %swap3A_567 = tpu.vector_load %arg8[%swap3A_565, %swap3A_566] {strides = array<i32>} : memref<16x1025xf32, #tpu.memory_space<vmem>>, vector<16xf32>,
      tpu.vector_store %arg8[%swap3A_565, %swap3A_566], %gather3A_561 {strides = array<i32>} : memref<16x1025xf32, #tpu.memory_space<vmem>>, vector<16xf32>,
      %swap3A_568 = arith.index_cast %scan3A_180 : i32 to index
      %swap3A_569 = arith.constant 481 : index
      %swap3A_570 = tpu.vector_load %arg10[%swap3A_568, %swap3A_569] {strides = array<i32>} : memref<16x1025xf32, #tpu.memory_space<vmem>>, vector<16xf32>,
      tpu.vector_store %arg10[%swap3A_568, %swap3A_569], %gather3A {strides = array<i32>} : memref<16x1025xf32, #tpu.memory_space<vmem>>, vector<16xf32>,
      %swap3A_571 = arith.index_cast %scan3A_180 : i32 to index
      %swap3A_572 = arith.constant 497 : index
      %swap3A_573 = tpu.vector_load %arg10[%swap3A_571, %swap3A_572] {strides = array<i32>} : memref<16x1025xf32, #tpu.memory_space<vmem>>, vector<16xf32>,
      tpu.vector_store %arg10[%swap3A_571, %swap3A_572], %gather3A_184 {strides = array<i32>} : memref<16x1025xf32, #tpu.memory_space<vmem>>, vector<16xf32>,
      %sub3A_574 = arith.constant 16 : i32
      %sub3A_575 = arith.subi %sub3A_574, %add3A : i32
      %jit3A_576 = arith.constant -14 : i32
      %jit3A_577 = arith.constant 14 : i32
      %max3A_578 = arith.maxsi %jit3A_576, %sub3A_575 : i32
      %min3A_579 = arith.minsi %jit3A_577, %max3A_578 : i32
      %add3A_580 = arith.constant 14 : i32
      %add3A_581 = arith.addi %min3A_579, %add3A_580 : i32
      %add3A_582 = arith.constant 1 : i32
      %add3A_583 = arith.addi %add3A_581, %add3A_582 : i32
      %broadcast_in_dim3A_584 = vector.broadcast %add3A_583 : i32 to vector<16xi32>
      %gather3A_585 = tpu.vector_load_idx %arg6[%broadcast_in_dim3A_584, %broadcast_in_dim3A_183] : memref<32x64xf32, #tpu.memory_space<vmem>>[vector<16xi32>, vector<16xi32>], vector<16xf32>,
      %swap3A_586 = arith.index_cast %scan3A_180 : i32 to index
      %swap3A_587 = arith.constant 513 : index
      %swap3A_588 = tpu.vector_load %arg8[%swap3A_586, %swap3A_587] {strides = array<i32>} : memref<16x1025xf32, #tpu.memory_space<vmem>>, vector<16xf32>,
      tpu.vector_store %arg8[%swap3A_586, %swap3A_587], %gather3A_585 {strides = array<i32>} : memref<16x1025xf32, #tpu.memory_space<vmem>>, vector<16xf32>,
      %swap3A_589 = arith.index_cast %scan3A_180 : i32 to index
      %swap3A_590 = arith.constant 529 : index
      %swap3A_591 = tpu.vector_load %arg8[%swap3A_589, %swap3A_590] {strides = array<i32>} : memref<16x1025xf32, #tpu.memory_space<vmem>>, vector<16xf32>,
      tpu.vector_store %arg8[%swap3A_589, %swap3A_590], %gather3A_585 {strides = array<i32>} : memref<16x1025xf32, #tpu.memory_space<vmem>>, vector<16xf32>,
      %swap3A_592 = arith.index_cast %scan3A_180 : i32 to index
      %swap3A_593 = arith.constant 513 : index
      %swap3A_594 = tpu.vector_load %arg10[%swap3A_592, %swap3A_593] {strides = array<i32>} : memref<16x1025xf32, #tpu.memory_space<vmem>>, vector<16xf32>,
      tpu.vector_store %arg10[%swap3A_592, %swap3A_593], %gather3A {strides = array<i32>} : memref<16x1025xf32, #tpu.memory_space<vmem>>, vector<16xf32>,
      %swap3A_595 = arith.index_cast %scan3A_180 : i32 to index
      %swap3A_596 = arith.constant 529 : index
      %swap3A_597 = tpu.vector_load %arg10[%swap3A_595, %swap3A_596] {strides = array<i32>} : memref<16x1025xf32, #tpu.memory_space<vmem>>, vector<16xf32>,
      tpu.vector_store %arg10[%swap3A_595, %swap3A_596], %gather3A_184 {strides = array<i32>} : memref<16x1025xf32, #tpu.memory_space<vmem>>, vector<16xf32>,
      %sub3A_598 = arith.constant 17 : i32
      %sub3A_599 = arith.subi %sub3A_598, %add3A : i32
      %jit3A_600 = arith.constant -14 : i32
      %jit3A_601 = arith.constant 14 : i32
      %max3A_602 = arith.maxsi %jit3A_600, %sub3A_599 : i32
      %min3A_603 = arith.minsi %jit3A_601, %max3A_602 : i32
      %add3A_604 = arith.constant 14 : i32
      %add3A_605 = arith.addi %min3A_603, %add3A_604 : i32
      %add3A_606 = arith.constant 1 : i32
      %add3A_607 = arith.addi %add3A_605, %add3A_606 : i32
      %broadcast_in_dim3A_608 = vector.broadcast %add3A_607 : i32 to vector<16xi32>
      %gather3A_609 = tpu.vector_load_idx %arg6[%broadcast_in_dim3A_608, %broadcast_in_dim3A_183] : memref<32x64xf32, #tpu.memory_space<vmem>>[vector<16xi32>, vector<16xi32>], vector<16xf32>,
      %swap3A_610 = arith.index_cast %scan3A_180 : i32 to index
      %swap3A_611 = arith.constant 545 : index
      %swap3A_612 = tpu.vector_load %arg8[%swap3A_610, %swap3A_611] {strides = array<i32>} : memref<16x1025xf32, #tpu.memory_space<vmem>>, vector<16xf32>,
      tpu.vector_store %arg8[%swap3A_610, %swap3A_611], %gather3A_609 {strides = array<i32>} : memref<16x1025xf32, #tpu.memory_space<vmem>>, vector<16xf32>,
      %swap3A_613 = arith.index_cast %scan3A_180 : i32 to index
      %swap3A_614 = arith.constant 561 : index
      %swap3A_615 = tpu.vector_load %arg8[%swap3A_613, %swap3A_614] {strides = array<i32>} : memref<16x1025xf32, #tpu.memory_space<vmem>>, vector<16xf32>,
      tpu.vector_store %arg8[%swap3A_613, %swap3A_614], %gather3A_609 {strides = array<i32>} : memref<16x1025xf32, #tpu.memory_space<vmem>>, vector<16xf32>,
      %swap3A_616 = arith.index_cast %scan3A_180 : i32 to index
      %swap3A_617 = arith.constant 545 : index
      %swap3A_618 = tpu.vector_load %arg10[%swap3A_616, %swap3A_617] {strides = array<i32>} : memref<16x1025xf32, #tpu.memory_space<vmem>>, vector<16xf32>,
      tpu.vector_store %arg10[%swap3A_616, %swap3A_617], %gather3A {strides = array<i32>} : memref<16x1025xf32, #tpu.memory_space<vmem>>, vector<16xf32>,
      %swap3A_619 = arith.index_cast %scan3A_180 : i32 to index
      %swap3A_620 = arith.constant 561 : index
      %swap3A_621 = tpu.vector_load %arg10[%swap3A_619, %swap3A_620] {strides = array<i32>} : memref<16x1025xf32, #tpu.memory_space<vmem>>, vector<16xf32>,
      tpu.vector_store %arg10[%swap3A_619, %swap3A_620], %gather3A_184 {strides = array<i32>} : memref<16x1025xf32, #tpu.memory_space<vmem>>, vector<16xf32>,
      %sub3A_622 = arith.constant 18 : i32
      %sub3A_623 = arith.subi %sub3A_622, %add3A : i32
      %jit3A_624 = arith.constant -14 : i32
      %jit3A_625 = arith.constant 14 : i32
      %max3A_626 = arith.maxsi %jit3A_624, %sub3A_623 : i32
      %min3A_627 = arith.minsi %jit3A_625, %max3A_626 : i32
      %add3A_628 = arith.constant 14 : i32
      %add3A_629 = arith.addi %min3A_627, %add3A_628 : i32
      %add3A_630 = arith.constant 1 : i32
      %add3A_631 = arith.addi %add3A_629, %add3A_630 : i32
      %broadcast_in_dim3A_632 = vector.broadcast %add3A_631 : i32 to vector<16xi32>
      %gather3A_633 = tpu.vector_load_idx %arg6[%broadcast_in_dim3A_632, %broadcast_in_dim3A_183] : memref<32x64xf32, #tpu.memory_space<vmem>>[vector<16xi32>, vector<16xi32>], vector<16xf32>,
      %swap3A_634 = arith.index_cast %scan3A_180 : i32 to index
      %swap3A_635 = arith.constant 577 : index
      %swap3A_636 = tpu.vector_load %arg8[%swap3A_634, %swap3A_635] {strides = array<i32>} : memref<16x1025xf32, #tpu.memory_space<vmem>>, vector<16xf32>,
      tpu.vector_store %arg8[%swap3A_634, %swap3A_635], %gather3A_633 {strides = array<i32>} : memref<16x1025xf32, #tpu.memory_space<vmem>>, vector<16xf32>,
      %swap3A_637 = arith.index_cast %scan3A_180 : i32 to index
      %swap3A_638 = arith.constant 593 : index
      %swap3A_639 = tpu.vector_load %arg8[%swap3A_637, %swap3A_638] {strides = array<i32>} : memref<16x1025xf32, #tpu.memory_space<vmem>>, vector<16xf32>,
      tpu.vector_store %arg8[%swap3A_637, %swap3A_638], %gather3A_633 {strides = array<i32>} : memref<16x1025xf32, #tpu.memory_space<vmem>>, vector<16xf32>,
      %swap3A_640 = arith.index_cast %scan3A_180 : i32 to index
      %swap3A_641 = arith.constant 577 : index
      %swap3A_642 = tpu.vector_load %arg10[%swap3A_640, %swap3A_641] {strides = array<i32>} : memref<16x1025xf32, #tpu.memory_space<vmem>>, vector<16xf32>,
      tpu.vector_store %arg10[%swap3A_640, %swap3A_641], %gather3A {strides = array<i32>} : memref<16x1025xf32, #tpu.memory_space<vmem>>, vector<16xf32>,
      %swap3A_643 = arith.index_cast %scan3A_180 : i32 to index
      %swap3A_644 = arith.constant 593 : index
      %swap3A_645 = tpu.vector_load %arg10[%swap3A_643, %swap3A_644] {strides = array<i32>} : memref<16x1025xf32, #tpu.memory_space<vmem>>, vector<16xf32>,
      tpu.vector_store %arg10[%swap3A_643, %swap3A_644], %gather3A_184 {strides = array<i32>} : memref<16x1025xf32, #tpu.memory_space<vmem>>, vector<16xf32>,
      %sub3A_646 = arith.constant 19 : i32
      %sub3A_647 = arith.subi %sub3A_646, %add3A : i32
      %jit3A_648 = arith.constant -14 : i32
      %jit3A_649 = arith.constant 14 : i32
      %max3A_650 = arith.maxsi %jit3A_648, %sub3A_647 : i32
      %min3A_651 = arith.minsi %jit3A_649, %max3A_650 : i32
      %add3A_652 = arith.constant 14 : i32
      %add3A_653 = arith.addi %min3A_651, %add3A_652 : i32
      %add3A_654 = arith.constant 1 : i32
      %add3A_655 = arith.addi %add3A_653, %add3A_654 : i32
      %broadcast_in_dim3A_656 = vector.broadcast %add3A_655 : i32 to vector<16xi32>
      %gather3A_657 = tpu.vector_load_idx %arg6[%broadcast_in_dim3A_656, %broadcast_in_dim3A_183] : memref<32x64xf32, #tpu.memory_space<vmem>>[vector<16xi32>, vector<16xi32>], vector<16xf32>,
      %swap3A_658 = arith.index_cast %scan3A_180 : i32 to index
      %swap3A_659 = arith.constant 609 : index
      %swap3A_660 = tpu.vector_load %arg8[%swap3A_658, %swap3A_659] {strides = array<i32>} : memref<16x1025xf32, #tpu.memory_space<vmem>>, vector<16xf32>,
      tpu.vector_store %arg8[%swap3A_658, %swap3A_659], %gather3A_657 {strides = array<i32>} : memref<16x1025xf32, #tpu.memory_space<vmem>>, vector<16xf32>,
      %swap3A_661 = arith.index_cast %scan3A_180 : i32 to index
      %swap3A_662 = arith.constant 625 : index
      %swap3A_663 = tpu.vector_load %arg8[%swap3A_661, %swap3A_662] {strides = array<i32>} : memref<16x1025xf32, #tpu.memory_space<vmem>>, vector<16xf32>,
      tpu.vector_store %arg8[%swap3A_661, %swap3A_662], %gather3A_657 {strides = array<i32>} : memref<16x1025xf32, #tpu.memory_space<vmem>>, vector<16xf32>,
      %swap3A_664 = arith.index_cast %scan3A_180 : i32 to index
      %swap3A_665 = arith.constant 609 : index
      %swap3A_666 = tpu.vector_load %arg10[%swap3A_664, %swap3A_665] {strides = array<i32>} : memref<16x1025xf32, #tpu.memory_space<vmem>>, vector<16xf32>,
      tpu.vector_store %arg10[%swap3A_664, %swap3A_665], %gather3A {strides = array<i32>} : memref<16x1025xf32, #tpu.memory_space<vmem>>, vector<16xf32>,
      %swap3A_667 = arith.index_cast %scan3A_180 : i32 to index
      %swap3A_668 = arith.constant 625 : index
      %swap3A_669 = tpu.vector_load %arg10[%swap3A_667, %swap3A_668] {strides = array<i32>} : memref<16x1025xf32, #tpu.memory_space<vmem>>, vector<16xf32>,
      tpu.vector_store %arg10[%swap3A_667, %swap3A_668], %gather3A_184 {strides = array<i32>} : memref<16x1025xf32, #tpu.memory_space<vmem>>, vector<16xf32>,
      %sub3A_670 = arith.constant 20 : i32
      %sub3A_671 = arith.subi %sub3A_670, %add3A : i32
      %jit3A_672 = arith.constant -14 : i32
      %jit3A_673 = arith.constant 14 : i32
      %max3A_674 = arith.maxsi %jit3A_672, %sub3A_671 : i32
      %min3A_675 = arith.minsi %jit3A_673, %max3A_674 : i32
      %add3A_676 = arith.constant 14 : i32
      %add3A_677 = arith.addi %min3A_675, %add3A_676 : i32
      %add3A_678 = arith.constant 1 : i32
      %add3A_679 = arith.addi %add3A_677, %add3A_678 : i32
      %broadcast_in_dim3A_680 = vector.broadcast %add3A_679 : i32 to vector<16xi32>
      %gather3A_681 = tpu.vector_load_idx %arg6[%broadcast_in_dim3A_680, %broadcast_in_dim3A_183] : memref<32x64xf32, #tpu.memory_space<vmem>>[vector<16xi32>, vector<16xi32>], vector<16xf32>,
      %swap3A_682 = arith.index_cast %scan3A_180 : i32 to index
      %swap3A_683 = arith.constant 641 : index
      %swap3A_684 = tpu.vector_load %arg8[%swap3A_682, %swap3A_683] {strides = array<i32>} : memref<16x1025xf32, #tpu.memory_space<vmem>>, vector<16xf32>,
      tpu.vector_store %arg8[%swap3A_682, %swap3A_683], %gather3A_681 {strides = array<i32>} : memref<16x1025xf32, #tpu.memory_space<vmem>>, vector<16xf32>,
      %swap3A_685 = arith.index_cast %scan3A_180 : i32 to index
      %swap3A_686 = arith.constant 657 : index
      %swap3A_687 = tpu.vector_load %arg8[%swap3A_685, %swap3A_686] {strides = array<i32>} : memref<16x1025xf32, #tpu.memory_space<vmem>>, vector<16xf32>,
      tpu.vector_store %arg8[%swap3A_685, %swap3A_686], %gather3A_681 {strides = array<i32>} : memref<16x1025xf32, #tpu.memory_space<vmem>>, vector<16xf32>,
      %swap3A_688 = arith.index_cast %scan3A_180 : i32 to index
      %swap3A_689 = arith.constant 641 : index
      %swap3A_690 = tpu.vector_load %arg10[%swap3A_688, %swap3A_689] {strides = array<i32>} : memref<16x1025xf32, #tpu.memory_space<vmem>>, vector<16xf32>,
      tpu.vector_store %arg10[%swap3A_688, %swap3A_689], %gather3A {strides = array<i32>} : memref<16x1025xf32, #tpu.memory_space<vmem>>, vector<16xf32>,
      %swap3A_691 = arith.index_cast %scan3A_180 : i32 to index
      %swap3A_692 = arith.constant 657 : index
      %swap3A_693 = tpu.vector_load %arg10[%swap3A_691, %swap3A_692] {strides = array<i32>} : memref<16x1025xf32, #tpu.memory_space<vmem>>, vector<16xf32>,
      tpu.vector_store %arg10[%swap3A_691, %swap3A_692], %gather3A_184 {strides = array<i32>} : memref<16x1025xf32, #tpu.memory_space<vmem>>, vector<16xf32>,
      %sub3A_694 = arith.constant 21 : i32
      %sub3A_695 = arith.subi %sub3A_694, %add3A : i32
      %jit3A_696 = arith.constant -14 : i32
      %jit3A_697 = arith.constant 14 : i32
      %max3A_698 = arith.maxsi %jit3A_696, %sub3A_695 : i32
      %min3A_699 = arith.minsi %jit3A_697, %max3A_698 : i32
      %add3A_700 = arith.constant 14 : i32
      %add3A_701 = arith.addi %min3A_699, %add3A_700 : i32
      %add3A_702 = arith.constant 1 : i32
      %add3A_703 = arith.addi %add3A_701, %add3A_702 : i32
      %broadcast_in_dim3A_704 = vector.broadcast %add3A_703 : i32 to vector<16xi32>
      %gather3A_705 = tpu.vector_load_idx %arg6[%broadcast_in_dim3A_704, %broadcast_in_dim3A_183] : memref<32x64xf32, #tpu.memory_space<vmem>>[vector<16xi32>, vector<16xi32>], vector<16xf32>,
      %swap3A_706 = arith.index_cast %scan3A_180 : i32 to index
      %swap3A_707 = arith.constant 673 : index
      %swap3A_708 = tpu.vector_load %arg8[%swap3A_706, %swap3A_707] {strides = array<i32>} : memref<16x1025xf32, #tpu.memory_space<vmem>>, vector<16xf32>,
      tpu.vector_store %arg8[%swap3A_706, %swap3A_707], %gather3A_705 {strides = array<i32>} : memref<16x1025xf32, #tpu.memory_space<vmem>>, vector<16xf32>,
      %swap3A_709 = arith.index_cast %scan3A_180 : i32 to index
      %swap3A_710 = arith.constant 689 : index
      %swap3A_711 = tpu.vector_load %arg8[%swap3A_709, %swap3A_710] {strides = array<i32>} : memref<16x1025xf32, #tpu.memory_space<vmem>>, vector<16xf32>,
      tpu.vector_store %arg8[%swap3A_709, %swap3A_710], %gather3A_705 {strides = array<i32>} : memref<16x1025xf32, #tpu.memory_space<vmem>>, vector<16xf32>,
      %swap3A_712 = arith.index_cast %scan3A_180 : i32 to index
      %swap3A_713 = arith.constant 673 : index
      %swap3A_714 = tpu.vector_load %arg10[%swap3A_712, %swap3A_713] {strides = array<i32>} : memref<16x1025xf32, #tpu.memory_space<vmem>>, vector<16xf32>,
      tpu.vector_store %arg10[%swap3A_712, %swap3A_713], %gather3A {strides = array<i32>} : memref<16x1025xf32, #tpu.memory_space<vmem>>, vector<16xf32>,
      %swap3A_715 = arith.index_cast %scan3A_180 : i32 to index
      %swap3A_716 = arith.constant 689 : index
      %swap3A_717 = tpu.vector_load %arg10[%swap3A_715, %swap3A_716] {strides = array<i32>} : memref<16x1025xf32, #tpu.memory_space<vmem>>, vector<16xf32>,
      tpu.vector_store %arg10[%swap3A_715, %swap3A_716], %gather3A_184 {strides = array<i32>} : memref<16x1025xf32, #tpu.memory_space<vmem>>, vector<16xf32>,
      %sub3A_718 = arith.constant 22 : i32
      %sub3A_719 = arith.subi %sub3A_718, %add3A : i32
      %jit3A_720 = arith.constant -14 : i32
      %jit3A_721 = arith.constant 14 : i32
      %max3A_722 = arith.maxsi %jit3A_720, %sub3A_719 : i32
      %min3A_723 = arith.minsi %jit3A_721, %max3A_722 : i32
      %add3A_724 = arith.constant 14 : i32
      %add3A_725 = arith.addi %min3A_723, %add3A_724 : i32
      %add3A_726 = arith.constant 1 : i32
      %add3A_727 = arith.addi %add3A_725, %add3A_726 : i32
      %broadcast_in_dim3A_728 = vector.broadcast %add3A_727 : i32 to vector<16xi32>
      %gather3A_729 = tpu.vector_load_idx %arg6[%broadcast_in_dim3A_728, %broadcast_in_dim3A_183] : memref<32x64xf32, #tpu.memory_space<vmem>>[vector<16xi32>, vector<16xi32>], vector<16xf32>,
      %swap3A_730 = arith.index_cast %scan3A_180 : i32 to index
      %swap3A_731 = arith.constant 705 : index
      %swap3A_732 = tpu.vector_load %arg8[%swap3A_730, %swap3A_731] {strides = array<i32>} : memref<16x1025xf32, #tpu.memory_space<vmem>>, vector<16xf32>,
      tpu.vector_store %arg8[%swap3A_730, %swap3A_731], %gather3A_729 {strides = array<i32>} : memref<16x1025xf32, #tpu.memory_space<vmem>>, vector<16xf32>,
      %swap3A_733 = arith.index_cast %scan3A_180 : i32 to index
      %swap3A_734 = arith.constant 721 : index
      %swap3A_735 = tpu.vector_load %arg8[%swap3A_733, %swap3A_734] {strides = array<i32>} : memref<16x1025xf32, #tpu.memory_space<vmem>>, vector<16xf32>,
      tpu.vector_store %arg8[%swap3A_733, %swap3A_734], %gather3A_729 {strides = array<i32>} : memref<16x1025xf32, #tpu.memory_space<vmem>>, vector<16xf32>,
      %swap3A_736 = arith.index_cast %scan3A_180 : i32 to index
      %swap3A_737 = arith.constant 705 : index
      %swap3A_738 = tpu.vector_load %arg10[%swap3A_736, %swap3A_737] {strides = array<i32>} : memref<16x1025xf32, #tpu.memory_space<vmem>>, vector<16xf32>,
      tpu.vector_store %arg10[%swap3A_736, %swap3A_737], %gather3A {strides = array<i32>} : memref<16x1025xf32, #tpu.memory_space<vmem>>, vector<16xf32>,
      %swap3A_739 = arith.index_cast %scan3A_180 : i32 to index
      %swap3A_740 = arith.constant 721 : index
      %swap3A_741 = tpu.vector_load %arg10[%swap3A_739, %swap3A_740] {strides = array<i32>} : memref<16x1025xf32, #tpu.memory_space<vmem>>, vector<16xf32>,
      tpu.vector_store %arg10[%swap3A_739, %swap3A_740], %gather3A_184 {strides = array<i32>} : memref<16x1025xf32, #tpu.memory_space<vmem>>, vector<16xf32>,
      %sub3A_742 = arith.constant 23 : i32
      %sub3A_743 = arith.subi %sub3A_742, %add3A : i32
      %jit3A_744 = arith.constant -14 : i32
      %jit3A_745 = arith.constant 14 : i32
      %max3A_746 = arith.maxsi %jit3A_744, %sub3A_743 : i32
      %min3A_747 = arith.minsi %jit3A_745, %max3A_746 : i32
      %add3A_748 = arith.constant 14 : i32
      %add3A_749 = arith.addi %min3A_747, %add3A_748 : i32
      %add3A_750 = arith.constant 1 : i32
      %add3A_751 = arith.addi %add3A_749, %add3A_750 : i32
      %broadcast_in_dim3A_752 = vector.broadcast %add3A_751 : i32 to vector<16xi32>
      %gather3A_753 = tpu.vector_load_idx %arg6[%broadcast_in_dim3A_752, %broadcast_in_dim3A_183] : memref<32x64xf32, #tpu.memory_space<vmem>>[vector<16xi32>, vector<16xi32>], vector<16xf32>,
      %swap3A_754 = arith.index_cast %scan3A_180 : i32 to index
      %swap3A_755 = arith.constant 737 : index
      %swap3A_756 = tpu.vector_load %arg8[%swap3A_754, %swap3A_755] {strides = array<i32>} : memref<16x1025xf32, #tpu.memory_space<vmem>>, vector<16xf32>,
      tpu.vector_store %arg8[%swap3A_754, %swap3A_755], %gather3A_753 {strides = array<i32>} : memref<16x1025xf32, #tpu.memory_space<vmem>>, vector<16xf32>,
      %swap3A_757 = arith.index_cast %scan3A_180 : i32 to index
      %swap3A_758 = arith.constant 753 : index
      %swap3A_759 = tpu.vector_load %arg8[%swap3A_757, %swap3A_758] {strides = array<i32>} : memref<16x1025xf32, #tpu.memory_space<vmem>>, vector<16xf32>,
      tpu.vector_store %arg8[%swap3A_757, %swap3A_758], %gather3A_753 {strides = array<i32>} : memref<16x1025xf32, #tpu.memory_space<vmem>>, vector<16xf32>,
      %swap3A_760 = arith.index_cast %scan3A_180 : i32 to index
      %swap3A_761 = arith.constant 737 : index
      %swap3A_762 = tpu.vector_load %arg10[%swap3A_760, %swap3A_761] {strides = array<i32>} : memref<16x1025xf32, #tpu.memory_space<vmem>>, vector<16xf32>,
      tpu.vector_store %arg10[%swap3A_760, %swap3A_761], %gather3A {strides = array<i32>} : memref<16x1025xf32, #tpu.memory_space<vmem>>, vector<16xf32>,
      %swap3A_763 = arith.index_cast %scan3A_180 : i32 to index
      %swap3A_764 = arith.constant 753 : index
      %swap3A_765 = tpu.vector_load %arg10[%swap3A_763, %swap3A_764] {strides = array<i32>} : memref<16x1025xf32, #tpu.memory_space<vmem>>, vector<16xf32>,
      tpu.vector_store %arg10[%swap3A_763, %swap3A_764], %gather3A_184 {strides = array<i32>} : memref<16x1025xf32, #tpu.memory_space<vmem>>, vector<16xf32>,
      %sub3A_766 = arith.constant 24 : i32
      %sub3A_767 = arith.subi %sub3A_766, %add3A : i32
      %jit3A_768 = arith.constant -14 : i32
      %jit3A_769 = arith.constant 14 : i32
      %max3A_770 = arith.maxsi %jit3A_768, %sub3A_767 : i32
      %min3A_771 = arith.minsi %jit3A_769, %max3A_770 : i32
      %add3A_772 = arith.constant 14 : i32
      %add3A_773 = arith.addi %min3A_771, %add3A_772 : i32
      %add3A_774 = arith.constant 1 : i32
      %add3A_775 = arith.addi %add3A_773, %add3A_774 : i32
      %broadcast_in_dim3A_776 = vector.broadcast %add3A_775 : i32 to vector<16xi32>
      %gather3A_777 = tpu.vector_load_idx %arg6[%broadcast_in_dim3A_776, %broadcast_in_dim3A_183] : memref<32x64xf32, #tpu.memory_space<vmem>>[vector<16xi32>, vector<16xi32>], vector<16xf32>,
      %swap3A_778 = arith.index_cast %scan3A_180 : i32 to index
      %swap3A_779 = arith.constant 769 : index
      %swap3A_780 = tpu.vector_load %arg8[%swap3A_778, %swap3A_779] {strides = array<i32>} : memref<16x1025xf32, #tpu.memory_space<vmem>>, vector<16xf32>,
      tpu.vector_store %arg8[%swap3A_778, %swap3A_779], %gather3A_777 {strides = array<i32>} : memref<16x1025xf32, #tpu.memory_space<vmem>>, vector<16xf32>,
      %swap3A_781 = arith.index_cast %scan3A_180 : i32 to index
      %swap3A_782 = arith.constant 785 : index
      %swap3A_783 = tpu.vector_load %arg8[%swap3A_781, %swap3A_782] {strides = array<i32>} : memref<16x1025xf32, #tpu.memory_space<vmem>>, vector<16xf32>,
      tpu.vector_store %arg8[%swap3A_781, %swap3A_782], %gather3A_777 {strides = array<i32>} : memref<16x1025xf32, #tpu.memory_space<vmem>>, vector<16xf32>,
      %swap3A_784 = arith.index_cast %scan3A_180 : i32 to index
      %swap3A_785 = arith.constant 769 : index
      %swap3A_786 = tpu.vector_load %arg10[%swap3A_784, %swap3A_785] {strides = array<i32>} : memref<16x1025xf32, #tpu.memory_space<vmem>>, vector<16xf32>,
      tpu.vector_store %arg10[%swap3A_784, %swap3A_785], %gather3A {strides = array<i32>} : memref<16x1025xf32, #tpu.memory_space<vmem>>, vector<16xf32>,
      %swap3A_787 = arith.index_cast %scan3A_180 : i32 to index
      %swap3A_788 = arith.constant 785 : index
      %swap3A_789 = tpu.vector_load %arg10[%swap3A_787, %swap3A_788] {strides = array<i32>} : memref<16x1025xf32, #tpu.memory_space<vmem>>, vector<16xf32>,
      tpu.vector_store %arg10[%swap3A_787, %swap3A_788], %gather3A_184 {strides = array<i32>} : memref<16x1025xf32, #tpu.memory_space<vmem>>, vector<16xf32>,
      %sub3A_790 = arith.constant 25 : i32
      %sub3A_791 = arith.subi %sub3A_790, %add3A : i32
      %jit3A_792 = arith.constant -14 : i32
      %jit3A_793 = arith.constant 14 : i32
      %max3A_794 = arith.maxsi %jit3A_792, %sub3A_791 : i32
      %min3A_795 = arith.minsi %jit3A_793, %max3A_794 : i32
      %add3A_796 = arith.constant 14 : i32
      %add3A_797 = arith.addi %min3A_795, %add3A_796 : i32
      %add3A_798 = arith.constant 1 : i32
      %add3A_799 = arith.addi %add3A_797, %add3A_798 : i32
      %broadcast_in_dim3A_800 = vector.broadcast %add3A_799 : i32 to vector<16xi32>
      %gather3A_801 = tpu.vector_load_idx %arg6[%broadcast_in_dim3A_800, %broadcast_in_dim3A_183] : memref<32x64xf32, #tpu.memory_space<vmem>>[vector<16xi32>, vector<16xi32>], vector<16xf32>,
      %swap3A_802 = arith.index_cast %scan3A_180 : i32 to index
      %swap3A_803 = arith.constant 801 : index
      %swap3A_804 = tpu.vector_load %arg8[%swap3A_802, %swap3A_803] {strides = array<i32>} : memref<16x1025xf32, #tpu.memory_space<vmem>>, vector<16xf32>,
      tpu.vector_store %arg8[%swap3A_802, %swap3A_803], %gather3A_801 {strides = array<i32>} : memref<16x1025xf32, #tpu.memory_space<vmem>>, vector<16xf32>,
      %swap3A_805 = arith.index_cast %scan3A_180 : i32 to index
      %swap3A_806 = arith.constant 817 : index
      %swap3A_807 = tpu.vector_load %arg8[%swap3A_805, %swap3A_806] {strides = array<i32>} : memref<16x1025xf32, #tpu.memory_space<vmem>>, vector<16xf32>,
      tpu.vector_store %arg8[%swap3A_805, %swap3A_806], %gather3A_801 {strides = array<i32>} : memref<16x1025xf32, #tpu.memory_space<vmem>>, vector<16xf32>,
      %swap3A_808 = arith.index_cast %scan3A_180 : i32 to index
      %swap3A_809 = arith.constant 801 : index
      %swap3A_810 = tpu.vector_load %arg10[%swap3A_808, %swap3A_809] {strides = array<i32>} : memref<16x1025xf32, #tpu.memory_space<vmem>>, vector<16xf32>,
      tpu.vector_store %arg10[%swap3A_808, %swap3A_809], %gather3A {strides = array<i32>} : memref<16x1025xf32, #tpu.memory_space<vmem>>, vector<16xf32>,
      %swap3A_811 = arith.index_cast %scan3A_180 : i32 to index
      %swap3A_812 = arith.constant 817 : index
      %swap3A_813 = tpu.vector_load %arg10[%swap3A_811, %swap3A_812] {strides = array<i32>} : memref<16x1025xf32, #tpu.memory_space<vmem>>, vector<16xf32>,
      tpu.vector_store %arg10[%swap3A_811, %swap3A_812], %gather3A_184 {strides = array<i32>} : memref<16x1025xf32, #tpu.memory_space<vmem>>, vector<16xf32>,
      %sub3A_814 = arith.constant 26 : i32
      %sub3A_815 = arith.subi %sub3A_814, %add3A : i32
      %jit3A_816 = arith.constant -14 : i32
      %jit3A_817 = arith.constant 14 : i32
      %max3A_818 = arith.maxsi %jit3A_816, %sub3A_815 : i32
      %min3A_819 = arith.minsi %jit3A_817, %max3A_818 : i32
      %add3A_820 = arith.constant 14 : i32
      %add3A_821 = arith.addi %min3A_819, %add3A_820 : i32
      %add3A_822 = arith.constant 1 : i32
      %add3A_823 = arith.addi %add3A_821, %add3A_822 : i32
      %broadcast_in_dim3A_824 = vector.broadcast %add3A_823 : i32 to vector<16xi32>
      %gather3A_825 = tpu.vector_load_idx %arg6[%broadcast_in_dim3A_824, %broadcast_in_dim3A_183] : memref<32x64xf32, #tpu.memory_space<vmem>>[vector<16xi32>, vector<16xi32>], vector<16xf32>,
      %swap3A_826 = arith.index_cast %scan3A_180 : i32 to index
      %swap3A_827 = arith.constant 833 : index
      %swap3A_828 = tpu.vector_load %arg8[%swap3A_826, %swap3A_827] {strides = array<i32>} : memref<16x1025xf32, #tpu.memory_space<vmem>>, vector<16xf32>,
      tpu.vector_store %arg8[%swap3A_826, %swap3A_827], %gather3A_825 {strides = array<i32>} : memref<16x1025xf32, #tpu.memory_space<vmem>>, vector<16xf32>,
      %swap3A_829 = arith.index_cast %scan3A_180 : i32 to index
      %swap3A_830 = arith.constant 849 : index
      %swap3A_831 = tpu.vector_load %arg8[%swap3A_829, %swap3A_830] {strides = array<i32>} : memref<16x1025xf32, #tpu.memory_space<vmem>>, vector<16xf32>,
      tpu.vector_store %arg8[%swap3A_829, %swap3A_830], %gather3A_825 {strides = array<i32>} : memref<16x1025xf32, #tpu.memory_space<vmem>>, vector<16xf32>,
      %swap3A_832 = arith.index_cast %scan3A_180 : i32 to index
      %swap3A_833 = arith.constant 833 : index
      %swap3A_834 = tpu.vector_load %arg10[%swap3A_832, %swap3A_833] {strides = array<i32>} : memref<16x1025xf32, #tpu.memory_space<vmem>>, vector<16xf32>,
      tpu.vector_store %arg10[%swap3A_832, %swap3A_833], %gather3A {strides = array<i32>} : memref<16x1025xf32, #tpu.memory_space<vmem>>, vector<16xf32>,
      %swap3A_835 = arith.index_cast %scan3A_180 : i32 to index
      %swap3A_836 = arith.constant 849 : index
      %swap3A_837 = tpu.vector_load %arg10[%swap3A_835, %swap3A_836] {strides = array<i32>} : memref<16x1025xf32, #tpu.memory_space<vmem>>, vector<16xf32>,
      tpu.vector_store %arg10[%swap3A_835, %swap3A_836], %gather3A_184 {strides = array<i32>} : memref<16x1025xf32, #tpu.memory_space<vmem>>, vector<16xf32>,
      %sub3A_838 = arith.constant 27 : i32
      %sub3A_839 = arith.subi %sub3A_838, %add3A : i32
      %jit3A_840 = arith.constant -14 : i32
      %jit3A_841 = arith.constant 14 : i32
      %max3A_842 = arith.maxsi %jit3A_840, %sub3A_839 : i32
      %min3A_843 = arith.minsi %jit3A_841, %max3A_842 : i32
      %add3A_844 = arith.constant 14 : i32
      %add3A_845 = arith.addi %min3A_843, %add3A_844 : i32
      %add3A_846 = arith.constant 1 : i32
      %add3A_847 = arith.addi %add3A_845, %add3A_846 : i32
      %broadcast_in_dim3A_848 = vector.broadcast %add3A_847 : i32 to vector<16xi32>
      %gather3A_849 = tpu.vector_load_idx %arg6[%broadcast_in_dim3A_848, %broadcast_in_dim3A_183] : memref<32x64xf32, #tpu.memory_space<vmem>>[vector<16xi32>, vector<16xi32>], vector<16xf32>,
      %swap3A_850 = arith.index_cast %scan3A_180 : i32 to index
      %swap3A_851 = arith.constant 865 : index
      %swap3A_852 = tpu.vector_load %arg8[%swap3A_850, %swap3A_851] {strides = array<i32>} : memref<16x1025xf32, #tpu.memory_space<vmem>>, vector<16xf32>,
      tpu.vector_store %arg8[%swap3A_850, %swap3A_851], %gather3A_849 {strides = array<i32>} : memref<16x1025xf32, #tpu.memory_space<vmem>>, vector<16xf32>,
      %swap3A_853 = arith.index_cast %scan3A_180 : i32 to index
      %swap3A_854 = arith.constant 881 : index
      %swap3A_855 = tpu.vector_load %arg8[%swap3A_853, %swap3A_854] {strides = array<i32>} : memref<16x1025xf32, #tpu.memory_space<vmem>>, vector<16xf32>,
      tpu.vector_store %arg8[%swap3A_853, %swap3A_854], %gather3A_849 {strides = array<i32>} : memref<16x1025xf32, #tpu.memory_space<vmem>>, vector<16xf32>,
      %swap3A_856 = arith.index_cast %scan3A_180 : i32 to index
      %swap3A_857 = arith.constant 865 : index
      %swap3A_858 = tpu.vector_load %arg10[%swap3A_856, %swap3A_857] {strides = array<i32>} : memref<16x1025xf32, #tpu.memory_space<vmem>>, vector<16xf32>,
      tpu.vector_store %arg10[%swap3A_856, %swap3A_857], %gather3A {strides = array<i32>} : memref<16x1025xf32, #tpu.memory_space<vmem>>, vector<16xf32>,
      %swap3A_859 = arith.index_cast %scan3A_180 : i32 to index
      %swap3A_860 = arith.constant 881 : index
      %swap3A_861 = tpu.vector_load %arg10[%swap3A_859, %swap3A_860] {strides = array<i32>} : memref<16x1025xf32, #tpu.memory_space<vmem>>, vector<16xf32>,
      tpu.vector_store %arg10[%swap3A_859, %swap3A_860], %gather3A_184 {strides = array<i32>} : memref<16x1025xf32, #tpu.memory_space<vmem>>, vector<16xf32>,
      %sub3A_862 = arith.constant 28 : i32
      %sub3A_863 = arith.subi %sub3A_862, %add3A : i32
      %jit3A_864 = arith.constant -14 : i32
      %jit3A_865 = arith.constant 14 : i32
      %max3A_866 = arith.maxsi %jit3A_864, %sub3A_863 : i32
      %min3A_867 = arith.minsi %jit3A_865, %max3A_866 : i32
      %add3A_868 = arith.constant 14 : i32
      %add3A_869 = arith.addi %min3A_867, %add3A_868 : i32
      %add3A_870 = arith.constant 1 : i32
      %add3A_871 = arith.addi %add3A_869, %add3A_870 : i32
      %broadcast_in_dim3A_872 = vector.broadcast %add3A_871 : i32 to vector<16xi32>
      %gather3A_873 = tpu.vector_load_idx %arg6[%broadcast_in_dim3A_872, %broadcast_in_dim3A_183] : memref<32x64xf32, #tpu.memory_space<vmem>>[vector<16xi32>, vector<16xi32>], vector<16xf32>,
      %swap3A_874 = arith.index_cast %scan3A_180 : i32 to index
      %swap3A_875 = arith.constant 897 : index
      %swap3A_876 = tpu.vector_load %arg8[%swap3A_874, %swap3A_875] {strides = array<i32>} : memref<16x1025xf32, #tpu.memory_space<vmem>>, vector<16xf32>,
      tpu.vector_store %arg8[%swap3A_874, %swap3A_875], %gather3A_873 {strides = array<i32>} : memref<16x1025xf32, #tpu.memory_space<vmem>>, vector<16xf32>,
      %swap3A_877 = arith.index_cast %scan3A_180 : i32 to index
      %swap3A_878 = arith.constant 913 : index
      %swap3A_879 = tpu.vector_load %arg8[%swap3A_877, %swap3A_878] {strides = array<i32>} : memref<16x1025xf32, #tpu.memory_space<vmem>>, vector<16xf32>,
      tpu.vector_store %arg8[%swap3A_877, %swap3A_878], %gather3A_873 {strides = array<i32>} : memref<16x1025xf32, #tpu.memory_space<vmem>>, vector<16xf32>,
      %swap3A_880 = arith.index_cast %scan3A_180 : i32 to index
      %swap3A_881 = arith.constant 897 : index
      %swap3A_882 = tpu.vector_load %arg10[%swap3A_880, %swap3A_881] {strides = array<i32>} : memref<16x1025xf32, #tpu.memory_space<vmem>>, vector<16xf32>,
      tpu.vector_store %arg10[%swap3A_880, %swap3A_881], %gather3A {strides = array<i32>} : memref<16x1025xf32, #tpu.memory_space<vmem>>, vector<16xf32>,
      %swap3A_883 = arith.index_cast %scan3A_180 : i32 to index
      %swap3A_884 = arith.constant 913 : index
      %swap3A_885 = tpu.vector_load %arg10[%swap3A_883, %swap3A_884] {strides = array<i32>} : memref<16x1025xf32, #tpu.memory_space<vmem>>, vector<16xf32>,
      tpu.vector_store %arg10[%swap3A_883, %swap3A_884], %gather3A_184 {strides = array<i32>} : memref<16x1025xf32, #tpu.memory_space<vmem>>, vector<16xf32>,
      %sub3A_886 = arith.constant 29 : i32
      %sub3A_887 = arith.subi %sub3A_886, %add3A : i32
      %jit3A_888 = arith.constant -14 : i32
      %jit3A_889 = arith.constant 14 : i32
      %max3A_890 = arith.maxsi %jit3A_888, %sub3A_887 : i32
      %min3A_891 = arith.minsi %jit3A_889, %max3A_890 : i32
      %add3A_892 = arith.constant 14 : i32
      %add3A_893 = arith.addi %min3A_891, %add3A_892 : i32
      %add3A_894 = arith.constant 1 : i32
      %add3A_895 = arith.addi %add3A_893, %add3A_894 : i32
      %broadcast_in_dim3A_896 = vector.broadcast %add3A_895 : i32 to vector<16xi32>
      %gather3A_897 = tpu.vector_load_idx %arg6[%broadcast_in_dim3A_896, %broadcast_in_dim3A_183] : memref<32x64xf32, #tpu.memory_space<vmem>>[vector<16xi32>, vector<16xi32>], vector<16xf32>,
      %swap3A_898 = arith.index_cast %scan3A_180 : i32 to index
      %swap3A_899 = arith.constant 929 : index
      %swap3A_900 = tpu.vector_load %arg8[%swap3A_898, %swap3A_899] {strides = array<i32>} : memref<16x1025xf32, #tpu.memory_space<vmem>>, vector<16xf32>,
      tpu.vector_store %arg8[%swap3A_898, %swap3A_899], %gather3A_897 {strides = array<i32>} : memref<16x1025xf32, #tpu.memory_space<vmem>>, vector<16xf32>,
      %swap3A_901 = arith.index_cast %scan3A_180 : i32 to index
      %swap3A_902 = arith.constant 945 : index
      %swap3A_903 = tpu.vector_load %arg8[%swap3A_901, %swap3A_902] {strides = array<i32>} : memref<16x1025xf32, #tpu.memory_space<vmem>>, vector<16xf32>,
      tpu.vector_store %arg8[%swap3A_901, %swap3A_902], %gather3A_897 {strides = array<i32>} : memref<16x1025xf32, #tpu.memory_space<vmem>>, vector<16xf32>,
      %swap3A_904 = arith.index_cast %scan3A_180 : i32 to index
      %swap3A_905 = arith.constant 929 : index
      %swap3A_906 = tpu.vector_load %arg10[%swap3A_904, %swap3A_905] {strides = array<i32>} : memref<16x1025xf32, #tpu.memory_space<vmem>>, vector<16xf32>,
      tpu.vector_store %arg10[%swap3A_904, %swap3A_905], %gather3A {strides = array<i32>} : memref<16x1025xf32, #tpu.memory_space<vmem>>, vector<16xf32>,
      %swap3A_907 = arith.index_cast %scan3A_180 : i32 to index
      %swap3A_908 = arith.constant 945 : index
      %swap3A_909 = tpu.vector_load %arg10[%swap3A_907, %swap3A_908] {strides = array<i32>} : memref<16x1025xf32, #tpu.memory_space<vmem>>, vector<16xf32>,
      tpu.vector_store %arg10[%swap3A_907, %swap3A_908], %gather3A_184 {strides = array<i32>} : memref<16x1025xf32, #tpu.memory_space<vmem>>, vector<16xf32>,
      %sub3A_910 = arith.constant 30 : i32
      %sub3A_911 = arith.subi %sub3A_910, %add3A : i32
      %jit3A_912 = arith.constant -14 : i32
      %jit3A_913 = arith.constant 14 : i32
      %max3A_914 = arith.maxsi %jit3A_912, %sub3A_911 : i32
      %min3A_915 = arith.minsi %jit3A_913, %max3A_914 : i32
      %add3A_916 = arith.constant 14 : i32
      %add3A_917 = arith.addi %min3A_915, %add3A_916 : i32
      %add3A_918 = arith.constant 1 : i32
      %add3A_919 = arith.addi %add3A_917, %add3A_918 : i32
      %broadcast_in_dim3A_920 = vector.broadcast %add3A_919 : i32 to vector<16xi32>
      %gather3A_921 = tpu.vector_load_idx %arg6[%broadcast_in_dim3A_920, %broadcast_in_dim3A_183] : memref<32x64xf32, #tpu.memory_space<vmem>>[vector<16xi32>, vector<16xi32>], vector<16xf32>,
      %swap3A_922 = arith.index_cast %scan3A_180 : i32 to index
      %swap3A_923 = arith.constant 961 : index
      %swap3A_924 = tpu.vector_load %arg8[%swap3A_922, %swap3A_923] {strides = array<i32>} : memref<16x1025xf32, #tpu.memory_space<vmem>>, vector<16xf32>,
      tpu.vector_store %arg8[%swap3A_922, %swap3A_923], %gather3A_921 {strides = array<i32>} : memref<16x1025xf32, #tpu.memory_space<vmem>>, vector<16xf32>,
      %swap3A_925 = arith.index_cast %scan3A_180 : i32 to index
      %swap3A_926 = arith.constant 977 : index
      %swap3A_927 = tpu.vector_load %arg8[%swap3A_925, %swap3A_926] {strides = array<i32>} : memref<16x1025xf32, #tpu.memory_space<vmem>>, vector<16xf32>,
      tpu.vector_store %arg8[%swap3A_925, %swap3A_926], %gather3A_921 {strides = array<i32>} : memref<16x1025xf32, #tpu.memory_space<vmem>>, vector<16xf32>,
      %swap3A_928 = arith.index_cast %scan3A_180 : i32 to index
      %swap3A_929 = arith.constant 961 : index
      %swap3A_930 = tpu.vector_load %arg10[%swap3A_928, %swap3A_929] {strides = array<i32>} : memref<16x1025xf32, #tpu.memory_space<vmem>>, vector<16xf32>,
      tpu.vector_store %arg10[%swap3A_928, %swap3A_929], %gather3A {strides = array<i32>} : memref<16x1025xf32, #tpu.memory_space<vmem>>, vector<16xf32>,
      %swap3A_931 = arith.index_cast %scan3A_180 : i32 to index
      %swap3A_932 = arith.constant 977 : index
      %swap3A_933 = tpu.vector_load %arg10[%swap3A_931, %swap3A_932] {strides = array<i32>} : memref<16x1025xf32, #tpu.memory_space<vmem>>, vector<16xf32>,
      tpu.vector_store %arg10[%swap3A_931, %swap3A_932], %gather3A_184 {strides = array<i32>} : memref<16x1025xf32, #tpu.memory_space<vmem>>, vector<16xf32>,
      %sub3A_934 = arith.constant 31 : i32
      %sub3A_935 = arith.subi %sub3A_934, %add3A : i32
      %jit3A_936 = arith.constant -14 : i32
      %jit3A_937 = arith.constant 14 : i32
      %max3A_938 = arith.maxsi %jit3A_936, %sub3A_935 : i32
      %min3A_939 = arith.minsi %jit3A_937, %max3A_938 : i32
      %add3A_940 = arith.constant 14 : i32
      %add3A_941 = arith.addi %min3A_939, %add3A_940 : i32
      %add3A_942 = arith.constant 1 : i32
      %add3A_943 = arith.addi %add3A_941, %add3A_942 : i32
      %broadcast_in_dim3A_944 = vector.broadcast %add3A_943 : i32 to vector<16xi32>
      %gather3A_945 = tpu.vector_load_idx %arg6[%broadcast_in_dim3A_944, %broadcast_in_dim3A_183] : memref<32x64xf32, #tpu.memory_space<vmem>>[vector<16xi32>, vector<16xi32>], vector<16xf32>,
      %swap3A_946 = arith.index_cast %scan3A_180 : i32 to index
      %swap3A_947 = arith.constant 993 : index
      %swap3A_948 = tpu.vector_load %arg8[%swap3A_946, %swap3A_947] {strides = array<i32>} : memref<16x1025xf32, #tpu.memory_space<vmem>>, vector<16xf32>,
      tpu.vector_store %arg8[%swap3A_946, %swap3A_947], %gather3A_945 {strides = array<i32>} : memref<16x1025xf32, #tpu.memory_space<vmem>>, vector<16xf32>,
      %swap3A_949 = arith.index_cast %scan3A_180 : i32 to index
      %swap3A_950 = arith.constant 1009 : index
      %swap3A_951 = tpu.vector_load %arg8[%swap3A_949, %swap3A_950] {strides = array<i32>} : memref<16x1025xf32, #tpu.memory_space<vmem>>, vector<16xf32>,
      tpu.vector_store %arg8[%swap3A_949, %swap3A_950], %gather3A_945 {strides = array<i32>} : memref<16x1025xf32, #tpu.memory_space<vmem>>, vector<16xf32>,
      %swap3A_952 = arith.index_cast %scan3A_180 : i32 to index
      %swap3A_953 = arith.constant 993 : index
      %swap3A_954 = tpu.vector_load %arg10[%swap3A_952, %swap3A_953] {strides = array<i32>} : memref<16x1025xf32, #tpu.memory_space<vmem>>, vector<16xf32>,
      tpu.vector_store %arg10[%swap3A_952, %swap3A_953], %gather3A {strides = array<i32>} : memref<16x1025xf32, #tpu.memory_space<vmem>>, vector<16xf32>,
      %swap3A_955 = arith.index_cast %scan3A_180 : i32 to index
      %swap3A_956 = arith.constant 1009 : index
      %swap3A_957 = tpu.vector_load %arg10[%swap3A_955, %swap3A_956] {strides = array<i32>} : memref<16x1025xf32, #tpu.memory_space<vmem>>, vector<16xf32>,
      tpu.vector_store %arg10[%swap3A_955, %swap3A_956], %gather3A_184 {strides = array<i32>} : memref<16x1025xf32, #tpu.memory_space<vmem>>, vector<16xf32>,
    }
    %scan3A_93 = arith.constant 16 : i32
    %dma_start3A_94 = arith.constant 32 : i32
    %dma_start3A_95 = arith.constant 0 : i32
    %dma_start3A_96 = tpu.memref_slice %arg4[%add3A, %dma_start3A_94, %dma_start3A_95] : memref<32x64x1025xf32, #tpu.memory_space<hbm>> -> memref<1x16x1025xf32, #tpu.memory_space<hbm>>
    %dma_start3A_97 = tpu.memref_squeeze %dma_start3A_96 : memref<1x16x1025xf32, #tpu.memory_space<hbm>> -> memref<16x1025xf32, #tpu.memory_space<hbm>>
    %dma_start3A_98 = arith.constant 32 : i32
    %dma_start3A_99 = arith.constant 0 : i32
    %dma_start3A_100 = tpu.memref_slice %arg4[%add3A, %dma_start3A_98, %dma_start3A_99] : memref<32x64x1025xf32, #tpu.memory_space<hbm>> -> memref<1x16x1025xf32, #tpu.memory_space<hbm>>
    %dma_start3A_101 = tpu.memref_squeeze %dma_start3A_100 : memref<1x16x1025xf32, #tpu.memory_space<hbm>> -> memref<16x1025xf32, #tpu.memory_space<hbm>>
    tpu.enqueue_dma source(%arg8 : memref<16x1025xf32, #tpu.memory_space<vmem>>) target(%dma_start3A_101 : memref<16x1025xf32, #tpu.memory_space<hbm>>) target_semaphore(%arg12 : memref<!tpu.dma_semaphore, #tpu.memory_space<semaphore_mem>>)
    %dma_start3A_102 = arith.constant 32 : i32
    %dma_start3A_103 = arith.constant 0 : i32
    %dma_start3A_104 = tpu.memref_slice %arg5[%add3A, %dma_start3A_102, %dma_start3A_103] : memref<32x64x1025xf32, #tpu.memory_space<hbm>> -> memref<1x16x1025xf32, #tpu.memory_space<hbm>>
    %dma_start3A_105 = tpu.memref_squeeze %dma_start3A_104 : memref<1x16x1025xf32, #tpu.memory_space<hbm>> -> memref<16x1025xf32, #tpu.memory_space<hbm>>
    %dma_start3A_106 = arith.constant 32 : i32
    %dma_start3A_107 = arith.constant 0 : i32
    %dma_start3A_108 = tpu.memref_slice %arg5[%add3A, %dma_start3A_106, %dma_start3A_107] : memref<32x64x1025xf32, #tpu.memory_space<hbm>> -> memref<1x16x1025xf32, #tpu.memory_space<hbm>>
    %dma_start3A_109 = tpu.memref_squeeze %dma_start3A_108 : memref<1x16x1025xf32, #tpu.memory_space<hbm>> -> memref<16x1025xf32, #tpu.memory_space<hbm>>
    tpu.enqueue_dma source(%arg10 : memref<16x1025xf32, #tpu.memory_space<vmem>>) target(%dma_start3A_109 : memref<16x1025xf32, #tpu.memory_space<hbm>>) target_semaphore(%arg12 : memref<!tpu.dma_semaphore, #tpu.memory_space<semaphore_mem>>)
    %dma_wait3A_110 = arith.constant 16 : i32
    %dma_wait3A_111 = arith.constant 0 : i32
    %dma_wait3A_112 = tpu.memref_slice %arg4[%add3A, %dma_wait3A_110, %dma_wait3A_111] : memref<32x64x1025xf32, #tpu.memory_space<hbm>> -> memref<1x16x1025xf32, #tpu.memory_space<hbm>>
    %dma_wait3A_113 = tpu.memref_squeeze %dma_wait3A_112 : memref<1x16x1025xf32, #tpu.memory_space<hbm>> -> memref<16x1025xf32, #tpu.memory_space<hbm>>
    %dma_wait3A_114 = arith.constant 16 : i32
    %dma_wait3A_115 = arith.constant 0 : i32
    %dma_wait3A_116 = tpu.memref_slice %arg4[%add3A, %dma_wait3A_114, %dma_wait3A_115] : memref<32x64x1025xf32, #tpu.memory_space<hbm>> -> memref<1x16x1025xf32, #tpu.memory_space<hbm>>
    %dma_wait3A_117 = tpu.memref_squeeze %dma_wait3A_116 : memref<1x16x1025xf32, #tpu.memory_space<hbm>> -> memref<16x1025xf32, #tpu.memory_space<hbm>>
    tpu.wait_dma2 semaphore(%arg12 : memref<!tpu.dma_semaphore, #tpu.memory_space<semaphore_mem>>) src(%arg9 : memref<16x1025xf32, #tpu.memory_space<vmem>>) dst(%dma_wait3A_117 : memref<16x1025xf32, #tpu.memory_space<hbm>>)
    %dma_wait3A_118 = arith.constant 16 : i32
    %dma_wait3A_119 = arith.constant 0 : i32
    %dma_wait3A_120 = tpu.memref_slice %arg5[%add3A, %dma_wait3A_118, %dma_wait3A_119] : memref<32x64x1025xf32, #tpu.memory_space<hbm>> -> memref<1x16x1025xf32, #tpu.memory_space<hbm>>
    %dma_wait3A_121 = tpu.memref_squeeze %dma_wait3A_120 : memref<1x16x1025xf32, #tpu.memory_space<hbm>> -> memref<16x1025xf32, #tpu.memory_space<hbm>>
    %dma_wait3A_122 = arith.constant 16 : i32
    %dma_wait3A_123 = arith.constant 0 : i32
    %dma_wait3A_124 = tpu.memref_slice %arg5[%add3A, %dma_wait3A_122, %dma_wait3A_123] : memref<32x64x1025xf32, #tpu.memory_space<hbm>> -> memref<1x16x1025xf32, #tpu.memory_space<hbm>>
    %dma_wait3A_125 = tpu.memref_squeeze %dma_wait3A_124 : memref<1x16x1025xf32, #tpu.memory_space<hbm>> -> memref<16x1025xf32, #tpu.memory_space<hbm>>
    tpu.wait_dma2 semaphore(%arg12 : memref<!tpu.dma_semaphore, #tpu.memory_space<semaphore_mem>>) src(%arg11 : memref<16x1025xf32, #tpu.memory_space<vmem>>) dst(%dma_wait3A_125 : memref<16x1025xf32, #tpu.memory_space<hbm>>)
    %scan3A_126 = arith.constant 0 : i32
    %scan3A_127 = arith.constant 0 : i32
    %scan3A_128 = arith.constant 16 : i32
    %scan3A_129 = arith.addi %scan3A_127, %scan3A_128 : i32
    %scan3A_130 = arith.constant 1 : i32
    scf.for %scan3A_180 = %scan3A_127 to %scan3A_129 step %scan3A_130  : i32 {
      %add3A_181 = arith.constant 48 : i32
      %add3A_182 = arith.addi %add3A_181, %scan3A_180 : i32
      %broadcast_in_dim3A_183 = vector.broadcast %add3A_182 : i32 to vector<16xi32>
      %gather3A = tpu.vector_load_idx %arg7[%add3A_10, %broadcast_in_dim3A_183] : memref<32x64xf32, #tpu.memory_space<vmem>>[vector<16xi32>, vector<16xi32>], vector<16xf32>,
      %gather3A_184 = tpu.vector_load_idx %arg7[%add3A_27, %broadcast_in_dim3A_183] : memref<32x64xf32, #tpu.memory_space<vmem>>[vector<16xi32>, vector<16xi32>], vector<16xf32>,
      %gather3A_185 = tpu.vector_load_idx %arg6[%broadcast_in_dim3A_28, %broadcast_in_dim3A_183] : memref<32x64xf32, #tpu.memory_space<vmem>>[vector<16xi32>, vector<16xi32>], vector<16xf32>,
      %gather3A_186 = tpu.vector_load_idx %arg7[%broadcast_in_dim3A_28, %broadcast_in_dim3A_183] : memref<32x64xf32, #tpu.memory_space<vmem>>[vector<16xi32>, vector<16xi32>], vector<16xf32>,
      %add3A_187 = arith.addf %gather3A_185, %gather3A_186 : vector<16xf32>
      %broadcast_in_dim3A_188 = vector.broadcast %scan3A_180 : i32 to vector<16xi32>
      tpu.vector_store_idx %arg11[%broadcast_in_dim3A_188, %broadcast_in_dim3A_28], %add3A_187 masked %eq3A_30 : memref<16x1025xf32, #tpu.memory_space<vmem>>[vector<16xi32>, vector<16xi32>], vector<16xf32>, vector<16xi1>
      %broadcast_in_dim3A_189 = arith.constant 0.000000e+00 : f32
      %broadcast_in_dim3A_190 = vector.broadcast %broadcast_in_dim3A_189 : f32 to vector<16xf32>
      tpu.vector_store_idx %arg9[%broadcast_in_dim3A_188, %broadcast_in_dim3A_28], %broadcast_in_dim3A_190 masked %eq3A_30 : memref<16x1025xf32, #tpu.memory_space<vmem>>[vector<16xi32>, vector<16xi32>], vector<16xf32>, vector<16xi1>
      %sub3A_191 = arith.constant 0 : i32
      %sub3A_192 = arith.subi %sub3A_191, %add3A : i32
      %jit3A_193 = arith.constant -14 : i32
      %jit3A_194 = arith.constant 14 : i32
      %max3A_195 = arith.maxsi %jit3A_193, %sub3A_192 : i32
      %min3A_196 = arith.minsi %jit3A_194, %max3A_195 : i32
      %add3A_197 = arith.constant 14 : i32
      %add3A_198 = arith.addi %min3A_196, %add3A_197 : i32
      %add3A_199 = arith.constant 1 : i32
      %add3A_200 = arith.addi %add3A_198, %add3A_199 : i32
      %broadcast_in_dim3A_201 = vector.broadcast %add3A_200 : i32 to vector<16xi32>
      %gather3A_202 = tpu.vector_load_idx %arg6[%broadcast_in_dim3A_201, %broadcast_in_dim3A_183] : memref<32x64xf32, #tpu.memory_space<vmem>>[vector<16xi32>, vector<16xi32>], vector<16xf32>,
      %swap3A = arith.index_cast %scan3A_180 : i32 to index
      %swap3A_203 = arith.constant 1 : index
      %swap3A_204 = tpu.vector_load %arg9[%swap3A, %swap3A_203] {strides = array<i32>} : memref<16x1025xf32, #tpu.memory_space<vmem>>, vector<16xf32>,
      tpu.vector_store %arg9[%swap3A, %swap3A_203], %gather3A_202 {strides = array<i32>} : memref<16x1025xf32, #tpu.memory_space<vmem>>, vector<16xf32>,
      %swap3A_205 = arith.index_cast %scan3A_180 : i32 to index
      %swap3A_206 = arith.constant 17 : index
      %swap3A_207 = tpu.vector_load %arg9[%swap3A_205, %swap3A_206] {strides = array<i32>} : memref<16x1025xf32, #tpu.memory_space<vmem>>, vector<16xf32>,
      tpu.vector_store %arg9[%swap3A_205, %swap3A_206], %gather3A_202 {strides = array<i32>} : memref<16x1025xf32, #tpu.memory_space<vmem>>, vector<16xf32>,
      %swap3A_208 = arith.index_cast %scan3A_180 : i32 to index
      %swap3A_209 = arith.constant 1 : index
      %swap3A_210 = tpu.vector_load %arg11[%swap3A_208, %swap3A_209] {strides = array<i32>} : memref<16x1025xf32, #tpu.memory_space<vmem>>, vector<16xf32>,
      tpu.vector_store %arg11[%swap3A_208, %swap3A_209], %gather3A {strides = array<i32>} : memref<16x1025xf32, #tpu.memory_space<vmem>>, vector<16xf32>,
      %swap3A_211 = arith.index_cast %scan3A_180 : i32 to index
      %swap3A_212 = arith.constant 17 : index
      %swap3A_213 = tpu.vector_load %arg11[%swap3A_211, %swap3A_212] {strides = array<i32>} : memref<16x1025xf32, #tpu.memory_space<vmem>>, vector<16xf32>,
      tpu.vector_store %arg11[%swap3A_211, %swap3A_212], %gather3A_184 {strides = array<i32>} : memref<16x1025xf32, #tpu.memory_space<vmem>>, vector<16xf32>,
      %sub3A_214 = arith.constant 1 : i32
      %sub3A_215 = arith.subi %sub3A_214, %add3A : i32
      %jit3A_216 = arith.constant -14 : i32
      %jit3A_217 = arith.constant 14 : i32
      %max3A_218 = arith.maxsi %jit3A_216, %sub3A_215 : i32
      %min3A_219 = arith.minsi %jit3A_217, %max3A_218 : i32
      %add3A_220 = arith.constant 14 : i32
      %add3A_221 = arith.addi %min3A_219, %add3A_220 : i32
      %add3A_222 = arith.constant 1 : i32
      %add3A_223 = arith.addi %add3A_221, %add3A_222 : i32
      %broadcast_in_dim3A_224 = vector.broadcast %add3A_223 : i32 to vector<16xi32>
      %gather3A_225 = tpu.vector_load_idx %arg6[%broadcast_in_dim3A_224, %broadcast_in_dim3A_183] : memref<32x64xf32, #tpu.memory_space<vmem>>[vector<16xi32>, vector<16xi32>], vector<16xf32>,
      %swap3A_226 = arith.index_cast %scan3A_180 : i32 to index
      %swap3A_227 = arith.constant 33 : index
      %swap3A_228 = tpu.vector_load %arg9[%swap3A_226, %swap3A_227] {strides = array<i32>} : memref<16x1025xf32, #tpu.memory_space<vmem>>, vector<16xf32>,
      tpu.vector_store %arg9[%swap3A_226, %swap3A_227], %gather3A_225 {strides = array<i32>} : memref<16x1025xf32, #tpu.memory_space<vmem>>, vector<16xf32>,
      %swap3A_229 = arith.index_cast %scan3A_180 : i32 to index
      %swap3A_230 = arith.constant 49 : index
      %swap3A_231 = tpu.vector_load %arg9[%swap3A_229, %swap3A_230] {strides = array<i32>} : memref<16x1025xf32, #tpu.memory_space<vmem>>, vector<16xf32>,
      tpu.vector_store %arg9[%swap3A_229, %swap3A_230], %gather3A_225 {strides = array<i32>} : memref<16x1025xf32, #tpu.memory_space<vmem>>, vector<16xf32>,
      %swap3A_232 = arith.index_cast %scan3A_180 : i32 to index
      %swap3A_233 = arith.constant 33 : index
      %swap3A_234 = tpu.vector_load %arg11[%swap3A_232, %swap3A_233] {strides = array<i32>} : memref<16x1025xf32, #tpu.memory_space<vmem>>, vector<16xf32>,
      tpu.vector_store %arg11[%swap3A_232, %swap3A_233], %gather3A {strides = array<i32>} : memref<16x1025xf32, #tpu.memory_space<vmem>>, vector<16xf32>,
      %swap3A_235 = arith.index_cast %scan3A_180 : i32 to index
      %swap3A_236 = arith.constant 49 : index
      %swap3A_237 = tpu.vector_load %arg11[%swap3A_235, %swap3A_236] {strides = array<i32>} : memref<16x1025xf32, #tpu.memory_space<vmem>>, vector<16xf32>,
      tpu.vector_store %arg11[%swap3A_235, %swap3A_236], %gather3A_184 {strides = array<i32>} : memref<16x1025xf32, #tpu.memory_space<vmem>>, vector<16xf32>,
      %sub3A_238 = arith.constant 2 : i32
      %sub3A_239 = arith.subi %sub3A_238, %add3A : i32
      %jit3A_240 = arith.constant -14 : i32
      %jit3A_241 = arith.constant 14 : i32
      %max3A_242 = arith.maxsi %jit3A_240, %sub3A_239 : i32
      %min3A_243 = arith.minsi %jit3A_241, %max3A_242 : i32
      %add3A_244 = arith.constant 14 : i32
      %add3A_245 = arith.addi %min3A_243, %add3A_244 : i32
      %add3A_246 = arith.constant 1 : i32
      %add3A_247 = arith.addi %add3A_245, %add3A_246 : i32
      %broadcast_in_dim3A_248 = vector.broadcast %add3A_247 : i32 to vector<16xi32>
      %gather3A_249 = tpu.vector_load_idx %arg6[%broadcast_in_dim3A_248, %broadcast_in_dim3A_183] : memref<32x64xf32, #tpu.memory_space<vmem>>[vector<16xi32>, vector<16xi32>], vector<16xf32>,
      %swap3A_250 = arith.index_cast %scan3A_180 : i32 to index
      %swap3A_251 = arith.constant 65 : index
      %swap3A_252 = tpu.vector_load %arg9[%swap3A_250, %swap3A_251] {strides = array<i32>} : memref<16x1025xf32, #tpu.memory_space<vmem>>, vector<16xf32>,
      tpu.vector_store %arg9[%swap3A_250, %swap3A_251], %gather3A_249 {strides = array<i32>} : memref<16x1025xf32, #tpu.memory_space<vmem>>, vector<16xf32>,
      %swap3A_253 = arith.index_cast %scan3A_180 : i32 to index
      %swap3A_254 = arith.constant 81 : index
      %swap3A_255 = tpu.vector_load %arg9[%swap3A_253, %swap3A_254] {strides = array<i32>} : memref<16x1025xf32, #tpu.memory_space<vmem>>, vector<16xf32>,
      tpu.vector_store %arg9[%swap3A_253, %swap3A_254], %gather3A_249 {strides = array<i32>} : memref<16x1025xf32, #tpu.memory_space<vmem>>, vector<16xf32>,
      %swap3A_256 = arith.index_cast %scan3A_180 : i32 to index
      %swap3A_257 = arith.constant 65 : index
      %swap3A_258 = tpu.vector_load %arg11[%swap3A_256, %swap3A_257] {strides = array<i32>} : memref<16x1025xf32, #tpu.memory_space<vmem>>, vector<16xf32>,
      tpu.vector_store %arg11[%swap3A_256, %swap3A_257], %gather3A {strides = array<i32>} : memref<16x1025xf32, #tpu.memory_space<vmem>>, vector<16xf32>,
      %swap3A_259 = arith.index_cast %scan3A_180 : i32 to index
      %swap3A_260 = arith.constant 81 : index
      %swap3A_261 = tpu.vector_load %arg11[%swap3A_259, %swap3A_260] {strides = array<i32>} : memref<16x1025xf32, #tpu.memory_space<vmem>>, vector<16xf32>,
      tpu.vector_store %arg11[%swap3A_259, %swap3A_260], %gather3A_184 {strides = array<i32>} : memref<16x1025xf32, #tpu.memory_space<vmem>>, vector<16xf32>,
      %sub3A_262 = arith.constant 3 : i32
      %sub3A_263 = arith.subi %sub3A_262, %add3A : i32
      %jit3A_264 = arith.constant -14 : i32
      %jit3A_265 = arith.constant 14 : i32
      %max3A_266 = arith.maxsi %jit3A_264, %sub3A_263 : i32
      %min3A_267 = arith.minsi %jit3A_265, %max3A_266 : i32
      %add3A_268 = arith.constant 14 : i32
      %add3A_269 = arith.addi %min3A_267, %add3A_268 : i32
      %add3A_270 = arith.constant 1 : i32
      %add3A_271 = arith.addi %add3A_269, %add3A_270 : i32
      %broadcast_in_dim3A_272 = vector.broadcast %add3A_271 : i32 to vector<16xi32>
      %gather3A_273 = tpu.vector_load_idx %arg6[%broadcast_in_dim3A_272, %broadcast_in_dim3A_183] : memref<32x64xf32, #tpu.memory_space<vmem>>[vector<16xi32>, vector<16xi32>], vector<16xf32>,
      %swap3A_274 = arith.index_cast %scan3A_180 : i32 to index
      %swap3A_275 = arith.constant 97 : index
      %swap3A_276 = tpu.vector_load %arg9[%swap3A_274, %swap3A_275] {strides = array<i32>} : memref<16x1025xf32, #tpu.memory_space<vmem>>, vector<16xf32>,
      tpu.vector_store %arg9[%swap3A_274, %swap3A_275], %gather3A_273 {strides = array<i32>} : memref<16x1025xf32, #tpu.memory_space<vmem>>, vector<16xf32>,
      %swap3A_277 = arith.index_cast %scan3A_180 : i32 to index
      %swap3A_278 = arith.constant 113 : index
      %swap3A_279 = tpu.vector_load %arg9[%swap3A_277, %swap3A_278] {strides = array<i32>} : memref<16x1025xf32, #tpu.memory_space<vmem>>, vector<16xf32>,
      tpu.vector_store %arg9[%swap3A_277, %swap3A_278], %gather3A_273 {strides = array<i32>} : memref<16x1025xf32, #tpu.memory_space<vmem>>, vector<16xf32>,
      %swap3A_280 = arith.index_cast %scan3A_180 : i32 to index
      %swap3A_281 = arith.constant 97 : index
      %swap3A_282 = tpu.vector_load %arg11[%swap3A_280, %swap3A_281] {strides = array<i32>} : memref<16x1025xf32, #tpu.memory_space<vmem>>, vector<16xf32>,
      tpu.vector_store %arg11[%swap3A_280, %swap3A_281], %gather3A {strides = array<i32>} : memref<16x1025xf32, #tpu.memory_space<vmem>>, vector<16xf32>,
      %swap3A_283 = arith.index_cast %scan3A_180 : i32 to index
      %swap3A_284 = arith.constant 113 : index
      %swap3A_285 = tpu.vector_load %arg11[%swap3A_283, %swap3A_284] {strides = array<i32>} : memref<16x1025xf32, #tpu.memory_space<vmem>>, vector<16xf32>,
      tpu.vector_store %arg11[%swap3A_283, %swap3A_284], %gather3A_184 {strides = array<i32>} : memref<16x1025xf32, #tpu.memory_space<vmem>>, vector<16xf32>,
      %sub3A_286 = arith.constant 4 : i32
      %sub3A_287 = arith.subi %sub3A_286, %add3A : i32
      %jit3A_288 = arith.constant -14 : i32
      %jit3A_289 = arith.constant 14 : i32
      %max3A_290 = arith.maxsi %jit3A_288, %sub3A_287 : i32
      %min3A_291 = arith.minsi %jit3A_289, %max3A_290 : i32
      %add3A_292 = arith.constant 14 : i32
      %add3A_293 = arith.addi %min3A_291, %add3A_292 : i32
      %add3A_294 = arith.constant 1 : i32
      %add3A_295 = arith.addi %add3A_293, %add3A_294 : i32
      %broadcast_in_dim3A_296 = vector.broadcast %add3A_295 : i32 to vector<16xi32>
      %gather3A_297 = tpu.vector_load_idx %arg6[%broadcast_in_dim3A_296, %broadcast_in_dim3A_183] : memref<32x64xf32, #tpu.memory_space<vmem>>[vector<16xi32>, vector<16xi32>], vector<16xf32>,
      %swap3A_298 = arith.index_cast %scan3A_180 : i32 to index
      %swap3A_299 = arith.constant 129 : index
      %swap3A_300 = tpu.vector_load %arg9[%swap3A_298, %swap3A_299] {strides = array<i32>} : memref<16x1025xf32, #tpu.memory_space<vmem>>, vector<16xf32>,
      tpu.vector_store %arg9[%swap3A_298, %swap3A_299], %gather3A_297 {strides = array<i32>} : memref<16x1025xf32, #tpu.memory_space<vmem>>, vector<16xf32>,
      %swap3A_301 = arith.index_cast %scan3A_180 : i32 to index
      %swap3A_302 = arith.constant 145 : index
      %swap3A_303 = tpu.vector_load %arg9[%swap3A_301, %swap3A_302] {strides = array<i32>} : memref<16x1025xf32, #tpu.memory_space<vmem>>, vector<16xf32>,
      tpu.vector_store %arg9[%swap3A_301, %swap3A_302], %gather3A_297 {strides = array<i32>} : memref<16x1025xf32, #tpu.memory_space<vmem>>, vector<16xf32>,
      %swap3A_304 = arith.index_cast %scan3A_180 : i32 to index
      %swap3A_305 = arith.constant 129 : index
      %swap3A_306 = tpu.vector_load %arg11[%swap3A_304, %swap3A_305] {strides = array<i32>} : memref<16x1025xf32, #tpu.memory_space<vmem>>, vector<16xf32>,
      tpu.vector_store %arg11[%swap3A_304, %swap3A_305], %gather3A {strides = array<i32>} : memref<16x1025xf32, #tpu.memory_space<vmem>>, vector<16xf32>,
      %swap3A_307 = arith.index_cast %scan3A_180 : i32 to index
      %swap3A_308 = arith.constant 145 : index
      %swap3A_309 = tpu.vector_load %arg11[%swap3A_307, %swap3A_308] {strides = array<i32>} : memref<16x1025xf32, #tpu.memory_space<vmem>>, vector<16xf32>,
      tpu.vector_store %arg11[%swap3A_307, %swap3A_308], %gather3A_184 {strides = array<i32>} : memref<16x1025xf32, #tpu.memory_space<vmem>>, vector<16xf32>,
      %sub3A_310 = arith.constant 5 : i32
      %sub3A_311 = arith.subi %sub3A_310, %add3A : i32
      %jit3A_312 = arith.constant -14 : i32
      %jit3A_313 = arith.constant 14 : i32
      %max3A_314 = arith.maxsi %jit3A_312, %sub3A_311 : i32
      %min3A_315 = arith.minsi %jit3A_313, %max3A_314 : i32
      %add3A_316 = arith.constant 14 : i32
      %add3A_317 = arith.addi %min3A_315, %add3A_316 : i32
      %add3A_318 = arith.constant 1 : i32
      %add3A_319 = arith.addi %add3A_317, %add3A_318 : i32
      %broadcast_in_dim3A_320 = vector.broadcast %add3A_319 : i32 to vector<16xi32>
      %gather3A_321 = tpu.vector_load_idx %arg6[%broadcast_in_dim3A_320, %broadcast_in_dim3A_183] : memref<32x64xf32, #tpu.memory_space<vmem>>[vector<16xi32>, vector<16xi32>], vector<16xf32>,
      %swap3A_322 = arith.index_cast %scan3A_180 : i32 to index
      %swap3A_323 = arith.constant 161 : index
      %swap3A_324 = tpu.vector_load %arg9[%swap3A_322, %swap3A_323] {strides = array<i32>} : memref<16x1025xf32, #tpu.memory_space<vmem>>, vector<16xf32>,
      tpu.vector_store %arg9[%swap3A_322, %swap3A_323], %gather3A_321 {strides = array<i32>} : memref<16x1025xf32, #tpu.memory_space<vmem>>, vector<16xf32>,
      %swap3A_325 = arith.index_cast %scan3A_180 : i32 to index
      %swap3A_326 = arith.constant 177 : index
      %swap3A_327 = tpu.vector_load %arg9[%swap3A_325, %swap3A_326] {strides = array<i32>} : memref<16x1025xf32, #tpu.memory_space<vmem>>, vector<16xf32>,
      tpu.vector_store %arg9[%swap3A_325, %swap3A_326], %gather3A_321 {strides = array<i32>} : memref<16x1025xf32, #tpu.memory_space<vmem>>, vector<16xf32>,
      %swap3A_328 = arith.index_cast %scan3A_180 : i32 to index
      %swap3A_329 = arith.constant 161 : index
      %swap3A_330 = tpu.vector_load %arg11[%swap3A_328, %swap3A_329] {strides = array<i32>} : memref<16x1025xf32, #tpu.memory_space<vmem>>, vector<16xf32>,
      tpu.vector_store %arg11[%swap3A_328, %swap3A_329], %gather3A {strides = array<i32>} : memref<16x1025xf32, #tpu.memory_space<vmem>>, vector<16xf32>,
      %swap3A_331 = arith.index_cast %scan3A_180 : i32 to index
      %swap3A_332 = arith.constant 177 : index
      %swap3A_333 = tpu.vector_load %arg11[%swap3A_331, %swap3A_332] {strides = array<i32>} : memref<16x1025xf32, #tpu.memory_space<vmem>>, vector<16xf32>,
      tpu.vector_store %arg11[%swap3A_331, %swap3A_332], %gather3A_184 {strides = array<i32>} : memref<16x1025xf32, #tpu.memory_space<vmem>>, vector<16xf32>,
      %sub3A_334 = arith.constant 6 : i32
      %sub3A_335 = arith.subi %sub3A_334, %add3A : i32
      %jit3A_336 = arith.constant -14 : i32
      %jit3A_337 = arith.constant 14 : i32
      %max3A_338 = arith.maxsi %jit3A_336, %sub3A_335 : i32
      %min3A_339 = arith.minsi %jit3A_337, %max3A_338 : i32
      %add3A_340 = arith.constant 14 : i32
      %add3A_341 = arith.addi %min3A_339, %add3A_340 : i32
      %add3A_342 = arith.constant 1 : i32
      %add3A_343 = arith.addi %add3A_341, %add3A_342 : i32
      %broadcast_in_dim3A_344 = vector.broadcast %add3A_343 : i32 to vector<16xi32>
      %gather3A_345 = tpu.vector_load_idx %arg6[%broadcast_in_dim3A_344, %broadcast_in_dim3A_183] : memref<32x64xf32, #tpu.memory_space<vmem>>[vector<16xi32>, vector<16xi32>], vector<16xf32>,
      %swap3A_346 = arith.index_cast %scan3A_180 : i32 to index
      %swap3A_347 = arith.constant 193 : index
      %swap3A_348 = tpu.vector_load %arg9[%swap3A_346, %swap3A_347] {strides = array<i32>} : memref<16x1025xf32, #tpu.memory_space<vmem>>, vector<16xf32>,
      tpu.vector_store %arg9[%swap3A_346, %swap3A_347], %gather3A_345 {strides = array<i32>} : memref<16x1025xf32, #tpu.memory_space<vmem>>, vector<16xf32>,
      %swap3A_349 = arith.index_cast %scan3A_180 : i32 to index
      %swap3A_350 = arith.constant 209 : index
      %swap3A_351 = tpu.vector_load %arg9[%swap3A_349, %swap3A_350] {strides = array<i32>} : memref<16x1025xf32, #tpu.memory_space<vmem>>, vector<16xf32>,
      tpu.vector_store %arg9[%swap3A_349, %swap3A_350], %gather3A_345 {strides = array<i32>} : memref<16x1025xf32, #tpu.memory_space<vmem>>, vector<16xf32>,
      %swap3A_352 = arith.index_cast %scan3A_180 : i32 to index
      %swap3A_353 = arith.constant 193 : index
      %swap3A_354 = tpu.vector_load %arg11[%swap3A_352, %swap3A_353] {strides = array<i32>} : memref<16x1025xf32, #tpu.memory_space<vmem>>, vector<16xf32>,
      tpu.vector_store %arg11[%swap3A_352, %swap3A_353], %gather3A {strides = array<i32>} : memref<16x1025xf32, #tpu.memory_space<vmem>>, vector<16xf32>,
      %swap3A_355 = arith.index_cast %scan3A_180 : i32 to index
      %swap3A_356 = arith.constant 209 : index
      %swap3A_357 = tpu.vector_load %arg11[%swap3A_355, %swap3A_356] {strides = array<i32>} : memref<16x1025xf32, #tpu.memory_space<vmem>>, vector<16xf32>,
      tpu.vector_store %arg11[%swap3A_355, %swap3A_356], %gather3A_184 {strides = array<i32>} : memref<16x1025xf32, #tpu.memory_space<vmem>>, vector<16xf32>,
      %sub3A_358 = arith.constant 7 : i32
      %sub3A_359 = arith.subi %sub3A_358, %add3A : i32
      %jit3A_360 = arith.constant -14 : i32
      %jit3A_361 = arith.constant 14 : i32
      %max3A_362 = arith.maxsi %jit3A_360, %sub3A_359 : i32
      %min3A_363 = arith.minsi %jit3A_361, %max3A_362 : i32
      %add3A_364 = arith.constant 14 : i32
      %add3A_365 = arith.addi %min3A_363, %add3A_364 : i32
      %add3A_366 = arith.constant 1 : i32
      %add3A_367 = arith.addi %add3A_365, %add3A_366 : i32
      %broadcast_in_dim3A_368 = vector.broadcast %add3A_367 : i32 to vector<16xi32>
      %gather3A_369 = tpu.vector_load_idx %arg6[%broadcast_in_dim3A_368, %broadcast_in_dim3A_183] : memref<32x64xf32, #tpu.memory_space<vmem>>[vector<16xi32>, vector<16xi32>], vector<16xf32>,
      %swap3A_370 = arith.index_cast %scan3A_180 : i32 to index
      %swap3A_371 = arith.constant 225 : index
      %swap3A_372 = tpu.vector_load %arg9[%swap3A_370, %swap3A_371] {strides = array<i32>} : memref<16x1025xf32, #tpu.memory_space<vmem>>, vector<16xf32>,
      tpu.vector_store %arg9[%swap3A_370, %swap3A_371], %gather3A_369 {strides = array<i32>} : memref<16x1025xf32, #tpu.memory_space<vmem>>, vector<16xf32>,
      %swap3A_373 = arith.index_cast %scan3A_180 : i32 to index
      %swap3A_374 = arith.constant 241 : index
      %swap3A_375 = tpu.vector_load %arg9[%swap3A_373, %swap3A_374] {strides = array<i32>} : memref<16x1025xf32, #tpu.memory_space<vmem>>, vector<16xf32>,
      tpu.vector_store %arg9[%swap3A_373, %swap3A_374], %gather3A_369 {strides = array<i32>} : memref<16x1025xf32, #tpu.memory_space<vmem>>, vector<16xf32>,
      %swap3A_376 = arith.index_cast %scan3A_180 : i32 to index
      %swap3A_377 = arith.constant 225 : index
      %swap3A_378 = tpu.vector_load %arg11[%swap3A_376, %swap3A_377] {strides = array<i32>} : memref<16x1025xf32, #tpu.memory_space<vmem>>, vector<16xf32>,
      tpu.vector_store %arg11[%swap3A_376, %swap3A_377], %gather3A {strides = array<i32>} : memref<16x1025xf32, #tpu.memory_space<vmem>>, vector<16xf32>,
      %swap3A_379 = arith.index_cast %scan3A_180 : i32 to index
      %swap3A_380 = arith.constant 241 : index
      %swap3A_381 = tpu.vector_load %arg11[%swap3A_379, %swap3A_380] {strides = array<i32>} : memref<16x1025xf32, #tpu.memory_space<vmem>>, vector<16xf32>,
      tpu.vector_store %arg11[%swap3A_379, %swap3A_380], %gather3A_184 {strides = array<i32>} : memref<16x1025xf32, #tpu.memory_space<vmem>>, vector<16xf32>,
      %sub3A_382 = arith.constant 8 : i32
      %sub3A_383 = arith.subi %sub3A_382, %add3A : i32
      %jit3A_384 = arith.constant -14 : i32
      %jit3A_385 = arith.constant 14 : i32
      %max3A_386 = arith.maxsi %jit3A_384, %sub3A_383 : i32
      %min3A_387 = arith.minsi %jit3A_385, %max3A_386 : i32
      %add3A_388 = arith.constant 14 : i32
      %add3A_389 = arith.addi %min3A_387, %add3A_388 : i32
      %add3A_390 = arith.constant 1 : i32
      %add3A_391 = arith.addi %add3A_389, %add3A_390 : i32
      %broadcast_in_dim3A_392 = vector.broadcast %add3A_391 : i32 to vector<16xi32>
      %gather3A_393 = tpu.vector_load_idx %arg6[%broadcast_in_dim3A_392, %broadcast_in_dim3A_183] : memref<32x64xf32, #tpu.memory_space<vmem>>[vector<16xi32>, vector<16xi32>], vector<16xf32>,
      %swap3A_394 = arith.index_cast %scan3A_180 : i32 to index
      %swap3A_395 = arith.constant 257 : index
      %swap3A_396 = tpu.vector_load %arg9[%swap3A_394, %swap3A_395] {strides = array<i32>} : memref<16x1025xf32, #tpu.memory_space<vmem>>, vector<16xf32>,
      tpu.vector_store %arg9[%swap3A_394, %swap3A_395], %gather3A_393 {strides = array<i32>} : memref<16x1025xf32, #tpu.memory_space<vmem>>, vector<16xf32>,
      %swap3A_397 = arith.index_cast %scan3A_180 : i32 to index
      %swap3A_398 = arith.constant 273 : index
      %swap3A_399 = tpu.vector_load %arg9[%swap3A_397, %swap3A_398] {strides = array<i32>} : memref<16x1025xf32, #tpu.memory_space<vmem>>, vector<16xf32>,
      tpu.vector_store %arg9[%swap3A_397, %swap3A_398], %gather3A_393 {strides = array<i32>} : memref<16x1025xf32, #tpu.memory_space<vmem>>, vector<16xf32>,
      %swap3A_400 = arith.index_cast %scan3A_180 : i32 to index
      %swap3A_401 = arith.constant 257 : index
      %swap3A_402 = tpu.vector_load %arg11[%swap3A_400, %swap3A_401] {strides = array<i32>} : memref<16x1025xf32, #tpu.memory_space<vmem>>, vector<16xf32>,
      tpu.vector_store %arg11[%swap3A_400, %swap3A_401], %gather3A {strides = array<i32>} : memref<16x1025xf32, #tpu.memory_space<vmem>>, vector<16xf32>,
      %swap3A_403 = arith.index_cast %scan3A_180 : i32 to index
      %swap3A_404 = arith.constant 273 : index
      %swap3A_405 = tpu.vector_load %arg11[%swap3A_403, %swap3A_404] {strides = array<i32>} : memref<16x1025xf32, #tpu.memory_space<vmem>>, vector<16xf32>,
      tpu.vector_store %arg11[%swap3A_403, %swap3A_404], %gather3A_184 {strides = array<i32>} : memref<16x1025xf32, #tpu.memory_space<vmem>>, vector<16xf32>,
      %sub3A_406 = arith.constant 9 : i32
      %sub3A_407 = arith.subi %sub3A_406, %add3A : i32
      %jit3A_408 = arith.constant -14 : i32
      %jit3A_409 = arith.constant 14 : i32
      %max3A_410 = arith.maxsi %jit3A_408, %sub3A_407 : i32
      %min3A_411 = arith.minsi %jit3A_409, %max3A_410 : i32
      %add3A_412 = arith.constant 14 : i32
      %add3A_413 = arith.addi %min3A_411, %add3A_412 : i32
      %add3A_414 = arith.constant 1 : i32
      %add3A_415 = arith.addi %add3A_413, %add3A_414 : i32
      %broadcast_in_dim3A_416 = vector.broadcast %add3A_415 : i32 to vector<16xi32>
      %gather3A_417 = tpu.vector_load_idx %arg6[%broadcast_in_dim3A_416, %broadcast_in_dim3A_183] : memref<32x64xf32, #tpu.memory_space<vmem>>[vector<16xi32>, vector<16xi32>], vector<16xf32>,
      %swap3A_418 = arith.index_cast %scan3A_180 : i32 to index
      %swap3A_419 = arith.constant 289 : index
      %swap3A_420 = tpu.vector_load %arg9[%swap3A_418, %swap3A_419] {strides = array<i32>} : memref<16x1025xf32, #tpu.memory_space<vmem>>, vector<16xf32>,
      tpu.vector_store %arg9[%swap3A_418, %swap3A_419], %gather3A_417 {strides = array<i32>} : memref<16x1025xf32, #tpu.memory_space<vmem>>, vector<16xf32>,
      %swap3A_421 = arith.index_cast %scan3A_180 : i32 to index
      %swap3A_422 = arith.constant 305 : index
      %swap3A_423 = tpu.vector_load %arg9[%swap3A_421, %swap3A_422] {strides = array<i32>} : memref<16x1025xf32, #tpu.memory_space<vmem>>, vector<16xf32>,
      tpu.vector_store %arg9[%swap3A_421, %swap3A_422], %gather3A_417 {strides = array<i32>} : memref<16x1025xf32, #tpu.memory_space<vmem>>, vector<16xf32>,
      %swap3A_424 = arith.index_cast %scan3A_180 : i32 to index
      %swap3A_425 = arith.constant 289 : index
      %swap3A_426 = tpu.vector_load %arg11[%swap3A_424, %swap3A_425] {strides = array<i32>} : memref<16x1025xf32, #tpu.memory_space<vmem>>, vector<16xf32>,
      tpu.vector_store %arg11[%swap3A_424, %swap3A_425], %gather3A {strides = array<i32>} : memref<16x1025xf32, #tpu.memory_space<vmem>>, vector<16xf32>,
      %swap3A_427 = arith.index_cast %scan3A_180 : i32 to index
      %swap3A_428 = arith.constant 305 : index
      %swap3A_429 = tpu.vector_load %arg11[%swap3A_427, %swap3A_428] {strides = array<i32>} : memref<16x1025xf32, #tpu.memory_space<vmem>>, vector<16xf32>,
      tpu.vector_store %arg11[%swap3A_427, %swap3A_428], %gather3A_184 {strides = array<i32>} : memref<16x1025xf32, #tpu.memory_space<vmem>>, vector<16xf32>,
      %sub3A_430 = arith.constant 10 : i32
      %sub3A_431 = arith.subi %sub3A_430, %add3A : i32
      %jit3A_432 = arith.constant -14 : i32
      %jit3A_433 = arith.constant 14 : i32
      %max3A_434 = arith.maxsi %jit3A_432, %sub3A_431 : i32
      %min3A_435 = arith.minsi %jit3A_433, %max3A_434 : i32
      %add3A_436 = arith.constant 14 : i32
      %add3A_437 = arith.addi %min3A_435, %add3A_436 : i32
      %add3A_438 = arith.constant 1 : i32
      %add3A_439 = arith.addi %add3A_437, %add3A_438 : i32
      %broadcast_in_dim3A_440 = vector.broadcast %add3A_439 : i32 to vector<16xi32>
      %gather3A_441 = tpu.vector_load_idx %arg6[%broadcast_in_dim3A_440, %broadcast_in_dim3A_183] : memref<32x64xf32, #tpu.memory_space<vmem>>[vector<16xi32>, vector<16xi32>], vector<16xf32>,
      %swap3A_442 = arith.index_cast %scan3A_180 : i32 to index
      %swap3A_443 = arith.constant 321 : index
      %swap3A_444 = tpu.vector_load %arg9[%swap3A_442, %swap3A_443] {strides = array<i32>} : memref<16x1025xf32, #tpu.memory_space<vmem>>, vector<16xf32>,
      tpu.vector_store %arg9[%swap3A_442, %swap3A_443], %gather3A_441 {strides = array<i32>} : memref<16x1025xf32, #tpu.memory_space<vmem>>, vector<16xf32>,
      %swap3A_445 = arith.index_cast %scan3A_180 : i32 to index
      %swap3A_446 = arith.constant 337 : index
      %swap3A_447 = tpu.vector_load %arg9[%swap3A_445, %swap3A_446] {strides = array<i32>} : memref<16x1025xf32, #tpu.memory_space<vmem>>, vector<16xf32>,
      tpu.vector_store %arg9[%swap3A_445, %swap3A_446], %gather3A_441 {strides = array<i32>} : memref<16x1025xf32, #tpu.memory_space<vmem>>, vector<16xf32>,
      %swap3A_448 = arith.index_cast %scan3A_180 : i32 to index
      %swap3A_449 = arith.constant 321 : index
      %swap3A_450 = tpu.vector_load %arg11[%swap3A_448, %swap3A_449] {strides = array<i32>} : memref<16x1025xf32, #tpu.memory_space<vmem>>, vector<16xf32>,
      tpu.vector_store %arg11[%swap3A_448, %swap3A_449], %gather3A {strides = array<i32>} : memref<16x1025xf32, #tpu.memory_space<vmem>>, vector<16xf32>,
      %swap3A_451 = arith.index_cast %scan3A_180 : i32 to index
      %swap3A_452 = arith.constant 337 : index
      %swap3A_453 = tpu.vector_load %arg11[%swap3A_451, %swap3A_452] {strides = array<i32>} : memref<16x1025xf32, #tpu.memory_space<vmem>>, vector<16xf32>,
      tpu.vector_store %arg11[%swap3A_451, %swap3A_452], %gather3A_184 {strides = array<i32>} : memref<16x1025xf32, #tpu.memory_space<vmem>>, vector<16xf32>,
      %sub3A_454 = arith.constant 11 : i32
      %sub3A_455 = arith.subi %sub3A_454, %add3A : i32
      %jit3A_456 = arith.constant -14 : i32
      %jit3A_457 = arith.constant 14 : i32
      %max3A_458 = arith.maxsi %jit3A_456, %sub3A_455 : i32
      %min3A_459 = arith.minsi %jit3A_457, %max3A_458 : i32
      %add3A_460 = arith.constant 14 : i32
      %add3A_461 = arith.addi %min3A_459, %add3A_460 : i32
      %add3A_462 = arith.constant 1 : i32
      %add3A_463 = arith.addi %add3A_461, %add3A_462 : i32
      %broadcast_in_dim3A_464 = vector.broadcast %add3A_463 : i32 to vector<16xi32>
      %gather3A_465 = tpu.vector_load_idx %arg6[%broadcast_in_dim3A_464, %broadcast_in_dim3A_183] : memref<32x64xf32, #tpu.memory_space<vmem>>[vector<16xi32>, vector<16xi32>], vector<16xf32>,
      %swap3A_466 = arith.index_cast %scan3A_180 : i32 to index
      %swap3A_467 = arith.constant 353 : index
      %swap3A_468 = tpu.vector_load %arg9[%swap3A_466, %swap3A_467] {strides = array<i32>} : memref<16x1025xf32, #tpu.memory_space<vmem>>, vector<16xf32>,
      tpu.vector_store %arg9[%swap3A_466, %swap3A_467], %gather3A_465 {strides = array<i32>} : memref<16x1025xf32, #tpu.memory_space<vmem>>, vector<16xf32>,
      %swap3A_469 = arith.index_cast %scan3A_180 : i32 to index
      %swap3A_470 = arith.constant 369 : index
      %swap3A_471 = tpu.vector_load %arg9[%swap3A_469, %swap3A_470] {strides = array<i32>} : memref<16x1025xf32, #tpu.memory_space<vmem>>, vector<16xf32>,
      tpu.vector_store %arg9[%swap3A_469, %swap3A_470], %gather3A_465 {strides = array<i32>} : memref<16x1025xf32, #tpu.memory_space<vmem>>, vector<16xf32>,
      %swap3A_472 = arith.index_cast %scan3A_180 : i32 to index
      %swap3A_473 = arith.constant 353 : index
      %swap3A_474 = tpu.vector_load %arg11[%swap3A_472, %swap3A_473] {strides = array<i32>} : memref<16x1025xf32, #tpu.memory_space<vmem>>, vector<16xf32>,
      tpu.vector_store %arg11[%swap3A_472, %swap3A_473], %gather3A {strides = array<i32>} : memref<16x1025xf32, #tpu.memory_space<vmem>>, vector<16xf32>,
      %swap3A_475 = arith.index_cast %scan3A_180 : i32 to index
      %swap3A_476 = arith.constant 369 : index
      %swap3A_477 = tpu.vector_load %arg11[%swap3A_475, %swap3A_476] {strides = array<i32>} : memref<16x1025xf32, #tpu.memory_space<vmem>>, vector<16xf32>,
      tpu.vector_store %arg11[%swap3A_475, %swap3A_476], %gather3A_184 {strides = array<i32>} : memref<16x1025xf32, #tpu.memory_space<vmem>>, vector<16xf32>,
      %sub3A_478 = arith.constant 12 : i32
      %sub3A_479 = arith.subi %sub3A_478, %add3A : i32
      %jit3A_480 = arith.constant -14 : i32
      %jit3A_481 = arith.constant 14 : i32
      %max3A_482 = arith.maxsi %jit3A_480, %sub3A_479 : i32
      %min3A_483 = arith.minsi %jit3A_481, %max3A_482 : i32
      %add3A_484 = arith.constant 14 : i32
      %add3A_485 = arith.addi %min3A_483, %add3A_484 : i32
      %add3A_486 = arith.constant 1 : i32
      %add3A_487 = arith.addi %add3A_485, %add3A_486 : i32
      %broadcast_in_dim3A_488 = vector.broadcast %add3A_487 : i32 to vector<16xi32>
      %gather3A_489 = tpu.vector_load_idx %arg6[%broadcast_in_dim3A_488, %broadcast_in_dim3A_183] : memref<32x64xf32, #tpu.memory_space<vmem>>[vector<16xi32>, vector<16xi32>], vector<16xf32>,
      %swap3A_490 = arith.index_cast %scan3A_180 : i32 to index
      %swap3A_491 = arith.constant 385 : index
      %swap3A_492 = tpu.vector_load %arg9[%swap3A_490, %swap3A_491] {strides = array<i32>} : memref<16x1025xf32, #tpu.memory_space<vmem>>, vector<16xf32>,
      tpu.vector_store %arg9[%swap3A_490, %swap3A_491], %gather3A_489 {strides = array<i32>} : memref<16x1025xf32, #tpu.memory_space<vmem>>, vector<16xf32>,
      %swap3A_493 = arith.index_cast %scan3A_180 : i32 to index
      %swap3A_494 = arith.constant 401 : index
      %swap3A_495 = tpu.vector_load %arg9[%swap3A_493, %swap3A_494] {strides = array<i32>} : memref<16x1025xf32, #tpu.memory_space<vmem>>, vector<16xf32>,
      tpu.vector_store %arg9[%swap3A_493, %swap3A_494], %gather3A_489 {strides = array<i32>} : memref<16x1025xf32, #tpu.memory_space<vmem>>, vector<16xf32>,
      %swap3A_496 = arith.index_cast %scan3A_180 : i32 to index
      %swap3A_497 = arith.constant 385 : index
      %swap3A_498 = tpu.vector_load %arg11[%swap3A_496, %swap3A_497] {strides = array<i32>} : memref<16x1025xf32, #tpu.memory_space<vmem>>, vector<16xf32>,
      tpu.vector_store %arg11[%swap3A_496, %swap3A_497], %gather3A {strides = array<i32>} : memref<16x1025xf32, #tpu.memory_space<vmem>>, vector<16xf32>,
      %swap3A_499 = arith.index_cast %scan3A_180 : i32 to index
      %swap3A_500 = arith.constant 401 : index
      %swap3A_501 = tpu.vector_load %arg11[%swap3A_499, %swap3A_500] {strides = array<i32>} : memref<16x1025xf32, #tpu.memory_space<vmem>>, vector<16xf32>,
      tpu.vector_store %arg11[%swap3A_499, %swap3A_500], %gather3A_184 {strides = array<i32>} : memref<16x1025xf32, #tpu.memory_space<vmem>>, vector<16xf32>,
      %sub3A_502 = arith.constant 13 : i32
      %sub3A_503 = arith.subi %sub3A_502, %add3A : i32
      %jit3A_504 = arith.constant -14 : i32
      %jit3A_505 = arith.constant 14 : i32
      %max3A_506 = arith.maxsi %jit3A_504, %sub3A_503 : i32
      %min3A_507 = arith.minsi %jit3A_505, %max3A_506 : i32
      %add3A_508 = arith.constant 14 : i32
      %add3A_509 = arith.addi %min3A_507, %add3A_508 : i32
      %add3A_510 = arith.constant 1 : i32
      %add3A_511 = arith.addi %add3A_509, %add3A_510 : i32
      %broadcast_in_dim3A_512 = vector.broadcast %add3A_511 : i32 to vector<16xi32>
      %gather3A_513 = tpu.vector_load_idx %arg6[%broadcast_in_dim3A_512, %broadcast_in_dim3A_183] : memref<32x64xf32, #tpu.memory_space<vmem>>[vector<16xi32>, vector<16xi32>], vector<16xf32>,
      %swap3A_514 = arith.index_cast %scan3A_180 : i32 to index
      %swap3A_515 = arith.constant 417 : index
      %swap3A_516 = tpu.vector_load %arg9[%swap3A_514, %swap3A_515] {strides = array<i32>} : memref<16x1025xf32, #tpu.memory_space<vmem>>, vector<16xf32>,
      tpu.vector_store %arg9[%swap3A_514, %swap3A_515], %gather3A_513 {strides = array<i32>} : memref<16x1025xf32, #tpu.memory_space<vmem>>, vector<16xf32>,
      %swap3A_517 = arith.index_cast %scan3A_180 : i32 to index
      %swap3A_518 = arith.constant 433 : index
      %swap3A_519 = tpu.vector_load %arg9[%swap3A_517, %swap3A_518] {strides = array<i32>} : memref<16x1025xf32, #tpu.memory_space<vmem>>, vector<16xf32>,
      tpu.vector_store %arg9[%swap3A_517, %swap3A_518], %gather3A_513 {strides = array<i32>} : memref<16x1025xf32, #tpu.memory_space<vmem>>, vector<16xf32>,
      %swap3A_520 = arith.index_cast %scan3A_180 : i32 to index
      %swap3A_521 = arith.constant 417 : index
      %swap3A_522 = tpu.vector_load %arg11[%swap3A_520, %swap3A_521] {strides = array<i32>} : memref<16x1025xf32, #tpu.memory_space<vmem>>, vector<16xf32>,
      tpu.vector_store %arg11[%swap3A_520, %swap3A_521], %gather3A {strides = array<i32>} : memref<16x1025xf32, #tpu.memory_space<vmem>>, vector<16xf32>,
      %swap3A_523 = arith.index_cast %scan3A_180 : i32 to index
      %swap3A_524 = arith.constant 433 : index
      %swap3A_525 = tpu.vector_load %arg11[%swap3A_523, %swap3A_524] {strides = array<i32>} : memref<16x1025xf32, #tpu.memory_space<vmem>>, vector<16xf32>,
      tpu.vector_store %arg11[%swap3A_523, %swap3A_524], %gather3A_184 {strides = array<i32>} : memref<16x1025xf32, #tpu.memory_space<vmem>>, vector<16xf32>,
      %sub3A_526 = arith.constant 14 : i32
      %sub3A_527 = arith.subi %sub3A_526, %add3A : i32
      %jit3A_528 = arith.constant -14 : i32
      %jit3A_529 = arith.constant 14 : i32
      %max3A_530 = arith.maxsi %jit3A_528, %sub3A_527 : i32
      %min3A_531 = arith.minsi %jit3A_529, %max3A_530 : i32
      %add3A_532 = arith.constant 14 : i32
      %add3A_533 = arith.addi %min3A_531, %add3A_532 : i32
      %add3A_534 = arith.constant 1 : i32
      %add3A_535 = arith.addi %add3A_533, %add3A_534 : i32
      %broadcast_in_dim3A_536 = vector.broadcast %add3A_535 : i32 to vector<16xi32>
      %gather3A_537 = tpu.vector_load_idx %arg6[%broadcast_in_dim3A_536, %broadcast_in_dim3A_183] : memref<32x64xf32, #tpu.memory_space<vmem>>[vector<16xi32>, vector<16xi32>], vector<16xf32>,
      %swap3A_538 = arith.index_cast %scan3A_180 : i32 to index
      %swap3A_539 = arith.constant 449 : index
      %swap3A_540 = tpu.vector_load %arg9[%swap3A_538, %swap3A_539] {strides = array<i32>} : memref<16x1025xf32, #tpu.memory_space<vmem>>, vector<16xf32>,
      tpu.vector_store %arg9[%swap3A_538, %swap3A_539], %gather3A_537 {strides = array<i32>} : memref<16x1025xf32, #tpu.memory_space<vmem>>, vector<16xf32>,
      %swap3A_541 = arith.index_cast %scan3A_180 : i32 to index
      %swap3A_542 = arith.constant 465 : index
      %swap3A_543 = tpu.vector_load %arg9[%swap3A_541, %swap3A_542] {strides = array<i32>} : memref<16x1025xf32, #tpu.memory_space<vmem>>, vector<16xf32>,
      tpu.vector_store %arg9[%swap3A_541, %swap3A_542], %gather3A_537 {strides = array<i32>} : memref<16x1025xf32, #tpu.memory_space<vmem>>, vector<16xf32>,
      %swap3A_544 = arith.index_cast %scan3A_180 : i32 to index
      %swap3A_545 = arith.constant 449 : index
      %swap3A_546 = tpu.vector_load %arg11[%swap3A_544, %swap3A_545] {strides = array<i32>} : memref<16x1025xf32, #tpu.memory_space<vmem>>, vector<16xf32>,
      tpu.vector_store %arg11[%swap3A_544, %swap3A_545], %gather3A {strides = array<i32>} : memref<16x1025xf32, #tpu.memory_space<vmem>>, vector<16xf32>,
      %swap3A_547 = arith.index_cast %scan3A_180 : i32 to index
      %swap3A_548 = arith.constant 465 : index
      %swap3A_549 = tpu.vector_load %arg11[%swap3A_547, %swap3A_548] {strides = array<i32>} : memref<16x1025xf32, #tpu.memory_space<vmem>>, vector<16xf32>,
      tpu.vector_store %arg11[%swap3A_547, %swap3A_548], %gather3A_184 {strides = array<i32>} : memref<16x1025xf32, #tpu.memory_space<vmem>>, vector<16xf32>,
      %sub3A_550 = arith.constant 15 : i32
      %sub3A_551 = arith.subi %sub3A_550, %add3A : i32
      %jit3A_552 = arith.constant -14 : i32
      %jit3A_553 = arith.constant 14 : i32
      %max3A_554 = arith.maxsi %jit3A_552, %sub3A_551 : i32
      %min3A_555 = arith.minsi %jit3A_553, %max3A_554 : i32
      %add3A_556 = arith.constant 14 : i32
      %add3A_557 = arith.addi %min3A_555, %add3A_556 : i32
      %add3A_558 = arith.constant 1 : i32
      %add3A_559 = arith.addi %add3A_557, %add3A_558 : i32
      %broadcast_in_dim3A_560 = vector.broadcast %add3A_559 : i32 to vector<16xi32>
      %gather3A_561 = tpu.vector_load_idx %arg6[%broadcast_in_dim3A_560, %broadcast_in_dim3A_183] : memref<32x64xf32, #tpu.memory_space<vmem>>[vector<16xi32>, vector<16xi32>], vector<16xf32>,
      %swap3A_562 = arith.index_cast %scan3A_180 : i32 to index
      %swap3A_563 = arith.constant 481 : index
      %swap3A_564 = tpu.vector_load %arg9[%swap3A_562, %swap3A_563] {strides = array<i32>} : memref<16x1025xf32, #tpu.memory_space<vmem>>, vector<16xf32>,
      tpu.vector_store %arg9[%swap3A_562, %swap3A_563], %gather3A_561 {strides = array<i32>} : memref<16x1025xf32, #tpu.memory_space<vmem>>, vector<16xf32>,
      %swap3A_565 = arith.index_cast %scan3A_180 : i32 to index
      %swap3A_566 = arith.constant 497 : index
      %swap3A_567 = tpu.vector_load %arg9[%swap3A_565, %swap3A_566] {strides = array<i32>} : memref<16x1025xf32, #tpu.memory_space<vmem>>, vector<16xf32>,
      tpu.vector_store %arg9[%swap3A_565, %swap3A_566], %gather3A_561 {strides = array<i32>} : memref<16x1025xf32, #tpu.memory_space<vmem>>, vector<16xf32>,
      %swap3A_568 = arith.index_cast %scan3A_180 : i32 to index
      %swap3A_569 = arith.constant 481 : index
      %swap3A_570 = tpu.vector_load %arg11[%swap3A_568, %swap3A_569] {strides = array<i32>} : memref<16x1025xf32, #tpu.memory_space<vmem>>, vector<16xf32>,
      tpu.vector_store %arg11[%swap3A_568, %swap3A_569], %gather3A {strides = array<i32>} : memref<16x1025xf32, #tpu.memory_space<vmem>>, vector<16xf32>,
      %swap3A_571 = arith.index_cast %scan3A_180 : i32 to index
      %swap3A_572 = arith.constant 497 : index
      %swap3A_573 = tpu.vector_load %arg11[%swap3A_571, %swap3A_572] {strides = array<i32>} : memref<16x1025xf32, #tpu.memory_space<vmem>>, vector<16xf32>,
      tpu.vector_store %arg11[%swap3A_571, %swap3A_572], %gather3A_184 {strides = array<i32>} : memref<16x1025xf32, #tpu.memory_space<vmem>>, vector<16xf32>,
      %sub3A_574 = arith.constant 16 : i32
      %sub3A_575 = arith.subi %sub3A_574, %add3A : i32
      %jit3A_576 = arith.constant -14 : i32
      %jit3A_577 = arith.constant 14 : i32
      %max3A_578 = arith.maxsi %jit3A_576, %sub3A_575 : i32
      %min3A_579 = arith.minsi %jit3A_577, %max3A_578 : i32
      %add3A_580 = arith.constant 14 : i32
      %add3A_581 = arith.addi %min3A_579, %add3A_580 : i32
      %add3A_582 = arith.constant 1 : i32
      %add3A_583 = arith.addi %add3A_581, %add3A_582 : i32
      %broadcast_in_dim3A_584 = vector.broadcast %add3A_583 : i32 to vector<16xi32>
      %gather3A_585 = tpu.vector_load_idx %arg6[%broadcast_in_dim3A_584, %broadcast_in_dim3A_183] : memref<32x64xf32, #tpu.memory_space<vmem>>[vector<16xi32>, vector<16xi32>], vector<16xf32>,
      %swap3A_586 = arith.index_cast %scan3A_180 : i32 to index
      %swap3A_587 = arith.constant 513 : index
      %swap3A_588 = tpu.vector_load %arg9[%swap3A_586, %swap3A_587] {strides = array<i32>} : memref<16x1025xf32, #tpu.memory_space<vmem>>, vector<16xf32>,
      tpu.vector_store %arg9[%swap3A_586, %swap3A_587], %gather3A_585 {strides = array<i32>} : memref<16x1025xf32, #tpu.memory_space<vmem>>, vector<16xf32>,
      %swap3A_589 = arith.index_cast %scan3A_180 : i32 to index
      %swap3A_590 = arith.constant 529 : index
      %swap3A_591 = tpu.vector_load %arg9[%swap3A_589, %swap3A_590] {strides = array<i32>} : memref<16x1025xf32, #tpu.memory_space<vmem>>, vector<16xf32>,
      tpu.vector_store %arg9[%swap3A_589, %swap3A_590], %gather3A_585 {strides = array<i32>} : memref<16x1025xf32, #tpu.memory_space<vmem>>, vector<16xf32>,
      %swap3A_592 = arith.index_cast %scan3A_180 : i32 to index
      %swap3A_593 = arith.constant 513 : index
      %swap3A_594 = tpu.vector_load %arg11[%swap3A_592, %swap3A_593] {strides = array<i32>} : memref<16x1025xf32, #tpu.memory_space<vmem>>, vector<16xf32>,
      tpu.vector_store %arg11[%swap3A_592, %swap3A_593], %gather3A {strides = array<i32>} : memref<16x1025xf32, #tpu.memory_space<vmem>>, vector<16xf32>,
      %swap3A_595 = arith.index_cast %scan3A_180 : i32 to index
      %swap3A_596 = arith.constant 529 : index
      %swap3A_597 = tpu.vector_load %arg11[%swap3A_595, %swap3A_596] {strides = array<i32>} : memref<16x1025xf32, #tpu.memory_space<vmem>>, vector<16xf32>,
      tpu.vector_store %arg11[%swap3A_595, %swap3A_596], %gather3A_184 {strides = array<i32>} : memref<16x1025xf32, #tpu.memory_space<vmem>>, vector<16xf32>,
      %sub3A_598 = arith.constant 17 : i32
      %sub3A_599 = arith.subi %sub3A_598, %add3A : i32
      %jit3A_600 = arith.constant -14 : i32
      %jit3A_601 = arith.constant 14 : i32
      %max3A_602 = arith.maxsi %jit3A_600, %sub3A_599 : i32
      %min3A_603 = arith.minsi %jit3A_601, %max3A_602 : i32
      %add3A_604 = arith.constant 14 : i32
      %add3A_605 = arith.addi %min3A_603, %add3A_604 : i32
      %add3A_606 = arith.constant 1 : i32
      %add3A_607 = arith.addi %add3A_605, %add3A_606 : i32
      %broadcast_in_dim3A_608 = vector.broadcast %add3A_607 : i32 to vector<16xi32>
      %gather3A_609 = tpu.vector_load_idx %arg6[%broadcast_in_dim3A_608, %broadcast_in_dim3A_183] : memref<32x64xf32, #tpu.memory_space<vmem>>[vector<16xi32>, vector<16xi32>], vector<16xf32>,
      %swap3A_610 = arith.index_cast %scan3A_180 : i32 to index
      %swap3A_611 = arith.constant 545 : index
      %swap3A_612 = tpu.vector_load %arg9[%swap3A_610, %swap3A_611] {strides = array<i32>} : memref<16x1025xf32, #tpu.memory_space<vmem>>, vector<16xf32>,
      tpu.vector_store %arg9[%swap3A_610, %swap3A_611], %gather3A_609 {strides = array<i32>} : memref<16x1025xf32, #tpu.memory_space<vmem>>, vector<16xf32>,
      %swap3A_613 = arith.index_cast %scan3A_180 : i32 to index
      %swap3A_614 = arith.constant 561 : index
      %swap3A_615 = tpu.vector_load %arg9[%swap3A_613, %swap3A_614] {strides = array<i32>} : memref<16x1025xf32, #tpu.memory_space<vmem>>, vector<16xf32>,
      tpu.vector_store %arg9[%swap3A_613, %swap3A_614], %gather3A_609 {strides = array<i32>} : memref<16x1025xf32, #tpu.memory_space<vmem>>, vector<16xf32>,
      %swap3A_616 = arith.index_cast %scan3A_180 : i32 to index
      %swap3A_617 = arith.constant 545 : index
      %swap3A_618 = tpu.vector_load %arg11[%swap3A_616, %swap3A_617] {strides = array<i32>} : memref<16x1025xf32, #tpu.memory_space<vmem>>, vector<16xf32>,
      tpu.vector_store %arg11[%swap3A_616, %swap3A_617], %gather3A {strides = array<i32>} : memref<16x1025xf32, #tpu.memory_space<vmem>>, vector<16xf32>,
      %swap3A_619 = arith.index_cast %scan3A_180 : i32 to index
      %swap3A_620 = arith.constant 561 : index
      %swap3A_621 = tpu.vector_load %arg11[%swap3A_619, %swap3A_620] {strides = array<i32>} : memref<16x1025xf32, #tpu.memory_space<vmem>>, vector<16xf32>,
      tpu.vector_store %arg11[%swap3A_619, %swap3A_620], %gather3A_184 {strides = array<i32>} : memref<16x1025xf32, #tpu.memory_space<vmem>>, vector<16xf32>,
      %sub3A_622 = arith.constant 18 : i32
      %sub3A_623 = arith.subi %sub3A_622, %add3A : i32
      %jit3A_624 = arith.constant -14 : i32
      %jit3A_625 = arith.constant 14 : i32
      %max3A_626 = arith.maxsi %jit3A_624, %sub3A_623 : i32
      %min3A_627 = arith.minsi %jit3A_625, %max3A_626 : i32
      %add3A_628 = arith.constant 14 : i32
      %add3A_629 = arith.addi %min3A_627, %add3A_628 : i32
      %add3A_630 = arith.constant 1 : i32
      %add3A_631 = arith.addi %add3A_629, %add3A_630 : i32
      %broadcast_in_dim3A_632 = vector.broadcast %add3A_631 : i32 to vector<16xi32>
      %gather3A_633 = tpu.vector_load_idx %arg6[%broadcast_in_dim3A_632, %broadcast_in_dim3A_183] : memref<32x64xf32, #tpu.memory_space<vmem>>[vector<16xi32>, vector<16xi32>], vector<16xf32>,
      %swap3A_634 = arith.index_cast %scan3A_180 : i32 to index
      %swap3A_635 = arith.constant 577 : index
      %swap3A_636 = tpu.vector_load %arg9[%swap3A_634, %swap3A_635] {strides = array<i32>} : memref<16x1025xf32, #tpu.memory_space<vmem>>, vector<16xf32>,
      tpu.vector_store %arg9[%swap3A_634, %swap3A_635], %gather3A_633 {strides = array<i32>} : memref<16x1025xf32, #tpu.memory_space<vmem>>, vector<16xf32>,
      %swap3A_637 = arith.index_cast %scan3A_180 : i32 to index
      %swap3A_638 = arith.constant 593 : index
      %swap3A_639 = tpu.vector_load %arg9[%swap3A_637, %swap3A_638] {strides = array<i32>} : memref<16x1025xf32, #tpu.memory_space<vmem>>, vector<16xf32>,
      tpu.vector_store %arg9[%swap3A_637, %swap3A_638], %gather3A_633 {strides = array<i32>} : memref<16x1025xf32, #tpu.memory_space<vmem>>, vector<16xf32>,
      %swap3A_640 = arith.index_cast %scan3A_180 : i32 to index
      %swap3A_641 = arith.constant 577 : index
      %swap3A_642 = tpu.vector_load %arg11[%swap3A_640, %swap3A_641] {strides = array<i32>} : memref<16x1025xf32, #tpu.memory_space<vmem>>, vector<16xf32>,
      tpu.vector_store %arg11[%swap3A_640, %swap3A_641], %gather3A {strides = array<i32>} : memref<16x1025xf32, #tpu.memory_space<vmem>>, vector<16xf32>,
      %swap3A_643 = arith.index_cast %scan3A_180 : i32 to index
      %swap3A_644 = arith.constant 593 : index
      %swap3A_645 = tpu.vector_load %arg11[%swap3A_643, %swap3A_644] {strides = array<i32>} : memref<16x1025xf32, #tpu.memory_space<vmem>>, vector<16xf32>,
      tpu.vector_store %arg11[%swap3A_643, %swap3A_644], %gather3A_184 {strides = array<i32>} : memref<16x1025xf32, #tpu.memory_space<vmem>>, vector<16xf32>,
      %sub3A_646 = arith.constant 19 : i32
      %sub3A_647 = arith.subi %sub3A_646, %add3A : i32
      %jit3A_648 = arith.constant -14 : i32
      %jit3A_649 = arith.constant 14 : i32
      %max3A_650 = arith.maxsi %jit3A_648, %sub3A_647 : i32
      %min3A_651 = arith.minsi %jit3A_649, %max3A_650 : i32
      %add3A_652 = arith.constant 14 : i32
      %add3A_653 = arith.addi %min3A_651, %add3A_652 : i32
      %add3A_654 = arith.constant 1 : i32
      %add3A_655 = arith.addi %add3A_653, %add3A_654 : i32
      %broadcast_in_dim3A_656 = vector.broadcast %add3A_655 : i32 to vector<16xi32>
      %gather3A_657 = tpu.vector_load_idx %arg6[%broadcast_in_dim3A_656, %broadcast_in_dim3A_183] : memref<32x64xf32, #tpu.memory_space<vmem>>[vector<16xi32>, vector<16xi32>], vector<16xf32>,
      %swap3A_658 = arith.index_cast %scan3A_180 : i32 to index
      %swap3A_659 = arith.constant 609 : index
      %swap3A_660 = tpu.vector_load %arg9[%swap3A_658, %swap3A_659] {strides = array<i32>} : memref<16x1025xf32, #tpu.memory_space<vmem>>, vector<16xf32>,
      tpu.vector_store %arg9[%swap3A_658, %swap3A_659], %gather3A_657 {strides = array<i32>} : memref<16x1025xf32, #tpu.memory_space<vmem>>, vector<16xf32>,
      %swap3A_661 = arith.index_cast %scan3A_180 : i32 to index
      %swap3A_662 = arith.constant 625 : index
      %swap3A_663 = tpu.vector_load %arg9[%swap3A_661, %swap3A_662] {strides = array<i32>} : memref<16x1025xf32, #tpu.memory_space<vmem>>, vector<16xf32>,
      tpu.vector_store %arg9[%swap3A_661, %swap3A_662], %gather3A_657 {strides = array<i32>} : memref<16x1025xf32, #tpu.memory_space<vmem>>, vector<16xf32>,
      %swap3A_664 = arith.index_cast %scan3A_180 : i32 to index
      %swap3A_665 = arith.constant 609 : index
      %swap3A_666 = tpu.vector_load %arg11[%swap3A_664, %swap3A_665] {strides = array<i32>} : memref<16x1025xf32, #tpu.memory_space<vmem>>, vector<16xf32>,
      tpu.vector_store %arg11[%swap3A_664, %swap3A_665], %gather3A {strides = array<i32>} : memref<16x1025xf32, #tpu.memory_space<vmem>>, vector<16xf32>,
      %swap3A_667 = arith.index_cast %scan3A_180 : i32 to index
      %swap3A_668 = arith.constant 625 : index
      %swap3A_669 = tpu.vector_load %arg11[%swap3A_667, %swap3A_668] {strides = array<i32>} : memref<16x1025xf32, #tpu.memory_space<vmem>>, vector<16xf32>,
      tpu.vector_store %arg11[%swap3A_667, %swap3A_668], %gather3A_184 {strides = array<i32>} : memref<16x1025xf32, #tpu.memory_space<vmem>>, vector<16xf32>,
      %sub3A_670 = arith.constant 20 : i32
      %sub3A_671 = arith.subi %sub3A_670, %add3A : i32
      %jit3A_672 = arith.constant -14 : i32
      %jit3A_673 = arith.constant 14 : i32
      %max3A_674 = arith.maxsi %jit3A_672, %sub3A_671 : i32
      %min3A_675 = arith.minsi %jit3A_673, %max3A_674 : i32
      %add3A_676 = arith.constant 14 : i32
      %add3A_677 = arith.addi %min3A_675, %add3A_676 : i32
      %add3A_678 = arith.constant 1 : i32
      %add3A_679 = arith.addi %add3A_677, %add3A_678 : i32
      %broadcast_in_dim3A_680 = vector.broadcast %add3A_679 : i32 to vector<16xi32>
      %gather3A_681 = tpu.vector_load_idx %arg6[%broadcast_in_dim3A_680, %broadcast_in_dim3A_183] : memref<32x64xf32, #tpu.memory_space<vmem>>[vector<16xi32>, vector<16xi32>], vector<16xf32>,
      %swap3A_682 = arith.index_cast %scan3A_180 : i32 to index
      %swap3A_683 = arith.constant 641 : index
      %swap3A_684 = tpu.vector_load %arg9[%swap3A_682, %swap3A_683] {strides = array<i32>} : memref<16x1025xf32, #tpu.memory_space<vmem>>, vector<16xf32>,
      tpu.vector_store %arg9[%swap3A_682, %swap3A_683], %gather3A_681 {strides = array<i32>} : memref<16x1025xf32, #tpu.memory_space<vmem>>, vector<16xf32>,
      %swap3A_685 = arith.index_cast %scan3A_180 : i32 to index
      %swap3A_686 = arith.constant 657 : index
      %swap3A_687 = tpu.vector_load %arg9[%swap3A_685, %swap3A_686] {strides = array<i32>} : memref<16x1025xf32, #tpu.memory_space<vmem>>, vector<16xf32>,
      tpu.vector_store %arg9[%swap3A_685, %swap3A_686], %gather3A_681 {strides = array<i32>} : memref<16x1025xf32, #tpu.memory_space<vmem>>, vector<16xf32>,
      %swap3A_688 = arith.index_cast %scan3A_180 : i32 to index
      %swap3A_689 = arith.constant 641 : index
      %swap3A_690 = tpu.vector_load %arg11[%swap3A_688, %swap3A_689] {strides = array<i32>} : memref<16x1025xf32, #tpu.memory_space<vmem>>, vector<16xf32>,
      tpu.vector_store %arg11[%swap3A_688, %swap3A_689], %gather3A {strides = array<i32>} : memref<16x1025xf32, #tpu.memory_space<vmem>>, vector<16xf32>,
      %swap3A_691 = arith.index_cast %scan3A_180 : i32 to index
      %swap3A_692 = arith.constant 657 : index
      %swap3A_693 = tpu.vector_load %arg11[%swap3A_691, %swap3A_692] {strides = array<i32>} : memref<16x1025xf32, #tpu.memory_space<vmem>>, vector<16xf32>,
      tpu.vector_store %arg11[%swap3A_691, %swap3A_692], %gather3A_184 {strides = array<i32>} : memref<16x1025xf32, #tpu.memory_space<vmem>>, vector<16xf32>,
      %sub3A_694 = arith.constant 21 : i32
      %sub3A_695 = arith.subi %sub3A_694, %add3A : i32
      %jit3A_696 = arith.constant -14 : i32
      %jit3A_697 = arith.constant 14 : i32
      %max3A_698 = arith.maxsi %jit3A_696, %sub3A_695 : i32
      %min3A_699 = arith.minsi %jit3A_697, %max3A_698 : i32
      %add3A_700 = arith.constant 14 : i32
      %add3A_701 = arith.addi %min3A_699, %add3A_700 : i32
      %add3A_702 = arith.constant 1 : i32
      %add3A_703 = arith.addi %add3A_701, %add3A_702 : i32
      %broadcast_in_dim3A_704 = vector.broadcast %add3A_703 : i32 to vector<16xi32>
      %gather3A_705 = tpu.vector_load_idx %arg6[%broadcast_in_dim3A_704, %broadcast_in_dim3A_183] : memref<32x64xf32, #tpu.memory_space<vmem>>[vector<16xi32>, vector<16xi32>], vector<16xf32>,
      %swap3A_706 = arith.index_cast %scan3A_180 : i32 to index
      %swap3A_707 = arith.constant 673 : index
      %swap3A_708 = tpu.vector_load %arg9[%swap3A_706, %swap3A_707] {strides = array<i32>} : memref<16x1025xf32, #tpu.memory_space<vmem>>, vector<16xf32>,
      tpu.vector_store %arg9[%swap3A_706, %swap3A_707], %gather3A_705 {strides = array<i32>} : memref<16x1025xf32, #tpu.memory_space<vmem>>, vector<16xf32>,
      %swap3A_709 = arith.index_cast %scan3A_180 : i32 to index
      %swap3A_710 = arith.constant 689 : index
      %swap3A_711 = tpu.vector_load %arg9[%swap3A_709, %swap3A_710] {strides = array<i32>} : memref<16x1025xf32, #tpu.memory_space<vmem>>, vector<16xf32>,
      tpu.vector_store %arg9[%swap3A_709, %swap3A_710], %gather3A_705 {strides = array<i32>} : memref<16x1025xf32, #tpu.memory_space<vmem>>, vector<16xf32>,
      %swap3A_712 = arith.index_cast %scan3A_180 : i32 to index
      %swap3A_713 = arith.constant 673 : index
      %swap3A_714 = tpu.vector_load %arg11[%swap3A_712, %swap3A_713] {strides = array<i32>} : memref<16x1025xf32, #tpu.memory_space<vmem>>, vector<16xf32>,
      tpu.vector_store %arg11[%swap3A_712, %swap3A_713], %gather3A {strides = array<i32>} : memref<16x1025xf32, #tpu.memory_space<vmem>>, vector<16xf32>,
      %swap3A_715 = arith.index_cast %scan3A_180 : i32 to index
      %swap3A_716 = arith.constant 689 : index
      %swap3A_717 = tpu.vector_load %arg11[%swap3A_715, %swap3A_716] {strides = array<i32>} : memref<16x1025xf32, #tpu.memory_space<vmem>>, vector<16xf32>,
      tpu.vector_store %arg11[%swap3A_715, %swap3A_716], %gather3A_184 {strides = array<i32>} : memref<16x1025xf32, #tpu.memory_space<vmem>>, vector<16xf32>,
      %sub3A_718 = arith.constant 22 : i32
      %sub3A_719 = arith.subi %sub3A_718, %add3A : i32
      %jit3A_720 = arith.constant -14 : i32
      %jit3A_721 = arith.constant 14 : i32
      %max3A_722 = arith.maxsi %jit3A_720, %sub3A_719 : i32
      %min3A_723 = arith.minsi %jit3A_721, %max3A_722 : i32
      %add3A_724 = arith.constant 14 : i32
      %add3A_725 = arith.addi %min3A_723, %add3A_724 : i32
      %add3A_726 = arith.constant 1 : i32
      %add3A_727 = arith.addi %add3A_725, %add3A_726 : i32
      %broadcast_in_dim3A_728 = vector.broadcast %add3A_727 : i32 to vector<16xi32>
      %gather3A_729 = tpu.vector_load_idx %arg6[%broadcast_in_dim3A_728, %broadcast_in_dim3A_183] : memref<32x64xf32, #tpu.memory_space<vmem>>[vector<16xi32>, vector<16xi32>], vector<16xf32>,
      %swap3A_730 = arith.index_cast %scan3A_180 : i32 to index
      %swap3A_731 = arith.constant 705 : index
      %swap3A_732 = tpu.vector_load %arg9[%swap3A_730, %swap3A_731] {strides = array<i32>} : memref<16x1025xf32, #tpu.memory_space<vmem>>, vector<16xf32>,
      tpu.vector_store %arg9[%swap3A_730, %swap3A_731], %gather3A_729 {strides = array<i32>} : memref<16x1025xf32, #tpu.memory_space<vmem>>, vector<16xf32>,
      %swap3A_733 = arith.index_cast %scan3A_180 : i32 to index
      %swap3A_734 = arith.constant 721 : index
      %swap3A_735 = tpu.vector_load %arg9[%swap3A_733, %swap3A_734] {strides = array<i32>} : memref<16x1025xf32, #tpu.memory_space<vmem>>, vector<16xf32>,
      tpu.vector_store %arg9[%swap3A_733, %swap3A_734], %gather3A_729 {strides = array<i32>} : memref<16x1025xf32, #tpu.memory_space<vmem>>, vector<16xf32>,
      %swap3A_736 = arith.index_cast %scan3A_180 : i32 to index
      %swap3A_737 = arith.constant 705 : index
      %swap3A_738 = tpu.vector_load %arg11[%swap3A_736, %swap3A_737] {strides = array<i32>} : memref<16x1025xf32, #tpu.memory_space<vmem>>, vector<16xf32>,
      tpu.vector_store %arg11[%swap3A_736, %swap3A_737], %gather3A {strides = array<i32>} : memref<16x1025xf32, #tpu.memory_space<vmem>>, vector<16xf32>,
      %swap3A_739 = arith.index_cast %scan3A_180 : i32 to index
      %swap3A_740 = arith.constant 721 : index
      %swap3A_741 = tpu.vector_load %arg11[%swap3A_739, %swap3A_740] {strides = array<i32>} : memref<16x1025xf32, #tpu.memory_space<vmem>>, vector<16xf32>,
      tpu.vector_store %arg11[%swap3A_739, %swap3A_740], %gather3A_184 {strides = array<i32>} : memref<16x1025xf32, #tpu.memory_space<vmem>>, vector<16xf32>,
      %sub3A_742 = arith.constant 23 : i32
      %sub3A_743 = arith.subi %sub3A_742, %add3A : i32
      %jit3A_744 = arith.constant -14 : i32
      %jit3A_745 = arith.constant 14 : i32
      %max3A_746 = arith.maxsi %jit3A_744, %sub3A_743 : i32
      %min3A_747 = arith.minsi %jit3A_745, %max3A_746 : i32
      %add3A_748 = arith.constant 14 : i32
      %add3A_749 = arith.addi %min3A_747, %add3A_748 : i32
      %add3A_750 = arith.constant 1 : i32
      %add3A_751 = arith.addi %add3A_749, %add3A_750 : i32
      %broadcast_in_dim3A_752 = vector.broadcast %add3A_751 : i32 to vector<16xi32>
      %gather3A_753 = tpu.vector_load_idx %arg6[%broadcast_in_dim3A_752, %broadcast_in_dim3A_183] : memref<32x64xf32, #tpu.memory_space<vmem>>[vector<16xi32>, vector<16xi32>], vector<16xf32>,
      %swap3A_754 = arith.index_cast %scan3A_180 : i32 to index
      %swap3A_755 = arith.constant 737 : index
      %swap3A_756 = tpu.vector_load %arg9[%swap3A_754, %swap3A_755] {strides = array<i32>} : memref<16x1025xf32, #tpu.memory_space<vmem>>, vector<16xf32>,
      tpu.vector_store %arg9[%swap3A_754, %swap3A_755], %gather3A_753 {strides = array<i32>} : memref<16x1025xf32, #tpu.memory_space<vmem>>, vector<16xf32>,
      %swap3A_757 = arith.index_cast %scan3A_180 : i32 to index
      %swap3A_758 = arith.constant 753 : index
      %swap3A_759 = tpu.vector_load %arg9[%swap3A_757, %swap3A_758] {strides = array<i32>} : memref<16x1025xf32, #tpu.memory_space<vmem>>, vector<16xf32>,
      tpu.vector_store %arg9[%swap3A_757, %swap3A_758], %gather3A_753 {strides = array<i32>} : memref<16x1025xf32, #tpu.memory_space<vmem>>, vector<16xf32>,
      %swap3A_760 = arith.index_cast %scan3A_180 : i32 to index
      %swap3A_761 = arith.constant 737 : index
      %swap3A_762 = tpu.vector_load %arg11[%swap3A_760, %swap3A_761] {strides = array<i32>} : memref<16x1025xf32, #tpu.memory_space<vmem>>, vector<16xf32>,
      tpu.vector_store %arg11[%swap3A_760, %swap3A_761], %gather3A {strides = array<i32>} : memref<16x1025xf32, #tpu.memory_space<vmem>>, vector<16xf32>,
      %swap3A_763 = arith.index_cast %scan3A_180 : i32 to index
      %swap3A_764 = arith.constant 753 : index
      %swap3A_765 = tpu.vector_load %arg11[%swap3A_763, %swap3A_764] {strides = array<i32>} : memref<16x1025xf32, #tpu.memory_space<vmem>>, vector<16xf32>,
      tpu.vector_store %arg11[%swap3A_763, %swap3A_764], %gather3A_184 {strides = array<i32>} : memref<16x1025xf32, #tpu.memory_space<vmem>>, vector<16xf32>,
      %sub3A_766 = arith.constant 24 : i32
      %sub3A_767 = arith.subi %sub3A_766, %add3A : i32
      %jit3A_768 = arith.constant -14 : i32
      %jit3A_769 = arith.constant 14 : i32
      %max3A_770 = arith.maxsi %jit3A_768, %sub3A_767 : i32
      %min3A_771 = arith.minsi %jit3A_769, %max3A_770 : i32
      %add3A_772 = arith.constant 14 : i32
      %add3A_773 = arith.addi %min3A_771, %add3A_772 : i32
      %add3A_774 = arith.constant 1 : i32
      %add3A_775 = arith.addi %add3A_773, %add3A_774 : i32
      %broadcast_in_dim3A_776 = vector.broadcast %add3A_775 : i32 to vector<16xi32>
      %gather3A_777 = tpu.vector_load_idx %arg6[%broadcast_in_dim3A_776, %broadcast_in_dim3A_183] : memref<32x64xf32, #tpu.memory_space<vmem>>[vector<16xi32>, vector<16xi32>], vector<16xf32>,
      %swap3A_778 = arith.index_cast %scan3A_180 : i32 to index
      %swap3A_779 = arith.constant 769 : index
      %swap3A_780 = tpu.vector_load %arg9[%swap3A_778, %swap3A_779] {strides = array<i32>} : memref<16x1025xf32, #tpu.memory_space<vmem>>, vector<16xf32>,
      tpu.vector_store %arg9[%swap3A_778, %swap3A_779], %gather3A_777 {strides = array<i32>} : memref<16x1025xf32, #tpu.memory_space<vmem>>, vector<16xf32>,
      %swap3A_781 = arith.index_cast %scan3A_180 : i32 to index
      %swap3A_782 = arith.constant 785 : index
      %swap3A_783 = tpu.vector_load %arg9[%swap3A_781, %swap3A_782] {strides = array<i32>} : memref<16x1025xf32, #tpu.memory_space<vmem>>, vector<16xf32>,
      tpu.vector_store %arg9[%swap3A_781, %swap3A_782], %gather3A_777 {strides = array<i32>} : memref<16x1025xf32, #tpu.memory_space<vmem>>, vector<16xf32>,
      %swap3A_784 = arith.index_cast %scan3A_180 : i32 to index
      %swap3A_785 = arith.constant 769 : index
      %swap3A_786 = tpu.vector_load %arg11[%swap3A_784, %swap3A_785] {strides = array<i32>} : memref<16x1025xf32, #tpu.memory_space<vmem>>, vector<16xf32>,
      tpu.vector_store %arg11[%swap3A_784, %swap3A_785], %gather3A {strides = array<i32>} : memref<16x1025xf32, #tpu.memory_space<vmem>>, vector<16xf32>,
      %swap3A_787 = arith.index_cast %scan3A_180 : i32 to index
      %swap3A_788 = arith.constant 785 : index
      %swap3A_789 = tpu.vector_load %arg11[%swap3A_787, %swap3A_788] {strides = array<i32>} : memref<16x1025xf32, #tpu.memory_space<vmem>>, vector<16xf32>,
      tpu.vector_store %arg11[%swap3A_787, %swap3A_788], %gather3A_184 {strides = array<i32>} : memref<16x1025xf32, #tpu.memory_space<vmem>>, vector<16xf32>,
      %sub3A_790 = arith.constant 25 : i32
      %sub3A_791 = arith.subi %sub3A_790, %add3A : i32
      %jit3A_792 = arith.constant -14 : i32
      %jit3A_793 = arith.constant 14 : i32
      %max3A_794 = arith.maxsi %jit3A_792, %sub3A_791 : i32
      %min3A_795 = arith.minsi %jit3A_793, %max3A_794 : i32
      %add3A_796 = arith.constant 14 : i32
      %add3A_797 = arith.addi %min3A_795, %add3A_796 : i32
      %add3A_798 = arith.constant 1 : i32
      %add3A_799 = arith.addi %add3A_797, %add3A_798 : i32
      %broadcast_in_dim3A_800 = vector.broadcast %add3A_799 : i32 to vector<16xi32>
      %gather3A_801 = tpu.vector_load_idx %arg6[%broadcast_in_dim3A_800, %broadcast_in_dim3A_183] : memref<32x64xf32, #tpu.memory_space<vmem>>[vector<16xi32>, vector<16xi32>], vector<16xf32>,
      %swap3A_802 = arith.index_cast %scan3A_180 : i32 to index
      %swap3A_803 = arith.constant 801 : index
      %swap3A_804 = tpu.vector_load %arg9[%swap3A_802, %swap3A_803] {strides = array<i32>} : memref<16x1025xf32, #tpu.memory_space<vmem>>, vector<16xf32>,
      tpu.vector_store %arg9[%swap3A_802, %swap3A_803], %gather3A_801 {strides = array<i32>} : memref<16x1025xf32, #tpu.memory_space<vmem>>, vector<16xf32>,
      %swap3A_805 = arith.index_cast %scan3A_180 : i32 to index
      %swap3A_806 = arith.constant 817 : index
      %swap3A_807 = tpu.vector_load %arg9[%swap3A_805, %swap3A_806] {strides = array<i32>} : memref<16x1025xf32, #tpu.memory_space<vmem>>, vector<16xf32>,
      tpu.vector_store %arg9[%swap3A_805, %swap3A_806], %gather3A_801 {strides = array<i32>} : memref<16x1025xf32, #tpu.memory_space<vmem>>, vector<16xf32>,
      %swap3A_808 = arith.index_cast %scan3A_180 : i32 to index
      %swap3A_809 = arith.constant 801 : index
      %swap3A_810 = tpu.vector_load %arg11[%swap3A_808, %swap3A_809] {strides = array<i32>} : memref<16x1025xf32, #tpu.memory_space<vmem>>, vector<16xf32>,
      tpu.vector_store %arg11[%swap3A_808, %swap3A_809], %gather3A {strides = array<i32>} : memref<16x1025xf32, #tpu.memory_space<vmem>>, vector<16xf32>,
      %swap3A_811 = arith.index_cast %scan3A_180 : i32 to index
      %swap3A_812 = arith.constant 817 : index
      %swap3A_813 = tpu.vector_load %arg11[%swap3A_811, %swap3A_812] {strides = array<i32>} : memref<16x1025xf32, #tpu.memory_space<vmem>>, vector<16xf32>,
      tpu.vector_store %arg11[%swap3A_811, %swap3A_812], %gather3A_184 {strides = array<i32>} : memref<16x1025xf32, #tpu.memory_space<vmem>>, vector<16xf32>,
      %sub3A_814 = arith.constant 26 : i32
      %sub3A_815 = arith.subi %sub3A_814, %add3A : i32
      %jit3A_816 = arith.constant -14 : i32
      %jit3A_817 = arith.constant 14 : i32
      %max3A_818 = arith.maxsi %jit3A_816, %sub3A_815 : i32
      %min3A_819 = arith.minsi %jit3A_817, %max3A_818 : i32
      %add3A_820 = arith.constant 14 : i32
      %add3A_821 = arith.addi %min3A_819, %add3A_820 : i32
      %add3A_822 = arith.constant 1 : i32
      %add3A_823 = arith.addi %add3A_821, %add3A_822 : i32
      %broadcast_in_dim3A_824 = vector.broadcast %add3A_823 : i32 to vector<16xi32>
      %gather3A_825 = tpu.vector_load_idx %arg6[%broadcast_in_dim3A_824, %broadcast_in_dim3A_183] : memref<32x64xf32, #tpu.memory_space<vmem>>[vector<16xi32>, vector<16xi32>], vector<16xf32>,
      %swap3A_826 = arith.index_cast %scan3A_180 : i32 to index
      %swap3A_827 = arith.constant 833 : index
      %swap3A_828 = tpu.vector_load %arg9[%swap3A_826, %swap3A_827] {strides = array<i32>} : memref<16x1025xf32, #tpu.memory_space<vmem>>, vector<16xf32>,
      tpu.vector_store %arg9[%swap3A_826, %swap3A_827], %gather3A_825 {strides = array<i32>} : memref<16x1025xf32, #tpu.memory_space<vmem>>, vector<16xf32>,
      %swap3A_829 = arith.index_cast %scan3A_180 : i32 to index
      %swap3A_830 = arith.constant 849 : index
      %swap3A_831 = tpu.vector_load %arg9[%swap3A_829, %swap3A_830] {strides = array<i32>} : memref<16x1025xf32, #tpu.memory_space<vmem>>, vector<16xf32>,
      tpu.vector_store %arg9[%swap3A_829, %swap3A_830], %gather3A_825 {strides = array<i32>} : memref<16x1025xf32, #tpu.memory_space<vmem>>, vector<16xf32>,
      %swap3A_832 = arith.index_cast %scan3A_180 : i32 to index
      %swap3A_833 = arith.constant 833 : index
      %swap3A_834 = tpu.vector_load %arg11[%swap3A_832, %swap3A_833] {strides = array<i32>} : memref<16x1025xf32, #tpu.memory_space<vmem>>, vector<16xf32>,
      tpu.vector_store %arg11[%swap3A_832, %swap3A_833], %gather3A {strides = array<i32>} : memref<16x1025xf32, #tpu.memory_space<vmem>>, vector<16xf32>,
      %swap3A_835 = arith.index_cast %scan3A_180 : i32 to index
      %swap3A_836 = arith.constant 849 : index
      %swap3A_837 = tpu.vector_load %arg11[%swap3A_835, %swap3A_836] {strides = array<i32>} : memref<16x1025xf32, #tpu.memory_space<vmem>>, vector<16xf32>,
      tpu.vector_store %arg11[%swap3A_835, %swap3A_836], %gather3A_184 {strides = array<i32>} : memref<16x1025xf32, #tpu.memory_space<vmem>>, vector<16xf32>,
      %sub3A_838 = arith.constant 27 : i32
      %sub3A_839 = arith.subi %sub3A_838, %add3A : i32
      %jit3A_840 = arith.constant -14 : i32
      %jit3A_841 = arith.constant 14 : i32
      %max3A_842 = arith.maxsi %jit3A_840, %sub3A_839 : i32
      %min3A_843 = arith.minsi %jit3A_841, %max3A_842 : i32
      %add3A_844 = arith.constant 14 : i32
      %add3A_845 = arith.addi %min3A_843, %add3A_844 : i32
      %add3A_846 = arith.constant 1 : i32
      %add3A_847 = arith.addi %add3A_845, %add3A_846 : i32
      %broadcast_in_dim3A_848 = vector.broadcast %add3A_847 : i32 to vector<16xi32>
      %gather3A_849 = tpu.vector_load_idx %arg6[%broadcast_in_dim3A_848, %broadcast_in_dim3A_183] : memref<32x64xf32, #tpu.memory_space<vmem>>[vector<16xi32>, vector<16xi32>], vector<16xf32>,
      %swap3A_850 = arith.index_cast %scan3A_180 : i32 to index
      %swap3A_851 = arith.constant 865 : index
      %swap3A_852 = tpu.vector_load %arg9[%swap3A_850, %swap3A_851] {strides = array<i32>} : memref<16x1025xf32, #tpu.memory_space<vmem>>, vector<16xf32>,
      tpu.vector_store %arg9[%swap3A_850, %swap3A_851], %gather3A_849 {strides = array<i32>} : memref<16x1025xf32, #tpu.memory_space<vmem>>, vector<16xf32>,
      %swap3A_853 = arith.index_cast %scan3A_180 : i32 to index
      %swap3A_854 = arith.constant 881 : index
      %swap3A_855 = tpu.vector_load %arg9[%swap3A_853, %swap3A_854] {strides = array<i32>} : memref<16x1025xf32, #tpu.memory_space<vmem>>, vector<16xf32>,
      tpu.vector_store %arg9[%swap3A_853, %swap3A_854], %gather3A_849 {strides = array<i32>} : memref<16x1025xf32, #tpu.memory_space<vmem>>, vector<16xf32>,
      %swap3A_856 = arith.index_cast %scan3A_180 : i32 to index
      %swap3A_857 = arith.constant 865 : index
      %swap3A_858 = tpu.vector_load %arg11[%swap3A_856, %swap3A_857] {strides = array<i32>} : memref<16x1025xf32, #tpu.memory_space<vmem>>, vector<16xf32>,
      tpu.vector_store %arg11[%swap3A_856, %swap3A_857], %gather3A {strides = array<i32>} : memref<16x1025xf32, #tpu.memory_space<vmem>>, vector<16xf32>,
      %swap3A_859 = arith.index_cast %scan3A_180 : i32 to index
      %swap3A_860 = arith.constant 881 : index
      %swap3A_861 = tpu.vector_load %arg11[%swap3A_859, %swap3A_860] {strides = array<i32>} : memref<16x1025xf32, #tpu.memory_space<vmem>>, vector<16xf32>,
      tpu.vector_store %arg11[%swap3A_859, %swap3A_860], %gather3A_184 {strides = array<i32>} : memref<16x1025xf32, #tpu.memory_space<vmem>>, vector<16xf32>,
      %sub3A_862 = arith.constant 28 : i32
      %sub3A_863 = arith.subi %sub3A_862, %add3A : i32
      %jit3A_864 = arith.constant -14 : i32
      %jit3A_865 = arith.constant 14 : i32
      %max3A_866 = arith.maxsi %jit3A_864, %sub3A_863 : i32
      %min3A_867 = arith.minsi %jit3A_865, %max3A_866 : i32
      %add3A_868 = arith.constant 14 : i32
      %add3A_869 = arith.addi %min3A_867, %add3A_868 : i32
      %add3A_870 = arith.constant 1 : i32
      %add3A_871 = arith.addi %add3A_869, %add3A_870 : i32
      %broadcast_in_dim3A_872 = vector.broadcast %add3A_871 : i32 to vector<16xi32>
      %gather3A_873 = tpu.vector_load_idx %arg6[%broadcast_in_dim3A_872, %broadcast_in_dim3A_183] : memref<32x64xf32, #tpu.memory_space<vmem>>[vector<16xi32>, vector<16xi32>], vector<16xf32>,
      %swap3A_874 = arith.index_cast %scan3A_180 : i32 to index
      %swap3A_875 = arith.constant 897 : index
      %swap3A_876 = tpu.vector_load %arg9[%swap3A_874, %swap3A_875] {strides = array<i32>} : memref<16x1025xf32, #tpu.memory_space<vmem>>, vector<16xf32>,
      tpu.vector_store %arg9[%swap3A_874, %swap3A_875], %gather3A_873 {strides = array<i32>} : memref<16x1025xf32, #tpu.memory_space<vmem>>, vector<16xf32>,
      %swap3A_877 = arith.index_cast %scan3A_180 : i32 to index
      %swap3A_878 = arith.constant 913 : index
      %swap3A_879 = tpu.vector_load %arg9[%swap3A_877, %swap3A_878] {strides = array<i32>} : memref<16x1025xf32, #tpu.memory_space<vmem>>, vector<16xf32>,
      tpu.vector_store %arg9[%swap3A_877, %swap3A_878], %gather3A_873 {strides = array<i32>} : memref<16x1025xf32, #tpu.memory_space<vmem>>, vector<16xf32>,
      %swap3A_880 = arith.index_cast %scan3A_180 : i32 to index
      %swap3A_881 = arith.constant 897 : index
      %swap3A_882 = tpu.vector_load %arg11[%swap3A_880, %swap3A_881] {strides = array<i32>} : memref<16x1025xf32, #tpu.memory_space<vmem>>, vector<16xf32>,
      tpu.vector_store %arg11[%swap3A_880, %swap3A_881], %gather3A {strides = array<i32>} : memref<16x1025xf32, #tpu.memory_space<vmem>>, vector<16xf32>,
      %swap3A_883 = arith.index_cast %scan3A_180 : i32 to index
      %swap3A_884 = arith.constant 913 : index
      %swap3A_885 = tpu.vector_load %arg11[%swap3A_883, %swap3A_884] {strides = array<i32>} : memref<16x1025xf32, #tpu.memory_space<vmem>>, vector<16xf32>,
      tpu.vector_store %arg11[%swap3A_883, %swap3A_884], %gather3A_184 {strides = array<i32>} : memref<16x1025xf32, #tpu.memory_space<vmem>>, vector<16xf32>,
      %sub3A_886 = arith.constant 29 : i32
      %sub3A_887 = arith.subi %sub3A_886, %add3A : i32
      %jit3A_888 = arith.constant -14 : i32
      %jit3A_889 = arith.constant 14 : i32
      %max3A_890 = arith.maxsi %jit3A_888, %sub3A_887 : i32
      %min3A_891 = arith.minsi %jit3A_889, %max3A_890 : i32
      %add3A_892 = arith.constant 14 : i32
      %add3A_893 = arith.addi %min3A_891, %add3A_892 : i32
      %add3A_894 = arith.constant 1 : i32
      %add3A_895 = arith.addi %add3A_893, %add3A_894 : i32
      %broadcast_in_dim3A_896 = vector.broadcast %add3A_895 : i32 to vector<16xi32>
      %gather3A_897 = tpu.vector_load_idx %arg6[%broadcast_in_dim3A_896, %broadcast_in_dim3A_183] : memref<32x64xf32, #tpu.memory_space<vmem>>[vector<16xi32>, vector<16xi32>], vector<16xf32>,
      %swap3A_898 = arith.index_cast %scan3A_180 : i32 to index
      %swap3A_899 = arith.constant 929 : index
      %swap3A_900 = tpu.vector_load %arg9[%swap3A_898, %swap3A_899] {strides = array<i32>} : memref<16x1025xf32, #tpu.memory_space<vmem>>, vector<16xf32>,
      tpu.vector_store %arg9[%swap3A_898, %swap3A_899], %gather3A_897 {strides = array<i32>} : memref<16x1025xf32, #tpu.memory_space<vmem>>, vector<16xf32>,
      %swap3A_901 = arith.index_cast %scan3A_180 : i32 to index
      %swap3A_902 = arith.constant 945 : index
      %swap3A_903 = tpu.vector_load %arg9[%swap3A_901, %swap3A_902] {strides = array<i32>} : memref<16x1025xf32, #tpu.memory_space<vmem>>, vector<16xf32>,
      tpu.vector_store %arg9[%swap3A_901, %swap3A_902], %gather3A_897 {strides = array<i32>} : memref<16x1025xf32, #tpu.memory_space<vmem>>, vector<16xf32>,
      %swap3A_904 = arith.index_cast %scan3A_180 : i32 to index
      %swap3A_905 = arith.constant 929 : index
      %swap3A_906 = tpu.vector_load %arg11[%swap3A_904, %swap3A_905] {strides = array<i32>} : memref<16x1025xf32, #tpu.memory_space<vmem>>, vector<16xf32>,
      tpu.vector_store %arg11[%swap3A_904, %swap3A_905], %gather3A {strides = array<i32>} : memref<16x1025xf32, #tpu.memory_space<vmem>>, vector<16xf32>,
      %swap3A_907 = arith.index_cast %scan3A_180 : i32 to index
      %swap3A_908 = arith.constant 945 : index
      %swap3A_909 = tpu.vector_load %arg11[%swap3A_907, %swap3A_908] {strides = array<i32>} : memref<16x1025xf32, #tpu.memory_space<vmem>>, vector<16xf32>,
      tpu.vector_store %arg11[%swap3A_907, %swap3A_908], %gather3A_184 {strides = array<i32>} : memref<16x1025xf32, #tpu.memory_space<vmem>>, vector<16xf32>,
      %sub3A_910 = arith.constant 30 : i32
      %sub3A_911 = arith.subi %sub3A_910, %add3A : i32
      %jit3A_912 = arith.constant -14 : i32
      %jit3A_913 = arith.constant 14 : i32
      %max3A_914 = arith.maxsi %jit3A_912, %sub3A_911 : i32
      %min3A_915 = arith.minsi %jit3A_913, %max3A_914 : i32
      %add3A_916 = arith.constant 14 : i32
      %add3A_917 = arith.addi %min3A_915, %add3A_916 : i32
      %add3A_918 = arith.constant 1 : i32
      %add3A_919 = arith.addi %add3A_917, %add3A_918 : i32
      %broadcast_in_dim3A_920 = vector.broadcast %add3A_919 : i32 to vector<16xi32>
      %gather3A_921 = tpu.vector_load_idx %arg6[%broadcast_in_dim3A_920, %broadcast_in_dim3A_183] : memref<32x64xf32, #tpu.memory_space<vmem>>[vector<16xi32>, vector<16xi32>], vector<16xf32>,
      %swap3A_922 = arith.index_cast %scan3A_180 : i32 to index
      %swap3A_923 = arith.constant 961 : index
      %swap3A_924 = tpu.vector_load %arg9[%swap3A_922, %swap3A_923] {strides = array<i32>} : memref<16x1025xf32, #tpu.memory_space<vmem>>, vector<16xf32>,
      tpu.vector_store %arg9[%swap3A_922, %swap3A_923], %gather3A_921 {strides = array<i32>} : memref<16x1025xf32, #tpu.memory_space<vmem>>, vector<16xf32>,
      %swap3A_925 = arith.index_cast %scan3A_180 : i32 to index
      %swap3A_926 = arith.constant 977 : index
      %swap3A_927 = tpu.vector_load %arg9[%swap3A_925, %swap3A_926] {strides = array<i32>} : memref<16x1025xf32, #tpu.memory_space<vmem>>, vector<16xf32>,
      tpu.vector_store %arg9[%swap3A_925, %swap3A_926], %gather3A_921 {strides = array<i32>} : memref<16x1025xf32, #tpu.memory_space<vmem>>, vector<16xf32>,
      %swap3A_928 = arith.index_cast %scan3A_180 : i32 to index
      %swap3A_929 = arith.constant 961 : index
      %swap3A_930 = tpu.vector_load %arg11[%swap3A_928, %swap3A_929] {strides = array<i32>} : memref<16x1025xf32, #tpu.memory_space<vmem>>, vector<16xf32>,
      tpu.vector_store %arg11[%swap3A_928, %swap3A_929], %gather3A {strides = array<i32>} : memref<16x1025xf32, #tpu.memory_space<vmem>>, vector<16xf32>,
      %swap3A_931 = arith.index_cast %scan3A_180 : i32 to index
      %swap3A_932 = arith.constant 977 : index
      %swap3A_933 = tpu.vector_load %arg11[%swap3A_931, %swap3A_932] {strides = array<i32>} : memref<16x1025xf32, #tpu.memory_space<vmem>>, vector<16xf32>,
      tpu.vector_store %arg11[%swap3A_931, %swap3A_932], %gather3A_184 {strides = array<i32>} : memref<16x1025xf32, #tpu.memory_space<vmem>>, vector<16xf32>,
      %sub3A_934 = arith.constant 31 : i32
      %sub3A_935 = arith.subi %sub3A_934, %add3A : i32
      %jit3A_936 = arith.constant -14 : i32
      %jit3A_937 = arith.constant 14 : i32
      %max3A_938 = arith.maxsi %jit3A_936, %sub3A_935 : i32
      %min3A_939 = arith.minsi %jit3A_937, %max3A_938 : i32
      %add3A_940 = arith.constant 14 : i32
      %add3A_941 = arith.addi %min3A_939, %add3A_940 : i32
      %add3A_942 = arith.constant 1 : i32
      %add3A_943 = arith.addi %add3A_941, %add3A_942 : i32
      %broadcast_in_dim3A_944 = vector.broadcast %add3A_943 : i32 to vector<16xi32>
      %gather3A_945 = tpu.vector_load_idx %arg6[%broadcast_in_dim3A_944, %broadcast_in_dim3A_183] : memref<32x64xf32, #tpu.memory_space<vmem>>[vector<16xi32>, vector<16xi32>], vector<16xf32>,
      %swap3A_946 = arith.index_cast %scan3A_180 : i32 to index
      %swap3A_947 = arith.constant 993 : index
      %swap3A_948 = tpu.vector_load %arg9[%swap3A_946, %swap3A_947] {strides = array<i32>} : memref<16x1025xf32, #tpu.memory_space<vmem>>, vector<16xf32>,
      tpu.vector_store %arg9[%swap3A_946, %swap3A_947], %gather3A_945 {strides = array<i32>} : memref<16x1025xf32, #tpu.memory_space<vmem>>, vector<16xf32>,
      %swap3A_949 = arith.index_cast %scan3A_180 : i32 to index
      %swap3A_950 = arith.constant 1009 : index
      %swap3A_951 = tpu.vector_load %arg9[%swap3A_949, %swap3A_950] {strides = array<i32>} : memref<16x1025xf32, #tpu.memory_space<vmem>>, vector<16xf32>,
      tpu.vector_store %arg9[%swap3A_949, %swap3A_950], %gather3A_945 {strides = array<i32>} : memref<16x1025xf32, #tpu.memory_space<vmem>>, vector<16xf32>,
      %swap3A_952 = arith.index_cast %scan3A_180 : i32 to index
      %swap3A_953 = arith.constant 993 : index
      %swap3A_954 = tpu.vector_load %arg11[%swap3A_952, %swap3A_953] {strides = array<i32>} : memref<16x1025xf32, #tpu.memory_space<vmem>>, vector<16xf32>,
      tpu.vector_store %arg11[%swap3A_952, %swap3A_953], %gather3A {strides = array<i32>} : memref<16x1025xf32, #tpu.memory_space<vmem>>, vector<16xf32>,
      %swap3A_955 = arith.index_cast %scan3A_180 : i32 to index
      %swap3A_956 = arith.constant 1009 : index
      %swap3A_957 = tpu.vector_load %arg11[%swap3A_955, %swap3A_956] {strides = array<i32>} : memref<16x1025xf32, #tpu.memory_space<vmem>>, vector<16xf32>,
      tpu.vector_store %arg11[%swap3A_955, %swap3A_956], %gather3A_184 {strides = array<i32>} : memref<16x1025xf32, #tpu.memory_space<vmem>>, vector<16xf32>,
    }
    %scan3A_131 = arith.constant 16 : i32
    %dma_start3A_132 = arith.constant 48 : i32
    %dma_start3A_133 = arith.constant 0 : i32
    %dma_start3A_134 = tpu.memref_slice %arg4[%add3A, %dma_start3A_132, %dma_start3A_133] : memref<32x64x1025xf32, #tpu.memory_space<hbm>> -> memref<1x16x1025xf32, #tpu.memory_space<hbm>>
    %dma_start3A_135 = tpu.memref_squeeze %dma_start3A_134 : memref<1x16x1025xf32, #tpu.memory_space<hbm>> -> memref<16x1025xf32, #tpu.memory_space<hbm>>
    %dma_start3A_136 = arith.constant 48 : i32
    %dma_start3A_137 = arith.constant 0 : i32
    %dma_start3A_138 = tpu.memref_slice %arg4[%add3A, %dma_start3A_136, %dma_start3A_137] : memref<32x64x1025xf32, #tpu.memory_space<hbm>> -> memref<1x16x1025xf32, #tpu.memory_space<hbm>>
    %dma_start3A_139 = tpu.memref_squeeze %dma_start3A_138 : memref<1x16x1025xf32, #tpu.memory_space<hbm>> -> memref<16x1025xf32, #tpu.memory_space<hbm>>
    tpu.enqueue_dma source(%arg9 : memref<16x1025xf32, #tpu.memory_space<vmem>>) target(%dma_start3A_139 : memref<16x1025xf32, #tpu.memory_space<hbm>>) target_semaphore(%arg12 : memref<!tpu.dma_semaphore, #tpu.memory_space<semaphore_mem>>)
    %dma_start3A_140 = arith.constant 48 : i32
    %dma_start3A_141 = arith.constant 0 : i32
    %dma_start3A_142 = tpu.memref_slice %arg5[%add3A, %dma_start3A_140, %dma_start3A_141] : memref<32x64x1025xf32, #tpu.memory_space<hbm>> -> memref<1x16x1025xf32, #tpu.memory_space<hbm>>
    %dma_start3A_143 = tpu.memref_squeeze %dma_start3A_142 : memref<1x16x1025xf32, #tpu.memory_space<hbm>> -> memref<16x1025xf32, #tpu.memory_space<hbm>>
    %dma_start3A_144 = arith.constant 48 : i32
    %dma_start3A_145 = arith.constant 0 : i32
    %dma_start3A_146 = tpu.memref_slice %arg5[%add3A, %dma_start3A_144, %dma_start3A_145] : memref<32x64x1025xf32, #tpu.memory_space<hbm>> -> memref<1x16x1025xf32, #tpu.memory_space<hbm>>
    %dma_start3A_147 = tpu.memref_squeeze %dma_start3A_146 : memref<1x16x1025xf32, #tpu.memory_space<hbm>> -> memref<16x1025xf32, #tpu.memory_space<hbm>>
    tpu.enqueue_dma source(%arg11 : memref<16x1025xf32, #tpu.memory_space<vmem>>) target(%dma_start3A_147 : memref<16x1025xf32, #tpu.memory_space<hbm>>) target_semaphore(%arg12 : memref<!tpu.dma_semaphore, #tpu.memory_space<semaphore_mem>>)
    %dma_wait3A_148 = arith.constant 32 : i32
    %dma_wait3A_149 = arith.constant 0 : i32
    %dma_wait3A_150 = tpu.memref_slice %arg4[%add3A, %dma_wait3A_148, %dma_wait3A_149] : memref<32x64x1025xf32, #tpu.memory_space<hbm>> -> memref<1x16x1025xf32, #tpu.memory_space<hbm>>
    %dma_wait3A_151 = tpu.memref_squeeze %dma_wait3A_150 : memref<1x16x1025xf32, #tpu.memory_space<hbm>> -> memref<16x1025xf32, #tpu.memory_space<hbm>>
    %dma_wait3A_152 = arith.constant 32 : i32
    %dma_wait3A_153 = arith.constant 0 : i32
    %dma_wait3A_154 = tpu.memref_slice %arg4[%add3A, %dma_wait3A_152, %dma_wait3A_153] : memref<32x64x1025xf32, #tpu.memory_space<hbm>> -> memref<1x16x1025xf32, #tpu.memory_space<hbm>>
    %dma_wait3A_155 = tpu.memref_squeeze %dma_wait3A_154 : memref<1x16x1025xf32, #tpu.memory_space<hbm>> -> memref<16x1025xf32, #tpu.memory_space<hbm>>
    tpu.wait_dma2 semaphore(%arg12 : memref<!tpu.dma_semaphore, #tpu.memory_space<semaphore_mem>>) src(%arg8 : memref<16x1025xf32, #tpu.memory_space<vmem>>) dst(%dma_wait3A_155 : memref<16x1025xf32, #tpu.memory_space<hbm>>)
    %dma_wait3A_156 = arith.constant 32 : i32
    %dma_wait3A_157 = arith.constant 0 : i32
    %dma_wait3A_158 = tpu.memref_slice %arg5[%add3A, %dma_wait3A_156, %dma_wait3A_157] : memref<32x64x1025xf32, #tpu.memory_space<hbm>> -> memref<1x16x1025xf32, #tpu.memory_space<hbm>>
    %dma_wait3A_159 = tpu.memref_squeeze %dma_wait3A_158 : memref<1x16x1025xf32, #tpu.memory_space<hbm>> -> memref<16x1025xf32, #tpu.memory_space<hbm>>
    %dma_wait3A_160 = arith.constant 32 : i32
    %dma_wait3A_161 = arith.constant 0 : i32
    %dma_wait3A_162 = tpu.memref_slice %arg5[%add3A, %dma_wait3A_160, %dma_wait3A_161] : memref<32x64x1025xf32, #tpu.memory_space<hbm>> -> memref<1x16x1025xf32, #tpu.memory_space<hbm>>
    %dma_wait3A_163 = tpu.memref_squeeze %dma_wait3A_162 : memref<1x16x1025xf32, #tpu.memory_space<hbm>> -> memref<16x1025xf32, #tpu.memory_space<hbm>>
    tpu.wait_dma2 semaphore(%arg12 : memref<!tpu.dma_semaphore, #tpu.memory_space<semaphore_mem>>) src(%arg10 : memref<16x1025xf32, #tpu.memory_space<vmem>>) dst(%dma_wait3A_163 : memref<16x1025xf32, #tpu.memory_space<hbm>>)
    %dma_wait3A_164 = arith.constant 48 : i32
    %dma_wait3A_165 = arith.constant 0 : i32
    %dma_wait3A_166 = tpu.memref_slice %arg4[%add3A, %dma_wait3A_164, %dma_wait3A_165] : memref<32x64x1025xf32, #tpu.memory_space<hbm>> -> memref<1x16x1025xf32, #tpu.memory_space<hbm>>
    %dma_wait3A_167 = tpu.memref_squeeze %dma_wait3A_166 : memref<1x16x1025xf32, #tpu.memory_space<hbm>> -> memref<16x1025xf32, #tpu.memory_space<hbm>>
    %dma_wait3A_168 = arith.constant 48 : i32
    %dma_wait3A_169 = arith.constant 0 : i32
    %dma_wait3A_170 = tpu.memref_slice %arg4[%add3A, %dma_wait3A_168, %dma_wait3A_169] : memref<32x64x1025xf32, #tpu.memory_space<hbm>> -> memref<1x16x1025xf32, #tpu.memory_space<hbm>>
    %dma_wait3A_171 = tpu.memref_squeeze %dma_wait3A_170 : memref<1x16x1025xf32, #tpu.memory_space<hbm>> -> memref<16x1025xf32, #tpu.memory_space<hbm>>
    tpu.wait_dma2 semaphore(%arg12 : memref<!tpu.dma_semaphore, #tpu.memory_space<semaphore_mem>>) src(%arg9 : memref<16x1025xf32, #tpu.memory_space<vmem>>) dst(%dma_wait3A_171 : memref<16x1025xf32, #tpu.memory_space<hbm>>)
    %dma_wait3A_172 = arith.constant 48 : i32
    %dma_wait3A_173 = arith.constant 0 : i32
    %dma_wait3A_174 = tpu.memref_slice %arg5[%add3A, %dma_wait3A_172, %dma_wait3A_173] : memref<32x64x1025xf32, #tpu.memory_space<hbm>> -> memref<1x16x1025xf32, #tpu.memory_space<hbm>>
    %dma_wait3A_175 = tpu.memref_squeeze %dma_wait3A_174 : memref<1x16x1025xf32, #tpu.memory_space<hbm>> -> memref<16x1025xf32, #tpu.memory_space<hbm>>
    %dma_wait3A_176 = arith.constant 48 : i32
    %dma_wait3A_177 = arith.constant 0 : i32
    %dma_wait3A_178 = tpu.memref_slice %arg5[%add3A, %dma_wait3A_176, %dma_wait3A_177] : memref<32x64x1025xf32, #tpu.memory_space<hbm>> -> memref<1x16x1025xf32, #tpu.memory_space<hbm>>
    %dma_wait3A_179 = tpu.memref_squeeze %dma_wait3A_178 : memref<1x16x1025xf32, #tpu.memory_space<hbm>> -> memref<16x1025xf32, #tpu.memory_space<hbm>>
    tpu.wait_dma2 semaphore(%arg12 : memref<!tpu.dma_semaphore, #tpu.memory_space<semaphore_mem>>) src(%arg11 : memref<16x1025xf32, #tpu.memory_space<vmem>>) dst(%dma_wait3A_179 : memref<16x1025xf32, #tpu.memory_space<hbm>>)
    return
  }
}

module attributes {stable_mosaic.version = 14 : i64} {
  func.func @_tc_fanout(%arg0: i32, %arg1: memref<32x64x1025xf32, #tpu.memory_space<vmem>>, %arg2: memref<32x64x1025xf32, #tpu.memory_space<vmem>>, %arg3: memref<32x64x1025xf32, #tpu.memory_space<vmem>>) attributes {dimension_semantics = [#tpu.dimension_semantics<arbitrary>], iteration_bounds = array<i64: 33>, scalar_prefetch = 0 : i64, scratch_operands = 0 : i64, tpu.core_type = #tpu.core_type<tc>, window_params = [{pipeline_mode = #tpu.pipeline_mode<synchronous>, transform_indices = @transform_0, window_bounds = array<i64: 32, 64, 1025>}, {pipeline_mode = #tpu.pipeline_mode<synchronous>, transform_indices = @transform_1, window_bounds = array<i64: 32, 64, 1025>}, {transform_indices = @transform_2, window_bounds = array<i64: 32, 64, 1025>}]} {
    %min3A = arith.constant 31 : i32
    %min3A_0 = arith.minsi %arg0, %min3A : i32
    %get3A = arith.index_cast %min3A_0 : i32 to index
    %get3A_1 = arith.constant 0 : index
    %get3A_2 = arith.constant 0 : index
    %get3A_3 = vector.load %arg1[%get3A, %get3A_1, %get3A_2] : memref<32x64x1025xf32, #tpu.memory_space<vmem>>, vector<1x64x1025xf32>
    %get3A_4 = vector.shape_cast %get3A_3 : vector<1x64x1025xf32> to vector<64x1025xf32>
    %max3A = arith.constant 1 : i32
    %max3A_5 = arith.maxsi %arg0, %max3A : i32
    %sub3A = arith.constant 1 : i32
    %sub3A_6 = arith.subi %max3A_5, %sub3A : i32
    %get3A_7 = arith.index_cast %sub3A_6 : i32 to index
    %get3A_8 = arith.constant 0 : index
    %get3A_9 = arith.constant 0 : index
    %get3A_10 = vector.load %arg1[%get3A_7, %get3A_8, %get3A_9] : memref<32x64x1025xf32, #tpu.memory_space<vmem>>, vector<1x64x1025xf32>
    %get3A_11 = vector.shape_cast %get3A_10 : vector<1x64x1025xf32> to vector<64x1025xf32>
    %get3A_12 = arith.constant 31 : index
    %get3A_13 = arith.constant 0 : index
    %get3A_14 = arith.constant 0 : index
    %get3A_15 = vector.load %arg2[%get3A_12, %get3A_13, %get3A_14] : memref<32x64x1025xf32, #tpu.memory_space<vmem>>, vector<1x64x1025xf32>
    %get3A_16 = vector.shape_cast %get3A_15 : vector<1x64x1025xf32> to vector<64x1025xf32>
    %slice3A = vector.extract_strided_slice %get3A_16 {offsets = [0, 0], sizes = [64, 1], strides = [1, 1]} : vector<64x1025xf32> to vector<64x1xf32>
    %broadcast_in_dim3A = vector.shape_cast %slice3A : vector<64x1xf32> to vector<64x1xf32>
    %broadcast_in_dim3A_17 = vector.broadcast %broadcast_in_dim3A : vector<64x1xf32> to vector<64x1025xf32>
    %eq3A = arith.constant 0 : i32
    %eq3A_18 = arith.cmpi eq, %arg0, %eq3A : i32
    %add3A = arith.addf %get3A_11, %get3A_16 : vector<64x1025xf32>
    %select_n3A = arith.select %eq3A_18, %broadcast_in_dim3A_17, %add3A : vector<64x1025xf32>
    %swap3A = arith.constant 0 : index
    %swap3A_19 = arith.constant 0 : index
    %swap3A_20 = arith.constant 0 : index
    %swap3A_21 = vector.load %arg3[%swap3A, %swap3A_19, %swap3A_20] : memref<32x64x1025xf32, #tpu.memory_space<vmem>>, vector<1x64x1025xf32>
    %swap3A_22 = vector.shape_cast %swap3A_21 : vector<1x64x1025xf32> to vector<64x1025xf32>
    %swap3A_23 = vector.shape_cast %select_n3A : vector<64x1025xf32> to vector<1x64x1025xf32>
    tpu.vector_store %arg3[%swap3A, %swap3A_19, %swap3A_20], %swap3A_23 {strides = array<i32>} : memref<32x64x1025xf32, #tpu.memory_space<vmem>>, vector<1x64x1025xf32>,
    %get3A_24 = arith.constant 0 : index
    %get3A_25 = arith.constant 0 : index
    %get3A_26 = arith.constant 0 : index
    %get3A_27 = vector.load %arg2[%get3A_24, %get3A_25, %get3A_26] : memref<32x64x1025xf32, #tpu.memory_space<vmem>>, vector<1x64x1025xf32>
    %get3A_28 = vector.shape_cast %get3A_27 : vector<1x64x1025xf32> to vector<64x1025xf32>
    %add3A_29 = arith.addf %get3A_4, %get3A_28 : vector<64x1025xf32>
    %swap3A_30 = arith.constant 1 : index
    %swap3A_31 = arith.constant 0 : index
    %swap3A_32 = arith.constant 0 : index
    %swap3A_33 = vector.load %arg3[%swap3A_30, %swap3A_31, %swap3A_32] : memref<32x64x1025xf32, #tpu.memory_space<vmem>>, vector<1x64x1025xf32>
    %swap3A_34 = vector.shape_cast %swap3A_33 : vector<1x64x1025xf32> to vector<64x1025xf32>
    %swap3A_35 = vector.shape_cast %add3A_29 : vector<64x1025xf32> to vector<1x64x1025xf32>
    tpu.vector_store %arg3[%swap3A_30, %swap3A_31, %swap3A_32], %swap3A_35 {strides = array<i32>} : memref<32x64x1025xf32, #tpu.memory_space<vmem>>, vector<1x64x1025xf32>,
    %get3A_36 = arith.constant 1 : index
    %get3A_37 = arith.constant 0 : index
    %get3A_38 = arith.constant 0 : index
    %get3A_39 = vector.load %arg2[%get3A_36, %get3A_37, %get3A_38] : memref<32x64x1025xf32, #tpu.memory_space<vmem>>, vector<1x64x1025xf32>
    %get3A_40 = vector.shape_cast %get3A_39 : vector<1x64x1025xf32> to vector<64x1025xf32>
    %add3A_41 = arith.addf %get3A_4, %get3A_40 : vector<64x1025xf32>
    %swap3A_42 = arith.constant 2 : index
    %swap3A_43 = arith.constant 0 : index
    %swap3A_44 = arith.constant 0 : index
    %swap3A_45 = vector.load %arg3[%swap3A_42, %swap3A_43, %swap3A_44] : memref<32x64x1025xf32, #tpu.memory_space<vmem>>, vector<1x64x1025xf32>
    %swap3A_46 = vector.shape_cast %swap3A_45 : vector<1x64x1025xf32> to vector<64x1025xf32>
    %swap3A_47 = vector.shape_cast %add3A_41 : vector<64x1025xf32> to vector<1x64x1025xf32>
    tpu.vector_store %arg3[%swap3A_42, %swap3A_43, %swap3A_44], %swap3A_47 {strides = array<i32>} : memref<32x64x1025xf32, #tpu.memory_space<vmem>>, vector<1x64x1025xf32>,
    %get3A_48 = arith.constant 2 : index
    %get3A_49 = arith.constant 0 : index
    %get3A_50 = arith.constant 0 : index
    %get3A_51 = vector.load %arg2[%get3A_48, %get3A_49, %get3A_50] : memref<32x64x1025xf32, #tpu.memory_space<vmem>>, vector<1x64x1025xf32>
    %get3A_52 = vector.shape_cast %get3A_51 : vector<1x64x1025xf32> to vector<64x1025xf32>
    %add3A_53 = arith.addf %get3A_4, %get3A_52 : vector<64x1025xf32>
    %swap3A_54 = arith.constant 3 : index
    %swap3A_55 = arith.constant 0 : index
    %swap3A_56 = arith.constant 0 : index
    %swap3A_57 = vector.load %arg3[%swap3A_54, %swap3A_55, %swap3A_56] : memref<32x64x1025xf32, #tpu.memory_space<vmem>>, vector<1x64x1025xf32>
    %swap3A_58 = vector.shape_cast %swap3A_57 : vector<1x64x1025xf32> to vector<64x1025xf32>
    %swap3A_59 = vector.shape_cast %add3A_53 : vector<64x1025xf32> to vector<1x64x1025xf32>
    tpu.vector_store %arg3[%swap3A_54, %swap3A_55, %swap3A_56], %swap3A_59 {strides = array<i32>} : memref<32x64x1025xf32, #tpu.memory_space<vmem>>, vector<1x64x1025xf32>,
    %get3A_60 = arith.constant 3 : index
    %get3A_61 = arith.constant 0 : index
    %get3A_62 = arith.constant 0 : index
    %get3A_63 = vector.load %arg2[%get3A_60, %get3A_61, %get3A_62] : memref<32x64x1025xf32, #tpu.memory_space<vmem>>, vector<1x64x1025xf32>
    %get3A_64 = vector.shape_cast %get3A_63 : vector<1x64x1025xf32> to vector<64x1025xf32>
    %add3A_65 = arith.addf %get3A_4, %get3A_64 : vector<64x1025xf32>
    %swap3A_66 = arith.constant 4 : index
    %swap3A_67 = arith.constant 0 : index
    %swap3A_68 = arith.constant 0 : index
    %swap3A_69 = vector.load %arg3[%swap3A_66, %swap3A_67, %swap3A_68] : memref<32x64x1025xf32, #tpu.memory_space<vmem>>, vector<1x64x1025xf32>
    %swap3A_70 = vector.shape_cast %swap3A_69 : vector<1x64x1025xf32> to vector<64x1025xf32>
    %swap3A_71 = vector.shape_cast %add3A_65 : vector<64x1025xf32> to vector<1x64x1025xf32>
    tpu.vector_store %arg3[%swap3A_66, %swap3A_67, %swap3A_68], %swap3A_71 {strides = array<i32>} : memref<32x64x1025xf32, #tpu.memory_space<vmem>>, vector<1x64x1025xf32>,
    %get3A_72 = arith.constant 4 : index
    %get3A_73 = arith.constant 0 : index
    %get3A_74 = arith.constant 0 : index
    %get3A_75 = vector.load %arg2[%get3A_72, %get3A_73, %get3A_74] : memref<32x64x1025xf32, #tpu.memory_space<vmem>>, vector<1x64x1025xf32>
    %get3A_76 = vector.shape_cast %get3A_75 : vector<1x64x1025xf32> to vector<64x1025xf32>
    %add3A_77 = arith.addf %get3A_4, %get3A_76 : vector<64x1025xf32>
    %swap3A_78 = arith.constant 5 : index
    %swap3A_79 = arith.constant 0 : index
    %swap3A_80 = arith.constant 0 : index
    %swap3A_81 = vector.load %arg3[%swap3A_78, %swap3A_79, %swap3A_80] : memref<32x64x1025xf32, #tpu.memory_space<vmem>>, vector<1x64x1025xf32>
    %swap3A_82 = vector.shape_cast %swap3A_81 : vector<1x64x1025xf32> to vector<64x1025xf32>
    %swap3A_83 = vector.shape_cast %add3A_77 : vector<64x1025xf32> to vector<1x64x1025xf32>
    tpu.vector_store %arg3[%swap3A_78, %swap3A_79, %swap3A_80], %swap3A_83 {strides = array<i32>} : memref<32x64x1025xf32, #tpu.memory_space<vmem>>, vector<1x64x1025xf32>,
    %get3A_84 = arith.constant 5 : index
    %get3A_85 = arith.constant 0 : index
    %get3A_86 = arith.constant 0 : index
    %get3A_87 = vector.load %arg2[%get3A_84, %get3A_85, %get3A_86] : memref<32x64x1025xf32, #tpu.memory_space<vmem>>, vector<1x64x1025xf32>
    %get3A_88 = vector.shape_cast %get3A_87 : vector<1x64x1025xf32> to vector<64x1025xf32>
    %add3A_89 = arith.addf %get3A_4, %get3A_88 : vector<64x1025xf32>
    %swap3A_90 = arith.constant 6 : index
    %swap3A_91 = arith.constant 0 : index
    %swap3A_92 = arith.constant 0 : index
    %swap3A_93 = vector.load %arg3[%swap3A_90, %swap3A_91, %swap3A_92] : memref<32x64x1025xf32, #tpu.memory_space<vmem>>, vector<1x64x1025xf32>
    %swap3A_94 = vector.shape_cast %swap3A_93 : vector<1x64x1025xf32> to vector<64x1025xf32>
    %swap3A_95 = vector.shape_cast %add3A_89 : vector<64x1025xf32> to vector<1x64x1025xf32>
    tpu.vector_store %arg3[%swap3A_90, %swap3A_91, %swap3A_92], %swap3A_95 {strides = array<i32>} : memref<32x64x1025xf32, #tpu.memory_space<vmem>>, vector<1x64x1025xf32>,
    %get3A_96 = arith.constant 6 : index
    %get3A_97 = arith.constant 0 : index
    %get3A_98 = arith.constant 0 : index
    %get3A_99 = vector.load %arg2[%get3A_96, %get3A_97, %get3A_98] : memref<32x64x1025xf32, #tpu.memory_space<vmem>>, vector<1x64x1025xf32>
    %get3A_100 = vector.shape_cast %get3A_99 : vector<1x64x1025xf32> to vector<64x1025xf32>
    %add3A_101 = arith.addf %get3A_4, %get3A_100 : vector<64x1025xf32>
    %swap3A_102 = arith.constant 7 : index
    %swap3A_103 = arith.constant 0 : index
    %swap3A_104 = arith.constant 0 : index
    %swap3A_105 = vector.load %arg3[%swap3A_102, %swap3A_103, %swap3A_104] : memref<32x64x1025xf32, #tpu.memory_space<vmem>>, vector<1x64x1025xf32>
    %swap3A_106 = vector.shape_cast %swap3A_105 : vector<1x64x1025xf32> to vector<64x1025xf32>
    %swap3A_107 = vector.shape_cast %add3A_101 : vector<64x1025xf32> to vector<1x64x1025xf32>
    tpu.vector_store %arg3[%swap3A_102, %swap3A_103, %swap3A_104], %swap3A_107 {strides = array<i32>} : memref<32x64x1025xf32, #tpu.memory_space<vmem>>, vector<1x64x1025xf32>,
    %get3A_108 = arith.constant 7 : index
    %get3A_109 = arith.constant 0 : index
    %get3A_110 = arith.constant 0 : index
    %get3A_111 = vector.load %arg2[%get3A_108, %get3A_109, %get3A_110] : memref<32x64x1025xf32, #tpu.memory_space<vmem>>, vector<1x64x1025xf32>
    %get3A_112 = vector.shape_cast %get3A_111 : vector<1x64x1025xf32> to vector<64x1025xf32>
    %add3A_113 = arith.addf %get3A_4, %get3A_112 : vector<64x1025xf32>
    %swap3A_114 = arith.constant 8 : index
    %swap3A_115 = arith.constant 0 : index
    %swap3A_116 = arith.constant 0 : index
    %swap3A_117 = vector.load %arg3[%swap3A_114, %swap3A_115, %swap3A_116] : memref<32x64x1025xf32, #tpu.memory_space<vmem>>, vector<1x64x1025xf32>
    %swap3A_118 = vector.shape_cast %swap3A_117 : vector<1x64x1025xf32> to vector<64x1025xf32>
    %swap3A_119 = vector.shape_cast %add3A_113 : vector<64x1025xf32> to vector<1x64x1025xf32>
    tpu.vector_store %arg3[%swap3A_114, %swap3A_115, %swap3A_116], %swap3A_119 {strides = array<i32>} : memref<32x64x1025xf32, #tpu.memory_space<vmem>>, vector<1x64x1025xf32>,
    %get3A_120 = arith.constant 8 : index
    %get3A_121 = arith.constant 0 : index
    %get3A_122 = arith.constant 0 : index
    %get3A_123 = vector.load %arg2[%get3A_120, %get3A_121, %get3A_122] : memref<32x64x1025xf32, #tpu.memory_space<vmem>>, vector<1x64x1025xf32>
    %get3A_124 = vector.shape_cast %get3A_123 : vector<1x64x1025xf32> to vector<64x1025xf32>
    %add3A_125 = arith.addf %get3A_4, %get3A_124 : vector<64x1025xf32>
    %swap3A_126 = arith.constant 9 : index
    %swap3A_127 = arith.constant 0 : index
    %swap3A_128 = arith.constant 0 : index
    %swap3A_129 = vector.load %arg3[%swap3A_126, %swap3A_127, %swap3A_128] : memref<32x64x1025xf32, #tpu.memory_space<vmem>>, vector<1x64x1025xf32>
    %swap3A_130 = vector.shape_cast %swap3A_129 : vector<1x64x1025xf32> to vector<64x1025xf32>
    %swap3A_131 = vector.shape_cast %add3A_125 : vector<64x1025xf32> to vector<1x64x1025xf32>
    tpu.vector_store %arg3[%swap3A_126, %swap3A_127, %swap3A_128], %swap3A_131 {strides = array<i32>} : memref<32x64x1025xf32, #tpu.memory_space<vmem>>, vector<1x64x1025xf32>,
    %get3A_132 = arith.constant 9 : index
    %get3A_133 = arith.constant 0 : index
    %get3A_134 = arith.constant 0 : index
    %get3A_135 = vector.load %arg2[%get3A_132, %get3A_133, %get3A_134] : memref<32x64x1025xf32, #tpu.memory_space<vmem>>, vector<1x64x1025xf32>
    %get3A_136 = vector.shape_cast %get3A_135 : vector<1x64x1025xf32> to vector<64x1025xf32>
    %add3A_137 = arith.addf %get3A_4, %get3A_136 : vector<64x1025xf32>
    %swap3A_138 = arith.constant 10 : index
    %swap3A_139 = arith.constant 0 : index
    %swap3A_140 = arith.constant 0 : index
    %swap3A_141 = vector.load %arg3[%swap3A_138, %swap3A_139, %swap3A_140] : memref<32x64x1025xf32, #tpu.memory_space<vmem>>, vector<1x64x1025xf32>
    %swap3A_142 = vector.shape_cast %swap3A_141 : vector<1x64x1025xf32> to vector<64x1025xf32>
    %swap3A_143 = vector.shape_cast %add3A_137 : vector<64x1025xf32> to vector<1x64x1025xf32>
    tpu.vector_store %arg3[%swap3A_138, %swap3A_139, %swap3A_140], %swap3A_143 {strides = array<i32>} : memref<32x64x1025xf32, #tpu.memory_space<vmem>>, vector<1x64x1025xf32>,
    %get3A_144 = arith.constant 10 : index
    %get3A_145 = arith.constant 0 : index
    %get3A_146 = arith.constant 0 : index
    %get3A_147 = vector.load %arg2[%get3A_144, %get3A_145, %get3A_146] : memref<32x64x1025xf32, #tpu.memory_space<vmem>>, vector<1x64x1025xf32>
    %get3A_148 = vector.shape_cast %get3A_147 : vector<1x64x1025xf32> to vector<64x1025xf32>
    %add3A_149 = arith.addf %get3A_4, %get3A_148 : vector<64x1025xf32>
    %swap3A_150 = arith.constant 11 : index
    %swap3A_151 = arith.constant 0 : index
    %swap3A_152 = arith.constant 0 : index
    %swap3A_153 = vector.load %arg3[%swap3A_150, %swap3A_151, %swap3A_152] : memref<32x64x1025xf32, #tpu.memory_space<vmem>>, vector<1x64x1025xf32>
    %swap3A_154 = vector.shape_cast %swap3A_153 : vector<1x64x1025xf32> to vector<64x1025xf32>
    %swap3A_155 = vector.shape_cast %add3A_149 : vector<64x1025xf32> to vector<1x64x1025xf32>
    tpu.vector_store %arg3[%swap3A_150, %swap3A_151, %swap3A_152], %swap3A_155 {strides = array<i32>} : memref<32x64x1025xf32, #tpu.memory_space<vmem>>, vector<1x64x1025xf32>,
    %get3A_156 = arith.constant 11 : index
    %get3A_157 = arith.constant 0 : index
    %get3A_158 = arith.constant 0 : index
    %get3A_159 = vector.load %arg2[%get3A_156, %get3A_157, %get3A_158] : memref<32x64x1025xf32, #tpu.memory_space<vmem>>, vector<1x64x1025xf32>
    %get3A_160 = vector.shape_cast %get3A_159 : vector<1x64x1025xf32> to vector<64x1025xf32>
    %add3A_161 = arith.addf %get3A_4, %get3A_160 : vector<64x1025xf32>
    %swap3A_162 = arith.constant 12 : index
    %swap3A_163 = arith.constant 0 : index
    %swap3A_164 = arith.constant 0 : index
    %swap3A_165 = vector.load %arg3[%swap3A_162, %swap3A_163, %swap3A_164] : memref<32x64x1025xf32, #tpu.memory_space<vmem>>, vector<1x64x1025xf32>
    %swap3A_166 = vector.shape_cast %swap3A_165 : vector<1x64x1025xf32> to vector<64x1025xf32>
    %swap3A_167 = vector.shape_cast %add3A_161 : vector<64x1025xf32> to vector<1x64x1025xf32>
    tpu.vector_store %arg3[%swap3A_162, %swap3A_163, %swap3A_164], %swap3A_167 {strides = array<i32>} : memref<32x64x1025xf32, #tpu.memory_space<vmem>>, vector<1x64x1025xf32>,
    %get3A_168 = arith.constant 12 : index
    %get3A_169 = arith.constant 0 : index
    %get3A_170 = arith.constant 0 : index
    %get3A_171 = vector.load %arg2[%get3A_168, %get3A_169, %get3A_170] : memref<32x64x1025xf32, #tpu.memory_space<vmem>>, vector<1x64x1025xf32>
    %get3A_172 = vector.shape_cast %get3A_171 : vector<1x64x1025xf32> to vector<64x1025xf32>
    %add3A_173 = arith.addf %get3A_4, %get3A_172 : vector<64x1025xf32>
    %swap3A_174 = arith.constant 13 : index
    %swap3A_175 = arith.constant 0 : index
    %swap3A_176 = arith.constant 0 : index
    %swap3A_177 = vector.load %arg3[%swap3A_174, %swap3A_175, %swap3A_176] : memref<32x64x1025xf32, #tpu.memory_space<vmem>>, vector<1x64x1025xf32>
    %swap3A_178 = vector.shape_cast %swap3A_177 : vector<1x64x1025xf32> to vector<64x1025xf32>
    %swap3A_179 = vector.shape_cast %add3A_173 : vector<64x1025xf32> to vector<1x64x1025xf32>
    tpu.vector_store %arg3[%swap3A_174, %swap3A_175, %swap3A_176], %swap3A_179 {strides = array<i32>} : memref<32x64x1025xf32, #tpu.memory_space<vmem>>, vector<1x64x1025xf32>,
    %get3A_180 = arith.constant 13 : index
    %get3A_181 = arith.constant 0 : index
    %get3A_182 = arith.constant 0 : index
    %get3A_183 = vector.load %arg2[%get3A_180, %get3A_181, %get3A_182] : memref<32x64x1025xf32, #tpu.memory_space<vmem>>, vector<1x64x1025xf32>
    %get3A_184 = vector.shape_cast %get3A_183 : vector<1x64x1025xf32> to vector<64x1025xf32>
    %add3A_185 = arith.addf %get3A_4, %get3A_184 : vector<64x1025xf32>
    %swap3A_186 = arith.constant 14 : index
    %swap3A_187 = arith.constant 0 : index
    %swap3A_188 = arith.constant 0 : index
    %swap3A_189 = vector.load %arg3[%swap3A_186, %swap3A_187, %swap3A_188] : memref<32x64x1025xf32, #tpu.memory_space<vmem>>, vector<1x64x1025xf32>
    %swap3A_190 = vector.shape_cast %swap3A_189 : vector<1x64x1025xf32> to vector<64x1025xf32>
    %swap3A_191 = vector.shape_cast %add3A_185 : vector<64x1025xf32> to vector<1x64x1025xf32>
    tpu.vector_store %arg3[%swap3A_186, %swap3A_187, %swap3A_188], %swap3A_191 {strides = array<i32>} : memref<32x64x1025xf32, #tpu.memory_space<vmem>>, vector<1x64x1025xf32>,
    %get3A_192 = arith.constant 14 : index
    %get3A_193 = arith.constant 0 : index
    %get3A_194 = arith.constant 0 : index
    %get3A_195 = vector.load %arg2[%get3A_192, %get3A_193, %get3A_194] : memref<32x64x1025xf32, #tpu.memory_space<vmem>>, vector<1x64x1025xf32>
    %get3A_196 = vector.shape_cast %get3A_195 : vector<1x64x1025xf32> to vector<64x1025xf32>
    %add3A_197 = arith.addf %get3A_4, %get3A_196 : vector<64x1025xf32>
    %swap3A_198 = arith.constant 15 : index
    %swap3A_199 = arith.constant 0 : index
    %swap3A_200 = arith.constant 0 : index
    %swap3A_201 = vector.load %arg3[%swap3A_198, %swap3A_199, %swap3A_200] : memref<32x64x1025xf32, #tpu.memory_space<vmem>>, vector<1x64x1025xf32>
    %swap3A_202 = vector.shape_cast %swap3A_201 : vector<1x64x1025xf32> to vector<64x1025xf32>
    %swap3A_203 = vector.shape_cast %add3A_197 : vector<64x1025xf32> to vector<1x64x1025xf32>
    tpu.vector_store %arg3[%swap3A_198, %swap3A_199, %swap3A_200], %swap3A_203 {strides = array<i32>} : memref<32x64x1025xf32, #tpu.memory_space<vmem>>, vector<1x64x1025xf32>,
    %get3A_204 = arith.constant 15 : index
    %get3A_205 = arith.constant 0 : index
    %get3A_206 = arith.constant 0 : index
    %get3A_207 = vector.load %arg2[%get3A_204, %get3A_205, %get3A_206] : memref<32x64x1025xf32, #tpu.memory_space<vmem>>, vector<1x64x1025xf32>
    %get3A_208 = vector.shape_cast %get3A_207 : vector<1x64x1025xf32> to vector<64x1025xf32>
    %add3A_209 = arith.addf %get3A_4, %get3A_208 : vector<64x1025xf32>
    %swap3A_210 = arith.constant 16 : index
    %swap3A_211 = arith.constant 0 : index
    %swap3A_212 = arith.constant 0 : index
    %swap3A_213 = vector.load %arg3[%swap3A_210, %swap3A_211, %swap3A_212] : memref<32x64x1025xf32, #tpu.memory_space<vmem>>, vector<1x64x1025xf32>
    %swap3A_214 = vector.shape_cast %swap3A_213 : vector<1x64x1025xf32> to vector<64x1025xf32>
    %swap3A_215 = vector.shape_cast %add3A_209 : vector<64x1025xf32> to vector<1x64x1025xf32>
    tpu.vector_store %arg3[%swap3A_210, %swap3A_211, %swap3A_212], %swap3A_215 {strides = array<i32>} : memref<32x64x1025xf32, #tpu.memory_space<vmem>>, vector<1x64x1025xf32>,
    %get3A_216 = arith.constant 16 : index
    %get3A_217 = arith.constant 0 : index
    %get3A_218 = arith.constant 0 : index
    %get3A_219 = vector.load %arg2[%get3A_216, %get3A_217, %get3A_218] : memref<32x64x1025xf32, #tpu.memory_space<vmem>>, vector<1x64x1025xf32>
    %get3A_220 = vector.shape_cast %get3A_219 : vector<1x64x1025xf32> to vector<64x1025xf32>
    %add3A_221 = arith.addf %get3A_4, %get3A_220 : vector<64x1025xf32>
    %swap3A_222 = arith.constant 17 : index
    %swap3A_223 = arith.constant 0 : index
    %swap3A_224 = arith.constant 0 : index
    %swap3A_225 = vector.load %arg3[%swap3A_222, %swap3A_223, %swap3A_224] : memref<32x64x1025xf32, #tpu.memory_space<vmem>>, vector<1x64x1025xf32>
    %swap3A_226 = vector.shape_cast %swap3A_225 : vector<1x64x1025xf32> to vector<64x1025xf32>
    %swap3A_227 = vector.shape_cast %add3A_221 : vector<64x1025xf32> to vector<1x64x1025xf32>
    tpu.vector_store %arg3[%swap3A_222, %swap3A_223, %swap3A_224], %swap3A_227 {strides = array<i32>} : memref<32x64x1025xf32, #tpu.memory_space<vmem>>, vector<1x64x1025xf32>,
    %get3A_228 = arith.constant 17 : index
    %get3A_229 = arith.constant 0 : index
    %get3A_230 = arith.constant 0 : index
    %get3A_231 = vector.load %arg2[%get3A_228, %get3A_229, %get3A_230] : memref<32x64x1025xf32, #tpu.memory_space<vmem>>, vector<1x64x1025xf32>
    %get3A_232 = vector.shape_cast %get3A_231 : vector<1x64x1025xf32> to vector<64x1025xf32>
    %add3A_233 = arith.addf %get3A_4, %get3A_232 : vector<64x1025xf32>
    %swap3A_234 = arith.constant 18 : index
    %swap3A_235 = arith.constant 0 : index
    %swap3A_236 = arith.constant 0 : index
    %swap3A_237 = vector.load %arg3[%swap3A_234, %swap3A_235, %swap3A_236] : memref<32x64x1025xf32, #tpu.memory_space<vmem>>, vector<1x64x1025xf32>
    %swap3A_238 = vector.shape_cast %swap3A_237 : vector<1x64x1025xf32> to vector<64x1025xf32>
    %swap3A_239 = vector.shape_cast %add3A_233 : vector<64x1025xf32> to vector<1x64x1025xf32>
    tpu.vector_store %arg3[%swap3A_234, %swap3A_235, %swap3A_236], %swap3A_239 {strides = array<i32>} : memref<32x64x1025xf32, #tpu.memory_space<vmem>>, vector<1x64x1025xf32>,
    %get3A_240 = arith.constant 18 : index
    %get3A_241 = arith.constant 0 : index
    %get3A_242 = arith.constant 0 : index
    %get3A_243 = vector.load %arg2[%get3A_240, %get3A_241, %get3A_242] : memref<32x64x1025xf32, #tpu.memory_space<vmem>>, vector<1x64x1025xf32>
    %get3A_244 = vector.shape_cast %get3A_243 : vector<1x64x1025xf32> to vector<64x1025xf32>
    %add3A_245 = arith.addf %get3A_4, %get3A_244 : vector<64x1025xf32>
    %swap3A_246 = arith.constant 19 : index
    %swap3A_247 = arith.constant 0 : index
    %swap3A_248 = arith.constant 0 : index
    %swap3A_249 = vector.load %arg3[%swap3A_246, %swap3A_247, %swap3A_248] : memref<32x64x1025xf32, #tpu.memory_space<vmem>>, vector<1x64x1025xf32>
    %swap3A_250 = vector.shape_cast %swap3A_249 : vector<1x64x1025xf32> to vector<64x1025xf32>
    %swap3A_251 = vector.shape_cast %add3A_245 : vector<64x1025xf32> to vector<1x64x1025xf32>
    tpu.vector_store %arg3[%swap3A_246, %swap3A_247, %swap3A_248], %swap3A_251 {strides = array<i32>} : memref<32x64x1025xf32, #tpu.memory_space<vmem>>, vector<1x64x1025xf32>,
    %get3A_252 = arith.constant 19 : index
    %get3A_253 = arith.constant 0 : index
    %get3A_254 = arith.constant 0 : index
    %get3A_255 = vector.load %arg2[%get3A_252, %get3A_253, %get3A_254] : memref<32x64x1025xf32, #tpu.memory_space<vmem>>, vector<1x64x1025xf32>
    %get3A_256 = vector.shape_cast %get3A_255 : vector<1x64x1025xf32> to vector<64x1025xf32>
    %add3A_257 = arith.addf %get3A_4, %get3A_256 : vector<64x1025xf32>
    %swap3A_258 = arith.constant 20 : index
    %swap3A_259 = arith.constant 0 : index
    %swap3A_260 = arith.constant 0 : index
    %swap3A_261 = vector.load %arg3[%swap3A_258, %swap3A_259, %swap3A_260] : memref<32x64x1025xf32, #tpu.memory_space<vmem>>, vector<1x64x1025xf32>
    %swap3A_262 = vector.shape_cast %swap3A_261 : vector<1x64x1025xf32> to vector<64x1025xf32>
    %swap3A_263 = vector.shape_cast %add3A_257 : vector<64x1025xf32> to vector<1x64x1025xf32>
    tpu.vector_store %arg3[%swap3A_258, %swap3A_259, %swap3A_260], %swap3A_263 {strides = array<i32>} : memref<32x64x1025xf32, #tpu.memory_space<vmem>>, vector<1x64x1025xf32>,
    %get3A_264 = arith.constant 20 : index
    %get3A_265 = arith.constant 0 : index
    %get3A_266 = arith.constant 0 : index
    %get3A_267 = vector.load %arg2[%get3A_264, %get3A_265, %get3A_266] : memref<32x64x1025xf32, #tpu.memory_space<vmem>>, vector<1x64x1025xf32>
    %get3A_268 = vector.shape_cast %get3A_267 : vector<1x64x1025xf32> to vector<64x1025xf32>
    %add3A_269 = arith.addf %get3A_4, %get3A_268 : vector<64x1025xf32>
    %swap3A_270 = arith.constant 21 : index
    %swap3A_271 = arith.constant 0 : index
    %swap3A_272 = arith.constant 0 : index
    %swap3A_273 = vector.load %arg3[%swap3A_270, %swap3A_271, %swap3A_272] : memref<32x64x1025xf32, #tpu.memory_space<vmem>>, vector<1x64x1025xf32>
    %swap3A_274 = vector.shape_cast %swap3A_273 : vector<1x64x1025xf32> to vector<64x1025xf32>
    %swap3A_275 = vector.shape_cast %add3A_269 : vector<64x1025xf32> to vector<1x64x1025xf32>
    tpu.vector_store %arg3[%swap3A_270, %swap3A_271, %swap3A_272], %swap3A_275 {strides = array<i32>} : memref<32x64x1025xf32, #tpu.memory_space<vmem>>, vector<1x64x1025xf32>,
    %get3A_276 = arith.constant 21 : index
    %get3A_277 = arith.constant 0 : index
    %get3A_278 = arith.constant 0 : index
    %get3A_279 = vector.load %arg2[%get3A_276, %get3A_277, %get3A_278] : memref<32x64x1025xf32, #tpu.memory_space<vmem>>, vector<1x64x1025xf32>
    %get3A_280 = vector.shape_cast %get3A_279 : vector<1x64x1025xf32> to vector<64x1025xf32>
    %add3A_281 = arith.addf %get3A_4, %get3A_280 : vector<64x1025xf32>
    %swap3A_282 = arith.constant 22 : index
    %swap3A_283 = arith.constant 0 : index
    %swap3A_284 = arith.constant 0 : index
    %swap3A_285 = vector.load %arg3[%swap3A_282, %swap3A_283, %swap3A_284] : memref<32x64x1025xf32, #tpu.memory_space<vmem>>, vector<1x64x1025xf32>
    %swap3A_286 = vector.shape_cast %swap3A_285 : vector<1x64x1025xf32> to vector<64x1025xf32>
    %swap3A_287 = vector.shape_cast %add3A_281 : vector<64x1025xf32> to vector<1x64x1025xf32>
    tpu.vector_store %arg3[%swap3A_282, %swap3A_283, %swap3A_284], %swap3A_287 {strides = array<i32>} : memref<32x64x1025xf32, #tpu.memory_space<vmem>>, vector<1x64x1025xf32>,
    %get3A_288 = arith.constant 22 : index
    %get3A_289 = arith.constant 0 : index
    %get3A_290 = arith.constant 0 : index
    %get3A_291 = vector.load %arg2[%get3A_288, %get3A_289, %get3A_290] : memref<32x64x1025xf32, #tpu.memory_space<vmem>>, vector<1x64x1025xf32>
    %get3A_292 = vector.shape_cast %get3A_291 : vector<1x64x1025xf32> to vector<64x1025xf32>
    %add3A_293 = arith.addf %get3A_4, %get3A_292 : vector<64x1025xf32>
    %swap3A_294 = arith.constant 23 : index
    %swap3A_295 = arith.constant 0 : index
    %swap3A_296 = arith.constant 0 : index
    %swap3A_297 = vector.load %arg3[%swap3A_294, %swap3A_295, %swap3A_296] : memref<32x64x1025xf32, #tpu.memory_space<vmem>>, vector<1x64x1025xf32>
    %swap3A_298 = vector.shape_cast %swap3A_297 : vector<1x64x1025xf32> to vector<64x1025xf32>
    %swap3A_299 = vector.shape_cast %add3A_293 : vector<64x1025xf32> to vector<1x64x1025xf32>
    tpu.vector_store %arg3[%swap3A_294, %swap3A_295, %swap3A_296], %swap3A_299 {strides = array<i32>} : memref<32x64x1025xf32, #tpu.memory_space<vmem>>, vector<1x64x1025xf32>,
    %get3A_300 = arith.constant 23 : index
    %get3A_301 = arith.constant 0 : index
    %get3A_302 = arith.constant 0 : index
    %get3A_303 = vector.load %arg2[%get3A_300, %get3A_301, %get3A_302] : memref<32x64x1025xf32, #tpu.memory_space<vmem>>, vector<1x64x1025xf32>
    %get3A_304 = vector.shape_cast %get3A_303 : vector<1x64x1025xf32> to vector<64x1025xf32>
    %add3A_305 = arith.addf %get3A_4, %get3A_304 : vector<64x1025xf32>
    %swap3A_306 = arith.constant 24 : index
    %swap3A_307 = arith.constant 0 : index
    %swap3A_308 = arith.constant 0 : index
    %swap3A_309 = vector.load %arg3[%swap3A_306, %swap3A_307, %swap3A_308] : memref<32x64x1025xf32, #tpu.memory_space<vmem>>, vector<1x64x1025xf32>
    %swap3A_310 = vector.shape_cast %swap3A_309 : vector<1x64x1025xf32> to vector<64x1025xf32>
    %swap3A_311 = vector.shape_cast %add3A_305 : vector<64x1025xf32> to vector<1x64x1025xf32>
    tpu.vector_store %arg3[%swap3A_306, %swap3A_307, %swap3A_308], %swap3A_311 {strides = array<i32>} : memref<32x64x1025xf32, #tpu.memory_space<vmem>>, vector<1x64x1025xf32>,
    %get3A_312 = arith.constant 24 : index
    %get3A_313 = arith.constant 0 : index
    %get3A_314 = arith.constant 0 : index
    %get3A_315 = vector.load %arg2[%get3A_312, %get3A_313, %get3A_314] : memref<32x64x1025xf32, #tpu.memory_space<vmem>>, vector<1x64x1025xf32>
    %get3A_316 = vector.shape_cast %get3A_315 : vector<1x64x1025xf32> to vector<64x1025xf32>
    %add3A_317 = arith.addf %get3A_4, %get3A_316 : vector<64x1025xf32>
    %swap3A_318 = arith.constant 25 : index
    %swap3A_319 = arith.constant 0 : index
    %swap3A_320 = arith.constant 0 : index
    %swap3A_321 = vector.load %arg3[%swap3A_318, %swap3A_319, %swap3A_320] : memref<32x64x1025xf32, #tpu.memory_space<vmem>>, vector<1x64x1025xf32>
    %swap3A_322 = vector.shape_cast %swap3A_321 : vector<1x64x1025xf32> to vector<64x1025xf32>
    %swap3A_323 = vector.shape_cast %add3A_317 : vector<64x1025xf32> to vector<1x64x1025xf32>
    tpu.vector_store %arg3[%swap3A_318, %swap3A_319, %swap3A_320], %swap3A_323 {strides = array<i32>} : memref<32x64x1025xf32, #tpu.memory_space<vmem>>, vector<1x64x1025xf32>,
    %get3A_324 = arith.constant 25 : index
    %get3A_325 = arith.constant 0 : index
    %get3A_326 = arith.constant 0 : index
    %get3A_327 = vector.load %arg2[%get3A_324, %get3A_325, %get3A_326] : memref<32x64x1025xf32, #tpu.memory_space<vmem>>, vector<1x64x1025xf32>
    %get3A_328 = vector.shape_cast %get3A_327 : vector<1x64x1025xf32> to vector<64x1025xf32>
    %add3A_329 = arith.addf %get3A_4, %get3A_328 : vector<64x1025xf32>
    %swap3A_330 = arith.constant 26 : index
    %swap3A_331 = arith.constant 0 : index
    %swap3A_332 = arith.constant 0 : index
    %swap3A_333 = vector.load %arg3[%swap3A_330, %swap3A_331, %swap3A_332] : memref<32x64x1025xf32, #tpu.memory_space<vmem>>, vector<1x64x1025xf32>
    %swap3A_334 = vector.shape_cast %swap3A_333 : vector<1x64x1025xf32> to vector<64x1025xf32>
    %swap3A_335 = vector.shape_cast %add3A_329 : vector<64x1025xf32> to vector<1x64x1025xf32>
    tpu.vector_store %arg3[%swap3A_330, %swap3A_331, %swap3A_332], %swap3A_335 {strides = array<i32>} : memref<32x64x1025xf32, #tpu.memory_space<vmem>>, vector<1x64x1025xf32>,
    %get3A_336 = arith.constant 26 : index
    %get3A_337 = arith.constant 0 : index
    %get3A_338 = arith.constant 0 : index
    %get3A_339 = vector.load %arg2[%get3A_336, %get3A_337, %get3A_338] : memref<32x64x1025xf32, #tpu.memory_space<vmem>>, vector<1x64x1025xf32>
    %get3A_340 = vector.shape_cast %get3A_339 : vector<1x64x1025xf32> to vector<64x1025xf32>
    %add3A_341 = arith.addf %get3A_4, %get3A_340 : vector<64x1025xf32>
    %swap3A_342 = arith.constant 27 : index
    %swap3A_343 = arith.constant 0 : index
    %swap3A_344 = arith.constant 0 : index
    %swap3A_345 = vector.load %arg3[%swap3A_342, %swap3A_343, %swap3A_344] : memref<32x64x1025xf32, #tpu.memory_space<vmem>>, vector<1x64x1025xf32>
    %swap3A_346 = vector.shape_cast %swap3A_345 : vector<1x64x1025xf32> to vector<64x1025xf32>
    %swap3A_347 = vector.shape_cast %add3A_341 : vector<64x1025xf32> to vector<1x64x1025xf32>
    tpu.vector_store %arg3[%swap3A_342, %swap3A_343, %swap3A_344], %swap3A_347 {strides = array<i32>} : memref<32x64x1025xf32, #tpu.memory_space<vmem>>, vector<1x64x1025xf32>,
    %get3A_348 = arith.constant 27 : index
    %get3A_349 = arith.constant 0 : index
    %get3A_350 = arith.constant 0 : index
    %get3A_351 = vector.load %arg2[%get3A_348, %get3A_349, %get3A_350] : memref<32x64x1025xf32, #tpu.memory_space<vmem>>, vector<1x64x1025xf32>
    %get3A_352 = vector.shape_cast %get3A_351 : vector<1x64x1025xf32> to vector<64x1025xf32>
    %add3A_353 = arith.addf %get3A_4, %get3A_352 : vector<64x1025xf32>
    %swap3A_354 = arith.constant 28 : index
    %swap3A_355 = arith.constant 0 : index
    %swap3A_356 = arith.constant 0 : index
    %swap3A_357 = vector.load %arg3[%swap3A_354, %swap3A_355, %swap3A_356] : memref<32x64x1025xf32, #tpu.memory_space<vmem>>, vector<1x64x1025xf32>
    %swap3A_358 = vector.shape_cast %swap3A_357 : vector<1x64x1025xf32> to vector<64x1025xf32>
    %swap3A_359 = vector.shape_cast %add3A_353 : vector<64x1025xf32> to vector<1x64x1025xf32>
    tpu.vector_store %arg3[%swap3A_354, %swap3A_355, %swap3A_356], %swap3A_359 {strides = array<i32>} : memref<32x64x1025xf32, #tpu.memory_space<vmem>>, vector<1x64x1025xf32>,
    %get3A_360 = arith.constant 28 : index
    %get3A_361 = arith.constant 0 : index
    %get3A_362 = arith.constant 0 : index
    %get3A_363 = vector.load %arg2[%get3A_360, %get3A_361, %get3A_362] : memref<32x64x1025xf32, #tpu.memory_space<vmem>>, vector<1x64x1025xf32>
    %get3A_364 = vector.shape_cast %get3A_363 : vector<1x64x1025xf32> to vector<64x1025xf32>
    %add3A_365 = arith.addf %get3A_4, %get3A_364 : vector<64x1025xf32>
    %swap3A_366 = arith.constant 29 : index
    %swap3A_367 = arith.constant 0 : index
    %swap3A_368 = arith.constant 0 : index
    %swap3A_369 = vector.load %arg3[%swap3A_366, %swap3A_367, %swap3A_368] : memref<32x64x1025xf32, #tpu.memory_space<vmem>>, vector<1x64x1025xf32>
    %swap3A_370 = vector.shape_cast %swap3A_369 : vector<1x64x1025xf32> to vector<64x1025xf32>
    %swap3A_371 = vector.shape_cast %add3A_365 : vector<64x1025xf32> to vector<1x64x1025xf32>
    tpu.vector_store %arg3[%swap3A_366, %swap3A_367, %swap3A_368], %swap3A_371 {strides = array<i32>} : memref<32x64x1025xf32, #tpu.memory_space<vmem>>, vector<1x64x1025xf32>,
    %get3A_372 = arith.constant 29 : index
    %get3A_373 = arith.constant 0 : index
    %get3A_374 = arith.constant 0 : index
    %get3A_375 = vector.load %arg2[%get3A_372, %get3A_373, %get3A_374] : memref<32x64x1025xf32, #tpu.memory_space<vmem>>, vector<1x64x1025xf32>
    %get3A_376 = vector.shape_cast %get3A_375 : vector<1x64x1025xf32> to vector<64x1025xf32>
    %add3A_377 = arith.addf %get3A_4, %get3A_376 : vector<64x1025xf32>
    %swap3A_378 = arith.constant 30 : index
    %swap3A_379 = arith.constant 0 : index
    %swap3A_380 = arith.constant 0 : index
    %swap3A_381 = vector.load %arg3[%swap3A_378, %swap3A_379, %swap3A_380] : memref<32x64x1025xf32, #tpu.memory_space<vmem>>, vector<1x64x1025xf32>
    %swap3A_382 = vector.shape_cast %swap3A_381 : vector<1x64x1025xf32> to vector<64x1025xf32>
    %swap3A_383 = vector.shape_cast %add3A_377 : vector<64x1025xf32> to vector<1x64x1025xf32>
    tpu.vector_store %arg3[%swap3A_378, %swap3A_379, %swap3A_380], %swap3A_383 {strides = array<i32>} : memref<32x64x1025xf32, #tpu.memory_space<vmem>>, vector<1x64x1025xf32>,
    %get3A_384 = arith.constant 30 : index
    %get3A_385 = arith.constant 0 : index
    %get3A_386 = arith.constant 0 : index
    %get3A_387 = vector.load %arg2[%get3A_384, %get3A_385, %get3A_386] : memref<32x64x1025xf32, #tpu.memory_space<vmem>>, vector<1x64x1025xf32>
    %get3A_388 = vector.shape_cast %get3A_387 : vector<1x64x1025xf32> to vector<64x1025xf32>
    %add3A_389 = arith.addf %get3A_4, %get3A_388 : vector<64x1025xf32>
    %swap3A_390 = arith.constant 31 : index
    %swap3A_391 = arith.constant 0 : index
    %swap3A_392 = arith.constant 0 : index
    %swap3A_393 = vector.load %arg3[%swap3A_390, %swap3A_391, %swap3A_392] : memref<32x64x1025xf32, #tpu.memory_space<vmem>>, vector<1x64x1025xf32>
    %swap3A_394 = vector.shape_cast %swap3A_393 : vector<1x64x1025xf32> to vector<64x1025xf32>
    %swap3A_395 = vector.shape_cast %add3A_389 : vector<64x1025xf32> to vector<1x64x1025xf32>
    tpu.vector_store %arg3[%swap3A_390, %swap3A_391, %swap3A_392], %swap3A_395 {strides = array<i32>} : memref<32x64x1025xf32, #tpu.memory_space<vmem>>, vector<1x64x1025xf32>,
    return
  }
  func.func @transform_0(%arg0: i32) -> (i32, i32, i32) {
    %c0_i32 = arith.constant 0 : i32
    %c0_i32_0 = arith.constant 0 : i32
    %c0_i32_1 = arith.constant 0 : i32
    %c0_i32_2 = arith.constant 0 : i32
    return %c0_i32, %c0_i32_0, %c0_i32_1 : i32, i32, i32
  }
  func.func @transform_1(%arg0: i32) -> (i32, i32, i32) {
    %c0_i32 = arith.constant 0 : i32
    %c0_i32_0 = arith.constant 0 : i32
    %c0_i32_1 = arith.constant 0 : i32
    %c0_i32_2 = arith.constant 0 : i32
    return %c0_i32, %c0_i32_0, %c0_i32_1 : i32, i32, i32
  }
  func.func @transform_2(%arg0: i32) -> (i32, i32, i32) {
    %c0_i32 = arith.constant 0 : i32
    %c0_i32_0 = arith.constant 0 : i32
    %c0_i32_1 = arith.constant 0 : i32
    return %arg0, %c0_i32, %c0_i32_0 : i32, i32, i32
  }
}

</mosaic_0001>

<sc_bundles>
// kernel: _expand.4.cloned.1.call-start
scs
__scs_entry_jumppad:
0x0: {  	(pc) =	sbr.rel $0x88, $3  }
0x1: {  	(tag) =	ssettag $0x0;
	lr =	simm.s32 $0x1  }
0x2: {  	[smem:$0x3F9F] =	sst lr;
	_ =	strace $0xD0000000  }
0x3: {  	_ = 	snop  }
0x4: {  	_ = 	snop  }
0x5: {  	_ = 	snop  }
0x6: {  	_ = 	snop  }
0x7: {  	_ = 	snop  }
__scs_overlays_trampoline_lowered:
0x8: {  	[smem:$0x3FAE] =	sst s0  }
0x9: {  	[smem:$0x3FAF] =	sst s1  }
0xa: {  	[smem:$0x3FB0] =	sst s2  }
0xb: {  	[smem:$0x3FB1] =	sst s3  }
0xc: {  	[smem:$0x3FB2] =	sst s4  }
0xd: {  	[smem:$0x3FB3] =	sst s5  }
0xe: {  	[smem:$0x3FB4] =	sst s6  }
0xf: {  	[smem:$0x3FB5] =	sst s7  }
0x10: {  	[smem:$0x3FB6] =	sst s8  }
0x11: {  	[smem:$0x3FB7] =	sst s9;
	s0 =	simm.s32 @!p0 $0x0  }
0x12: {  	s1 =	sld [smem:$0x3F9D];
	s0 =	simm.s32 @p0 $0x1  }
0x13: {  	[smem:$0x3FB8] =	sst s0;
	s0 =	simm.s32 @!p1 $0x0  }
0x14: {  	s2 =	sld [smem:$0x3F9C];
	s0 =	simm.s32 @p1 $0x1  }
0x15: {  	[smem:$0x3FB9] =	sst s0;
	s0 =	simm.s32 @!p2 $0x0  }
0x16: {  	s3 =	sld [smem:$0x3FDB];
	s0 =	simm.s32 @p2 $0x1  }
0x17: {  	s4 =	simm.s32 $0x1BF5;
	[smem:$0x3FBB] =	sst s0  }
0x18: {  	s0 =	sld [smem:$0x3F9E];
	_ =	swait.ge [sflag:s4], $0x0  }
0x19: {  	s7 =	sld [smem:$0x3F9F]  }
0x1a: {  	s8 =	sadd.s32 $0xFFFFE003, lr  }
0x1b: {  	s9 =	sadd.s32 $0xFFFFFEF7, lr;
	s5 =	simm.s32 $0xFFFFFFFF;
	p2 =	slt.u32 s8, $0xFFFFF086  }
0x1c: {  	p1 =	slt.u32 s9, $0xF7A;
	s5 =	simm.s32 @!p2 $0x0  }
0x1d: {  	s5 =	simm.s32 @p1 $0x1;
	p0 =	seq.s32 s7, s2  }
0x1e: {  	s7 =	smul.u32 @!p0 $0xF7A, s2;
	p2 =	seq.s32 @!p0 s5, $0x0  }
0x1f: {  	s9 =	smul.u32 $0xF7A, s1;
	s8 =	simm.s32 @!p0 $0x1BF5;
	p2 =	por !p2, p0  }
0x20: {  	[sflag:s8] =	ssyncset.s32 @!p0 $0xFFFFF086;
	s6 =	sadd.s32 @!p0 s3, s7;
	s7 =	simm.s32 @!p0 $0x108  }
0x21: {  	s3 =	sadd.s32 s3, s9;
	s6 =	sadd.s32 @!p0 $0x88, s6;
	s7 =	simm.s32 @p2 $0x1082  }
0x22: {  	[simem:s7], [sflag:s8] =	dma.local @!p0 [hbm:s6], $0xF7A  }
0x23: {  	s9 =	sor.u32 $0xD0000000, s2;
	s6 =	simm.s32 $0x108;
	_ =	swait.ge @!p0 [sflag:s8], $0x0  }
0x24: {  	s3 =	sadd.s32 $0x88, s3;
	s6 =	simm.s32 @!p1 $0x1082;
	[sflag:s4] =	ssyncset.s32 $0xFFFFF086  }
0x25: {  	[simem:s6], [sflag:s4] =	dma.local [hbm:s3], $0xF7A  }
0x26: {  	[smem:$0x3F9F] =	sst s1;
	(tag) =	ssettag s2;
	_ =	strace s9  }
0x27: {  	s1 =	sld [smem:$0x3FAF]  }
0x28: {  	s2 =	sld [smem:$0x3FB0]  }
0x29: {  	s4 =	sld [smem:$0x3FB2]  }
0x2a: {  	p0 =	seq.s32 s5, $0x0;
	s5 =	sld [smem:$0x3FB3]  }
0x2b: {  	s6 =	sld [smem:$0x3FB4]  }
0x2c: {  	s7 =	sld [smem:$0x3FB5]  }
0x2d: {  	s3 =	simm.s32 $0x108;
	s8 =	sld [smem:$0x3FB6]  }
0x2e: {  	s3 =	simm.s32 @!p0 $0x1082;
	s9 =	sld [smem:$0x3FB7]  }
0x2f: {  	lr =	sadd.s32 s0, s3;
	s0 =	sld [smem:$0x3FAE]  }
0x30: {  	s3 =	sld [smem:$0x3FB1]  }
0x31: {  	[smem:$0x3FBA] =	sst s10  }
0x32: {  	s10 =	sld [smem:$0x3FB8];
	_ =	sdelay $0x3  }
0x33: {  	p0 =	seq.s32 s10, $0x1;
	s10 =	sld [smem:$0x3FBA];
	_ =	sdelay $0x3  }
0x34: {  	[smem:$0x3FBA] =	sst s10  }
0x35: {  	s10 =	sld [smem:$0x3FB9];
	_ =	sdelay $0x3  }
0x36: {  	p1 =	seq.s32 s10, $0x1;
	s10 =	sld [smem:$0x3FBA];
	_ =	sdelay $0x3  }
0x37: {  	[smem:$0x3FBA] =	sst s10  }
0x38: {  	s10 =	sld [smem:$0x3FBB]  }
0x39: {  	_ = 	snop;
	(pc) =	sbr.ind lr, $3  }
0x3a: {  	_ = 	snop  }
0x3b: {  	_ = 	snop  }
0x3c: {  	p2 =	seq.s32 s10, $0x1;
	s10 =	sld [smem:$0x3FBA]  }
0x3d: {  	_ =	shalt  }
0x3e: {  	_ =	shalt  }
0x3f: {  	_ =	shalt  }
0x40: {  	_ =	shalt  }
0x41: {  	_ =	shalt  }
0x42: {  	_ =	shalt  }
0x43: {  	_ =	shalt  }
0x44: {  	_ =	shalt  }
0x45: {  	_ =	shalt  }
0x46: {  	_ =	shalt  }
0x47: {  	_ =	shalt  }
0x48: {  	_ =	shalt  }
0x49: {  	_ =	shalt  }
0x4a: {  	_ =	shalt  }
0x4b: {  	_ =	shalt  }
0x4c: {  	_ =	shalt  }
0x4d: {  	_ =	shalt  }
0x4e: {  	_ =	shalt  }
0x4f: {  	_ =	shalt  }
0x50: {  	_ =	shalt  }
0x51: {  	_ =	shalt  }
0x52: {  	_ =	shalt  }
0x53: {  	_ =	shalt  }
0x54: {  	_ =	shalt  }
0x55: {  	_ =	shalt  }
0x56: {  	_ =	shalt  }
0x57: {  	_ =	shalt  }
0x58: {  	_ =	shalt  }
0x59: {  	_ =	shalt  }
0x5a: {  	_ =	shalt  }
0x5b: {  	_ =	shalt  }
0x5c: {  	_ =	shalt  }
0x5d: {  	_ =	shalt  }
0x5e: {  	_ =	shalt  }
0x5f: {  	_ =	shalt  }
0x60: {  	_ =	shalt  }
0x61: {  	_ =	shalt  }
0x62: {  	_ =	shalt  }
0x63: {  	_ =	shalt  }
0x64: {  	_ =	shalt  }
0x65: {  	_ =	shalt  }
0x66: {  	_ =	shalt  }
0x67: {  	_ =	shalt  }
0x68: {  	_ =	shalt  }
0x69: {  	_ =	shalt  }
0x6a: {  	_ =	shalt  }
0x6b: {  	_ =	shalt  }
0x6c: {  	_ =	shalt  }
0x6d: {  	_ =	shalt  }
0x6e: {  	_ =	shalt  }
0x6f: {  	_ =	shalt  }
0x70: {  	_ =	shalt  }
0x71: {  	_ =	shalt  }
0x72: {  	_ =	shalt  }
0x73: {  	_ =	shalt  }
0x74: {  	_ =	shalt  }
0x75: {  	_ =	shalt  }
0x76: {  	_ =	shalt  }
0x77: {  	_ =	shalt  }
0x78: {  	_ =	shalt  }
0x79: {  	_ =	shalt  }
0x7a: {  	_ =	shalt  }
0x7b: {  	_ =	shalt  }
0x7c: {  	_ =	shalt  }
0x7d: {  	_ =	shalt  }
0x7e: {  	_ =	shalt  }
0x7f: {  	_ =	shalt  }
0x80: {  	_ =	shalt  }
0x81: {  	_ =	shalt  }
0x82: {  	_ =	shalt  }
0x83: {  	_ =	shalt  }
0x84: {  	_ =	shalt  }
0x85: {  	_ =	shalt  }
0x86: {  	_ =	shalt  }
0x87: {  	_ =	shalt  }
.Lfunc_end0:
.L_simem_size_0:
called_computation_lowered:
.L_overlay_start_0:
0x88: {  	s2 =	sld [smem:$0x3FD9]  }
0x89: {  	s3 =	sld [smem:$0x3FFE];
	_ =	sdelay $0x1  }
0x8a: {  	s1 =	srdreg.scid  }
0x8b: {  	s0 =	sand.u32 $0x1, s1  }
0x8c: {  	s17 =	sshll.u32 s0, $0xA;
	s2 =	sadd.s32 s3, s2  }
0x8d: {  	s2 =	sadd.s32 s2, s17  }
0x8e: {  	[smem:$0x3FC6] =	sst s2  }
0x8f: {  	_ = 	snop  }
0x90: {  	s2 =	sld [smem:$0x3FD0];
	(tm) =	ssettm $0x1  }
0x91: {  	s18 =	sld [smem:$0x3FFB];
	_ =	sdelay $0x3  }
0x92: {  	_ =	strace s18  }
0x93: {  	s3 =	sld [smem:$0x3FFC];
	_ =	sdelay $0x3  }
0x94: {  	_ =	strace s3  }
0x95: {  	s3 =	sld [smem:$0x3FFD];
	_ =	sdelay $0x3  }
0x96: {  	_ =	strace s3  }
0x97: {  	_ =	strace $0x8FFFFFFF  }
0x98: {  	s19 =	sld [smem:$0x3FDB];
	_ =	sdelay $0x1  }
0x99: {  	s4 =	simm.s32 $_scs_section_size  }
0x9a: {  	s5 =	simm.s32 $_size__tile_overlayer_lowered;
	s6 =	simm.s32 $_tile_overlayer_lowered  }
0x9b: {  	s22 =	simm.s32 $0x1BFF;
	s21 =	sshll.u32 s6, $0x1;
	s3 =	sadd.s32 s4, s19  }
0x9c: {  	s7 =	simm.s32 $0x0;
	s20 =	sshll.u32 s5, $0x1;
	s5 =	sadd.s32 s21, s3  }
0x9d: {  	[timem:s7], [sflag:s22] =	dma.local [hbm:s5], s20  }
0x9e: {  	_ =	swait.ge [sflag:s22], s20  }
0x9f: {  	s4 =	ssub.s32 $0x0, s20;
	[sflag:s22] =	ssyncset.done $0x0  }
0xa0: {  	[sflag:s22] =	ssyncadd.s32 s4;
	_ =	sdelay $0x1  }
0xa1: {  	s23 =	simm.s32 $0x1B8B  }
0xa2: {  	_ =	swait.ge [sflag:s23], $0x1  }
0xa3: {  	[sflag:s23] =	ssyncset.done $0x0  }
0xa4: {  	s25 =	simm.s32 $0x1B8E;
	s24 =	sld [smem:$0x3FFE];
	[sflag:s23] =	ssyncadd.s32 $0xFFFFFFFF  }
0xa5: {  	s26 =	simm.s32 $execute0_lowered;
	[smem:$0x3FD2] =	sst s25  }
0xa6: {  	s5 =	sshll.u32 s26, $0x1;
	_ =	strace $0x80000046;
	[dreg:$0x1] =	wrdreg $0xFFFFFFFF  }
0xa7: {  	s28 =	simm.s32 $_size_execute0_lowered;
	s3 =	sadd.s32 s3, s5;
	[dreg:$0x0] =	wrdreg $0x0  }
0xa8: {  	s5 =	sshll.u32 s28, $0x1;
	[dreg:$0x2] =	wrdreg s3  }
0xa9: {  	[dreg:$0x3] =	wrdreg s5  }
0xaa: {  	[dreg:$0x4] =	wrdreg $0xC0  }
0xab: {  	_ =	task [dreg:s7], $0x5FFFF  }
0xac: {  	[dreg:$0x1] =	wrdreg $0xFFFFFFFF  }
0xad: {  	[dreg:$0x0] =	wrdreg $0x60  }
0xae: {  	[dreg:$0x2] =	wrdreg s24  }
0xaf: {  	[dreg:$0x3] =	wrdreg s2  }
0xb0: {  	[dreg:$0x4] =	wrdreg $0x9  }
0xb1: {  	_ =	task.clear_ibuf [dreg:s7], $0x5FFFF;
	_ =	strace $0x90000046  }
0xb2: {  	s29 =	simm.s32 $0x9;
	_ =	strace $0x80000048  }
0xb3: {  	_ =	swait.ge [sflag:s29], $0x1  }
0xb4: {  	[sflag:s29] =	ssyncadd.s32 $0xFFFFFFFF  }
0xb5: {  	_ =	strace $0x90000048  }
0xb6: {  	_ =	sfence  }
0xb7: {  	s30 =	sld [smem:$0x0];
	_ =	sdelay $0x2  }
0xb8: {  	s31 =	sshll.u32 s1, $0xD;
	s1 =	sshrl.u32 s1, $0x2  }
0xb9: {  	s3 =	sand.u32 $0x4000, s31;
	s1 =	sadd.s32 s1, s30  }
0xba: {  	s0 =	sor.u32 s3, s0;
	s1 =	sshll.u32 s1, $0x11  }
0xbb: {  	s0 =	sor.u32 s1, s0  }
0xbc: {  	s0 =	sadd.s32 $0x8F2B, s0  }
0xbd: {  	[sflag:s0] =	ssyncadd.remote.s32 $0x1  }
0xbe: {  	_ =	sfence.sel $0xFFFF  }
0xbf: {  	[dreg:$0x0] =	wrdreg $0xFFFFFFFF;
	(pc) =	sbr.abs _section_cstart, $3  }
0xc0: {  	[dreg:$0x1] =	wrdreg $0xFFFFFFFF  }
0xc1: {  	_ =	task.clear_ibuf [dreg:s7], $0x2FFFF;
	_ =	strace $0x9FFFFFFF  }
0xc2: {  	(tm) =	ssettm $0x7FFFFFFF  }
0xc3: {  	_ =	shalt  }
tec
execute0_lowered:
.L_overlay_start_1:
0x0: {  	(tag) =	ssettag $0x1  }
0x1: {  	s0 =	rddreg [dreg:$0x0]  }
0x2: {  	s13 =	rddreg [dreg:$0x1];
	s1 =	srdreg.scid  }
0x3: {  	s3 =	stileid.u32;
	s2 =	simm.s32 $0x0;
	s1 =	sand.u32 $0x1, s1  }
0x4: {  	s3 =	sshll.u32 s3, $0x1;
	[smem:$0x7FF] =	sst s2;
	s24 =	sadd.s32 $0xA00, s0  }
0x5: {  	s4 =	sadd.s32 $0xC00, s0;
	s12 =	sadd.s32 $0xE00, s0;
	s14 =	sor.u32 s1, s3  }
0x6: {  	_ =	strace $0x80000047;
	[dreg:$0x4] =	wrdreg s24;
	s1 =	ssub.s32 $0x2, s1  }
0x7: {  	[dreg:$0x3] =	wrdreg s4;
	s3 =	ssub.s32 $0x0, s14;
	s25 =	sshrl.u32 s1, $0x1  }
0x8: {  	s4 =	ssub.s32 $0x10, s14;
	s24 =	ssub.s32 $0x17, s14;
	p0 =	sgt.s32 s3, $0xFFFFFFF2  }
0x9: {  	s0 =	ssub.s32 s1, s25;
	s1 =	ssub.s32 $0x1, s14;
	s3 =	simm.s32 @!p0 $0xFFFFFFF2  }
0xa: {  	[dreg:$0x5] =	wrdreg s0;
	p0 =	sgt.s32 s1, $0xFFFFFFF2;
	s0 =	ssub.s32 $0x2, s14  }
0xb: {  	s26 =	sshll.u32 s3, $0x6;
	s1 =	simm.s32 @!p0 $0xFFFFFFF2;
	p0 =	sgt.s32 s0, $0xFFFFFFF2  }
0xc: {  	s3 =	ssub.s32 $0x3, s14;
	s11 =	sadd.s32 $0x3C0, s26;
	s1 =	sshll.u32 s1, $0x6  }
0xd: {  	s0 =	simm.s32 @!p0 $0xFFFFFFF2;
	p0 =	sgt.s32 s3, $0xFFFFFFF2;
	s7 =	sadd.s32 $0x3C0, s1  }
0xe: {  	s0 =	sshll.u32 s0, $0x6;
	s3 =	simm.s32 @!p0 $0xFFFFFFF2;
	s1 =	ssub.s32 $0x4, s14  }
0xf: {  	s6 =	sadd.s32 $0x3C0, s0;
	s28 =	sshll.u32 s3, $0x6;
	p0 =	sgt.s32 s1, $0xFFFFFFF2  }
0x10: {  	s0 =	ssub.s32 $0x5, s14;
	s3 =	ssub.s32 $0x6, s14;
	v1 =	vmov s7;
	s7 =	ssub.s32 $0x1B, s14  }
0x11: {  	s8 =	sadd.s32 $0x3C0, s28;
	s1 =	simm.s32 @!p0 $0xFFFFFFF2;
	p0 =	sgt.s32 s0, $0xFFFFFFF2  }
0x12: {  	s1 =	sshll.u32 s1, $0x6;
	s0 =	simm.s32 @!p0 $0xFFFFFFF2;
	p0 =	sgt.s32 s3, $0xFFFFFFF2  }
0x13: {  	s10 =	sadd.s32 $0x3C0, s1;
	s0 =	sshll.u32 s0, $0x6;
	s3 =	simm.s32 @!p0 $0xFFFFFFF2  }
0x14: {  	s1 =	ssub.s32 $0x7, s14;
	s9 =	sadd.s32 $0x3C0, s0;
	s29 =	sshll.u32 s3, $0x6  }
0x15: {  	p0 =	sgt.s32 s1, $0xFFFFFFF2;
	s0 =	ssub.s32 $0x8, s14;
	s3 =	ssub.s32 $0x9, s14  }
0x16: {  	s15 =	sadd.s32 $0x3C0, s29;
	s1 =	simm.s32 @!p0 $0xFFFFFFF2;
	p0 =	sgt.s32 s0, $0xFFFFFFF2  }
0x17: {  	s1 =	sshll.u32 s1, $0x6;
	s0 =	simm.s32 @!p0 $0xFFFFFFF2;
	p0 =	sgt.s32 s3, $0xFFFFFFF2  }
0x18: {  	s17 =	sadd.s32 $0x3C0, s1;
	s0 =	sshll.u32 s0, $0x6;
	s3 =	simm.s32 @!p0 $0xFFFFFFF2  }
0x19: {  	s1 =	ssub.s32 $0xA, s14;
	s16 =	sadd.s32 $0x3C0, s0;
	s30 =	sshll.u32 s3, $0x6  }
0x1a: {  	p0 =	sgt.s32 s1, $0xFFFFFFF2;
	s0 =	ssub.s32 $0xB, s14;
	s3 =	ssub.s32 $0xC, s14  }
0x1b: {  	s18 =	sadd.s32 $0x3C0, s30;
	s1 =	simm.s32 @!p0 $0xFFFFFFF2;
	p0 =	sgt.s32 s0, $0xFFFFFFF2  }
0x1c: {  	v8 =	vmov s16;
	s16 =	simm.s32 $0x9100;
	s1 =	sshll.u32 s1, $0x6;
	s0 =	simm.s32 @!p0 $0xFFFFFFF2  }
0x1d: {  	p0 =	sgt.s32 s3, $0xFFFFFFF2;
	v9 =	vmov s18;
	s18 =	smul.u32 $0x10200, s14;
	s20 =	sadd.s32 $0x3C0, s1  }
0x1e: {  	s0 =	sshll.u32 s0, $0x6;
	s3 =	simm.s32 @!p0 $0xFFFFFFF2;
	s1 =	ssub.s32 $0xD, s14  }
0x1f: {  	s19 =	sadd.s32 $0x3C0, s0;
	s31 =	sshll.u32 s3, $0x6;
	p0 =	sgt.s32 s1, $0xFFFFFFF2  }
0x20: {  	s0 =	ssub.s32 $0xF, s14;
	s3 =	ssub.s32 $0xE, s14;
	s1 =	simm.s32 @!p0 $0xFFFFFFF2  }
0x21: {  	s21 =	sadd.s32 $0x3C0, s31;
	p0 =	sgt.s32 s0, $0xFFFFFFF2;
	s1 =	sshll.u32 s1, $0x6  }
0x22: {  	s0 =	simm.s32 @!p0 $0xFFFFFFF2;
	p0 =	sgt.s32 s3, $0xFFFFFFF2;
	v12 =	vmov s21;
	s21 =	sshrl.u32 s18, $0x3  }
0x23: {  	s18 =	simm.s32 $0xD180;
	s3 =	simm.s32 @!p0 $0xFFFFFFF2;
	p0 =	slt.s32 s0, $0xE  }
0x24: {  	v4 =	vmov s10;
	s26 =	sadd.s32 $0x3C0, s1;
	s1 =	ssub.s32 $0x11, s14;
	s10 =	sadd.s32 s12, s21  }
0x25: {  	s3 =	sshll.u32 s3, $0x6;
	s0 =	simm.s32 @!p0 $0xE;
	p0 =	sgt.s32 s4, $0xFFFFFFF2  }
0x26: {  	v13 =	vmov s26;
	s26 =	sadd.s32 $0x1830, s21;
	s22 =	sadd.s32 $0x3C0, s3;
	s4 =	simm.s32 @!p0 $0xFFFFFFF2  }
0x27: {  	v0 =	vmov s11;
	s0 =	sshll.u32 s0, $0x6;
	s11 =	sadd.s32 s13, s26;
	p0 =	slt.s32 s4, $0xE  }
0x28: {  	s25 =	sadd.s32 $0x3C0, s0;
	s0 =	ssub.s32 $0x18, s14;
	v14 =	vmov s22;
	s22 =	sadd.s32 $0x810, s21  }
0x29: {  	s4 =	simm.s32 @!p0 $0xE;
	p0 =	slt.s32 s1, $0xE;
	v15 =	vmov s25;
	s25 =	sadd.s32 $0x1020, s21  }
0x2a: {  	v2 =	vmov s6;
	s6 =	sadd.s32 s13, s22;
	s3 =	sshll.u32 s4, $0x6;
	s1 =	simm.s32 @!p0 $0xE  }
0x2b: {  	v3 =	vmov s8;
	v5 =	vmov s9;
	s4 =	ssub.s32 $0x12, s14;
	s8 =	sadd.s32 s13, s25;
	s9 =	sadd.s32 s12, s25  }
0x2c: {  	s3 =	sadd.s32 $0x3C0, s3;
	s5 =	sshll.u32 s1, $0x6;
	p0 =	slt.s32 s4, $0xE  }
0x2d: {  	s1 =	ssub.s32 $0x13, s14;
	s31 =	sadd.s32 $0x3C0, s5;
	s4 =	simm.s32 @!p0 $0xE  }
0x2e: {  	v17 =	vlaneseq.u32;
	v18 =	vmov s14;
	p0 =	slt.s32 s1, $0xE;
	s23 =	sshll.u32 s4, $0x6;
	s4 =	ssub.s32 $0x14, s14  }
0x2f: {  	v19 =	vor.u32 $0x10, v17;
	v20 =	vsub.s32 v17, v18;
	s1 =	simm.s32 @!p0 $0xE;
	v17 =	vmov s31;
	s31 =	rddreg [dreg:$0x5];
	s5 =	sadd.s32 $0x3C0, s23  }
0x30: {  	p0 =	slt.s32 s4, $0xE;
	s1 =	sshll.u32 s1, $0x6;
	s23 =	ssub.s32 $0x15, s14  }
0x31: {  	s4 =	simm.s32 @!p0 $0xE;
	s1 =	sadd.s32 $0x3C0, s1;
	p0 =	slt.s32 s23, $0xE  }
0x32: {  	v21 =	vsub.s32 v19, v18;
	v18 =	vmov s5;
	s5 =	rddreg [dreg:$0x3];
	s4 =	sshll.u32 s4, $0x6;
	s23 =	simm.s32 @!p0 $0xE  }
0x33: {  	s28 =	sadd.s32 $0x3C0, s4;
	s4 =	ssub.s32 $0x16, s14;
	s23 =	sshll.u32 s23, $0x6  }
0x34: {  	vm0 =	vgt.s32 v20, $0xFFFFFFF2;
	v19 =	vmov s1;
	s1 =	ssub.s32 $0x1E, s14;
	p0 =	slt.s32 s4, $0xE;
	s29 =	sadd.s32 $0x3C0, s23  }
0x35: {  	v22 =	vnsel vm0, $0xFFFFFFF2, v20;
	v20 =	vmov s28;
	s28 =	sxor.u32 $0x1F, s14;
	s4 =	simm.s32 @!p0 $0xE;
	p0 =	slt.s32 s24, $0xE  }
0x36: {  	v16 =	vmov s3;
	s3 =	smin.u32 s28, $0xE;
	s4 =	sshll.u32 s4, $0x6;
	s24 =	simm.s32 @!p0 $0xE  }
0x37: {  	p0 =	slt.s32 s0, $0xE;
	s30 =	sadd.s32 $0x3C0, s4;
	s24 =	sshll.u32 s24, $0x6  }
0x38: {  	s0 =	simm.s32 @!p0 $0xE;
	s4 =	ssub.s32 $0x19, s14;
	s23 =	sadd.s32 $0x3C0, s24  }
0x39: {  	s24 =	sshll.u32 s0, $0x6;
	p0 =	slt.s32 s4, $0xE;
	s0 =	ssub.s32 $0x1A, s14  }
0x3a: {  	s3 =	sshll.u32 s3, $0x6;
	s4 =	simm.s32 @!p0 $0xE;
	p0 =	slt.s32 s0, $0xE  }
0x3b: {  	s3 =	sadd.s32 $0x3C0, s3;
	s24 =	sadd.s32 $0x3C0, s24;
	s0 =	simm.s32 @!p0 $0xE  }
0x3c: {  	s4 =	sshll.u32 s4, $0x6;
	p0 =	slt.s32 s7, $0xE;
	s0 =	sshll.u32 s0, $0x6  }
0x3d: {  	v6 =	vmov s15;
	s4 =	sadd.s32 $0x3C0, s4;
	s7 =	simm.s32 @!p0 $0xE;
	s15 =	sadd.s32 $0x3C0, s0  }
0x3e: {  	v7 =	vmov s17;
	s0 =	ssub.s32 $0x1C, s14;
	s17 =	sshll.u32 s7, $0x6;
	s7 =	sadd.s32 s12, s22  }
0x3f: {  	v34 =	vimm.f32 $0.0e+00;
	vm1 =	vgt.s32 v21, $0xFFFFFFF2;
	s12 =	sadd.s32 s12, s26;
	v27 =	vmov s4;
	s4 =	rddreg [dreg:$0x4];
	p0 =	slt.s32 s0, $0xE  }
0x40: {  	v23 =	vnsel vm1, $0xFFFFFFF2, v21;
	vm0 =	vlt.s32 v22, $0xE;
	v11 =	vmov s19;
	s19 =	sadd.s32 $0x3C0, s17;
	s17 =	ssub.s32 $0x1D, s14;
	s14 =	simm.s32 $0x2  }
0x41: {  	vm1 =	vlt.s32 v23, $0xE;
	v24 =	vnsel vm0, $0xE, v22;
	v28 =	vmov s15;
	s15 =	simm.s32 $0x800;
	s0 =	simm.s32 @!p0 $0xE;
	p0 =	slt.s32 s17, $0xE  }
0x42: {  	v23 =	vnsel vm1, $0xE, v23;
	v24 =	vshll.u32 v24, $0x6;
	v29 =	vmov s19;
	s19 =	simm.s32 $0x5080;
	s17 =	simm.s32 @!p0 $0xE;
	p0 =	slt.s32 s1, $0xE  }
0x43: {  	v25 =	vshll.u32 v23, $0x6;
	v24 =	vadd.s32 $0x3C0, v24;
	v10 =	vmov s20;
	s20 =	sshll.u32 s0, $0x6;
	s0 =	sadd.s32 s13, s21;
	s1 =	simm.s32 @!p0 $0xE  }
0x44: {  	v25 =	vadd.s32 $0x3C0, v25;
	v21 =	vmov s29;
	v22 =	vmov s30;
	s13 =	smax.u32 s31, $0x1;
	s30 =	sshll.u32 s17, $0x6;
	s1 =	sshll.u32 s1, $0x6  }
0x45: {  	v33 =	vmov s3;
	v23 =	vmov s23;
	v26 =	vmov s24;
	s29 =	sadd.s32 $0x3C0, s20;
	s17 =	sadd.s32 $0x3C0, s30;
	s1 =	sadd.s32 $0x3C0, s1  }
0x46: {  	s21 =	simm.s32 $0x0;
	s20 =	simm.s32 $0x1;
	v30 =	vmov s29;
	v31 =	vmov s17;
	s17 =	simm.s32 $0x1000;
	v32 =	vmov s1  }
.LBB2_1:
0x47: {  	[tilespmem:s2], [sflag:$0x2] =	stream.linear.gather [hbm4b:s4+s2], $0x800, $0x38;
	[tilespmem:$0x11200] =	vst v63  }
0x48: {  	_ =	swait.ge [sflag:s14], $0x800  }
0x49: {  	[sflag:s14] =	ssyncset.done $0x0  }
0x4a: {  	v35 =	vmov s2;
	[sflag:s14] =	ssyncadd.s32 $0xFFFFF800  }
0x4b: {  	[tilespmem:s15], [sflag:$0x2] =	stream.linear.gather [hbm4b:s5+s2], $0x800, $0x38;
	[tilespmem:$0x11200] =	vst v63  }
0x4c: {  	_ =	swait.ge [sflag:s14], $0x800  }
0x4d: {  	[sflag:s14] =	ssyncset.done $0x0  }
0x4e: {  	[sflag:s14] =	ssyncadd.s32 $0xFFFFF800  }
0x4f: {  	v36 =	vand.u32 $0x8, v35;
	v39 =	vld.idx.msk [tilespmem:v35+s2+$0x0], $0xffff  }
0x50: {  	v37 =	vand.u32 $0x7, v35;
	v38 =	vor.u32 v25, v36;
	v40 =	vld.idx.msk [tilespmem:v35+s15+$0x0], $0xffff  }
0x51: {  	v41 =	vmul.u32 $0x408, v35;
	v36 =	vor.u32 v24, v36;
	v38 =	vor.u32 v37, v38  }
0x52: {  	v36 =	vor.u32 v37, v36  }
0x53: {  	v37 =	vand.u32 $0xF, v35  }
0x54: {  	v42 =	vor.u32 v0, v37  }
0x55: {  	v61 =	vadd.f32 v40, v39  }
0x56: {  	v35 =	vld.idx.msk [tilespmem:v38+s15+$0x0], $0xffff  }
0x57: {  	v36 =	vld.idx.msk [tilespmem:v36+s15+$0x0], $0xffff;
	[tilespmem:v41+s16+$0x0] =	vst.idx.msk $0x1, v61  }
0x58: {  	[tilespmem:v41+s17+$0x0] =	vst.idx.msk $0x1, v34  }
0x59: {  	v38 =	vld.idx.msk [tilespmem:v42+s2+$0x0], $0xffff;
	_ =	sdelay $0x3  }
0x5a: {  	s22 =	simm.s32 $0x1201;
	v62 =	vor.u32 v1, v37  }
0x5b: {  	[tilespmem:s22+$0xFFFFFE00] =	vst v38  }
0x5c: {  	s23 =	simm.s32 $0x9301;
	[tilespmem:s22+$0xFFFFFE10] =	vst v38  }
0x5d: {  	[tilespmem:s23+$0xFFFFFE00] =	vst v36  }
0x5e: {  	[tilespmem:s23+$0xFFFFFE10] =	vst v35  }
0x5f: {  	v38 =	vld.idx.msk [tilespmem:v62+s2+$0x0], $0xffff;
	_ =	sdelay $0x3  }
0x60: {  	v63 =	vor.u32 v2, v37  }
0x61: {  	[tilespmem:s22+$0xFFFFFE20] =	vst v38  }
0x62: {  	[tilespmem:s22+$0xFFFFFE30] =	vst v38  }
0x63: {  	[tilespmem:s23+$0xFFFFFE20] =	vst v36  }
0x64: {  	[tilespmem:s23+$0xFFFFFE30] =	vst v35  }
0x65: {  	v38 =	vld.idx.msk [tilespmem:v63+s2+$0x0], $0xffff;
	_ =	sdelay $0x3  }
0x66: {  	v42 =	vor.u32 v3, v37  }
0x67: {  	[tilespmem:s22+$0xFFFFFE40] =	vst v38  }
0x68: {  	[tilespmem:s22+$0xFFFFFE50] =	vst v38  }
0x69: {  	[tilespmem:s23+$0xFFFFFE40] =	vst v36  }
0x6a: {  	[tilespmem:s23+$0xFFFFFE50] =	vst v35  }
0x6b: {  	v38 =	vld.idx.msk [tilespmem:v42+s2+$0x0], $0xffff;
	_ =	sdelay $0x3  }
0x6c: {  	v43 =	vor.u32 v4, v37  }
0x6d: {  	[tilespmem:s22+$0xFFFFFE60] =	vst v38  }
0x6e: {  	[tilespmem:s22+$0xFFFFFE70] =	vst v38  }
0x6f: {  	[tilespmem:s23+$0xFFFFFE60] =	vst v36  }
0x70: {  	[tilespmem:s23+$0xFFFFFE70] =	vst v35  }
0x71: {  	v38 =	vld.idx.msk [tilespmem:v43+s2+$0x0], $0xffff;
	_ =	sdelay $0x3  }
0x72: {  	v44 =	vor.u32 v5, v37  }
0x73: {  	[tilespmem:s22+$0xFFFFFE80] =	vst v38  }
0x74: {  	[tilespmem:s22+$0xFFFFFE90] =	vst v38  }
0x75: {  	[tilespmem:s23+$0xFFFFFE80] =	vst v36  }
0x76: {  	[tilespmem:s23+$0xFFFFFE90] =	vst v35  }
0x77: {  	v38 =	vld.idx.msk [tilespmem:v44+s2+$0x0], $0xffff;
	_ =	sdelay $0x3  }
0x78: {  	v45 =	vor.u32 v6, v37  }
0x79: {  	[tilespmem:s22+$0xFFFFFEA0] =	vst v38  }
0x7a: {  	[tilespmem:s22+$0xFFFFFEB0] =	vst v38  }
0x7b: {  	[tilespmem:s23+$0xFFFFFEA0] =	vst v36  }
0x7c: {  	[tilespmem:s23+$0xFFFFFEB0] =	vst v35  }
0x7d: {  	v38 =	vld.idx.msk [tilespmem:v45+s2+$0x0], $0xffff;
	_ =	sdelay $0x3  }
0x7e: {  	v46 =	vor.u32 v7, v37  }
0x7f: {  	[tilespmem:s22+$0xFFFFFEC0] =	vst v38  }
0x80: {  	[tilespmem:s22+$0xFFFFFED0] =	vst v38  }
0x81: {  	[tilespmem:s23+$0xFFFFFEC0] =	vst v36  }
0x82: {  	[tilespmem:s23+$0xFFFFFED0] =	vst v35  }
0x83: {  	v38 =	vld.idx.msk [tilespmem:v46+s2+$0x0], $0xffff;
	_ =	sdelay $0x3  }
0x84: {  	v47 =	vor.u32 v8, v37  }
0x85: {  	[tilespmem:s22+$0xFFFFFEE0] =	vst v38  }
0x86: {  	[tilespmem:s22+$0xFFFFFEF0] =	vst v38  }
0x87: {  	[tilespmem:s23+$0xFFFFFEE0] =	vst v36  }
0x88: {  	[tilespmem:s23+$0xFFFFFEF0] =	vst v35  }
0x89: {  	v38 =	vld.idx.msk [tilespmem:v47+s2+$0x0], $0xffff;
	_ =	sdelay $0x3  }
0x8a: {  	v48 =	vor.u32 v9, v37  }
0x8b: {  	[tilespmem:s22+$0xFFFFFF00] =	vst v38  }
0x8c: {  	[tilespmem:s22+$0xFFFFFF10] =	vst v38  }
0x8d: {  	[tilespmem:s23+$0xFFFFFF00] =	vst v36  }
0x8e: {  	[tilespmem:s23+$0xFFFFFF10] =	vst v35  }
0x8f: {  	v38 =	vld.idx.msk [tilespmem:v48+s2+$0x0], $0xffff;
	_ =	sdelay $0x3  }
0x90: {  	v49 =	vor.u32 v10, v37  }
0x91: {  	[tilespmem:s22+$0xFFFFFF20] =	vst v38  }
0x92: {  	[tilespmem:s22+$0xFFFFFF30] =	vst v38  }
0x93: {  	[tilespmem:s23+$0xFFFFFF20] =	vst v36  }
0x94: {  	[tilespmem:s23+$0xFFFFFF30] =	vst v35  }
0x95: {  	v38 =	vld.idx.msk [tilespmem:v49+s2+$0x0], $0xffff;
	_ =	sdelay $0x3  }
0x96: {  	v50 =	vor.u32 v11, v37  }
0x97: {  	[tilespmem:s22+$0xFFFFFF40] =	vst v38  }
0x98: {  	[tilespmem:s22+$0xFFFFFF50] =	vst v38  }
0x99: {  	[tilespmem:s23+$0xFFFFFF40] =	vst v36  }
0x9a: {  	[tilespmem:s23+$0xFFFFFF50] =	vst v35  }
0x9b: {  	v38 =	vld.idx.msk [tilespmem:v50+s2+$0x0], $0xffff;
	_ =	sdelay $0x3  }
0x9c: {  	v51 =	vor.u32 v12, v37  }
0x9d: {  	[tilespmem:s22+$0xFFFFFF60] =	vst v38  }
0x9e: {  	[tilespmem:s22+$0xFFFFFF70] =	vst v38  }
0x9f: {  	[tilespmem:s23+$0xFFFFFF60] =	vst v36  }
0xa0: {  	[tilespmem:s23+$0xFFFFFF70] =	vst v35  }
0xa1: {  	v38 =	vld.idx.msk [tilespmem:v51+s2+$0x0], $0xffff;
	_ =	sdelay $0x3  }
0xa2: {  	v52 =	vor.u32 v13, v37  }
0xa3: {  	[tilespmem:s22+$0xFFFFFF80] =	vst v38  }
0xa4: {  	[tilespmem:s22+$0xFFFFFF90] =	vst v38  }
0xa5: {  	[tilespmem:s23+$0xFFFFFF80] =	vst v36  }
0xa6: {  	[tilespmem:s23+$0xFFFFFF90] =	vst v35  }
0xa7: {  	v38 =	vld.idx.msk [tilespmem:v52+s2+$0x0], $0xffff;
	_ =	sdelay $0x3  }
0xa8: {  	v53 =	vor.u32 v14, v37  }
0xa9: {  	[tilespmem:s22+$0xFFFFFFA0] =	vst v38  }
0xaa: {  	[tilespmem:s22+$0xFFFFFFB0] =	vst v38  }
0xab: {  	[tilespmem:s23+$0xFFFFFFA0] =	vst v36  }
0xac: {  	[tilespmem:s23+$0xFFFFFFB0] =	vst v35  }
0xad: {  	v38 =	vld.idx.msk [tilespmem:v53+s2+$0x0], $0xffff;
	_ =	sdelay $0x3  }
0xae: {  	v54 =	vor.u32 v15, v37  }
0xaf: {  	[tilespmem:s22+$0xFFFFFFC0] =	vst v38  }
0xb0: {  	[tilespmem:s22+$0xFFFFFFD0] =	vst v38  }
0xb1: {  	[tilespmem:s23+$0xFFFFFFC0] =	vst v36  }
0xb2: {  	[tilespmem:s23+$0xFFFFFFD0] =	vst v35  }
0xb3: {  	v38 =	vld.idx.msk [tilespmem:v54+s2+$0x0], $0xffff;
	_ =	sdelay $0x3  }
0xb4: {  	v55 =	vor.u32 v16, v37  }
0xb5: {  	[tilespmem:s22+$0xFFFFFFE0] =	vst v38  }
0xb6: {  	[tilespmem:s22+$0xFFFFFFF0] =	vst v38  }
0xb7: {  	[tilespmem:s23+$0xFFFFFFE0] =	vst v36  }
0xb8: {  	[tilespmem:s23+$0xFFFFFFF0] =	vst v35  }
0xb9: {  	v38 =	vld.idx.msk [tilespmem:v55+s2+$0x0], $0xffff;
	_ =	sdelay $0x3  }
0xba: {  	v56 =	vor.u32 v17, v37  }
0xbb: {  	[tilespmem:s22+$0x0] =	vst v38  }
0xbc: {  	[tilespmem:s22+$0x10] =	vst v38  }
0xbd: {  	[tilespmem:s23+$0x0] =	vst v36  }
0xbe: {  	[tilespmem:s23+$0x10] =	vst v35  }
0xbf: {  	v38 =	vld.idx.msk [tilespmem:v56+s2+$0x0], $0xffff;
	_ =	sdelay $0x3  }
0xc0: {  	v57 =	vor.u32 v18, v37  }
0xc1: {  	[tilespmem:s22+$0x20] =	vst v38  }
0xc2: {  	[tilespmem:s22+$0x30] =	vst v38  }
0xc3: {  	[tilespmem:s23+$0x20] =	vst v36  }
0xc4: {  	[tilespmem:s23+$0x30] =	vst v35  }
0xc5: {  	v38 =	vld.idx.msk [tilespmem:v57+s2+$0x0], $0xffff;
	_ =	sdelay $0x3  }
0xc6: {  	v58 =	vor.u32 v19, v37  }
0xc7: {  	[tilespmem:s22+$0x40] =	vst v38  }
0xc8: {  	[tilespmem:s22+$0x50] =	vst v38  }
0xc9: {  	[tilespmem:s23+$0x40] =	vst v36  }
0xca: {  	[tilespmem:s23+$0x50] =	vst v35  }
0xcb: {  	v38 =	vld.idx.msk [tilespmem:v58+s2+$0x0], $0xffff;
	_ =	sdelay $0x3  }
0xcc: {  	v59 =	vor.u32 v20, v37  }
0xcd: {  	[tilespmem:s22+$0x60] =	vst v38  }
0xce: {  	[tilespmem:s22+$0x70] =	vst v38  }
0xcf: {  	[tilespmem:s23+$0x60] =	vst v36  }
0xd0: {  	[tilespmem:s23+$0x70] =	vst v35  }
0xd1: {  	v38 =	vld.idx.msk [tilespmem:v59+s2+$0x0], $0xffff;
	_ =	sdelay $0x3  }
0xd2: {  	v60 =	vor.u32 v21, v37  }
0xd3: {  	[tilespmem:s22+$0x80] =	vst v38  }
0xd4: {  	[tilespmem:s22+$0x90] =	vst v38  }
0xd5: {  	[tilespmem:s23+$0x80] =	vst v36  }
0xd6: {  	[tilespmem:s23+$0x90] =	vst v35  }
0xd7: {  	v38 =	vld.idx.msk [tilespmem:v60+s2+$0x0], $0xffff;
	_ =	sdelay $0x3  }
0xd8: {  	v61 =	vor.u32 v22, v37  }
0xd9: {  	[tilespmem:s22+$0xA0] =	vst v38  }
0xda: {  	[tilespmem:s22+$0xB0] =	vst v38  }
0xdb: {  	[tilespmem:s23+$0xA0] =	vst v36  }
0xdc: {  	[tilespmem:s23+$0xB0] =	vst v35  }
0xdd: {  	v38 =	vld.idx.msk [tilespmem:v61+s2+$0x0], $0xffff;
	_ =	sdelay $0x3  }
0xde: {  	v62 =	vor.u32 v23, v37  }
0xdf: {  	[tilespmem:s22+$0xC0] =	vst v38  }
0xe0: {  	[tilespmem:s22+$0xD0] =	vst v38  }
0xe1: {  	[tilespmem:s23+$0xC0] =	vst v36  }
0xe2: {  	[tilespmem:s23+$0xD0] =	vst v35  }
0xe3: {  	v38 =	vld.idx.msk [tilespmem:v62+s2+$0x0], $0xffff;
	_ =	sdelay $0x3  }
0xe4: {  	v63 =	vor.u32 v26, v37  }
0xe5: {  	[tilespmem:s22+$0xE0] =	vst v38  }
0xe6: {  	[tilespmem:s22+$0xF0] =	vst v38  }
0xe7: {  	[tilespmem:s23+$0xE0] =	vst v36  }
0xe8: {  	[tilespmem:s23+$0xF0] =	vst v35  }
0xe9: {  	v38 =	vld.idx.msk [tilespmem:v63+s2+$0x0], $0xffff;
	_ =	sdelay $0x3  }
0xea: {  	v43 =	vor.u32 v27, v37  }
0xeb: {  	[tilespmem:s22+$0x100] =	vst v38  }
0xec: {  	[tilespmem:s22+$0x110] =	vst v38  }
0xed: {  	[tilespmem:s23+$0x100] =	vst v36  }
0xee: {  	v40 =	vor.u32 v30, v37;
	v39 =	vor.u32 v31, v37;
	v41 =	vor.u32 v29, v37;
	[tilespmem:s23+$0x110] =	vst v35  }
0xef: {  	s26 =	simm.s32 $0x1;
	s25 =	simm.s32 $0x1201;
	s24 =	simm.s32 $0x9301;
	v42 =	vor.u32 v28, v37;
	v38 =	vor.u32 v32, v37;
	v37 =	vor.u32 v33, v37;
	v43 =	vld.idx.msk [tilespmem:v43+s2+$0x0], $0xffff  }
.LBB2_2:
0xf0: {  	_ =	sdelay $0x1  }
0xf1: {  	p0 =	sne.s32 s26, $0xF;
	s22 =	sadd.s32 $0x408, s22;
	s23 =	sadd.s32 $0x408, s23  }
0xf2: {  	s28 =	smov.u32 s26;
	s26 =	sadd.s32 $0x1, s26  }
0xf3: {  	[tilespmem:s25+$0x120] =	vst v43  }
0xf4: {  	[tilespmem:s25+$0x130] =	vst v43  }
0xf5: {  	[tilespmem:s24+$0x120] =	vst v36  }
0xf6: {  	[tilespmem:s24+$0x130] =	vst v35  }
0xf7: {  	v42 =	vld.idx.msk [tilespmem:v42+s2+$0x0], $0xffff;
	_ =	sdelay $0x5  }
0xf8: {  	[tilespmem:s25+$0x140] =	vst v42  }
0xf9: {  	[tilespmem:s25+$0x150] =	vst v42  }
0xfa: {  	[tilespmem:s24+$0x140] =	vst v36  }
0xfb: {  	[tilespmem:s24+$0x150] =	vst v35  }
0xfc: {  	v41 =	vld.idx.msk [tilespmem:v41+s2+$0x0], $0xffff;
	_ =	sdelay $0x5  }
0xfd: {  	[tilespmem:s25+$0x160] =	vst v41  }
0xfe: {  	[tilespmem:s25+$0x170] =	vst v41  }
0xff: {  	[tilespmem:s24+$0x160] =	vst v36  }
0x100: {  	[tilespmem:s24+$0x170] =	vst v35  }
0x101: {  	v40 =	vld.idx.msk [tilespmem:v40+s2+$0x0], $0xffff;
	_ =	sdelay $0x5  }
0x102: {  	[tilespmem:s25+$0x180] =	vst v40  }
0x103: {  	[tilespmem:s25+$0x190] =	vst v40  }
0x104: {  	[tilespmem:s24+$0x180] =	vst v36  }
0x105: {  	[tilespmem:s24+$0x190] =	vst v35  }
0x106: {  	v39 =	vld.idx.msk [tilespmem:v39+s2+$0x0], $0xffff;
	_ =	sdelay $0x5  }
0x107: {  	[tilespmem:s25+$0x1A0] =	vst v39  }
0x108: {  	[tilespmem:s25+$0x1B0] =	vst v39  }
0x109: {  	[tilespmem:s24+$0x1A0] =	vst v36  }
0x10a: {  	[tilespmem:s24+$0x1B0] =	vst v35  }
0x10b: {  	v38 =	vld.idx.msk [tilespmem:v38+s2+$0x0], $0xffff;
	_ =	sdelay $0x5  }
0x10c: {  	[tilespmem:s25+$0x1C0] =	vst v38  }
0x10d: {  	[tilespmem:s25+$0x1D0] =	vst v38  }
0x10e: {  	[tilespmem:s24+$0x1C0] =	vst v36  }
0x10f: {  	[tilespmem:s24+$0x1D0] =	vst v35  }
0x110: {  	v38 =	vld.idx.msk [tilespmem:v37+s2+$0x0], $0xffff;
	_ =	sdelay $0x4  }
0x111: {  	v39 =	vmov s28  }
0x112: {  	v40 =	vand.u32 $0x8, v39;
	v37 =	vand.u32 $0xF, v39;
	[tilespmem:s25+$0x1E0] =	vst v38  }
0x113: {  	v41 =	vand.u32 $0x7, v39;
	v42 =	vor.u32 v24, v40;
	v40 =	vor.u32 v25, v40;
	[tilespmem:s25+$0x1F0] =	vst v38;
	s25 =	smov.u32 s22  }
0x114: {  	v40 =	vor.u32 v41, v40;
	v38 =	vor.u32 v41, v42;
	[tilespmem:s24+$0x1E0] =	vst v36  }
0x115: {  	[tilespmem:s24+$0x1F0] =	vst v35;
	s24 =	smov.u32 s23  }
0x116: {  	v36 =	vld.idx.msk [tilespmem:v39+s2+$0x0], $0xffff  }
0x117: {  	v41 =	vld.idx.msk [tilespmem:v39+s15+$0x0], $0xffff  }
0x118: {  	v39 =	vmul.u32 $0x408, v39;
	_ =	sdelay $0x2  }
0x119: {  	v42 =	vor.u32 v0, v37;
	_ =	sdelay $0x1  }
0x11a: {  	v35 =	vld.idx.msk [tilespmem:v40+s15+$0x0], $0xffff;
	v40 =	vadd.f32 v41, v36  }
0x11b: {  	v36 =	vld.idx.msk [tilespmem:v38+s15+$0x0], $0xffff  }
0x11c: {  	[tilespmem:v39+s16+$0x0] =	vst.idx.msk $0x1, v40  }
0x11d: {  	[tilespmem:v39+s17+$0x0] =	vst.idx.msk $0x1, v34  }
0x11e: {  	v38 =	vld.idx.msk [tilespmem:v42+s2+$0x0], $0xffff;
	_ =	sdelay $0x1  }
0x11f: {  	v39 =	vor.u32 v1, v37;
	_ =	sdelay $0x3  }
0x120: {  	[tilespmem:s22+$0xFFFFFE00] =	vst v38  }
0x121: {  	[tilespmem:s22+$0xFFFFFE10] =	vst v38  }
0x122: {  	[tilespmem:s23+$0xFFFFFE00] =	vst v36  }
0x123: {  	[tilespmem:s23+$0xFFFFFE10] =	vst v35  }
0x124: {  	v38 =	vld.idx.msk [tilespmem:v39+s2+$0x0], $0xffff;
	v39 =	vor.u32 v2, v37;
	_ =	sdelay $0x5  }
0x125: {  	[tilespmem:s22+$0xFFFFFE20] =	vst v38  }
0x126: {  	[tilespmem:s22+$0xFFFFFE30] =	vst v38  }
0x127: {  	v38 =	vor.u32 v3, v37;
	[tilespmem:s23+$0xFFFFFE20] =	vst v36  }
0x128: {  	[tilespmem:s23+$0xFFFFFE30] =	vst v35  }
0x129: {  	v39 =	vld.idx.msk [tilespmem:v39+s2+$0x0], $0xffff;
	_ =	sdelay $0x5  }
0x12a: {  	v40 =	vor.u32 v4, v37;
	[tilespmem:s22+$0xFFFFFE40] =	vst v39  }
0x12b: {  	[tilespmem:s22+$0xFFFFFE50] =	vst v39  }
0x12c: {  	[tilespmem:s23+$0xFFFFFE40] =	vst v36  }
0x12d: {  	[tilespmem:s23+$0xFFFFFE50] =	vst v35  }
0x12e: {  	v38 =	vld.idx.msk [tilespmem:v38+s2+$0x0], $0xffff;
	_ =	sdelay $0x3  }
0x12f: {  	v39 =	vor.u32 v5, v37;
	_ =	sdelay $0x1  }
0x130: {  	[tilespmem:s22+$0xFFFFFE60] =	vst v38  }
0x131: {  	[tilespmem:s22+$0xFFFFFE70] =	vst v38  }
0x132: {  	[tilespmem:s23+$0xFFFFFE60] =	vst v36  }
0x133: {  	[tilespmem:s23+$0xFFFFFE70] =	vst v35  }
0x134: {  	v38 =	vld.idx.msk [tilespmem:v40+s2+$0x0], $0xffff;
	_ =	sdelay $0x1  }
0x135: {  	v40 =	vor.u32 v6, v37;
	_ =	sdelay $0x3  }
0x136: {  	[tilespmem:s22+$0xFFFFFE80] =	vst v38  }
0x137: {  	[tilespmem:s22+$0xFFFFFE90] =	vst v38  }
0x138: {  	[tilespmem:s23+$0xFFFFFE80] =	vst v36  }
0x139: {  	[tilespmem:s23+$0xFFFFFE90] =	vst v35  }
0x13a: {  	v38 =	vld.idx.msk [tilespmem:v39+s2+$0x0], $0xffff;
	v39 =	vor.u32 v7, v37;
	_ =	sdelay $0x5  }
0x13b: {  	[tilespmem:s22+$0xFFFFFEA0] =	vst v38  }
0x13c: {  	[tilespmem:s22+$0xFFFFFEB0] =	vst v38  }
0x13d: {  	v38 =	vor.u32 v8, v37;
	[tilespmem:s23+$0xFFFFFEA0] =	vst v36  }
0x13e: {  	[tilespmem:s23+$0xFFFFFEB0] =	vst v35  }
0x13f: {  	v40 =	vld.idx.msk [tilespmem:v40+s2+$0x0], $0xffff;
	_ =	sdelay $0x5  }
0x140: {  	v41 =	vor.u32 v9, v37;
	[tilespmem:s22+$0xFFFFFEC0] =	vst v40  }
0x141: {  	[tilespmem:s22+$0xFFFFFED0] =	vst v40  }
0x142: {  	[tilespmem:s23+$0xFFFFFEC0] =	vst v36  }
0x143: {  	[tilespmem:s23+$0xFFFFFED0] =	vst v35  }
0x144: {  	v39 =	vld.idx.msk [tilespmem:v39+s2+$0x0], $0xffff;
	_ =	sdelay $0x3  }
0x145: {  	v40 =	vor.u32 v10, v37;
	_ =	sdelay $0x1  }
0x146: {  	[tilespmem:s22+$0xFFFFFEE0] =	vst v39  }
0x147: {  	[tilespmem:s22+$0xFFFFFEF0] =	vst v39  }
0x148: {  	[tilespmem:s23+$0xFFFFFEE0] =	vst v36  }
0x149: {  	[tilespmem:s23+$0xFFFFFEF0] =	vst v35  }
0x14a: {  	v38 =	vld.idx.msk [tilespmem:v38+s2+$0x0], $0xffff;
	_ =	sdelay $0x1  }
0x14b: {  	v39 =	vor.u32 v11, v37;
	_ =	sdelay $0x3  }
0x14c: {  	[tilespmem:s22+$0xFFFFFF00] =	vst v38  }
0x14d: {  	[tilespmem:s22+$0xFFFFFF10] =	vst v38  }
0x14e: {  	[tilespmem:s23+$0xFFFFFF00] =	vst v36  }
0x14f: {  	[tilespmem:s23+$0xFFFFFF10] =	vst v35  }
0x150: {  	v38 =	vld.idx.msk [tilespmem:v41+s2+$0x0], $0xffff;
	v41 =	vor.u32 v12, v37;
	_ =	sdelay $0x5  }
0x151: {  	[tilespmem:s22+$0xFFFFFF20] =	vst v38  }
0x152: {  	[tilespmem:s22+$0xFFFFFF30] =	vst v38  }
0x153: {  	v38 =	vor.u32 v13, v37;
	[tilespmem:s23+$0xFFFFFF20] =	vst v36  }
0x154: {  	[tilespmem:s23+$0xFFFFFF30] =	vst v35  }
0x155: {  	v40 =	vld.idx.msk [tilespmem:v40+s2+$0x0], $0xffff;
	_ =	sdelay $0x5  }
0x156: {  	v42 =	vor.u32 v14, v37;
	[tilespmem:s22+$0xFFFFFF40] =	vst v40  }
0x157: {  	[tilespmem:s22+$0xFFFFFF50] =	vst v40  }
0x158: {  	[tilespmem:s23+$0xFFFFFF40] =	vst v36  }
0x159: {  	[tilespmem:s23+$0xFFFFFF50] =	vst v35  }
0x15a: {  	v39 =	vld.idx.msk [tilespmem:v39+s2+$0x0], $0xffff;
	_ =	sdelay $0x3  }
0x15b: {  	v40 =	vor.u32 v15, v37;
	_ =	sdelay $0x1  }
0x15c: {  	[tilespmem:s22+$0xFFFFFF60] =	vst v39  }
0x15d: {  	[tilespmem:s22+$0xFFFFFF70] =	vst v39  }
0x15e: {  	[tilespmem:s23+$0xFFFFFF60] =	vst v36  }
0x15f: {  	[tilespmem:s23+$0xFFFFFF70] =	vst v35  }
0x160: {  	v39 =	vld.idx.msk [tilespmem:v41+s2+$0x0], $0xffff;
	_ =	sdelay $0x1  }
0x161: {  	v41 =	vor.u32 v16, v37;
	_ =	sdelay $0x3  }
0x162: {  	[tilespmem:s22+$0xFFFFFF80] =	vst v39  }
0x163: {  	[tilespmem:s22+$0xFFFFFF90] =	vst v39  }
0x164: {  	[tilespmem:s23+$0xFFFFFF80] =	vst v36  }
0x165: {  	[tilespmem:s23+$0xFFFFFF90] =	vst v35  }
0x166: {  	v39 =	vor.u32 v17, v37;
	v38 =	vld.idx.msk [tilespmem:v38+s2+$0x0], $0xffff;
	_ =	sdelay $0x5  }
0x167: {  	[tilespmem:s22+$0xFFFFFFA0] =	vst v38  }
0x168: {  	[tilespmem:s22+$0xFFFFFFB0] =	vst v38  }
0x169: {  	v38 =	vor.u32 v18, v37;
	[tilespmem:s23+$0xFFFFFFA0] =	vst v36  }
0x16a: {  	[tilespmem:s23+$0xFFFFFFB0] =	vst v35  }
0x16b: {  	v42 =	vld.idx.msk [tilespmem:v42+s2+$0x0], $0xffff;
	_ =	sdelay $0x5  }
0x16c: {  	v43 =	vor.u32 v19, v37;
	[tilespmem:s22+$0xFFFFFFC0] =	vst v42  }
0x16d: {  	[tilespmem:s22+$0xFFFFFFD0] =	vst v42  }
0x16e: {  	[tilespmem:s23+$0xFFFFFFC0] =	vst v36  }
0x16f: {  	[tilespmem:s23+$0xFFFFFFD0] =	vst v35  }
0x170: {  	v40 =	vld.idx.msk [tilespmem:v40+s2+$0x0], $0xffff;
	_ =	sdelay $0x3  }
0x171: {  	v42 =	vor.u32 v20, v37;
	_ =	sdelay $0x1  }
0x172: {  	[tilespmem:s22+$0xFFFFFFE0] =	vst v40  }
0x173: {  	[tilespmem:s22+$0xFFFFFFF0] =	vst v40  }
0x174: {  	[tilespmem:s23+$0xFFFFFFE0] =	vst v36  }
0x175: {  	[tilespmem:s23+$0xFFFFFFF0] =	vst v35  }
0x176: {  	v40 =	vld.idx.msk [tilespmem:v41+s2+$0x0], $0xffff;
	_ =	sdelay $0x1  }
0x177: {  	v41 =	vor.u32 v21, v37;
	_ =	sdelay $0x3  }
0x178: {  	[tilespmem:s22+$0x0] =	vst v40  }
0x179: {  	[tilespmem:s22+$0x10] =	vst v40  }
0x17a: {  	[tilespmem:s23+$0x0] =	vst v36  }
0x17b: {  	[tilespmem:s23+$0x10] =	vst v35  }
0x17c: {  	v44 =	vor.u32 v22, v37;
	v39 =	vld.idx.msk [tilespmem:v39+s2+$0x0], $0xffff;
	_ =	sdelay $0x5  }
0x17d: {  	[tilespmem:s22+$0x20] =	vst v39  }
0x17e: {  	[tilespmem:s22+$0x30] =	vst v39  }
0x17f: {  	v45 =	vor.u32 v23, v37;
	[tilespmem:s23+$0x20] =	vst v36  }
0x180: {  	[tilespmem:s23+$0x30] =	vst v35  }
0x181: {  	v38 =	vld.idx.msk [tilespmem:v38+s2+$0x0], $0xffff;
	_ =	sdelay $0x5  }
0x182: {  	v46 =	vor.u32 v26, v37;
	[tilespmem:s22+$0x40] =	vst v38  }
0x183: {  	[tilespmem:s22+$0x50] =	vst v38  }
0x184: {  	[tilespmem:s23+$0x40] =	vst v36  }
0x185: {  	[tilespmem:s23+$0x50] =	vst v35  }
0x186: {  	v38 =	vld.idx.msk [tilespmem:v43+s2+$0x0], $0xffff;
	_ =	sdelay $0x3  }
0x187: {  	v43 =	vor.u32 v27, v37;
	_ =	sdelay $0x1  }
0x188: {  	[tilespmem:s22+$0x60] =	vst v38  }
0x189: {  	[tilespmem:s22+$0x70] =	vst v38  }
0x18a: {  	[tilespmem:s23+$0x60] =	vst v36  }
0x18b: {  	[tilespmem:s23+$0x70] =	vst v35  }
0x18c: {  	v38 =	vld.idx.msk [tilespmem:v42+s2+$0x0], $0xffff;
	_ =	sdelay $0x1  }
0x18d: {  	v42 =	vor.u32 v28, v37;
	_ =	sdelay $0x3  }
0x18e: {  	[tilespmem:s22+$0x80] =	vst v38  }
0x18f: {  	[tilespmem:s22+$0x90] =	vst v38  }
0x190: {  	[tilespmem:s23+$0x80] =	vst v36  }
0x191: {  	[tilespmem:s23+$0x90] =	vst v35  }
0x192: {  	v38 =	vld.idx.msk [tilespmem:v41+s2+$0x0], $0xffff;
	v41 =	vor.u32 v29, v37;
	_ =	sdelay $0x5  }
0x193: {  	[tilespmem:s22+$0xA0] =	vst v38  }
0x194: {  	[tilespmem:s22+$0xB0] =	vst v38  }
0x195: {  	v40 =	vor.u32 v30, v37;
	[tilespmem:s23+$0xA0] =	vst v36  }
0x196: {  	[tilespmem:s23+$0xB0] =	vst v35  }
0x197: {  	v38 =	vld.idx.msk [tilespmem:v44+s2+$0x0], $0xffff;
	_ =	sdelay $0x5  }
0x198: {  	v39 =	vor.u32 v31, v37;
	[tilespmem:s22+$0xC0] =	vst v38  }
0x199: {  	[tilespmem:s22+$0xD0] =	vst v38  }
0x19a: {  	[tilespmem:s23+$0xC0] =	vst v36  }
0x19b: {  	[tilespmem:s23+$0xD0] =	vst v35  }
0x19c: {  	v44 =	vld.idx.msk [tilespmem:v45+s2+$0x0], $0xffff;
	_ =	sdelay $0x3  }
0x19d: {  	v38 =	vor.u32 v32, v37;
	_ =	sdelay $0x1  }
0x19e: {  	[tilespmem:s22+$0xE0] =	vst v44  }
0x19f: {  	[tilespmem:s22+$0xF0] =	vst v44  }
0x1a0: {  	[tilespmem:s23+$0xE0] =	vst v36  }
0x1a1: {  	[tilespmem:s23+$0xF0] =	vst v35  }
0x1a2: {  	v44 =	vld.idx.msk [tilespmem:v46+s2+$0x0], $0xffff;
	_ =	sdelay $0x1  }
0x1a3: {  	v37 =	vor.u32 v33, v37;
	_ =	sdelay $0x3  }
.Ltmp0:
0x1a4: {  	[tilespmem:s22+$0x100] =	vst v44;
	(pc) =	sbr.rel @p0 .LBB2_2-.Ltmp0, $4  }
0x1a5: {  	[tilespmem:s22+$0x110] =	vst v44  }
0x1a6: {  	[tilespmem:s23+$0x100] =	vst v36  }
0x1a7: {  	[tilespmem:s23+$0x110] =	vst v35  }
0x1a8: {  	v43 =	vld.idx.msk [tilespmem:v43+s2+$0x0], $0xffff  }
0x1a9: {  	_ =	sdelay $0x3  }
0x1aa: {  	[tilespmem:s25+$0x120] =	vst v43  }
0x1ab: {  	[tilespmem:s25+$0x130] =	vst v43  }
0x1ac: {  	[tilespmem:s24+$0x120] =	vst v36  }
0x1ad: {  	[tilespmem:s24+$0x130] =	vst v35  }
0x1ae: {  	v42 =	vld.idx.msk [tilespmem:v42+s2+$0x0], $0xffff;
	_ =	sdelay $0x4  }
0x1af: {  	[tilespmem:s25+$0x140] =	vst v42  }
0x1b0: {  	[tilespmem:s25+$0x150] =	vst v42  }
0x1b1: {  	[tilespmem:s24+$0x140] =	vst v36  }
0x1b2: {  	[tilespmem:s24+$0x150] =	vst v35  }
0x1b3: {  	v41 =	vld.idx.msk [tilespmem:v41+s2+$0x0], $0xffff;
	_ =	sdelay $0x4  }
0x1b4: {  	[tilespmem:s25+$0x160] =	vst v41  }
0x1b5: {  	[tilespmem:s25+$0x170] =	vst v41  }
0x1b6: {  	[tilespmem:s24+$0x160] =	vst v36  }
0x1b7: {  	[tilespmem:s24+$0x170] =	vst v35  }
0x1b8: {  	v40 =	vld.idx.msk [tilespmem:v40+s2+$0x0], $0xffff;
	_ =	sdelay $0x4  }
0x1b9: {  	[tilespmem:s25+$0x180] =	vst v40  }
0x1ba: {  	[tilespmem:s25+$0x190] =	vst v40  }
0x1bb: {  	[tilespmem:s24+$0x180] =	vst v36  }
0x1bc: {  	[tilespmem:s24+$0x190] =	vst v35  }
0x1bd: {  	v39 =	vld.idx.msk [tilespmem:v39+s2+$0x0], $0xffff;
	_ =	sdelay $0x4  }
0x1be: {  	[tilespmem:s25+$0x1A0] =	vst v39  }
0x1bf: {  	[tilespmem:s25+$0x1B0] =	vst v39  }
0x1c0: {  	[tilespmem:s24+$0x1A0] =	vst v36  }
0x1c1: {  	[tilespmem:s24+$0x1B0] =	vst v35  }
0x1c2: {  	v38 =	vld.idx.msk [tilespmem:v38+s2+$0x0], $0xffff;
	_ =	sdelay $0x4  }
0x1c3: {  	[tilespmem:s25+$0x1C0] =	vst v38  }
0x1c4: {  	[tilespmem:s25+$0x1D0] =	vst v38  }
0x1c5: {  	[tilespmem:s24+$0x1C0] =	vst v36  }
0x1c6: {  	[tilespmem:s24+$0x1D0] =	vst v35  }
0x1c7: {  	v37 =	vld.idx.msk [tilespmem:v37+s2+$0x0], $0xffff;
	_ =	sdelay $0x4  }
0x1c8: {  	[tilespmem:s25+$0x1E0] =	vst v37  }
0x1c9: {  	s1 =	simm.s32 $0x10;
	[tilespmem:s25+$0x1F0] =	vst v37  }
0x1ca: {  	v52 =	vmov s1;
	[tilespmem:s24+$0x1E0] =	vst v36  }
0x1cb: {  	s31 =	simm.s32 $0x0;
	[tilespmem:s24+$0x1F0] =	vst v35  }
0x1cc: {  	[hbm4b:s0+s31] =	stream.linear.scatter [tilespmem:s17], [sflag:$0x1], $0x4080, $0x38;
	[tilespmem:$0x11200] =	vst v63  }
0x1cd: {  	_ = 	snop  }
0x1ce: {  	v54 =	vmov s31;
	[hbm4b:s10+s31] =	stream.linear.scatter [tilespmem:s16], [sflag:$0x1], $0x4080, $0x38;
	[tilespmem:$0x11200] =	vst v63  }
0x1cf: {  	v53 =	vand.u32 $0x18, v52;
	v37 =	vmul.u32 $0x408, v54;
	v40 =	vld.idx.msk [tilespmem:v52+s2+$0x0], $0xffff  }
0x1d0: {  	v55 =	vand.u32 $0x7, v52;
	v56 =	vor.u32 v25, v53;
	v41 =	vld.idx.msk [tilespmem:v52+s15+$0x0], $0xffff  }
0x1d1: {  	v39 =	vor.u32 v55, v56;
	v35 =	vor.u32 v24, v53;
	v57 =	vbroadcast v37, $0x0  }
0x1d2: {  	v38 =	vor.u32 v55, v35  }
0x1d3: {  	v37 =	vand.u32 $0x1F, v52  }
0x1d4: {  	v58 =	vor.u32 v0, v37  }
0x1d5: {  	v59 =	vadd.f32 v41, v40  }
0x1d6: {  	v35 =	vld.idx.msk [tilespmem:v39+s15+$0x0], $0xffff  }
0x1d7: {  	v36 =	vld.idx.msk [tilespmem:v38+s15+$0x0], $0xffff;
	[tilespmem:v57+s18+$0x0] =	vst.idx.msk $0x1, v59  }
0x1d8: {  	[tilespmem:v57+s19+$0x0] =	vst.idx.msk $0x1, v34  }
0x1d9: {  	v60 =	vld.idx.msk [tilespmem:v58+s2+$0x0], $0xffff;
	_ =	sdelay $0x3  }
0x1da: {  	s22 =	simm.s32 $0x5281;
	v61 =	vor.u32 v1, v37  }
0x1db: {  	[tilespmem:s22+$0xFFFFFE00] =	vst v60  }
0x1dc: {  	s23 =	simm.s32 $0xD381;
	[tilespmem:s22+$0xFFFFFE10] =	vst v60  }
0x1dd: {  	[tilespmem:s23+$0xFFFFFE00] =	vst v36  }
0x1de: {  	[tilespmem:s23+$0xFFFFFE10] =	vst v35  }
0x1df: {  	v38 =	vld.idx.msk [tilespmem:v61+s2+$0x0], $0xffff;
	_ =	sdelay $0x3  }
0x1e0: {  	v62 =	vor.u32 v2, v37  }
0x1e1: {  	[tilespmem:s22+$0xFFFFFE20] =	vst v38  }
0x1e2: {  	[tilespmem:s22+$0xFFFFFE30] =	vst v38  }
0x1e3: {  	[tilespmem:s23+$0xFFFFFE20] =	vst v36  }
0x1e4: {  	[tilespmem:s23+$0xFFFFFE30] =	vst v35  }
0x1e5: {  	v38 =	vld.idx.msk [tilespmem:v62+s2+$0x0], $0xffff;
	_ =	sdelay $0x3  }
0x1e6: {  	v63 =	vor.u32 v3, v37  }
0x1e7: {  	[tilespmem:s22+$0xFFFFFE40] =	vst v38  }
0x1e8: {  	[tilespmem:s22+$0xFFFFFE50] =	vst v38  }
0x1e9: {  	[tilespmem:s23+$0xFFFFFE40] =	vst v36  }
0x1ea: {  	[tilespmem:s23+$0xFFFFFE50] =	vst v35  }
0x1eb: {  	v38 =	vld.idx.msk [tilespmem:v63+s2+$0x0], $0xffff;
	_ =	sdelay $0x3  }
0x1ec: {  	v42 =	vor.u32 v4, v37  }
0x1ed: {  	[tilespmem:s22+$0xFFFFFE60] =	vst v38  }
0x1ee: {  	[tilespmem:s22+$0xFFFFFE70] =	vst v38  }
0x1ef: {  	[tilespmem:s23+$0xFFFFFE60] =	vst v36  }
0x1f0: {  	[tilespmem:s23+$0xFFFFFE70] =	vst v35  }
0x1f1: {  	v38 =	vld.idx.msk [tilespmem:v42+s2+$0x0], $0xffff;
	_ =	sdelay $0x3  }
0x1f2: {  	v43 =	vor.u32 v5, v37  }
0x1f3: {  	[tilespmem:s22+$0xFFFFFE80] =	vst v38  }
0x1f4: {  	[tilespmem:s22+$0xFFFFFE90] =	vst v38  }
0x1f5: {  	[tilespmem:s23+$0xFFFFFE80] =	vst v36  }
0x1f6: {  	[tilespmem:s23+$0xFFFFFE90] =	vst v35  }
0x1f7: {  	v38 =	vld.idx.msk [tilespmem:v43+s2+$0x0], $0xffff;
	_ =	sdelay $0x3  }
0x1f8: {  	v44 =	vor.u32 v6, v37  }
0x1f9: {  	[tilespmem:s22+$0xFFFFFEA0] =	vst v38  }
0x1fa: {  	[tilespmem:s22+$0xFFFFFEB0] =	vst v38  }
0x1fb: {  	[tilespmem:s23+$0xFFFFFEA0] =	vst v36  }
0x1fc: {  	[tilespmem:s23+$0xFFFFFEB0] =	vst v35  }
0x1fd: {  	v38 =	vld.idx.msk [tilespmem:v44+s2+$0x0], $0xffff;
	_ =	sdelay $0x3  }
0x1fe: {  	v45 =	vor.u32 v7, v37  }
0x1ff: {  	[tilespmem:s22+$0xFFFFFEC0] =	vst v38  }
0x200: {  	[tilespmem:s22+$0xFFFFFED0] =	vst v38  }
0x201: {  	[tilespmem:s23+$0xFFFFFEC0] =	vst v36  }
0x202: {  	[tilespmem:s23+$0xFFFFFED0] =	vst v35  }
0x203: {  	v38 =	vld.idx.msk [tilespmem:v45+s2+$0x0], $0xffff;
	_ =	sdelay $0x3  }
0x204: {  	v46 =	vor.u32 v8, v37  }
0x205: {  	[tilespmem:s22+$0xFFFFFEE0] =	vst v38  }
0x206: {  	[tilespmem:s22+$0xFFFFFEF0] =	vst v38  }
0x207: {  	[tilespmem:s23+$0xFFFFFEE0] =	vst v36  }
0x208: {  	[tilespmem:s23+$0xFFFFFEF0] =	vst v35  }
0x209: {  	v38 =	vld.idx.msk [tilespmem:v46+s2+$0x0], $0xffff;
	_ =	sdelay $0x3  }
0x20a: {  	v47 =	vor.u32 v9, v37  }
0x20b: {  	[tilespmem:s22+$0xFFFFFF00] =	vst v38  }
0x20c: {  	[tilespmem:s22+$0xFFFFFF10] =	vst v38  }
0x20d: {  	[tilespmem:s23+$0xFFFFFF00] =	vst v36  }
0x20e: {  	[tilespmem:s23+$0xFFFFFF10] =	vst v35  }
0x20f: {  	v38 =	vld.idx.msk [tilespmem:v47+s2+$0x0], $0xffff;
	_ =	sdelay $0x3  }
0x210: {  	v48 =	vor.u32 v10, v37  }
0x211: {  	[tilespmem:s22+$0xFFFFFF20] =	vst v38  }
0x212: {  	[tilespmem:s22+$0xFFFFFF30] =	vst v38  }
0x213: {  	[tilespmem:s23+$0xFFFFFF20] =	vst v36  }
0x214: {  	[tilespmem:s23+$0xFFFFFF30] =	vst v35  }
0x215: {  	v38 =	vld.idx.msk [tilespmem:v48+s2+$0x0], $0xffff;
	_ =	sdelay $0x3  }
0x216: {  	v49 =	vor.u32 v11, v37  }
0x217: {  	[tilespmem:s22+$0xFFFFFF40] =	vst v38  }
0x218: {  	[tilespmem:s22+$0xFFFFFF50] =	vst v38  }
0x219: {  	[tilespmem:s23+$0xFFFFFF40] =	vst v36  }
0x21a: {  	[tilespmem:s23+$0xFFFFFF50] =	vst v35  }
0x21b: {  	v38 =	vld.idx.msk [tilespmem:v49+s2+$0x0], $0xffff;
	_ =	sdelay $0x3  }
0x21c: {  	v50 =	vor.u32 v12, v37  }
0x21d: {  	[tilespmem:s22+$0xFFFFFF60] =	vst v38  }
0x21e: {  	[tilespmem:s22+$0xFFFFFF70] =	vst v38  }
0x21f: {  	[tilespmem:s23+$0xFFFFFF60] =	vst v36  }
0x220: {  	[tilespmem:s23+$0xFFFFFF70] =	vst v35  }
0x221: {  	v38 =	vld.idx.msk [tilespmem:v50+s2+$0x0], $0xffff;
	_ =	sdelay $0x3  }
0x222: {  	v51 =	vor.u32 v13, v37  }
0x223: {  	[tilespmem:s22+$0xFFFFFF80] =	vst v38  }
0x224: {  	[tilespmem:s22+$0xFFFFFF90] =	vst v38  }
0x225: {  	[tilespmem:s23+$0xFFFFFF80] =	vst v36  }
0x226: {  	[tilespmem:s23+$0xFFFFFF90] =	vst v35  }
0x227: {  	v38 =	vld.idx.msk [tilespmem:v51+s2+$0x0], $0xffff;
	_ =	sdelay $0x3  }
0x228: {  	v52 =	vor.u32 v14, v37  }
0x229: {  	[tilespmem:s22+$0xFFFFFFA0] =	vst v38  }
0x22a: {  	[tilespmem:s22+$0xFFFFFFB0] =	vst v38  }
0x22b: {  	[tilespmem:s23+$0xFFFFFFA0] =	vst v36  }
0x22c: {  	[tilespmem:s23+$0xFFFFFFB0] =	vst v35  }
0x22d: {  	v38 =	vld.idx.msk [tilespmem:v52+s2+$0x0], $0xffff;
	_ =	sdelay $0x3  }
0x22e: {  	v53 =	vor.u32 v15, v37  }
0x22f: {  	[tilespmem:s22+$0xFFFFFFC0] =	vst v38  }
0x230: {  	[tilespmem:s22+$0xFFFFFFD0] =	vst v38  }
0x231: {  	[tilespmem:s23+$0xFFFFFFC0] =	vst v36  }
0x232: {  	[tilespmem:s23+$0xFFFFFFD0] =	vst v35  }
0x233: {  	v38 =	vld.idx.msk [tilespmem:v53+s2+$0x0], $0xffff;
	_ =	sdelay $0x3  }
0x234: {  	v54 =	vor.u32 v16, v37  }
0x235: {  	[tilespmem:s22+$0xFFFFFFE0] =	vst v38  }
0x236: {  	[tilespmem:s22+$0xFFFFFFF0] =	vst v38  }
0x237: {  	[tilespmem:s23+$0xFFFFFFE0] =	vst v36  }
0x238: {  	[tilespmem:s23+$0xFFFFFFF0] =	vst v35  }
0x239: {  	v38 =	vld.idx.msk [tilespmem:v54+s2+$0x0], $0xffff;
	_ =	sdelay $0x3  }
0x23a: {  	v55 =	vor.u32 v17, v37  }
0x23b: {  	[tilespmem:s22+$0x0] =	vst v38  }
0x23c: {  	[tilespmem:s22+$0x10] =	vst v38  }
0x23d: {  	[tilespmem:s23+$0x0] =	vst v36  }
0x23e: {  	[tilespmem:s23+$0x10] =	vst v35  }
0x23f: {  	v38 =	vld.idx.msk [tilespmem:v55+s2+$0x0], $0xffff;
	_ =	sdelay $0x3  }
0x240: {  	v56 =	vor.u32 v18, v37  }
0x241: {  	[tilespmem:s22+$0x20] =	vst v38  }
0x242: {  	[tilespmem:s22+$0x30] =	vst v38  }
0x243: {  	[tilespmem:s23+$0x20] =	vst v36  }
0x244: {  	[tilespmem:s23+$0x30] =	vst v35  }
0x245: {  	v38 =	vld.idx.msk [tilespmem:v56+s2+$0x0], $0xffff;
	_ =	sdelay $0x3  }
0x246: {  	v57 =	vor.u32 v19, v37  }
0x247: {  	[tilespmem:s22+$0x40] =	vst v38  }
0x248: {  	[tilespmem:s22+$0x50] =	vst v38  }
0x249: {  	[tilespmem:s23+$0x40] =	vst v36  }
0x24a: {  	[tilespmem:s23+$0x50] =	vst v35  }
0x24b: {  	v38 =	vld.idx.msk [tilespmem:v57+s2+$0x0], $0xffff;
	_ =	sdelay $0x3  }
0x24c: {  	v58 =	vor.u32 v20, v37  }
0x24d: {  	[tilespmem:s22+$0x60] =	vst v38  }
0x24e: {  	[tilespmem:s22+$0x70] =	vst v38  }
0x24f: {  	[tilespmem:s23+$0x60] =	vst v36  }
0x250: {  	[tilespmem:s23+$0x70] =	vst v35  }
0x251: {  	v38 =	vld.idx.msk [tilespmem:v58+s2+$0x0], $0xffff;
	_ =	sdelay $0x3  }
0x252: {  	v59 =	vor.u32 v21, v37  }
0x253: {  	[tilespmem:s22+$0x80] =	vst v38  }
0x254: {  	[tilespmem:s22+$0x90] =	vst v38  }
0x255: {  	[tilespmem:s23+$0x80] =	vst v36  }
0x256: {  	[tilespmem:s23+$0x90] =	vst v35  }
0x257: {  	v38 =	vld.idx.msk [tilespmem:v59+s2+$0x0], $0xffff;
	_ =	sdelay $0x3  }
0x258: {  	v60 =	vor.u32 v22, v37  }
0x259: {  	[tilespmem:s22+$0xA0] =	vst v38  }
0x25a: {  	[tilespmem:s22+$0xB0] =	vst v38  }
0x25b: {  	[tilespmem:s23+$0xA0] =	vst v36  }
0x25c: {  	[tilespmem:s23+$0xB0] =	vst v35  }
0x25d: {  	v38 =	vld.idx.msk [tilespmem:v60+s2+$0x0], $0xffff;
	_ =	sdelay $0x3  }
0x25e: {  	v61 =	vor.u32 v23, v37  }
0x25f: {  	[tilespmem:s22+$0xC0] =	vst v38  }
0x260: {  	[tilespmem:s22+$0xD0] =	vst v38  }
0x261: {  	[tilespmem:s23+$0xC0] =	vst v36  }
0x262: {  	[tilespmem:s23+$0xD0] =	vst v35  }
0x263: {  	v38 =	vld.idx.msk [tilespmem:v61+s2+$0x0], $0xffff;
	_ =	sdelay $0x3  }
0x264: {  	v62 =	vor.u32 v26, v37  }
0x265: {  	[tilespmem:s22+$0xE0] =	vst v38  }
0x266: {  	[tilespmem:s22+$0xF0] =	vst v38  }
0x267: {  	[tilespmem:s23+$0xE0] =	vst v36  }
0x268: {  	[tilespmem:s23+$0xF0] =	vst v35  }
0x269: {  	v38 =	vld.idx.msk [tilespmem:v62+s2+$0x0], $0xffff;
	_ =	sdelay $0x3  }
0x26a: {  	v63 =	vor.u32 v27, v37  }
0x26b: {  	[tilespmem:s22+$0x100] =	vst v38  }
0x26c: {  	[tilespmem:s22+$0x110] =	vst v38  }
0x26d: {  	[tilespmem:s23+$0x100] =	vst v36  }
0x26e: {  	v39 =	vor.u32 v31, v37;
	v41 =	vor.u32 v29, v37;
	v40 =	vor.u32 v30, v37;
	[tilespmem:s23+$0x110] =	vst v35  }
0x26f: {  	s26 =	simm.s32 $0x1;
	s25 =	simm.s32 $0x5281;
	s24 =	simm.s32 $0xD381;
	v42 =	vor.u32 v28, v37;
	v38 =	vor.u32 v32, v37;
	v37 =	vor.u32 v33, v37;
	v43 =	vld.idx.msk [tilespmem:v63+s2+$0x0], $0xffff  }
.LBB2_4:
0x270: {  	_ =	sdelay $0x1  }
0x271: {  	p0 =	sne.s32 s26, $0xF;
	s22 =	sadd.s32 $0x408, s22;
	s23 =	sadd.s32 $0x408, s23  }
0x272: {  	s28 =	smov.u32 s26;
	s26 =	sadd.s32 $0x1, s26  }
0x273: {  	[tilespmem:s25+$0x120] =	vst v43  }
0x274: {  	[tilespmem:s25+$0x130] =	vst v43  }
0x275: {  	[tilespmem:s24+$0x120] =	vst v36  }
0x276: {  	[tilespmem:s24+$0x130] =	vst v35  }
0x277: {  	v42 =	vld.idx.msk [tilespmem:v42+s2+$0x0], $0xffff;
	_ =	sdelay $0x5  }
0x278: {  	[tilespmem:s25+$0x140] =	vst v42  }
0x279: {  	[tilespmem:s25+$0x150] =	vst v42  }
0x27a: {  	[tilespmem:s24+$0x140] =	vst v36  }
0x27b: {  	[tilespmem:s24+$0x150] =	vst v35  }
0x27c: {  	v41 =	vld.idx.msk [tilespmem:v41+s2+$0x0], $0xffff;
	_ =	sdelay $0x5  }
0x27d: {  	[tilespmem:s25+$0x160] =	vst v41  }
0x27e: {  	[tilespmem:s25+$0x170] =	vst v41  }
0x27f: {  	[tilespmem:s24+$0x160] =	vst v36  }
0x280: {  	[tilespmem:s24+$0x170] =	vst v35  }
0x281: {  	v40 =	vld.idx.msk [tilespmem:v40+s2+$0x0], $0xffff;
	_ =	sdelay $0x5  }
0x282: {  	[tilespmem:s25+$0x180] =	vst v40  }
0x283: {  	[tilespmem:s25+$0x190] =	vst v40  }
0x284: {  	[tilespmem:s24+$0x180] =	vst v36  }
0x285: {  	[tilespmem:s24+$0x190] =	vst v35  }
0x286: {  	v39 =	vld.idx.msk [tilespmem:v39+s2+$0x0], $0xffff;
	_ =	sdelay $0x5  }
0x287: {  	[tilespmem:s25+$0x1A0] =	vst v39  }
0x288: {  	[tilespmem:s25+$0x1B0] =	vst v39  }
0x289: {  	[tilespmem:s24+$0x1A0] =	vst v36  }
0x28a: {  	[tilespmem:s24+$0x1B0] =	vst v35  }
0x28b: {  	v38 =	vld.idx.msk [tilespmem:v38+s2+$0x0], $0xffff;
	_ =	sdelay $0x5  }
0x28c: {  	[tilespmem:s25+$0x1C0] =	vst v38  }
0x28d: {  	[tilespmem:s25+$0x1D0] =	vst v38  }
0x28e: {  	[tilespmem:s24+$0x1C0] =	vst v36  }
0x28f: {  	[tilespmem:s24+$0x1D0] =	vst v35  }
0x290: {  	v38 =	vld.idx.msk [tilespmem:v37+s2+$0x0], $0xffff;
	_ =	sdelay $0x3  }
0x291: {  	s1 =	sadd.s32 $0x10, s28  }
0x292: {  	v39 =	vmov s1  }
0x293: {  	v40 =	vand.u32 $0x18, v39;
	v37 =	vand.u32 $0x1F, v39;
	[tilespmem:s25+$0x1E0] =	vst v38  }
0x294: {  	v41 =	vand.u32 $0x7, v39;
	v42 =	vor.u32 v24, v40;
	v40 =	vor.u32 v25, v40;
	[tilespmem:s25+$0x1F0] =	vst v38;
	s25 =	smov.u32 s22  }
0x295: {  	v40 =	vor.u32 v41, v40;
	v38 =	vor.u32 v41, v42;
	[tilespmem:s24+$0x1E0] =	vst v36  }
0x296: {  	v36 =	vmov s28;
	[tilespmem:s24+$0x1F0] =	vst v35;
	s24 =	smov.u32 s23  }
0x297: {  	v35 =	vmul.u32 $0x408, v36;
	v41 =	vld.idx.msk [tilespmem:v39+s2+$0x0], $0xffff  }
0x298: {  	v36 =	vld.idx.msk [tilespmem:v39+s15+$0x0], $0xffff  }
0x299: {  	v39 =	vbroadcast v35, $0x0;
	_ =	sdelay $0x2  }
0x29a: {  	v42 =	vor.u32 v0, v37;
	_ =	sdelay $0x1  }
0x29b: {  	v35 =	vld.idx.msk [tilespmem:v40+s15+$0x0], $0xffff;
	v40 =	vadd.f32 v36, v41  }
0x29c: {  	v36 =	vld.idx.msk [tilespmem:v38+s15+$0x0], $0xffff  }
0x29d: {  	[tilespmem:v39+s18+$0x0] =	vst.idx.msk $0x1, v40  }
0x29e: {  	[tilespmem:v39+s19+$0x0] =	vst.idx.msk $0x1, v34  }
0x29f: {  	v38 =	vld.idx.msk [tilespmem:v42+s2+$0x0], $0xffff;
	_ =	sdelay $0x1  }
0x2a0: {  	v39 =	vor.u32 v1, v37;
	_ =	sdelay $0x3  }
0x2a1: {  	[tilespmem:s22+$0xFFFFFE00] =	vst v38  }
0x2a2: {  	[tilespmem:s22+$0xFFFFFE10] =	vst v38  }
0x2a3: {  	[tilespmem:s23+$0xFFFFFE00] =	vst v36  }
0x2a4: {  	[tilespmem:s23+$0xFFFFFE10] =	vst v35  }
0x2a5: {  	v38 =	vld.idx.msk [tilespmem:v39+s2+$0x0], $0xffff;
	v39 =	vor.u32 v2, v37;
	_ =	sdelay $0x5  }
0x2a6: {  	[tilespmem:s22+$0xFFFFFE20] =	vst v38  }
0x2a7: {  	[tilespmem:s22+$0xFFFFFE30] =	vst v38  }
0x2a8: {  	v38 =	vor.u32 v3, v37;
	[tilespmem:s23+$0xFFFFFE20] =	vst v36  }
0x2a9: {  	[tilespmem:s23+$0xFFFFFE30] =	vst v35  }
0x2aa: {  	v39 =	vld.idx.msk [tilespmem:v39+s2+$0x0], $0xffff;
	_ =	sdelay $0x5  }
0x2ab: {  	v40 =	vor.u32 v4, v37;
	[tilespmem:s22+$0xFFFFFE40] =	vst v39  }
0x2ac: {  	[tilespmem:s22+$0xFFFFFE50] =	vst v39  }
0x2ad: {  	[tilespmem:s23+$0xFFFFFE40] =	vst v36  }
0x2ae: {  	[tilespmem:s23+$0xFFFFFE50] =	vst v35  }
0x2af: {  	v38 =	vld.idx.msk [tilespmem:v38+s2+$0x0], $0xffff;
	_ =	sdelay $0x3  }
0x2b0: {  	v39 =	vor.u32 v5, v37;
	_ =	sdelay $0x1  }
0x2b1: {  	[tilespmem:s22+$0xFFFFFE60] =	vst v38  }
0x2b2: {  	[tilespmem:s22+$0xFFFFFE70] =	vst v38  }
0x2b3: {  	[tilespmem:s23+$0xFFFFFE60] =	vst v36  }
0x2b4: {  	[tilespmem:s23+$0xFFFFFE70] =	vst v35  }
0x2b5: {  	v38 =	vld.idx.msk [tilespmem:v40+s2+$0x0], $0xffff;
	_ =	sdelay $0x1  }
0x2b6: {  	v40 =	vor.u32 v6, v37;
	_ =	sdelay $0x3  }
0x2b7: {  	[tilespmem:s22+$0xFFFFFE80] =	vst v38  }
0x2b8: {  	[tilespmem:s22+$0xFFFFFE90] =	vst v38  }
0x2b9: {  	[tilespmem:s23+$0xFFFFFE80] =	vst v36  }
0x2ba: {  	[tilespmem:s23+$0xFFFFFE90] =	vst v35  }
0x2bb: {  	v38 =	vld.idx.msk [tilespmem:v39+s2+$0x0], $0xffff;
	v39 =	vor.u32 v7, v37;
	_ =	sdelay $0x5  }
0x2bc: {  	[tilespmem:s22+$0xFFFFFEA0] =	vst v38  }
0x2bd: {  	[tilespmem:s22+$0xFFFFFEB0] =	vst v38  }
0x2be: {  	v38 =	vor.u32 v8, v37;
	[tilespmem:s23+$0xFFFFFEA0] =	vst v36  }
0x2bf: {  	[tilespmem:s23+$0xFFFFFEB0] =	vst v35  }
0x2c0: {  	v40 =	vld.idx.msk [tilespmem:v40+s2+$0x0], $0xffff;
	_ =	sdelay $0x5  }
0x2c1: {  	v41 =	vor.u32 v9, v37;
	[tilespmem:s22+$0xFFFFFEC0] =	vst v40  }
0x2c2: {  	[tilespmem:s22+$0xFFFFFED0] =	vst v40  }
0x2c3: {  	[tilespmem:s23+$0xFFFFFEC0] =	vst v36  }
0x2c4: {  	[tilespmem:s23+$0xFFFFFED0] =	vst v35  }
0x2c5: {  	v39 =	vld.idx.msk [tilespmem:v39+s2+$0x0], $0xffff;
	_ =	sdelay $0x3  }
0x2c6: {  	v40 =	vor.u32 v10, v37;
	_ =	sdelay $0x1  }
0x2c7: {  	[tilespmem:s22+$0xFFFFFEE0] =	vst v39  }
0x2c8: {  	[tilespmem:s22+$0xFFFFFEF0] =	vst v39  }
0x2c9: {  	[tilespmem:s23+$0xFFFFFEE0] =	vst v36  }
0x2ca: {  	[tilespmem:s23+$0xFFFFFEF0] =	vst v35  }
0x2cb: {  	v38 =	vld.idx.msk [tilespmem:v38+s2+$0x0], $0xffff;
	_ =	sdelay $0x1  }
0x2cc: {  	v39 =	vor.u32 v11, v37;
	_ =	sdelay $0x3  }
0x2cd: {  	[tilespmem:s22+$0xFFFFFF00] =	vst v38  }
0x2ce: {  	[tilespmem:s22+$0xFFFFFF10] =	vst v38  }
0x2cf: {  	[tilespmem:s23+$0xFFFFFF00] =	vst v36  }
0x2d0: {  	[tilespmem:s23+$0xFFFFFF10] =	vst v35  }
0x2d1: {  	v38 =	vld.idx.msk [tilespmem:v41+s2+$0x0], $0xffff;
	v41 =	vor.u32 v12, v37;
	_ =	sdelay $0x5  }
0x2d2: {  	[tilespmem:s22+$0xFFFFFF20] =	vst v38  }
0x2d3: {  	[tilespmem:s22+$0xFFFFFF30] =	vst v38  }
0x2d4: {  	v38 =	vor.u32 v13, v37;
	[tilespmem:s23+$0xFFFFFF20] =	vst v36  }
0x2d5: {  	[tilespmem:s23+$0xFFFFFF30] =	vst v35  }
0x2d6: {  	v40 =	vld.idx.msk [tilespmem:v40+s2+$0x0], $0xffff;
	_ =	sdelay $0x5  }
0x2d7: {  	v42 =	vor.u32 v14, v37;
	[tilespmem:s22+$0xFFFFFF40] =	vst v40  }
0x2d8: {  	[tilespmem:s22+$0xFFFFFF50] =	vst v40  }
0x2d9: {  	[tilespmem:s23+$0xFFFFFF40] =	vst v36  }
0x2da: {  	[tilespmem:s23+$0xFFFFFF50] =	vst v35  }
0x2db: {  	v39 =	vld.idx.msk [tilespmem:v39+s2+$0x0], $0xffff;
	_ =	sdelay $0x3  }
0x2dc: {  	v40 =	vor.u32 v15, v37;
	_ =	sdelay $0x1  }
0x2dd: {  	[tilespmem:s22+$0xFFFFFF60] =	vst v39  }
0x2de: {  	[tilespmem:s22+$0xFFFFFF70] =	vst v39  }
0x2df: {  	[tilespmem:s23+$0xFFFFFF60] =	vst v36  }
0x2e0: {  	[tilespmem:s23+$0xFFFFFF70] =	vst v35  }
0x2e1: {  	v39 =	vld.idx.msk [tilespmem:v41+s2+$0x0], $0xffff;
	_ =	sdelay $0x1  }
0x2e2: {  	v41 =	vor.u32 v16, v37;
	_ =	sdelay $0x3  }
0x2e3: {  	[tilespmem:s22+$0xFFFFFF80] =	vst v39  }
0x2e4: {  	[tilespmem:s22+$0xFFFFFF90] =	vst v39  }
0x2e5: {  	[tilespmem:s23+$0xFFFFFF80] =	vst v36  }
0x2e6: {  	[tilespmem:s23+$0xFFFFFF90] =	vst v35  }
0x2e7: {  	v39 =	vor.u32 v17, v37;
	v38 =	vld.idx.msk [tilespmem:v38+s2+$0x0], $0xffff;
	_ =	sdelay $0x5  }
0x2e8: {  	[tilespmem:s22+$0xFFFFFFA0] =	vst v38  }
0x2e9: {  	[tilespmem:s22+$0xFFFFFFB0] =	vst v38  }
0x2ea: {  	v38 =	vor.u32 v18, v37;
	[tilespmem:s23+$0xFFFFFFA0] =	vst v36  }
0x2eb: {  	[tilespmem:s23+$0xFFFFFFB0] =	vst v35  }
0x2ec: {  	v42 =	vld.idx.msk [tilespmem:v42+s2+$0x0], $0xffff;
	_ =	sdelay $0x5  }
0x2ed: {  	v43 =	vor.u32 v19, v37;
	[tilespmem:s22+$0xFFFFFFC0] =	vst v42  }
0x2ee: {  	[tilespmem:s22+$0xFFFFFFD0] =	vst v42  }
0x2ef: {  	[tilespmem:s23+$0xFFFFFFC0] =	vst v36  }
0x2f0: {  	[tilespmem:s23+$0xFFFFFFD0] =	vst v35  }
0x2f1: {  	v40 =	vld.idx.msk [tilespmem:v40+s2+$0x0], $0xffff;
	_ =	sdelay $0x3  }
0x2f2: {  	v42 =	vor.u32 v20, v37;
	_ =	sdelay $0x1  }
0x2f3: {  	[tilespmem:s22+$0xFFFFFFE0] =	vst v40  }
0x2f4: {  	[tilespmem:s22+$0xFFFFFFF0] =	vst v40  }
0x2f5: {  	[tilespmem:s23+$0xFFFFFFE0] =	vst v36  }
0x2f6: {  	[tilespmem:s23+$0xFFFFFFF0] =	vst v35  }
0x2f7: {  	v40 =	vld.idx.msk [tilespmem:v41+s2+$0x0], $0xffff;
	_ =	sdelay $0x1  }
0x2f8: {  	v41 =	vor.u32 v21, v37;
	_ =	sdelay $0x3  }
0x2f9: {  	[tilespmem:s22+$0x0] =	vst v40  }
0x2fa: {  	[tilespmem:s22+$0x10] =	vst v40  }
0x2fb: {  	[tilespmem:s23+$0x0] =	vst v36  }
0x2fc: {  	[tilespmem:s23+$0x10] =	vst v35  }
0x2fd: {  	v44 =	vor.u32 v22, v37;
	v39 =	vld.idx.msk [tilespmem:v39+s2+$0x0], $0xffff;
	_ =	sdelay $0x5  }
0x2fe: {  	[tilespmem:s22+$0x20] =	vst v39  }
0x2ff: {  	[tilespmem:s22+$0x30] =	vst v39  }
0x300: {  	v45 =	vor.u32 v23, v37;
	[tilespmem:s23+$0x20] =	vst v36  }
0x301: {  	[tilespmem:s23+$0x30] =	vst v35  }
0x302: {  	v38 =	vld.idx.msk [tilespmem:v38+s2+$0x0], $0xffff;
	_ =	sdelay $0x5  }
0x303: {  	v46 =	vor.u32 v26, v37;
	[tilespmem:s22+$0x40] =	vst v38  }
0x304: {  	[tilespmem:s22+$0x50] =	vst v38  }
0x305: {  	[tilespmem:s23+$0x40] =	vst v36  }
0x306: {  	[tilespmem:s23+$0x50] =	vst v35  }
0x307: {  	v38 =	vld.idx.msk [tilespmem:v43+s2+$0x0], $0xffff;
	_ =	sdelay $0x3  }
0x308: {  	v43 =	vor.u32 v27, v37;
	_ =	sdelay $0x1  }
0x309: {  	[tilespmem:s22+$0x60] =	vst v38  }
0x30a: {  	[tilespmem:s22+$0x70] =	vst v38  }
0x30b: {  	[tilespmem:s23+$0x60] =	vst v36  }
0x30c: {  	[tilespmem:s23+$0x70] =	vst v35  }
0x30d: {  	v38 =	vld.idx.msk [tilespmem:v42+s2+$0x0], $0xffff;
	_ =	sdelay $0x1  }
0x30e: {  	v42 =	vor.u32 v28, v37;
	_ =	sdelay $0x3  }
0x30f: {  	[tilespmem:s22+$0x80] =	vst v38  }
0x310: {  	[tilespmem:s22+$0x90] =	vst v38  }
0x311: {  	[tilespmem:s23+$0x80] =	vst v36  }
0x312: {  	[tilespmem:s23+$0x90] =	vst v35  }
0x313: {  	v38 =	vld.idx.msk [tilespmem:v41+s2+$0x0], $0xffff;
	v41 =	vor.u32 v29, v37;
	_ =	sdelay $0x5  }
0x314: {  	[tilespmem:s22+$0xA0] =	vst v38  }
0x315: {  	[tilespmem:s22+$0xB0] =	vst v38  }
0x316: {  	v40 =	vor.u32 v30, v37;
	[tilespmem:s23+$0xA0] =	vst v36  }
0x317: {  	[tilespmem:s23+$0xB0] =	vst v35  }
0x318: {  	v38 =	vld.idx.msk [tilespmem:v44+s2+$0x0], $0xffff;
	_ =	sdelay $0x5  }
0x319: {  	v39 =	vor.u32 v31, v37;
	[tilespmem:s22+$0xC0] =	vst v38  }
0x31a: {  	[tilespmem:s22+$0xD0] =	vst v38  }
0x31b: {  	[tilespmem:s23+$0xC0] =	vst v36  }
0x31c: {  	[tilespmem:s23+$0xD0] =	vst v35  }
0x31d: {  	v44 =	vld.idx.msk [tilespmem:v45+s2+$0x0], $0xffff;
	_ =	sdelay $0x3  }
0x31e: {  	v38 =	vor.u32 v32, v37;
	_ =	sdelay $0x1  }
0x31f: {  	[tilespmem:s22+$0xE0] =	vst v44  }
0x320: {  	[tilespmem:s22+$0xF0] =	vst v44  }
0x321: {  	[tilespmem:s23+$0xE0] =	vst v36  }
0x322: {  	[tilespmem:s23+$0xF0] =	vst v35  }
0x323: {  	v44 =	vld.idx.msk [tilespmem:v46+s2+$0x0], $0xffff;
	_ =	sdelay $0x1  }
0x324: {  	v37 =	vor.u32 v33, v37;
	_ =	sdelay $0x3  }
.Ltmp1:
0x325: {  	[tilespmem:s22+$0x100] =	vst v44;
	(pc) =	sbr.rel @p0 .LBB2_4-.Ltmp1, $4  }
0x326: {  	[tilespmem:s22+$0x110] =	vst v44  }
0x327: {  	[tilespmem:s23+$0x100] =	vst v36  }
0x328: {  	[tilespmem:s23+$0x110] =	vst v35  }
0x329: {  	v43 =	vld.idx.msk [tilespmem:v43+s2+$0x0], $0xffff  }
0x32a: {  	_ =	sdelay $0x3  }
0x32b: {  	[tilespmem:s25+$0x120] =	vst v43  }
0x32c: {  	[tilespmem:s25+$0x130] =	vst v43  }
0x32d: {  	[tilespmem:s24+$0x120] =	vst v36  }
0x32e: {  	[tilespmem:s24+$0x130] =	vst v35  }
0x32f: {  	v42 =	vld.idx.msk [tilespmem:v42+s2+$0x0], $0xffff;
	_ =	sdelay $0x4  }
0x330: {  	[tilespmem:s25+$0x140] =	vst v42  }
0x331: {  	[tilespmem:s25+$0x150] =	vst v42  }
0x332: {  	[tilespmem:s24+$0x140] =	vst v36  }
0x333: {  	[tilespmem:s24+$0x150] =	vst v35  }
0x334: {  	v41 =	vld.idx.msk [tilespmem:v41+s2+$0x0], $0xffff;
	_ =	sdelay $0x4  }
0x335: {  	[tilespmem:s25+$0x160] =	vst v41  }
0x336: {  	[tilespmem:s25+$0x170] =	vst v41  }
0x337: {  	[tilespmem:s24+$0x160] =	vst v36  }
0x338: {  	[tilespmem:s24+$0x170] =	vst v35  }
0x339: {  	v40 =	vld.idx.msk [tilespmem:v40+s2+$0x0], $0xffff;
	_ =	sdelay $0x4  }
0x33a: {  	[tilespmem:s25+$0x180] =	vst v40  }
0x33b: {  	[tilespmem:s25+$0x190] =	vst v40  }
0x33c: {  	[tilespmem:s24+$0x180] =	vst v36  }
0x33d: {  	[tilespmem:s24+$0x190] =	vst v35  }
0x33e: {  	v39 =	vld.idx.msk [tilespmem:v39+s2+$0x0], $0xffff;
	_ =	sdelay $0x4  }
0x33f: {  	[tilespmem:s25+$0x1A0] =	vst v39  }
0x340: {  	[tilespmem:s25+$0x1B0] =	vst v39  }
0x341: {  	[tilespmem:s24+$0x1A0] =	vst v36  }
0x342: {  	[tilespmem:s24+$0x1B0] =	vst v35  }
0x343: {  	v38 =	vld.idx.msk [tilespmem:v38+s2+$0x0], $0xffff;
	_ =	sdelay $0x4  }
0x344: {  	[tilespmem:s25+$0x1C0] =	vst v38  }
0x345: {  	[tilespmem:s25+$0x1D0] =	vst v38  }
0x346: {  	[tilespmem:s24+$0x1C0] =	vst v36  }
0x347: {  	[tilespmem:s24+$0x1D0] =	vst v35  }
0x348: {  	v37 =	vld.idx.msk [tilespmem:v37+s2+$0x0], $0xffff;
	_ =	sdelay $0x4  }
0x349: {  	[tilespmem:s25+$0x1E0] =	vst v37  }
0x34a: {  	[tilespmem:s25+$0x1F0] =	vst v37  }
0x34b: {  	[tilespmem:s24+$0x1E0] =	vst v36  }
0x34c: {  	s1 =	simm.s32 $0x0;
	[tilespmem:s24+$0x1F0] =	vst v35  }
0x34d: {  	[hbm4b:s6+s1] =	stream.linear.scatter [tilespmem:s19], [sflag:$0x1], $0x4080, $0x38;
	[tilespmem:$0x11200] =	vst v63  }
0x34e: {  	_ = 	snop  }
0x34f: {  	[hbm4b:s7+s1] =	stream.linear.scatter [tilespmem:s18], [sflag:$0x1], $0x4080, $0x38;
	[tilespmem:$0x11200] =	vst v63  }
0x350: {  	s3 =	simm.s32 $0x20;
	_ =	swait.ge [sflag:s20], $0x4080  }
0x351: {  	v51 =	vmov s3;
	[sflag:s20] =	ssyncset.done $0x0  }
0x352: {  	[sflag:s20] =	ssyncadd.s32 $0xFFFFBF80  }
0x353: {  	_ =	swait.ge [sflag:s20], $0x4080  }
0x354: {  	[sflag:s20] =	ssyncset.done $0x0  }
0x355: {  	v53 =	vmov s1;
	[sflag:s20] =	ssyncadd.s32 $0xFFFFBF80  }
0x356: {  	v52 =	vand.u32 $0x28, v51;
	v37 =	vmul.u32 $0x408, v53;
	v56 =	vld.idx.msk [tilespmem:v51+s2+$0x0], $0xffff  }
0x357: {  	v54 =	vand.u32 $0x7, v51;
	v55 =	vor.u32 v25, v52;
	v57 =	vld.idx.msk [tilespmem:v51+s15+$0x0], $0xffff  }
0x358: {  	v39 =	vor.u32 v54, v55;
	v36 =	vor.u32 v24, v52;
	v58 =	vbroadcast v37, $0x0  }
0x359: {  	v36 =	vor.u32 v54, v36  }
0x35a: {  	v37 =	vand.u32 $0x2F, v51  }
0x35b: {  	v59 =	vor.u32 v0, v37  }
0x35c: {  	v60 =	vadd.f32 v57, v56  }
0x35d: {  	v35 =	vld.idx.msk [tilespmem:v39+s15+$0x0], $0xffff  }
0x35e: {  	v36 =	vld.idx.msk [tilespmem:v36+s15+$0x0], $0xffff;
	[tilespmem:v58+s16+$0x0] =	vst.idx.msk $0x1, v60  }
0x35f: {  	[tilespmem:v58+s17+$0x0] =	vst.idx.msk $0x1, v34  }
0x360: {  	v38 =	vld.idx.msk [tilespmem:v59+s2+$0x0], $0xffff;
	_ =	sdelay $0x3  }
0x361: {  	s22 =	simm.s32 $0x1201;
	v61 =	vor.u32 v1, v37  }
0x362: {  	[tilespmem:s22+$0xFFFFFE00] =	vst v38  }
0x363: {  	s23 =	simm.s32 $0x9301;
	[tilespmem:s22+$0xFFFFFE10] =	vst v38  }
0x364: {  	[tilespmem:s23+$0xFFFFFE00] =	vst v36  }
0x365: {  	[tilespmem:s23+$0xFFFFFE10] =	vst v35  }
0x366: {  	v38 =	vld.idx.msk [tilespmem:v61+s2+$0x0], $0xffff;
	_ =	sdelay $0x3  }
0x367: {  	v62 =	vor.u32 v2, v37  }
0x368: {  	[tilespmem:s22+$0xFFFFFE20] =	vst v38  }
0x369: {  	[tilespmem:s22+$0xFFFFFE30] =	vst v38  }
0x36a: {  	[tilespmem:s23+$0xFFFFFE20] =	vst v36  }
0x36b: {  	[tilespmem:s23+$0xFFFFFE30] =	vst v35  }
0x36c: {  	v38 =	vld.idx.msk [tilespmem:v62+s2+$0x0], $0xffff;
	_ =	sdelay $0x3  }
0x36d: {  	v63 =	vor.u32 v3, v37  }
0x36e: {  	[tilespmem:s22+$0xFFFFFE40] =	vst v38  }
0x36f: {  	[tilespmem:s22+$0xFFFFFE50] =	vst v38  }
0x370: {  	[tilespmem:s23+$0xFFFFFE40] =	vst v36  }
0x371: {  	[tilespmem:s23+$0xFFFFFE50] =	vst v35  }
0x372: {  	v38 =	vld.idx.msk [tilespmem:v63+s2+$0x0], $0xffff;
	_ =	sdelay $0x3  }
0x373: {  	v42 =	vor.u32 v4, v37  }
0x374: {  	[tilespmem:s22+$0xFFFFFE60] =	vst v38  }
0x375: {  	[tilespmem:s22+$0xFFFFFE70] =	vst v38  }
0x376: {  	[tilespmem:s23+$0xFFFFFE60] =	vst v36  }
0x377: {  	[tilespmem:s23+$0xFFFFFE70] =	vst v35  }
0x378: {  	v38 =	vld.idx.msk [tilespmem:v42+s2+$0x0], $0xffff;
	_ =	sdelay $0x3  }
0x379: {  	v43 =	vor.u32 v5, v37  }
0x37a: {  	[tilespmem:s22+$0xFFFFFE80] =	vst v38  }
0x37b: {  	[tilespmem:s22+$0xFFFFFE90] =	vst v38  }
0x37c: {  	[tilespmem:s23+$0xFFFFFE80] =	vst v36  }
0x37d: {  	[tilespmem:s23+$0xFFFFFE90] =	vst v35  }
0x37e: {  	v38 =	vld.idx.msk [tilespmem:v43+s2+$0x0], $0xffff;
	_ =	sdelay $0x3  }
0x37f: {  	v44 =	vor.u32 v6, v37  }
0x380: {  	[tilespmem:s22+$0xFFFFFEA0] =	vst v38  }
0x381: {  	[tilespmem:s22+$0xFFFFFEB0] =	vst v38  }
0x382: {  	[tilespmem:s23+$0xFFFFFEA0] =	vst v36  }
0x383: {  	[tilespmem:s23+$0xFFFFFEB0] =	vst v35  }
0x384: {  	v38 =	vld.idx.msk [tilespmem:v44+s2+$0x0], $0xffff;
	_ =	sdelay $0x3  }
0x385: {  	v45 =	vor.u32 v7, v37  }
0x386: {  	[tilespmem:s22+$0xFFFFFEC0] =	vst v38  }
0x387: {  	[tilespmem:s22+$0xFFFFFED0] =	vst v38  }
0x388: {  	[tilespmem:s23+$0xFFFFFEC0] =	vst v36  }
0x389: {  	[tilespmem:s23+$0xFFFFFED0] =	vst v35  }
0x38a: {  	v38 =	vld.idx.msk [tilespmem:v45+s2+$0x0], $0xffff;
	_ =	sdelay $0x3  }
0x38b: {  	v46 =	vor.u32 v8, v37  }
0x38c: {  	[tilespmem:s22+$0xFFFFFEE0] =	vst v38  }
0x38d: {  	[tilespmem:s22+$0xFFFFFEF0] =	vst v38  }
0x38e: {  	[tilespmem:s23+$0xFFFFFEE0] =	vst v36  }
0x38f: {  	[tilespmem:s23+$0xFFFFFEF0] =	vst v35  }
0x390: {  	v38 =	vld.idx.msk [tilespmem:v46+s2+$0x0], $0xffff;
	_ =	sdelay $0x3  }
0x391: {  	v47 =	vor.u32 v9, v37  }
0x392: {  	[tilespmem:s22+$0xFFFFFF00] =	vst v38  }
0x393: {  	[tilespmem:s22+$0xFFFFFF10] =	vst v38  }
0x394: {  	[tilespmem:s23+$0xFFFFFF00] =	vst v36  }
0x395: {  	[tilespmem:s23+$0xFFFFFF10] =	vst v35  }
0x396: {  	v38 =	vld.idx.msk [tilespmem:v47+s2+$0x0], $0xffff;
	_ =	sdelay $0x3  }
0x397: {  	v48 =	vor.u32 v10, v37  }
0x398: {  	[tilespmem:s22+$0xFFFFFF20] =	vst v38  }
0x399: {  	[tilespmem:s22+$0xFFFFFF30] =	vst v38  }
0x39a: {  	[tilespmem:s23+$0xFFFFFF20] =	vst v36  }
0x39b: {  	[tilespmem:s23+$0xFFFFFF30] =	vst v35  }
0x39c: {  	v38 =	vld.idx.msk [tilespmem:v48+s2+$0x0], $0xffff;
	_ =	sdelay $0x3  }
0x39d: {  	v49 =	vor.u32 v11, v37  }
0x39e: {  	[tilespmem:s22+$0xFFFFFF40] =	vst v38  }
0x39f: {  	[tilespmem:s22+$0xFFFFFF50] =	vst v38  }
0x3a0: {  	[tilespmem:s23+$0xFFFFFF40] =	vst v36  }
0x3a1: {  	[tilespmem:s23+$0xFFFFFF50] =	vst v35  }
0x3a2: {  	v38 =	vld.idx.msk [tilespmem:v49+s2+$0x0], $0xffff;
	_ =	sdelay $0x3  }
0x3a3: {  	v50 =	vor.u32 v12, v37  }
0x3a4: {  	[tilespmem:s22+$0xFFFFFF60] =	vst v38  }
0x3a5: {  	[tilespmem:s22+$0xFFFFFF70] =	vst v38  }
0x3a6: {  	[tilespmem:s23+$0xFFFFFF60] =	vst v36  }
0x3a7: {  	[tilespmem:s23+$0xFFFFFF70] =	vst v35  }
0x3a8: {  	v38 =	vld.idx.msk [tilespmem:v50+s2+$0x0], $0xffff;
	_ =	sdelay $0x3  }
0x3a9: {  	v51 =	vor.u32 v13, v37  }
0x3aa: {  	[tilespmem:s22+$0xFFFFFF80] =	vst v38  }
0x3ab: {  	[tilespmem:s22+$0xFFFFFF90] =	vst v38  }
0x3ac: {  	[tilespmem:s23+$0xFFFFFF80] =	vst v36  }
0x3ad: {  	[tilespmem:s23+$0xFFFFFF90] =	vst v35  }
0x3ae: {  	v38 =	vld.idx.msk [tilespmem:v51+s2+$0x0], $0xffff;
	_ =	sdelay $0x3  }
0x3af: {  	v52 =	vor.u32 v14, v37  }
0x3b0: {  	[tilespmem:s22+$0xFFFFFFA0] =	vst v38  }
0x3b1: {  	[tilespmem:s22+$0xFFFFFFB0] =	vst v38  }
0x3b2: {  	[tilespmem:s23+$0xFFFFFFA0] =	vst v36  }
0x3b3: {  	[tilespmem:s23+$0xFFFFFFB0] =	vst v35  }
0x3b4: {  	v38 =	vld.idx.msk [tilespmem:v52+s2+$0x0], $0xffff;
	_ =	sdelay $0x3  }
0x3b5: {  	v53 =	vor.u32 v15, v37  }
0x3b6: {  	[tilespmem:s22+$0xFFFFFFC0] =	vst v38  }
0x3b7: {  	[tilespmem:s22+$0xFFFFFFD0] =	vst v38  }
0x3b8: {  	[tilespmem:s23+$0xFFFFFFC0] =	vst v36  }
0x3b9: {  	[tilespmem:s23+$0xFFFFFFD0] =	vst v35  }
0x3ba: {  	v38 =	vld.idx.msk [tilespmem:v53+s2+$0x0], $0xffff;
	_ =	sdelay $0x3  }
0x3bb: {  	v54 =	vor.u32 v16, v37  }
0x3bc: {  	[tilespmem:s22+$0xFFFFFFE0] =	vst v38  }
0x3bd: {  	[tilespmem:s22+$0xFFFFFFF0] =	vst v38  }
0x3be: {  	[tilespmem:s23+$0xFFFFFFE0] =	vst v36  }
0x3bf: {  	[tilespmem:s23+$0xFFFFFFF0] =	vst v35  }
0x3c0: {  	v38 =	vld.idx.msk [tilespmem:v54+s2+$0x0], $0xffff;
	_ =	sdelay $0x3  }
0x3c1: {  	v55 =	vor.u32 v17, v37  }
0x3c2: {  	[tilespmem:s22+$0x0] =	vst v38  }
0x3c3: {  	[tilespmem:s22+$0x10] =	vst v38  }
0x3c4: {  	[tilespmem:s23+$0x0] =	vst v36  }
0x3c5: {  	[tilespmem:s23+$0x10] =	vst v35  }
0x3c6: {  	v38 =	vld.idx.msk [tilespmem:v55+s2+$0x0], $0xffff;
	_ =	sdelay $0x3  }
0x3c7: {  	v56 =	vor.u32 v18, v37  }
0x3c8: {  	[tilespmem:s22+$0x20] =	vst v38  }
0x3c9: {  	[tilespmem:s22+$0x30] =	vst v38  }
0x3ca: {  	[tilespmem:s23+$0x20] =	vst v36  }
0x3cb: {  	[tilespmem:s23+$0x30] =	vst v35  }
0x3cc: {  	v38 =	vld.idx.msk [tilespmem:v56+s2+$0x0], $0xffff;
	_ =	sdelay $0x3  }
0x3cd: {  	v57 =	vor.u32 v19, v37  }
0x3ce: {  	[tilespmem:s22+$0x40] =	vst v38  }
0x3cf: {  	[tilespmem:s22+$0x50] =	vst v38  }
0x3d0: {  	[tilespmem:s23+$0x40] =	vst v36  }
0x3d1: {  	[tilespmem:s23+$0x50] =	vst v35  }
0x3d2: {  	v38 =	vld.idx.msk [tilespmem:v57+s2+$0x0], $0xffff;
	_ =	sdelay $0x3  }
0x3d3: {  	v58 =	vor.u32 v20, v37  }
0x3d4: {  	[tilespmem:s22+$0x60] =	vst v38  }
0x3d5: {  	[tilespmem:s22+$0x70] =	vst v38  }
0x3d6: {  	[tilespmem:s23+$0x60] =	vst v36  }
0x3d7: {  	[tilespmem:s23+$0x70] =	vst v35  }
0x3d8: {  	v38 =	vld.idx.msk [tilespmem:v58+s2+$0x0], $0xffff;
	_ =	sdelay $0x3  }
0x3d9: {  	v59 =	vor.u32 v21, v37  }
0x3da: {  	[tilespmem:s22+$0x80] =	vst v38  }
0x3db: {  	[tilespmem:s22+$0x90] =	vst v38  }
0x3dc: {  	[tilespmem:s23+$0x80] =	vst v36  }
0x3dd: {  	[tilespmem:s23+$0x90] =	vst v35  }
0x3de: {  	v38 =	vld.idx.msk [tilespmem:v59+s2+$0x0], $0xffff;
	_ =	sdelay $0x3  }
0x3df: {  	v60 =	vor.u32 v22, v37  }
0x3e0: {  	[tilespmem:s22+$0xA0] =	vst v38  }
0x3e1: {  	[tilespmem:s22+$0xB0] =	vst v38  }
0x3e2: {  	[tilespmem:s23+$0xA0] =	vst v36  }
0x3e3: {  	[tilespmem:s23+$0xB0] =	vst v35  }
0x3e4: {  	v38 =	vld.idx.msk [tilespmem:v60+s2+$0x0], $0xffff;
	_ =	sdelay $0x3  }
0x3e5: {  	v61 =	vor.u32 v23, v37  }
0x3e6: {  	[tilespmem:s22+$0xC0] =	vst v38  }
0x3e7: {  	[tilespmem:s22+$0xD0] =	vst v38  }
0x3e8: {  	[tilespmem:s23+$0xC0] =	vst v36  }
0x3e9: {  	[tilespmem:s23+$0xD0] =	vst v35  }
0x3ea: {  	v38 =	vld.idx.msk [tilespmem:v61+s2+$0x0], $0xffff;
	_ =	sdelay $0x3  }
0x3eb: {  	v62 =	vor.u32 v26, v37  }
0x3ec: {  	[tilespmem:s22+$0xE0] =	vst v38  }
0x3ed: {  	[tilespmem:s22+$0xF0] =	vst v38  }
0x3ee: {  	[tilespmem:s23+$0xE0] =	vst v36  }
0x3ef: {  	[tilespmem:s23+$0xF0] =	vst v35  }
0x3f0: {  	v38 =	vld.idx.msk [tilespmem:v62+s2+$0x0], $0xffff;
	_ =	sdelay $0x3  }
0x3f1: {  	v63 =	vor.u32 v27, v37  }
0x3f2: {  	[tilespmem:s22+$0x100] =	vst v38  }
0x3f3: {  	[tilespmem:s22+$0x110] =	vst v38  }
0x3f4: {  	[tilespmem:s23+$0x100] =	vst v36  }
0x3f5: {  	v41 =	vor.u32 v29, v37;
	v40 =	vor.u32 v30, v37;
	v39 =	vor.u32 v31, v37;
	[tilespmem:s23+$0x110] =	vst v35  }
0x3f6: {  	s26 =	simm.s32 $0x1;
	s25 =	simm.s32 $0x1201;
	s24 =	simm.s32 $0x9301;
	v42 =	vor.u32 v28, v37;
	v38 =	vor.u32 v32, v37;
	v37 =	vor.u32 v33, v37;
	v43 =	vld.idx.msk [tilespmem:v63+s2+$0x0], $0xffff  }
.LBB2_6:
0x3f7: {  	_ =	sdelay $0x1  }
0x3f8: {  	p0 =	sne.s32 s26, $0xF;
	s22 =	sadd.s32 $0x408, s22;
	s23 =	sadd.s32 $0x408, s23  }
0x3f9: {  	s28 =	smov.u32 s26;
	s26 =	sadd.s32 $0x1, s26  }
0x3fa: {  	[tilespmem:s25+$0x120] =	vst v43  }
0x3fb: {  	[tilespmem:s25+$0x130] =	vst v43  }
0x3fc: {  	[tilespmem:s24+$0x120] =	vst v36  }
0x3fd: {  	[tilespmem:s24+$0x130] =	vst v35  }
0x3fe: {  	v42 =	vld.idx.msk [tilespmem:v42+s2+$0x0], $0xffff;
	_ =	sdelay $0x5  }
0x3ff: {  	[tilespmem:s25+$0x140] =	vst v42  }
0x400: {  	[tilespmem:s25+$0x150] =	vst v42  }
0x401: {  	[tilespmem:s24+$0x140] =	vst v36  }
0x402: {  	[tilespmem:s24+$0x150] =	vst v35  }
0x403: {  	v41 =	vld.idx.msk [tilespmem:v41+s2+$0x0], $0xffff;
	_ =	sdelay $0x5  }
0x404: {  	[tilespmem:s25+$0x160] =	vst v41  }
0x405: {  	[tilespmem:s25+$0x170] =	vst v41  }
0x406: {  	[tilespmem:s24+$0x160] =	vst v36  }
0x407: {  	[tilespmem:s24+$0x170] =	vst v35  }
0x408: {  	v40 =	vld.idx.msk [tilespmem:v40+s2+$0x0], $0xffff;
	_ =	sdelay $0x5  }
0x409: {  	[tilespmem:s25+$0x180] =	vst v40  }
0x40a: {  	[tilespmem:s25+$0x190] =	vst v40  }
0x40b: {  	[tilespmem:s24+$0x180] =	vst v36  }
0x40c: {  	[tilespmem:s24+$0x190] =	vst v35  }
0x40d: {  	v39 =	vld.idx.msk [tilespmem:v39+s2+$0x0], $0xffff;
	_ =	sdelay $0x5  }
0x40e: {  	[tilespmem:s25+$0x1A0] =	vst v39  }
0x40f: {  	[tilespmem:s25+$0x1B0] =	vst v39  }
0x410: {  	[tilespmem:s24+$0x1A0] =	vst v36  }
0x411: {  	[tilespmem:s24+$0x1B0] =	vst v35  }
0x412: {  	v38 =	vld.idx.msk [tilespmem:v38+s2+$0x0], $0xffff;
	_ =	sdelay $0x5  }
0x413: {  	[tilespmem:s25+$0x1C0] =	vst v38  }
0x414: {  	[tilespmem:s25+$0x1D0] =	vst v38  }
0x415: {  	[tilespmem:s24+$0x1C0] =	vst v36  }
0x416: {  	[tilespmem:s24+$0x1D0] =	vst v35  }
0x417: {  	v38 =	vld.idx.msk [tilespmem:v37+s2+$0x0], $0xffff;
	_ =	sdelay $0x3  }
0x418: {  	s1 =	sadd.s32 $0x20, s28  }
0x419: {  	v39 =	vmov s1  }
0x41a: {  	v40 =	vand.u32 $0x28, v39;
	v37 =	vand.u32 $0x2F, v39;
	[tilespmem:s25+$0x1E0] =	vst v38  }
0x41b: {  	v41 =	vand.u32 $0x7, v39;
	v42 =	vor.u32 v24, v40;
	v40 =	vor.u32 v25, v40;
	[tilespmem:s25+$0x1F0] =	vst v38;
	s25 =	smov.u32 s22  }
0x41c: {  	v40 =	vor.u32 v41, v40;
	v38 =	vor.u32 v41, v42;
	[tilespmem:s24+$0x1E0] =	vst v36  }
0x41d: {  	v36 =	vmov s28;
	[tilespmem:s24+$0x1F0] =	vst v35;
	s24 =	smov.u32 s23  }
0x41e: {  	v35 =	vmul.u32 $0x408, v36;
	v41 =	vld.idx.msk [tilespmem:v39+s2+$0x0], $0xffff  }
0x41f: {  	v36 =	vld.idx.msk [tilespmem:v39+s15+$0x0], $0xffff  }
0x420: {  	v39 =	vbroadcast v35, $0x0;
	_ =	sdelay $0x2  }
0x421: {  	v42 =	vor.u32 v0, v37;
	_ =	sdelay $0x1  }
0x422: {  	v35 =	vld.idx.msk [tilespmem:v40+s15+$0x0], $0xffff;
	v40 =	vadd.f32 v36, v41  }
0x423: {  	v36 =	vld.idx.msk [tilespmem:v38+s15+$0x0], $0xffff  }
0x424: {  	[tilespmem:v39+s16+$0x0] =	vst.idx.msk $0x1, v40  }
0x425: {  	[tilespmem:v39+s17+$0x0] =	vst.idx.msk $0x1, v34  }
0x426: {  	v38 =	vld.idx.msk [tilespmem:v42+s2+$0x0], $0xffff;
	_ =	sdelay $0x1  }
0x427: {  	v39 =	vor.u32 v1, v37;
	_ =	sdelay $0x3  }
0x428: {  	[tilespmem:s22+$0xFFFFFE00] =	vst v38  }
0x429: {  	[tilespmem:s22+$0xFFFFFE10] =	vst v38  }
0x42a: {  	[tilespmem:s23+$0xFFFFFE00] =	vst v36  }
0x42b: {  	[tilespmem:s23+$0xFFFFFE10] =	vst v35  }
0x42c: {  	v38 =	vld.idx.msk [tilespmem:v39+s2+$0x0], $0xffff;
	v39 =	vor.u32 v2, v37;
	_ =	sdelay $0x5  }
0x42d: {  	[tilespmem:s22+$0xFFFFFE20] =	vst v38  }
0x42e: {  	[tilespmem:s22+$0xFFFFFE30] =	vst v38  }
0x42f: {  	v38 =	vor.u32 v3, v37;
	[tilespmem:s23+$0xFFFFFE20] =	vst v36  }
0x430: {  	[tilespmem:s23+$0xFFFFFE30] =	vst v35  }
0x431: {  	v39 =	vld.idx.msk [tilespmem:v39+s2+$0x0], $0xffff;
	_ =	sdelay $0x5  }
0x432: {  	v40 =	vor.u32 v4, v37;
	[tilespmem:s22+$0xFFFFFE40] =	vst v39  }
0x433: {  	[tilespmem:s22+$0xFFFFFE50] =	vst v39  }
0x434: {  	[tilespmem:s23+$0xFFFFFE40] =	vst v36  }
0x435: {  	[tilespmem:s23+$0xFFFFFE50] =	vst v35  }
0x436: {  	v38 =	vld.idx.msk [tilespmem:v38+s2+$0x0], $0xffff;
	_ =	sdelay $0x3  }
0x437: {  	v39 =	vor.u32 v5, v37;
	_ =	sdelay $0x1  }
0x438: {  	[tilespmem:s22+$0xFFFFFE60] =	vst v38  }
0x439: {  	[tilespmem:s22+$0xFFFFFE70] =	vst v38  }
0x43a: {  	[tilespmem:s23+$0xFFFFFE60] =	vst v36  }
0x43b: {  	[tilespmem:s23+$0xFFFFFE70] =	vst v35  }
0x43c: {  	v38 =	vld.idx.msk [tilespmem:v40+s2+$0x0], $0xffff;
	_ =	sdelay $0x1  }
0x43d: {  	v40 =	vor.u32 v6, v37;
	_ =	sdelay $0x3  }
0x43e: {  	[tilespmem:s22+$0xFFFFFE80] =	vst v38  }
0x43f: {  	[tilespmem:s22+$0xFFFFFE90] =	vst v38  }
0x440: {  	[tilespmem:s23+$0xFFFFFE80] =	vst v36  }
0x441: {  	[tilespmem:s23+$0xFFFFFE90] =	vst v35  }
0x442: {  	v38 =	vld.idx.msk [tilespmem:v39+s2+$0x0], $0xffff;
	v39 =	vor.u32 v7, v37;
	_ =	sdelay $0x5  }
0x443: {  	[tilespmem:s22+$0xFFFFFEA0] =	vst v38  }
0x444: {  	[tilespmem:s22+$0xFFFFFEB0] =	vst v38  }
0x445: {  	v38 =	vor.u32 v8, v37;
	[tilespmem:s23+$0xFFFFFEA0] =	vst v36  }
0x446: {  	[tilespmem:s23+$0xFFFFFEB0] =	vst v35  }
0x447: {  	v40 =	vld.idx.msk [tilespmem:v40+s2+$0x0], $0xffff;
	_ =	sdelay $0x5  }
0x448: {  	v41 =	vor.u32 v9, v37;
	[tilespmem:s22+$0xFFFFFEC0] =	vst v40  }
0x449: {  	[tilespmem:s22+$0xFFFFFED0] =	vst v40  }
0x44a: {  	[tilespmem:s23+$0xFFFFFEC0] =	vst v36  }
0x44b: {  	[tilespmem:s23+$0xFFFFFED0] =	vst v35  }
0x44c: {  	v39 =	vld.idx.msk [tilespmem:v39+s2+$0x0], $0xffff;
	_ =	sdelay $0x3  }
0x44d: {  	v40 =	vor.u32 v10, v37;
	_ =	sdelay $0x1  }
0x44e: {  	[tilespmem:s22+$0xFFFFFEE0] =	vst v39  }
0x44f: {  	[tilespmem:s22+$0xFFFFFEF0] =	vst v39  }
0x450: {  	[tilespmem:s23+$0xFFFFFEE0] =	vst v36  }
0x451: {  	[tilespmem:s23+$0xFFFFFEF0] =	vst v35  }
0x452: {  	v38 =	vld.idx.msk [tilespmem:v38+s2+$0x0], $0xffff;
	_ =	sdelay $0x1  }
0x453: {  	v39 =	vor.u32 v11, v37;
	_ =	sdelay $0x3  }
0x454: {  	[tilespmem:s22+$0xFFFFFF00] =	vst v38  }
0x455: {  	[tilespmem:s22+$0xFFFFFF10] =	vst v38  }
0x456: {  	[tilespmem:s23+$0xFFFFFF00] =	vst v36  }
0x457: {  	[tilespmem:s23+$0xFFFFFF10] =	vst v35  }
0x458: {  	v38 =	vld.idx.msk [tilespmem:v41+s2+$0x0], $0xffff;
	v41 =	vor.u32 v12, v37;
	_ =	sdelay $0x5  }
0x459: {  	[tilespmem:s22+$0xFFFFFF20] =	vst v38  }
0x45a: {  	[tilespmem:s22+$0xFFFFFF30] =	vst v38  }
0x45b: {  	v38 =	vor.u32 v13, v37;
	[tilespmem:s23+$0xFFFFFF20] =	vst v36  }
0x45c: {  	[tilespmem:s23+$0xFFFFFF30] =	vst v35  }
0x45d: {  	v40 =	vld.idx.msk [tilespmem:v40+s2+$0x0], $0xffff;
	_ =	sdelay $0x5  }
0x45e: {  	v42 =	vor.u32 v14, v37;
	[tilespmem:s22+$0xFFFFFF40] =	vst v40  }
0x45f: {  	[tilespmem:s22+$0xFFFFFF50] =	vst v40  }
0x460: {  	[tilespmem:s23+$0xFFFFFF40] =	vst v36  }
0x461: {  	[tilespmem:s23+$0xFFFFFF50] =	vst v35  }
0x462: {  	v39 =	vld.idx.msk [tilespmem:v39+s2+$0x0], $0xffff;
	_ =	sdelay $0x3  }
0x463: {  	v40 =	vor.u32 v15, v37;
	_ =	sdelay $0x1  }
0x464: {  	[tilespmem:s22+$0xFFFFFF60] =	vst v39  }
0x465: {  	[tilespmem:s22+$0xFFFFFF70] =	vst v39  }
0x466: {  	[tilespmem:s23+$0xFFFFFF60] =	vst v36  }
0x467: {  	[tilespmem:s23+$0xFFFFFF70] =	vst v35  }
0x468: {  	v39 =	vld.idx.msk [tilespmem:v41+s2+$0x0], $0xffff;
	_ =	sdelay $0x1  }
0x469: {  	v41 =	vor.u32 v16, v37;
	_ =	sdelay $0x3  }
0x46a: {  	[tilespmem:s22+$0xFFFFFF80] =	vst v39  }
0x46b: {  	[tilespmem:s22+$0xFFFFFF90] =	vst v39  }
0x46c: {  	[tilespmem:s23+$0xFFFFFF80] =	vst v36  }
0x46d: {  	[tilespmem:s23+$0xFFFFFF90] =	vst v35  }
0x46e: {  	v39 =	vor.u32 v17, v37;
	v38 =	vld.idx.msk [tilespmem:v38+s2+$0x0], $0xffff;
	_ =	sdelay $0x5  }
0x46f: {  	[tilespmem:s22+$0xFFFFFFA0] =	vst v38  }
0x470: {  	[tilespmem:s22+$0xFFFFFFB0] =	vst v38  }
0x471: {  	v38 =	vor.u32 v18, v37;
	[tilespmem:s23+$0xFFFFFFA0] =	vst v36  }
0x472: {  	[tilespmem:s23+$0xFFFFFFB0] =	vst v35  }
0x473: {  	v42 =	vld.idx.msk [tilespmem:v42+s2+$0x0], $0xffff;
	_ =	sdelay $0x5  }
0x474: {  	v43 =	vor.u32 v19, v37;
	[tilespmem:s22+$0xFFFFFFC0] =	vst v42  }
0x475: {  	[tilespmem:s22+$0xFFFFFFD0] =	vst v42  }
0x476: {  	[tilespmem:s23+$0xFFFFFFC0] =	vst v36  }
0x477: {  	[tilespmem:s23+$0xFFFFFFD0] =	vst v35  }
0x478: {  	v40 =	vld.idx.msk [tilespmem:v40+s2+$0x0], $0xffff;
	_ =	sdelay $0x3  }
0x479: {  	v42 =	vor.u32 v20, v37;
	_ =	sdelay $0x1  }
0x47a: {  	[tilespmem:s22+$0xFFFFFFE0] =	vst v40  }
0x47b: {  	[tilespmem:s22+$0xFFFFFFF0] =	vst v40  }
0x47c: {  	[tilespmem:s23+$0xFFFFFFE0] =	vst v36  }
0x47d: {  	[tilespmem:s23+$0xFFFFFFF0] =	vst v35  }
0x47e: {  	v40 =	vld.idx.msk [tilespmem:v41+s2+$0x0], $0xffff;
	_ =	sdelay $0x1  }
0x47f: {  	v41 =	vor.u32 v21, v37;
	_ =	sdelay $0x3  }
0x480: {  	[tilespmem:s22+$0x0] =	vst v40  }
0x481: {  	[tilespmem:s22+$0x10] =	vst v40  }
0x482: {  	[tilespmem:s23+$0x0] =	vst v36  }
0x483: {  	[tilespmem:s23+$0x10] =	vst v35  }
0x484: {  	v44 =	vor.u32 v22, v37;
	v39 =	vld.idx.msk [tilespmem:v39+s2+$0x0], $0xffff;
	_ =	sdelay $0x5  }
0x485: {  	[tilespmem:s22+$0x20] =	vst v39  }
0x486: {  	[tilespmem:s22+$0x30] =	vst v39  }
0x487: {  	v45 =	vor.u32 v23, v37;
	[tilespmem:s23+$0x20] =	vst v36  }
0x488: {  	[tilespmem:s23+$0x30] =	vst v35  }
0x489: {  	v38 =	vld.idx.msk [tilespmem:v38+s2+$0x0], $0xffff;
	_ =	sdelay $0x5  }
0x48a: {  	v46 =	vor.u32 v26, v37;
	[tilespmem:s22+$0x40] =	vst v38  }
0x48b: {  	[tilespmem:s22+$0x50] =	vst v38  }
0x48c: {  	[tilespmem:s23+$0x40] =	vst v36  }
0x48d: {  	[tilespmem:s23+$0x50] =	vst v35  }
0x48e: {  	v38 =	vld.idx.msk [tilespmem:v43+s2+$0x0], $0xffff;
	_ =	sdelay $0x3  }
0x48f: {  	v43 =	vor.u32 v27, v37;
	_ =	sdelay $0x1  }
0x490: {  	[tilespmem:s22+$0x60] =	vst v38  }
0x491: {  	[tilespmem:s22+$0x70] =	vst v38  }
0x492: {  	[tilespmem:s23+$0x60] =	vst v36  }
0x493: {  	[tilespmem:s23+$0x70] =	vst v35  }
0x494: {  	v38 =	vld.idx.msk [tilespmem:v42+s2+$0x0], $0xffff;
	_ =	sdelay $0x1  }
0x495: {  	v42 =	vor.u32 v28, v37;
	_ =	sdelay $0x3  }
0x496: {  	[tilespmem:s22+$0x80] =	vst v38  }
0x497: {  	[tilespmem:s22+$0x90] =	vst v38  }
0x498: {  	[tilespmem:s23+$0x80] =	vst v36  }
0x499: {  	[tilespmem:s23+$0x90] =	vst v35  }
0x49a: {  	v38 =	vld.idx.msk [tilespmem:v41+s2+$0x0], $0xffff;
	v41 =	vor.u32 v29, v37;
	_ =	sdelay $0x5  }
0x49b: {  	[tilespmem:s22+$0xA0] =	vst v38  }
0x49c: {  	[tilespmem:s22+$0xB0] =	vst v38  }
0x49d: {  	v40 =	vor.u32 v30, v37;
	[tilespmem:s23+$0xA0] =	vst v36  }
0x49e: {  	[tilespmem:s23+$0xB0] =	vst v35  }
0x49f: {  	v38 =	vld.idx.msk [tilespmem:v44+s2+$0x0], $0xffff;
	_ =	sdelay $0x5  }
0x4a0: {  	v39 =	vor.u32 v31, v37;
	[tilespmem:s22+$0xC0] =	vst v38  }
0x4a1: {  	[tilespmem:s22+$0xD0] =	vst v38  }
0x4a2: {  	[tilespmem:s23+$0xC0] =	vst v36  }
0x4a3: {  	[tilespmem:s23+$0xD0] =	vst v35  }
0x4a4: {  	v44 =	vld.idx.msk [tilespmem:v45+s2+$0x0], $0xffff;
	_ =	sdelay $0x3  }
0x4a5: {  	v38 =	vor.u32 v32, v37;
	_ =	sdelay $0x1  }
0x4a6: {  	[tilespmem:s22+$0xE0] =	vst v44  }
0x4a7: {  	[tilespmem:s22+$0xF0] =	vst v44  }
0x4a8: {  	[tilespmem:s23+$0xE0] =	vst v36  }
0x4a9: {  	[tilespmem:s23+$0xF0] =	vst v35  }
0x4aa: {  	v44 =	vld.idx.msk [tilespmem:v46+s2+$0x0], $0xffff;
	_ =	sdelay $0x1  }
0x4ab: {  	v37 =	vor.u32 v33, v37;
	_ =	sdelay $0x3  }
.Ltmp2:
0x4ac: {  	[tilespmem:s22+$0x100] =	vst v44;
	(pc) =	sbr.rel @p0 .LBB2_6-.Ltmp2, $4  }
0x4ad: {  	[tilespmem:s22+$0x110] =	vst v44  }
0x4ae: {  	[tilespmem:s23+$0x100] =	vst v36  }
0x4af: {  	[tilespmem:s23+$0x110] =	vst v35  }
0x4b0: {  	v43 =	vld.idx.msk [tilespmem:v43+s2+$0x0], $0xffff  }
0x4b1: {  	_ =	sdelay $0x3  }
0x4b2: {  	[tilespmem:s25+$0x120] =	vst v43  }
0x4b3: {  	[tilespmem:s25+$0x130] =	vst v43  }
0x4b4: {  	[tilespmem:s24+$0x120] =	vst v36  }
0x4b5: {  	[tilespmem:s24+$0x130] =	vst v35  }
0x4b6: {  	v42 =	vld.idx.msk [tilespmem:v42+s2+$0x0], $0xffff;
	_ =	sdelay $0x4  }
0x4b7: {  	[tilespmem:s25+$0x140] =	vst v42  }
0x4b8: {  	[tilespmem:s25+$0x150] =	vst v42  }
0x4b9: {  	[tilespmem:s24+$0x140] =	vst v36  }
0x4ba: {  	[tilespmem:s24+$0x150] =	vst v35  }
0x4bb: {  	v41 =	vld.idx.msk [tilespmem:v41+s2+$0x0], $0xffff;
	_ =	sdelay $0x4  }
0x4bc: {  	[tilespmem:s25+$0x160] =	vst v41  }
0x4bd: {  	[tilespmem:s25+$0x170] =	vst v41  }
0x4be: {  	[tilespmem:s24+$0x160] =	vst v36  }
0x4bf: {  	[tilespmem:s24+$0x170] =	vst v35  }
0x4c0: {  	v40 =	vld.idx.msk [tilespmem:v40+s2+$0x0], $0xffff;
	_ =	sdelay $0x4  }
0x4c1: {  	[tilespmem:s25+$0x180] =	vst v40  }
0x4c2: {  	[tilespmem:s25+$0x190] =	vst v40  }
0x4c3: {  	[tilespmem:s24+$0x180] =	vst v36  }
0x4c4: {  	[tilespmem:s24+$0x190] =	vst v35  }
0x4c5: {  	v39 =	vld.idx.msk [tilespmem:v39+s2+$0x0], $0xffff;
	_ =	sdelay $0x4  }
0x4c6: {  	[tilespmem:s25+$0x1A0] =	vst v39  }
0x4c7: {  	[tilespmem:s25+$0x1B0] =	vst v39  }
0x4c8: {  	[tilespmem:s24+$0x1A0] =	vst v36  }
0x4c9: {  	[tilespmem:s24+$0x1B0] =	vst v35  }
0x4ca: {  	v38 =	vld.idx.msk [tilespmem:v38+s2+$0x0], $0xffff;
	_ =	sdelay $0x4  }
0x4cb: {  	[tilespmem:s25+$0x1C0] =	vst v38  }
0x4cc: {  	[tilespmem:s25+$0x1D0] =	vst v38  }
0x4cd: {  	[tilespmem:s24+$0x1C0] =	vst v36  }
0x4ce: {  	[tilespmem:s24+$0x1D0] =	vst v35  }
0x4cf: {  	v37 =	vld.idx.msk [tilespmem:v37+s2+$0x0], $0xffff;
	_ =	sdelay $0x4  }
0x4d0: {  	[tilespmem:s25+$0x1E0] =	vst v37  }
0x4d1: {  	[tilespmem:s25+$0x1F0] =	vst v37  }
0x4d2: {  	[tilespmem:s24+$0x1E0] =	vst v36  }
0x4d3: {  	s1 =	simm.s32 $0x0;
	[tilespmem:s24+$0x1F0] =	vst v35  }
0x4d4: {  	[hbm4b:s8+s1] =	stream.linear.scatter [tilespmem:s17], [sflag:$0x1], $0x4080, $0x38;
	[tilespmem:$0x11200] =	vst v63  }
0x4d5: {  	_ = 	snop  }
0x4d6: {  	[hbm4b:s9+s1] =	stream.linear.scatter [tilespmem:s16], [sflag:$0x1], $0x4080, $0x38;
	[tilespmem:$0x11200] =	vst v63  }
0x4d7: {  	s3 =	simm.s32 $0x30;
	_ =	swait.ge [sflag:s20], $0x4080  }
0x4d8: {  	v51 =	vmov s3;
	[sflag:s20] =	ssyncset.done $0x0  }
0x4d9: {  	[sflag:s20] =	ssyncadd.s32 $0xFFFFBF80  }
0x4da: {  	_ =	swait.ge [sflag:s20], $0x4080  }
0x4db: {  	[sflag:s20] =	ssyncset.done $0x0  }
0x4dc: {  	v53 =	vmov s1;
	[sflag:s20] =	ssyncadd.s32 $0xFFFFBF80  }
0x4dd: {  	v52 =	vand.u32 $0x38, v51;
	v37 =	vmul.u32 $0x408, v53;
	v56 =	vld.idx.msk [tilespmem:v51+s2+$0x0], $0xffff  }
0x4de: {  	v54 =	vand.u32 $0x7, v51;
	v55 =	vor.u32 v25, v52;
	v57 =	vld.idx.msk [tilespmem:v51+s15+$0x0], $0xffff  }
0x4df: {  	v39 =	vor.u32 v54, v55;
	v36 =	vor.u32 v24, v52;
	v58 =	vbroadcast v37, $0x0  }
0x4e0: {  	v36 =	vor.u32 v54, v36  }
0x4e1: {  	v37 =	vand.u32 $0x3F, v51  }
0x4e2: {  	v59 =	vor.u32 v0, v37  }
0x4e3: {  	v60 =	vadd.f32 v57, v56  }
0x4e4: {  	v35 =	vld.idx.msk [tilespmem:v39+s15+$0x0], $0xffff  }
0x4e5: {  	v36 =	vld.idx.msk [tilespmem:v36+s15+$0x0], $0xffff;
	[tilespmem:v58+s18+$0x0] =	vst.idx.msk $0x1, v60  }
0x4e6: {  	[tilespmem:v58+s19+$0x0] =	vst.idx.msk $0x1, v34  }
0x4e7: {  	v38 =	vld.idx.msk [tilespmem:v59+s2+$0x0], $0xffff;
	_ =	sdelay $0x3  }
0x4e8: {  	s22 =	simm.s32 $0x5281;
	v61 =	vor.u32 v1, v37  }
0x4e9: {  	[tilespmem:s22+$0xFFFFFE00] =	vst v38  }
0x4ea: {  	s23 =	simm.s32 $0xD381;
	[tilespmem:s22+$0xFFFFFE10] =	vst v38  }
0x4eb: {  	[tilespmem:s23+$0xFFFFFE00] =	vst v36  }
0x4ec: {  	[tilespmem:s23+$0xFFFFFE10] =	vst v35  }
0x4ed: {  	v38 =	vld.idx.msk [tilespmem:v61+s2+$0x0], $0xffff;
	_ =	sdelay $0x3  }
0x4ee: {  	v62 =	vor.u32 v2, v37  }
0x4ef: {  	[tilespmem:s22+$0xFFFFFE20] =	vst v38  }
0x4f0: {  	[tilespmem:s22+$0xFFFFFE30] =	vst v38  }
0x4f1: {  	[tilespmem:s23+$0xFFFFFE20] =	vst v36  }
0x4f2: {  	[tilespmem:s23+$0xFFFFFE30] =	vst v35  }
0x4f3: {  	v38 =	vld.idx.msk [tilespmem:v62+s2+$0x0], $0xffff;
	_ =	sdelay $0x3  }
0x4f4: {  	v63 =	vor.u32 v3, v37  }
0x4f5: {  	[tilespmem:s22+$0xFFFFFE40] =	vst v38  }
0x4f6: {  	[tilespmem:s22+$0xFFFFFE50] =	vst v38  }
0x4f7: {  	[tilespmem:s23+$0xFFFFFE40] =	vst v36  }
0x4f8: {  	[tilespmem:s23+$0xFFFFFE50] =	vst v35  }
0x4f9: {  	v38 =	vld.idx.msk [tilespmem:v63+s2+$0x0], $0xffff;
	_ =	sdelay $0x3  }
0x4fa: {  	v42 =	vor.u32 v4, v37  }
0x4fb: {  	[tilespmem:s22+$0xFFFFFE60] =	vst v38  }
0x4fc: {  	[tilespmem:s22+$0xFFFFFE70] =	vst v38  }
0x4fd: {  	[tilespmem:s23+$0xFFFFFE60] =	vst v36  }
0x4fe: {  	[tilespmem:s23+$0xFFFFFE70] =	vst v35  }
0x4ff: {  	v38 =	vld.idx.msk [tilespmem:v42+s2+$0x0], $0xffff;
	_ =	sdelay $0x3  }
0x500: {  	v43 =	vor.u32 v5, v37  }
0x501: {  	[tilespmem:s22+$0xFFFFFE80] =	vst v38  }
0x502: {  	[tilespmem:s22+$0xFFFFFE90] =	vst v38  }
0x503: {  	[tilespmem:s23+$0xFFFFFE80] =	vst v36  }
0x504: {  	[tilespmem:s23+$0xFFFFFE90] =	vst v35  }
0x505: {  	v38 =	vld.idx.msk [tilespmem:v43+s2+$0x0], $0xffff;
	_ =	sdelay $0x3  }
0x506: {  	v44 =	vor.u32 v6, v37  }
0x507: {  	[tilespmem:s22+$0xFFFFFEA0] =	vst v38  }
0x508: {  	[tilespmem:s22+$0xFFFFFEB0] =	vst v38  }
0x509: {  	[tilespmem:s23+$0xFFFFFEA0] =	vst v36  }
0x50a: {  	[tilespmem:s23+$0xFFFFFEB0] =	vst v35  }
0x50b: {  	v38 =	vld.idx.msk [tilespmem:v44+s2+$0x0], $0xffff;
	_ =	sdelay $0x3  }
0x50c: {  	v45 =	vor.u32 v7, v37  }
0x50d: {  	[tilespmem:s22+$0xFFFFFEC0] =	vst v38  }
0x50e: {  	[tilespmem:s22+$0xFFFFFED0] =	vst v38  }
0x50f: {  	[tilespmem:s23+$0xFFFFFEC0] =	vst v36  }
0x510: {  	[tilespmem:s23+$0xFFFFFED0] =	vst v35  }
0x511: {  	v38 =	vld.idx.msk [tilespmem:v45+s2+$0x0], $0xffff;
	_ =	sdelay $0x3  }
0x512: {  	v46 =	vor.u32 v8, v37  }
0x513: {  	[tilespmem:s22+$0xFFFFFEE0] =	vst v38  }
0x514: {  	[tilespmem:s22+$0xFFFFFEF0] =	vst v38  }
0x515: {  	[tilespmem:s23+$0xFFFFFEE0] =	vst v36  }
0x516: {  	[tilespmem:s23+$0xFFFFFEF0] =	vst v35  }
0x517: {  	v38 =	vld.idx.msk [tilespmem:v46+s2+$0x0], $0xffff;
	_ =	sdelay $0x3  }
0x518: {  	v47 =	vor.u32 v9, v37  }
0x519: {  	[tilespmem:s22+$0xFFFFFF00] =	vst v38  }
0x51a: {  	[tilespmem:s22+$0xFFFFFF10] =	vst v38  }
0x51b: {  	[tilespmem:s23+$0xFFFFFF00] =	vst v36  }
0x51c: {  	[tilespmem:s23+$0xFFFFFF10] =	vst v35  }
0x51d: {  	v38 =	vld.idx.msk [tilespmem:v47+s2+$0x0], $0xffff;
	_ =	sdelay $0x3  }
0x51e: {  	v48 =	vor.u32 v10, v37  }
0x51f: {  	[tilespmem:s22+$0xFFFFFF20] =	vst v38  }
0x520: {  	[tilespmem:s22+$0xFFFFFF30] =	vst v38  }
0x521: {  	[tilespmem:s23+$0xFFFFFF20] =	vst v36  }
0x522: {  	[tilespmem:s23+$0xFFFFFF30] =	vst v35  }
0x523: {  	v38 =	vld.idx.msk [tilespmem:v48+s2+$0x0], $0xffff;
	_ =	sdelay $0x3  }
0x524: {  	v49 =	vor.u32 v11, v37  }
0x525: {  	[tilespmem:s22+$0xFFFFFF40] =	vst v38  }
0x526: {  	[tilespmem:s22+$0xFFFFFF50] =	vst v38  }
0x527: {  	[tilespmem:s23+$0xFFFFFF40] =	vst v36  }
0x528: {  	[tilespmem:s23+$0xFFFFFF50] =	vst v35  }
0x529: {  	v38 =	vld.idx.msk [tilespmem:v49+s2+$0x0], $0xffff;
	_ =	sdelay $0x3  }
0x52a: {  	v50 =	vor.u32 v12, v37  }
0x52b: {  	[tilespmem:s22+$0xFFFFFF60] =	vst v38  }
0x52c: {  	[tilespmem:s22+$0xFFFFFF70] =	vst v38  }
0x52d: {  	[tilespmem:s23+$0xFFFFFF60] =	vst v36  }
0x52e: {  	[tilespmem:s23+$0xFFFFFF70] =	vst v35  }
0x52f: {  	v38 =	vld.idx.msk [tilespmem:v50+s2+$0x0], $0xffff;
	_ =	sdelay $0x3  }
0x530: {  	v51 =	vor.u32 v13, v37  }
0x531: {  	[tilespmem:s22+$0xFFFFFF80] =	vst v38  }
0x532: {  	[tilespmem:s22+$0xFFFFFF90] =	vst v38  }
0x533: {  	[tilespmem:s23+$0xFFFFFF80] =	vst v36  }
0x534: {  	[tilespmem:s23+$0xFFFFFF90] =	vst v35  }
0x535: {  	v38 =	vld.idx.msk [tilespmem:v51+s2+$0x0], $0xffff;
	_ =	sdelay $0x3  }
0x536: {  	v52 =	vor.u32 v14, v37  }
0x537: {  	[tilespmem:s22+$0xFFFFFFA0] =	vst v38  }
0x538: {  	[tilespmem:s22+$0xFFFFFFB0] =	vst v38  }
0x539: {  	[tilespmem:s23+$0xFFFFFFA0] =	vst v36  }
0x53a: {  	[tilespmem:s23+$0xFFFFFFB0] =	vst v35  }
0x53b: {  	v38 =	vld.idx.msk [tilespmem:v52+s2+$0x0], $0xffff;
	_ =	sdelay $0x3  }
0x53c: {  	v53 =	vor.u32 v15, v37  }
0x53d: {  	[tilespmem:s22+$0xFFFFFFC0] =	vst v38  }
0x53e: {  	[tilespmem:s22+$0xFFFFFFD0] =	vst v38  }
0x53f: {  	[tilespmem:s23+$0xFFFFFFC0] =	vst v36  }
0x540: {  	[tilespmem:s23+$0xFFFFFFD0] =	vst v35  }
0x541: {  	v38 =	vld.idx.msk [tilespmem:v53+s2+$0x0], $0xffff;
	_ =	sdelay $0x3  }
0x542: {  	v54 =	vor.u32 v16, v37  }
0x543: {  	[tilespmem:s22+$0xFFFFFFE0] =	vst v38  }
0x544: {  	[tilespmem:s22+$0xFFFFFFF0] =	vst v38  }
0x545: {  	[tilespmem:s23+$0xFFFFFFE0] =	vst v36  }
0x546: {  	[tilespmem:s23+$0xFFFFFFF0] =	vst v35  }
0x547: {  	v38 =	vld.idx.msk [tilespmem:v54+s2+$0x0], $0xffff;
	_ =	sdelay $0x3  }
0x548: {  	v55 =	vor.u32 v17, v37  }
0x549: {  	[tilespmem:s22+$0x0] =	vst v38  }
0x54a: {  	[tilespmem:s22+$0x10] =	vst v38  }
0x54b: {  	[tilespmem:s23+$0x0] =	vst v36  }
0x54c: {  	[tilespmem:s23+$0x10] =	vst v35  }
0x54d: {  	v38 =	vld.idx.msk [tilespmem:v55+s2+$0x0], $0xffff;
	_ =	sdelay $0x3  }
0x54e: {  	v56 =	vor.u32 v18, v37  }
0x54f: {  	[tilespmem:s22+$0x20] =	vst v38  }
0x550: {  	[tilespmem:s22+$0x30] =	vst v38  }
0x551: {  	[tilespmem:s23+$0x20] =	vst v36  }
0x552: {  	[tilespmem:s23+$0x30] =	vst v35  }
0x553: {  	v38 =	vld.idx.msk [tilespmem:v56+s2+$0x0], $0xffff;
	_ =	sdelay $0x3  }
0x554: {  	v57 =	vor.u32 v19, v37  }
0x555: {  	[tilespmem:s22+$0x40] =	vst v38  }
0x556: {  	[tilespmem:s22+$0x50] =	vst v38  }
0x557: {  	[tilespmem:s23+$0x40] =	vst v36  }
0x558: {  	[tilespmem:s23+$0x50] =	vst v35  }
0x559: {  	v38 =	vld.idx.msk [tilespmem:v57+s2+$0x0], $0xffff;
	_ =	sdelay $0x3  }
0x55a: {  	v58 =	vor.u32 v20, v37  }
0x55b: {  	[tilespmem:s22+$0x60] =	vst v38  }
0x55c: {  	[tilespmem:s22+$0x70] =	vst v38  }
0x55d: {  	[tilespmem:s23+$0x60] =	vst v36  }
0x55e: {  	[tilespmem:s23+$0x70] =	vst v35  }
0x55f: {  	v38 =	vld.idx.msk [tilespmem:v58+s2+$0x0], $0xffff;
	_ =	sdelay $0x3  }
0x560: {  	v59 =	vor.u32 v21, v37  }
0x561: {  	[tilespmem:s22+$0x80] =	vst v38  }
0x562: {  	[tilespmem:s22+$0x90] =	vst v38  }
0x563: {  	[tilespmem:s23+$0x80] =	vst v36  }
0x564: {  	[tilespmem:s23+$0x90] =	vst v35  }
0x565: {  	v38 =	vld.idx.msk [tilespmem:v59+s2+$0x0], $0xffff;
	_ =	sdelay $0x3  }
0x566: {  	v60 =	vor.u32 v22, v37  }
0x567: {  	[tilespmem:s22+$0xA0] =	vst v38  }
0x568: {  	[tilespmem:s22+$0xB0] =	vst v38  }
0x569: {  	[tilespmem:s23+$0xA0] =	vst v36  }
0x56a: {  	[tilespmem:s23+$0xB0] =	vst v35  }
0x56b: {  	v38 =	vld.idx.msk [tilespmem:v60+s2+$0x0], $0xffff;
	_ =	sdelay $0x3  }
0x56c: {  	v61 =	vor.u32 v23, v37  }
0x56d: {  	[tilespmem:s22+$0xC0] =	vst v38  }
0x56e: {  	[tilespmem:s22+$0xD0] =	vst v38  }
0x56f: {  	[tilespmem:s23+$0xC0] =	vst v36  }
0x570: {  	[tilespmem:s23+$0xD0] =	vst v35  }
0x571: {  	v38 =	vld.idx.msk [tilespmem:v61+s2+$0x0], $0xffff;
	_ =	sdelay $0x3  }
0x572: {  	v62 =	vor.u32 v26, v37  }
0x573: {  	[tilespmem:s22+$0xE0] =	vst v38  }
0x574: {  	[tilespmem:s22+$0xF0] =	vst v38  }
0x575: {  	[tilespmem:s23+$0xE0] =	vst v36  }
0x576: {  	[tilespmem:s23+$0xF0] =	vst v35  }
0x577: {  	v38 =	vld.idx.msk [tilespmem:v62+s2+$0x0], $0xffff;
	_ =	sdelay $0x3  }
0x578: {  	v63 =	vor.u32 v27, v37  }
0x579: {  	[tilespmem:s22+$0x100] =	vst v38  }
0x57a: {  	[tilespmem:s22+$0x110] =	vst v38  }
0x57b: {  	[tilespmem:s23+$0x100] =	vst v36  }
0x57c: {  	v41 =	vor.u32 v29, v37;
	v40 =	vor.u32 v30, v37;
	v39 =	vor.u32 v31, v37;
	[tilespmem:s23+$0x110] =	vst v35  }
0x57d: {  	s26 =	simm.s32 $0x1;
	s25 =	simm.s32 $0x5281;
	s24 =	simm.s32 $0xD381;
	v42 =	vor.u32 v28, v37;
	v38 =	vor.u32 v32, v37;
	v37 =	vor.u32 v33, v37;
	v43 =	vld.idx.msk [tilespmem:v63+s2+$0x0], $0xffff  }
.LBB2_8:
0x57e: {  	_ =	sdelay $0x1  }
0x57f: {  	p0 =	sne.s32 s26, $0xF;
	s22 =	sadd.s32 $0x408, s22;
	s23 =	sadd.s32 $0x408, s23  }
0x580: {  	s28 =	smov.u32 s26;
	s26 =	sadd.s32 $0x1, s26  }
0x581: {  	[tilespmem:s25+$0x120] =	vst v43  }
0x582: {  	[tilespmem:s25+$0x130] =	vst v43  }
0x583: {  	[tilespmem:s24+$0x120] =	vst v36  }
0x584: {  	[tilespmem:s24+$0x130] =	vst v35  }
0x585: {  	v42 =	vld.idx.msk [tilespmem:v42+s2+$0x0], $0xffff;
	_ =	sdelay $0x5  }
0x586: {  	[tilespmem:s25+$0x140] =	vst v42  }
0x587: {  	[tilespmem:s25+$0x150] =	vst v42  }
0x588: {  	[tilespmem:s24+$0x140] =	vst v36  }
0x589: {  	[tilespmem:s24+$0x150] =	vst v35  }
0x58a: {  	v41 =	vld.idx.msk [tilespmem:v41+s2+$0x0], $0xffff;
	_ =	sdelay $0x5  }
0x58b: {  	[tilespmem:s25+$0x160] =	vst v41  }
0x58c: {  	[tilespmem:s25+$0x170] =	vst v41  }
0x58d: {  	[tilespmem:s24+$0x160] =	vst v36  }
0x58e: {  	[tilespmem:s24+$0x170] =	vst v35  }
0x58f: {  	v40 =	vld.idx.msk [tilespmem:v40+s2+$0x0], $0xffff;
	_ =	sdelay $0x5  }
0x590: {  	[tilespmem:s25+$0x180] =	vst v40  }
0x591: {  	[tilespmem:s25+$0x190] =	vst v40  }
0x592: {  	[tilespmem:s24+$0x180] =	vst v36  }
0x593: {  	[tilespmem:s24+$0x190] =	vst v35  }
0x594: {  	v39 =	vld.idx.msk [tilespmem:v39+s2+$0x0], $0xffff;
	_ =	sdelay $0x5  }
0x595: {  	[tilespmem:s25+$0x1A0] =	vst v39  }
0x596: {  	[tilespmem:s25+$0x1B0] =	vst v39  }
0x597: {  	[tilespmem:s24+$0x1A0] =	vst v36  }
0x598: {  	[tilespmem:s24+$0x1B0] =	vst v35  }
0x599: {  	v38 =	vld.idx.msk [tilespmem:v38+s2+$0x0], $0xffff;
	_ =	sdelay $0x5  }
0x59a: {  	[tilespmem:s25+$0x1C0] =	vst v38  }
0x59b: {  	[tilespmem:s25+$0x1D0] =	vst v38  }
0x59c: {  	[tilespmem:s24+$0x1C0] =	vst v36  }
0x59d: {  	[tilespmem:s24+$0x1D0] =	vst v35  }
0x59e: {  	v38 =	vld.idx.msk [tilespmem:v37+s2+$0x0], $0xffff;
	_ =	sdelay $0x3  }
0x59f: {  	s1 =	sadd.s32 $0x30, s28  }
0x5a0: {  	v39 =	vmov s1  }
0x5a1: {  	v40 =	vand.u32 $0x38, v39;
	v37 =	vand.u32 $0x3F, v39;
	[tilespmem:s25+$0x1E0] =	vst v38  }
0x5a2: {  	v41 =	vand.u32 $0x7, v39;
	v42 =	vor.u32 v24, v40;
	v40 =	vor.u32 v25, v40;
	[tilespmem:s25+$0x1F0] =	vst v38;
	s25 =	smov.u32 s22  }
0x5a3: {  	v40 =	vor.u32 v41, v40;
	v38 =	vor.u32 v41, v42;
	[tilespmem:s24+$0x1E0] =	vst v36  }
0x5a4: {  	v36 =	vmov s28;
	[tilespmem:s24+$0x1F0] =	vst v35;
	s24 =	smov.u32 s23  }
0x5a5: {  	v35 =	vmul.u32 $0x408, v36;
	v41 =	vld.idx.msk [tilespmem:v39+s2+$0x0], $0xffff  }
0x5a6: {  	v36 =	vld.idx.msk [tilespmem:v39+s15+$0x0], $0xffff  }
0x5a7: {  	v39 =	vbroadcast v35, $0x0;
	_ =	sdelay $0x2  }
0x5a8: {  	v42 =	vor.u32 v0, v37;
	_ =	sdelay $0x1  }
0x5a9: {  	v35 =	vld.idx.msk [tilespmem:v40+s15+$0x0], $0xffff;
	v40 =	vadd.f32 v36, v41  }
0x5aa: {  	v36 =	vld.idx.msk [tilespmem:v38+s15+$0x0], $0xffff  }
0x5ab: {  	[tilespmem:v39+s18+$0x0] =	vst.idx.msk $0x1, v40  }
0x5ac: {  	[tilespmem:v39+s19+$0x0] =	vst.idx.msk $0x1, v34  }
0x5ad: {  	v38 =	vld.idx.msk [tilespmem:v42+s2+$0x0], $0xffff;
	_ =	sdelay $0x1  }
0x5ae: {  	v39 =	vor.u32 v1, v37;
	_ =	sdelay $0x3  }
0x5af: {  	[tilespmem:s22+$0xFFFFFE00] =	vst v38  }
0x5b0: {  	[tilespmem:s22+$0xFFFFFE10] =	vst v38  }
0x5b1: {  	[tilespmem:s23+$0xFFFFFE00] =	vst v36  }
0x5b2: {  	[tilespmem:s23+$0xFFFFFE10] =	vst v35  }
0x5b3: {  	v38 =	vld.idx.msk [tilespmem:v39+s2+$0x0], $0xffff;
	v39 =	vor.u32 v2, v37;
	_ =	sdelay $0x5  }
0x5b4: {  	[tilespmem:s22+$0xFFFFFE20] =	vst v38  }
0x5b5: {  	[tilespmem:s22+$0xFFFFFE30] =	vst v38  }
0x5b6: {  	v38 =	vor.u32 v3, v37;
	[tilespmem:s23+$0xFFFFFE20] =	vst v36  }
0x5b7: {  	[tilespmem:s23+$0xFFFFFE30] =	vst v35  }
0x5b8: {  	v39 =	vld.idx.msk [tilespmem:v39+s2+$0x0], $0xffff;
	_ =	sdelay $0x5  }
0x5b9: {  	v40 =	vor.u32 v4, v37;
	[tilespmem:s22+$0xFFFFFE40] =	vst v39  }
0x5ba: {  	[tilespmem:s22+$0xFFFFFE50] =	vst v39  }
0x5bb: {  	[tilespmem:s23+$0xFFFFFE40] =	vst v36  }
0x5bc: {  	[tilespmem:s23+$0xFFFFFE50] =	vst v35  }
0x5bd: {  	v38 =	vld.idx.msk [tilespmem:v38+s2+$0x0], $0xffff;
	_ =	sdelay $0x3  }
0x5be: {  	v39 =	vor.u32 v5, v37;
	_ =	sdelay $0x1  }
0x5bf: {  	[tilespmem:s22+$0xFFFFFE60] =	vst v38  }
0x5c0: {  	[tilespmem:s22+$0xFFFFFE70] =	vst v38  }
0x5c1: {  	[tilespmem:s23+$0xFFFFFE60] =	vst v36  }
0x5c2: {  	[tilespmem:s23+$0xFFFFFE70] =	vst v35  }
0x5c3: {  	v38 =	vld.idx.msk [tilespmem:v40+s2+$0x0], $0xffff;
	_ =	sdelay $0x1  }
0x5c4: {  	v40 =	vor.u32 v6, v37;
	_ =	sdelay $0x3  }
0x5c5: {  	[tilespmem:s22+$0xFFFFFE80] =	vst v38  }
0x5c6: {  	[tilespmem:s22+$0xFFFFFE90] =	vst v38  }
0x5c7: {  	[tilespmem:s23+$0xFFFFFE80] =	vst v36  }
0x5c8: {  	[tilespmem:s23+$0xFFFFFE90] =	vst v35  }
0x5c9: {  	v38 =	vld.idx.msk [tilespmem:v39+s2+$0x0], $0xffff;
	v39 =	vor.u32 v7, v37;
	_ =	sdelay $0x5  }
0x5ca: {  	[tilespmem:s22+$0xFFFFFEA0] =	vst v38  }
0x5cb: {  	[tilespmem:s22+$0xFFFFFEB0] =	vst v38  }
0x5cc: {  	v38 =	vor.u32 v8, v37;
	[tilespmem:s23+$0xFFFFFEA0] =	vst v36  }
0x5cd: {  	[tilespmem:s23+$0xFFFFFEB0] =	vst v35  }
0x5ce: {  	v40 =	vld.idx.msk [tilespmem:v40+s2+$0x0], $0xffff;
	_ =	sdelay $0x5  }
0x5cf: {  	v41 =	vor.u32 v9, v37;
	[tilespmem:s22+$0xFFFFFEC0] =	vst v40  }
0x5d0: {  	[tilespmem:s22+$0xFFFFFED0] =	vst v40  }
0x5d1: {  	[tilespmem:s23+$0xFFFFFEC0] =	vst v36  }
0x5d2: {  	[tilespmem:s23+$0xFFFFFED0] =	vst v35  }
0x5d3: {  	v39 =	vld.idx.msk [tilespmem:v39+s2+$0x0], $0xffff;
	_ =	sdelay $0x3  }
0x5d4: {  	v40 =	vor.u32 v10, v37;
	_ =	sdelay $0x1  }
0x5d5: {  	[tilespmem:s22+$0xFFFFFEE0] =	vst v39  }
0x5d6: {  	[tilespmem:s22+$0xFFFFFEF0] =	vst v39  }
0x5d7: {  	[tilespmem:s23+$0xFFFFFEE0] =	vst v36  }
0x5d8: {  	[tilespmem:s23+$0xFFFFFEF0] =	vst v35  }
0x5d9: {  	v38 =	vld.idx.msk [tilespmem:v38+s2+$0x0], $0xffff;
	_ =	sdelay $0x1  }
0x5da: {  	v39 =	vor.u32 v11, v37;
	_ =	sdelay $0x3  }
0x5db: {  	[tilespmem:s22+$0xFFFFFF00] =	vst v38  }
0x5dc: {  	[tilespmem:s22+$0xFFFFFF10] =	vst v38  }
0x5dd: {  	[tilespmem:s23+$0xFFFFFF00] =	vst v36  }
0x5de: {  	[tilespmem:s23+$0xFFFFFF10] =	vst v35  }
0x5df: {  	v38 =	vld.idx.msk [tilespmem:v41+s2+$0x0], $0xffff;
	v41 =	vor.u32 v12, v37;
	_ =	sdelay $0x5  }
0x5e0: {  	[tilespmem:s22+$0xFFFFFF20] =	vst v38  }
0x5e1: {  	[tilespmem:s22+$0xFFFFFF30] =	vst v38  }
0x5e2: {  	v38 =	vor.u32 v13, v37;
	[tilespmem:s23+$0xFFFFFF20] =	vst v36  }
0x5e3: {  	[tilespmem:s23+$0xFFFFFF30] =	vst v35  }
0x5e4: {  	v40 =	vld.idx.msk [tilespmem:v40+s2+$0x0], $0xffff;
	_ =	sdelay $0x5  }
0x5e5: {  	v42 =	vor.u32 v14, v37;
	[tilespmem:s22+$0xFFFFFF40] =	vst v40  }
0x5e6: {  	[tilespmem:s22+$0xFFFFFF50] =	vst v40  }
0x5e7: {  	[tilespmem:s23+$0xFFFFFF40] =	vst v36  }
0x5e8: {  	[tilespmem:s23+$0xFFFFFF50] =	vst v35  }
0x5e9: {  	v39 =	vld.idx.msk [tilespmem:v39+s2+$0x0], $0xffff;
	_ =	sdelay $0x3  }
0x5ea: {  	v40 =	vor.u32 v15, v37;
	_ =	sdelay $0x1  }
0x5eb: {  	[tilespmem:s22+$0xFFFFFF60] =	vst v39  }
0x5ec: {  	[tilespmem:s22+$0xFFFFFF70] =	vst v39  }
0x5ed: {  	[tilespmem:s23+$0xFFFFFF60] =	vst v36  }
0x5ee: {  	[tilespmem:s23+$0xFFFFFF70] =	vst v35  }
0x5ef: {  	v39 =	vld.idx.msk [tilespmem:v41+s2+$0x0], $0xffff;
	_ =	sdelay $0x1  }
0x5f0: {  	v41 =	vor.u32 v16, v37;
	_ =	sdelay $0x3  }
0x5f1: {  	[tilespmem:s22+$0xFFFFFF80] =	vst v39  }
0x5f2: {  	[tilespmem:s22+$0xFFFFFF90] =	vst v39  }
0x5f3: {  	[tilespmem:s23+$0xFFFFFF80] =	vst v36  }
0x5f4: {  	[tilespmem:s23+$0xFFFFFF90] =	vst v35  }
0x5f5: {  	v39 =	vor.u32 v17, v37;
	v38 =	vld.idx.msk [tilespmem:v38+s2+$0x0], $0xffff;
	_ =	sdelay $0x5  }
0x5f6: {  	[tilespmem:s22+$0xFFFFFFA0] =	vst v38  }
0x5f7: {  	[tilespmem:s22+$0xFFFFFFB0] =	vst v38  }
0x5f8: {  	v38 =	vor.u32 v18, v37;
	[tilespmem:s23+$0xFFFFFFA0] =	vst v36  }
0x5f9: {  	[tilespmem:s23+$0xFFFFFFB0] =	vst v35  }
0x5fa: {  	v42 =	vld.idx.msk [tilespmem:v42+s2+$0x0], $0xffff;
	_ =	sdelay $0x5  }
0x5fb: {  	v43 =	vor.u32 v19, v37;
	[tilespmem:s22+$0xFFFFFFC0] =	vst v42  }
0x5fc: {  	[tilespmem:s22+$0xFFFFFFD0] =	vst v42  }
0x5fd: {  	[tilespmem:s23+$0xFFFFFFC0] =	vst v36  }
0x5fe: {  	[tilespmem:s23+$0xFFFFFFD0] =	vst v35  }
0x5ff: {  	v40 =	vld.idx.msk [tilespmem:v40+s2+$0x0], $0xffff;
	_ =	sdelay $0x3  }
0x600: {  	v42 =	vor.u32 v20, v37;
	_ =	sdelay $0x1  }
0x601: {  	[tilespmem:s22+$0xFFFFFFE0] =	vst v40  }
0x602: {  	[tilespmem:s22+$0xFFFFFFF0] =	vst v40  }
0x603: {  	[tilespmem:s23+$0xFFFFFFE0] =	vst v36  }
0x604: {  	[tilespmem:s23+$0xFFFFFFF0] =	vst v35  }
0x605: {  	v40 =	vld.idx.msk [tilespmem:v41+s2+$0x0], $0xffff;
	_ =	sdelay $0x1  }
0x606: {  	v41 =	vor.u32 v21, v37;
	_ =	sdelay $0x3  }
0x607: {  	[tilespmem:s22+$0x0] =	vst v40  }
0x608: {  	[tilespmem:s22+$0x10] =	vst v40  }
0x609: {  	[tilespmem:s23+$0x0] =	vst v36  }
0x60a: {  	[tilespmem:s23+$0x10] =	vst v35  }
0x60b: {  	v44 =	vor.u32 v22, v37;
	v39 =	vld.idx.msk [tilespmem:v39+s2+$0x0], $0xffff;
	_ =	sdelay $0x5  }
0x60c: {  	[tilespmem:s22+$0x20] =	vst v39  }
0x60d: {  	[tilespmem:s22+$0x30] =	vst v39  }
0x60e: {  	v45 =	vor.u32 v23, v37;
	[tilespmem:s23+$0x20] =	vst v36  }
0x60f: {  	[tilespmem:s23+$0x30] =	vst v35  }
0x610: {  	v38 =	vld.idx.msk [tilespmem:v38+s2+$0x0], $0xffff;
	_ =	sdelay $0x5  }
0x611: {  	v46 =	vor.u32 v26, v37;
	[tilespmem:s22+$0x40] =	vst v38  }
0x612: {  	[tilespmem:s22+$0x50] =	vst v38  }
0x613: {  	[tilespmem:s23+$0x40] =	vst v36  }
0x614: {  	[tilespmem:s23+$0x50] =	vst v35  }
0x615: {  	v38 =	vld.idx.msk [tilespmem:v43+s2+$0x0], $0xffff;
	_ =	sdelay $0x3  }
0x616: {  	v43 =	vor.u32 v27, v37;
	_ =	sdelay $0x1  }
0x617: {  	[tilespmem:s22+$0x60] =	vst v38  }
0x618: {  	[tilespmem:s22+$0x70] =	vst v38  }
0x619: {  	[tilespmem:s23+$0x60] =	vst v36  }
0x61a: {  	[tilespmem:s23+$0x70] =	vst v35  }
0x61b: {  	v38 =	vld.idx.msk [tilespmem:v42+s2+$0x0], $0xffff;
	_ =	sdelay $0x1  }
0x61c: {  	v42 =	vor.u32 v28, v37;
	_ =	sdelay $0x3  }
0x61d: {  	[tilespmem:s22+$0x80] =	vst v38  }
0x61e: {  	[tilespmem:s22+$0x90] =	vst v38  }
0x61f: {  	[tilespmem:s23+$0x80] =	vst v36  }
0x620: {  	[tilespmem:s23+$0x90] =	vst v35  }
0x621: {  	v38 =	vld.idx.msk [tilespmem:v41+s2+$0x0], $0xffff;
	v41 =	vor.u32 v29, v37;
	_ =	sdelay $0x5  }
0x622: {  	[tilespmem:s22+$0xA0] =	vst v38  }
0x623: {  	[tilespmem:s22+$0xB0] =	vst v38  }
0x624: {  	v40 =	vor.u32 v30, v37;
	[tilespmem:s23+$0xA0] =	vst v36  }
0x625: {  	[tilespmem:s23+$0xB0] =	vst v35  }
0x626: {  	v38 =	vld.idx.msk [tilespmem:v44+s2+$0x0], $0xffff;
	_ =	sdelay $0x5  }
0x627: {  	v39 =	vor.u32 v31, v37;
	[tilespmem:s22+$0xC0] =	vst v38  }
0x628: {  	[tilespmem:s22+$0xD0] =	vst v38  }
0x629: {  	[tilespmem:s23+$0xC0] =	vst v36  }
0x62a: {  	[tilespmem:s23+$0xD0] =	vst v35  }
0x62b: {  	v44 =	vld.idx.msk [tilespmem:v45+s2+$0x0], $0xffff;
	_ =	sdelay $0x3  }
0x62c: {  	v38 =	vor.u32 v32, v37;
	_ =	sdelay $0x1  }
0x62d: {  	[tilespmem:s22+$0xE0] =	vst v44  }
0x62e: {  	[tilespmem:s22+$0xF0] =	vst v44  }
0x62f: {  	[tilespmem:s23+$0xE0] =	vst v36  }
0x630: {  	[tilespmem:s23+$0xF0] =	vst v35  }
0x631: {  	v44 =	vld.idx.msk [tilespmem:v46+s2+$0x0], $0xffff;
	_ =	sdelay $0x1  }
0x632: {  	v37 =	vor.u32 v33, v37;
	_ =	sdelay $0x3  }
.Ltmp3:
0x633: {  	[tilespmem:s22+$0x100] =	vst v44;
	(pc) =	sbr.rel @p0 .LBB2_8-.Ltmp3, $4  }
0x634: {  	[tilespmem:s22+$0x110] =	vst v44  }
0x635: {  	[tilespmem:s23+$0x100] =	vst v36  }
0x636: {  	[tilespmem:s23+$0x110] =	vst v35  }
0x637: {  	v43 =	vld.idx.msk [tilespmem:v43+s2+$0x0], $0xffff  }
0x638: {  	_ =	sdelay $0x3  }
0x639: {  	[tilespmem:s25+$0x120] =	vst v43  }
0x63a: {  	[tilespmem:s25+$0x130] =	vst v43  }
0x63b: {  	[tilespmem:s24+$0x120] =	vst v36  }
0x63c: {  	[tilespmem:s24+$0x130] =	vst v35  }
0x63d: {  	v42 =	vld.idx.msk [tilespmem:v42+s2+$0x0], $0xffff;
	_ =	sdelay $0x4  }
0x63e: {  	[tilespmem:s25+$0x140] =	vst v42  }
0x63f: {  	[tilespmem:s25+$0x150] =	vst v42  }
0x640: {  	[tilespmem:s24+$0x140] =	vst v36  }
0x641: {  	[tilespmem:s24+$0x150] =	vst v35  }
0x642: {  	v41 =	vld.idx.msk [tilespmem:v41+s2+$0x0], $0xffff;
	_ =	sdelay $0x4  }
0x643: {  	[tilespmem:s25+$0x160] =	vst v41  }
0x644: {  	[tilespmem:s25+$0x170] =	vst v41  }
0x645: {  	[tilespmem:s24+$0x160] =	vst v36  }
0x646: {  	[tilespmem:s24+$0x170] =	vst v35  }
0x647: {  	v40 =	vld.idx.msk [tilespmem:v40+s2+$0x0], $0xffff;
	_ =	sdelay $0x4  }
0x648: {  	[tilespmem:s25+$0x180] =	vst v40  }
0x649: {  	[tilespmem:s25+$0x190] =	vst v40  }
0x64a: {  	[tilespmem:s24+$0x180] =	vst v36  }
0x64b: {  	[tilespmem:s24+$0x190] =	vst v35  }
0x64c: {  	v39 =	vld.idx.msk [tilespmem:v39+s2+$0x0], $0xffff;
	_ =	sdelay $0x4  }
0x64d: {  	[tilespmem:s25+$0x1A0] =	vst v39  }
0x64e: {  	[tilespmem:s25+$0x1B0] =	vst v39  }
0x64f: {  	[tilespmem:s24+$0x1A0] =	vst v36  }
0x650: {  	[tilespmem:s24+$0x1B0] =	vst v35  }
0x651: {  	v38 =	vld.idx.msk [tilespmem:v38+s2+$0x0], $0xffff;
	_ =	sdelay $0x4  }
0x652: {  	[tilespmem:s25+$0x1C0] =	vst v38  }
0x653: {  	[tilespmem:s25+$0x1D0] =	vst v38  }
0x654: {  	[tilespmem:s24+$0x1C0] =	vst v36  }
0x655: {  	[tilespmem:s24+$0x1D0] =	vst v35  }
0x656: {  	v37 =	vld.idx.msk [tilespmem:v37+s2+$0x0], $0xffff;
	_ =	sdelay $0x4  }
0x657: {  	[tilespmem:s25+$0x1E0] =	vst v37  }
0x658: {  	[tilespmem:s25+$0x1F0] =	vst v37  }
0x659: {  	[tilespmem:s24+$0x1E0] =	vst v36  }
0x65a: {  	[tilespmem:s24+$0x1F0] =	vst v35  }
0x65b: {  	[hbm4b:s11+s2] =	stream.linear.scatter [tilespmem:s19], [sflag:$0x1], $0x4080, $0x38;
	[tilespmem:$0x11200] =	vst v63  }
0x65c: {  	_ = 	snop  }
0x65d: {  	[hbm4b:s12+s2] =	stream.linear.scatter [tilespmem:s18], [sflag:$0x1], $0x4080, $0x38;
	[tilespmem:$0x11200] =	vst v63  }
0x65e: {  	_ =	swait.ge [sflag:s20], $0x4080  }
0x65f: {  	[sflag:s20] =	ssyncset.done $0x0  }
0x660: {  	[sflag:s20] =	ssyncadd.s32 $0xFFFFBF80  }
0x661: {  	_ =	swait.ge [sflag:s20], $0x4080  }
0x662: {  	[sflag:s20] =	ssyncset.done $0x0  }
0x663: {  	s21 =	sadd.s32 $0x1, s21;
	[sflag:s20] =	ssyncadd.s32 $0xFFFFBF80  }
0x664: {  	p0 =	sne.s32 s21, s13;
	_ =	swait.ge [sflag:s20], $0x4080  }
.Ltmp4:
0x665: {  	[sflag:s20] =	ssyncset.done $0x0;
	(pc) =	sbr.rel @p0 .LBB2_1-.Ltmp4, $4  }
0x666: {  	[sflag:s20] =	ssyncadd.s32 $0xFFFFBF80  }
0x667: {  	_ =	swait.ge [sflag:s20], $0x4080  }
0x668: {  	[sflag:s20] =	ssyncset.done $0x0  }
0x669: {  	[sflag:s20] =	ssyncadd.s32 $0xFFFFBF80  }
0x66a: {  	_ =	sfence.sel $0x180000  }
0x66b: {  	[bflag:$0x0] =	sbarrier.arrive $0xFFFF  }
0x66c: {  	_ =	strace $0x90000047  }
0x66d: {  	s0 =	stileid.u32;
	[bflag:$0x2] =	sbarrier.arrive $0xFFFF  }
0x66e: {  	p0 =	sne.s32 s0, $0x0;
	s0 =	rddreg [dreg:$0x2]  }
0x66f: {  	s0 =	sadd.s32 @!p0 $0x100000, s0  }
0x670: {  	[sflag:s0] =	ssyncadd.tile.s32 @!p0 $0x1;
	_ =	shalt  }
.Lfunc_end2:
_tile_overlayer_lowered:
.L_overlay_start_2:
0x671: {  	(tag) =	ssettag $0x2  }
0x672: {  	s0 =	rddreg [dreg:$0x0];
	s2 =	stileid.u32  }
0x673: {  	s1 =	rddreg [dreg:$0x1];
	p0 =	sne.s32 s2, $0x0  }
0x674: {  	s3 =	rddreg [dreg:$0x2];
	[bflag:$0x3] =	sbarrier.arrive $0xFFFF;
	s2 =	simm.s32 @!p0 $0x1C02  }
0x675: {  	[timem:s3], [sflag:s2] =	dma.local @!p0 [hbm:s0], s1  }
0x676: {  	s0 =	simm.s32 @!p0 $0x2  }
0x677: {  	_ =	swait.ge @!p0 [sflag:s0], s1  }
0x678: {  	s1 =	ssub.s32 @!p0 $0x0, s1;
	[sflag:s0] =	ssyncset.done @!p0 $0x0  }
0x679: {  	[sflag:s0] =	ssyncadd.s32 @!p0 s1  }
0x67a: {  	[bflag:$0x3] =	sbarrier.arrive $0xFFFF  }
0x67b: {  	_ =	shalt  }

</sc_bundles>
